<compile_context>
chip_gen: v7x
topology: tpu7x:2x2x1
jax: 0.10.2.dev20260603
libtpu: 0.0.44.dev20260713+nightly
codegen_flags: <defaults>
</compile_context>

<pallas_src>
import jax
import jax.numpy as jnp
from jax import lax
from jax.experimental import pallas as pl
from jax.experimental.pallas import tpu as pltpu
from jax.experimental.pallas import tpu_sc as plsc

N = 512
H = 64
G = 4 * H

_NWORKERS = 32
_NBUF = 3
_RPW = N // _NWORKERS


def _sc_copy_body(h_hbm, c_hbm, ho_hbm, co_hbm, buf, insem, outsem):
    w = lax.axis_index("s") * 2 + lax.axis_index("c")
    base = w * _RPW
    nch = 2 * _RPW

    def src_dst(k):
        a, q = (h_hbm, ho_hbm) if k < _RPW else (c_hbm, co_hbm)
        r = base + (k if k < _RPW else k - _RPW)
        return a.at[0, r], q.at[0, r]

    for k in range(_NBUF):
        s, _ = src_dst(k)
        pltpu.async_copy(s, buf.at[k % _NBUF], insem.at[k % _NBUF])
    for k in range(nch):
        p = k % _NBUF
        s, d = src_dst(k)
        bp = buf.at[p]
        pltpu.make_async_copy(s, bp, insem.at[p]).wait()
        pltpu.async_copy(bp, d, outsem.at[p])
        if k + _NBUF < nch:
            pltpu.make_async_copy(bp, d, outsem.at[p]).wait()
            s2, _ = src_dst(k + _NBUF)
            pltpu.async_copy(s2, bp, insem.at[p])
    for k in range(nch - _NBUF, nch):
        p = k % _NBUF
        _, d = src_dst(k)
        pltpu.make_async_copy(buf.at[p], d, outsem.at[p]).wait()


def _sc_copy(htT, ctT):
    mesh = plsc.VectorSubcoreMesh(core_axis_name="c", subcore_axis_name="s")
    run = pl.kernel(
        _sc_copy_body, mesh=mesh,
        out_type=[
            jax.ShapeDtypeStruct((1, N, H, N), jnp.float32),
            jax.ShapeDtypeStruct((1, N, H, N), jnp.float32),
        ],
        scratch_types=[
            pltpu.VMEM((_NBUF, H, N), jnp.float32),
            pltpu.SemaphoreType.DMA((_NBUF,)),
            pltpu.SemaphoreType.DMA((_NBUF,)),
        ],
    )
    return run(htT, ctT)


def _kernel(sel_ref, cs_ref,
            xT_ref, w01_ref, beT_ref, wcat_ref, bgT_ref, mT2_ref, xs_ref,
            ha_ref, ca_ref, hb_ref, cb_ref, hc_ref, cc_ref,
            hoa_ref, coa_ref, u_ref, obh_ref, obc_ref, bsem):
    i = pl.program_id(0)
    cs = cs_ref[0]

    @pl.when(i == 0)
    def _init_u():
        u_ref[...] = (w01_ref[:, 0:1] * xT_ref[0:1, :]
                      + w01_ref[:, 1:2] * xT_ref[1:2, :])

    @pl.when(2 * i < cs)
    def _compute_rows():
        ra = sel_ref[2 * i]
        rb = sel_ref[2 * i + 1]
        uT = u_ref[...]
        uia = (w01_ref[:, 0:1] * xs_ref[ra, 0]
               + w01_ref[:, 1:2] * xs_ref[ra, 1])
        uib = (w01_ref[:, 0:1] * xs_ref[rb, 0]
               + w01_ref[:, 1:2] * xs_ref[rb, 1])
        ea = jnp.maximum(uT - uia + beT_ref[...], 0.0)
        eb = jnp.maximum(uT - uib + beT_ref[...], 0.0)
        h0a = ha_ref[0, 0]
        h0b = hb_ref[0, 0]
        eh = jnp.concatenate(
            [jnp.concatenate([ea, h0a], axis=0),
             jnp.concatenate([eb, h0b], axis=0)], axis=1)
        gT = (jnp.dot(wcat_ref[...], eh.astype(jnp.bfloat16),
                      preferred_element_type=jnp.float32) + bgT_ref[...])
        ig = gT[0:H]
        fg = gT[H:2 * H]
        gg = gT[2 * H:3 * H]
        og = gT[3 * H:4 * H]
        sf = 0.5 * jnp.tanh(0.5 * fg) + 0.5
        si = 0.5 * jnp.tanh(0.5 * ig) + 0.5
        so = 0.5 * jnp.tanh(0.5 * og) + 0.5
        c0 = jnp.concatenate([ca_ref[0, 0], cb_ref[0, 0]], axis=1)
        h0 = jnp.concatenate([h0a, h0b], axis=1)
        c1 = sf * c0 + si * jnp.tanh(gg)
        h1 = so * jnp.tanh(c1)
        m = mT2_ref[...]
        ho = h0 + m * (h1 - h0)
        co = c0 + m * (c1 - c0)
        hoa_ref[0, 0] = ho[:, 0:N]
        coa_ref[0, 0] = co[:, 0:N]
        slot = lax.rem(i, 2)

        @pl.when(i >= 2)
        def _drain_prev():
            pltpu.make_async_copy(obh_ref.at[slot], hc_ref.at[0, rb],
                                  bsem.at[slot]).wait()
            pltpu.make_async_copy(obc_ref.at[slot], cc_ref.at[0, rb],
                                  bsem.at[slot]).wait()

        obh_ref[slot] = ho[:, N:2 * N]
        obc_ref[slot] = co[:, N:2 * N]
        pltpu.make_async_copy(obh_ref.at[slot], hc_ref.at[0, rb],
                              bsem.at[slot]).start()
        pltpu.make_async_copy(obc_ref.at[slot], cc_ref.at[0, rb],
                              bsem.at[slot]).start()

    @pl.when(i == N // 2 - 1)
    def _drain_all():
        nb = (cs + 1) // 2

        @pl.when(nb >= 1)
        def _d1():
            s = lax.rem(nb - 1, 2)
            pltpu.make_async_copy(obh_ref.at[s], hc_ref.at[0, 0],
                                  bsem.at[s]).wait()
            pltpu.make_async_copy(obc_ref.at[s], cc_ref.at[0, 0],
                                  bsem.at[s]).wait()

        @pl.when(nb >= 2)
        def _d2():
            s = lax.rem(nb - 2, 2)
            pltpu.make_async_copy(obh_ref.at[s], hc_ref.at[0, 0],
                                  bsem.at[s]).wait()
            pltpu.make_async_copy(obc_ref.at[s], cc_ref.at[0, 0],
                                  bsem.at[s]).wait()

    @pl.when((cs == 0) & (i == 0))
    def _fallback():
        hoa_ref[...] = ha_ref[...]
        coa_ref[...] = ca_ref[...]


def kernel(ht_list, ct_list, traj, timestamp_mask, same_scene_mask,
           W_embed, b_embed, W_ih, W_hh, b_ih, b_hh):
    htT = jnp.swapaxes(ht_list, 2, 3)
    ctT = jnp.swapaxes(ct_list, 2, 3)
    tm = timestamp_mask[:, 0].astype(jnp.int32)
    count = jnp.sum(tm)
    valid = (count > 1).astype(jnp.int32)
    rowflag = tm * valid
    cs = jnp.sum(rowflag)
    order = jnp.argsort(1 - rowflag, stable=True).astype(jnp.int32)
    last = order[jnp.maximum(cs - 1, 0)]
    sel = jnp.where(jnp.arange(N, dtype=jnp.int32) < cs, order, last)
    mT = (tm * valid).astype(jnp.float32).reshape(1, N)
    mT2 = jnp.concatenate([mT, mT], axis=1)
    beT = b_embed.reshape(H, 1)
    wcat = jnp.concatenate([W_ih, W_hh], axis=1).astype(jnp.bfloat16)
    bgT = (b_ih + b_hh).reshape(G, 1)

    hc, cc = _sc_copy(htT, ctT)

    grid_spec = pltpu.PrefetchScalarGridSpec(
        num_scalar_prefetch=2,
        grid=(N // 2,),
        in_specs=[
            pl.BlockSpec((2, N), lambda i, s, c: (0, 0)),
            pl.BlockSpec((H, 2), lambda i, s, c: (0, 0)),
            pl.BlockSpec((H, 1), lambda i, s, c: (0, 0)),
            pl.BlockSpec((G, 2 * H), lambda i, s, c: (0, 0)),
            pl.BlockSpec((G, 1), lambda i, s, c: (0, 0)),
            pl.BlockSpec((1, 2 * N), lambda i, s, c: (0, 0)),
            pl.BlockSpec(memory_space=pltpu.SMEM),
            pl.BlockSpec((1, 1, H, N), lambda i, s, c: (0, s[2 * i], 0, 0)),
            pl.BlockSpec((1, 1, H, N), lambda i, s, c: (0, s[2 * i], 0, 0)),
            pl.BlockSpec((1, 1, H, N), lambda i, s, c: (0, s[2 * i + 1], 0, 0)),
            pl.BlockSpec((1, 1, H, N), lambda i, s, c: (0, s[2 * i + 1], 0, 0)),
            pl.BlockSpec(memory_space=pltpu.MemorySpace.HBM),
            pl.BlockSpec(memory_space=pltpu.MemorySpace.HBM),
        ],
        out_specs=[
            pl.BlockSpec((1, 1, H, N), lambda i, s, c: (0, s[2 * i], 0, 0)),
            pl.BlockSpec((1, 1, H, N), lambda i, s, c: (0, s[2 * i], 0, 0)),
        ],
        scratch_shapes=[
            pltpu.VMEM((H, N), jnp.float32),
            pltpu.VMEM((2, H, N), jnp.float32),
            pltpu.VMEM((2, H, N), jnp.float32),
            pltpu.SemaphoreType.DMA((2,)),
        ],
    )

    hoa, coa = pl.pallas_call(
        _kernel,
        grid_spec=grid_spec,
        input_output_aliases={13: 0, 14: 1},
        out_shape=[
            jax.ShapeDtypeStruct((1, N, H, N), jnp.float32),
            jax.ShapeDtypeStruct((1, N, H, N), jnp.float32),
        ],
    )(sel, cs.reshape(1), traj.T, W_embed, beT, wcat, bgT, mT2, traj,
      htT, ctT, htT, ctT, hc, cc)

    return jnp.swapaxes(hoa, 2, 3), jnp.swapaxes(coa, 2, 3)

# --- scband reference (transcript-rebuilt; emitter-appended) ---
"""Pipeline reference for scband-spatial-edge-rnn-28381143892378 (READ-ONLY COPY).

The authoritative reference and input builder live on the scoring server;
editing this copy changes nothing except your own understanding.
"""

import jax, jax.numpy as jnp
import numpy as np

N = 512
EMBED_SIZE = 64
HIDDEN_SIZE = 64


def _lstm_cell(e, h0, c0, W_ih, W_hh, b_ih, b_hh):
    gates = e @ W_ih.T + b_ih + h0 @ W_hh.T + b_hh
    i, f, g, o = jnp.split(gates, 4, axis=-1)
    c1 = jax.nn.sigmoid(f) * c0 + jax.nn.sigmoid(i) * jnp.tanh(g)
    h1 = jax.nn.sigmoid(o) * jnp.tanh(c1)
    return h1, c1


def setup_inputs(seed: int = 0):
    key = jax.random.key(seed)
    ks = jax.random.split(key, 10)
    k_e = 1.0 / np.sqrt(2.0)
    k_h = 1.0 / np.sqrt(HIDDEN_SIZE)
    return {
        "ht_list": jax.random.normal(ks[0], (1, N, N, HIDDEN_SIZE), dtype=jnp.float32) * 0.1,
        "ct_list": jax.random.normal(ks[1], (1, N, N, HIDDEN_SIZE), dtype=jnp.float32) * 0.1,
        "traj": jax.random.normal(ks[2], (N, 2), dtype=jnp.float32),
        "timestamp_mask": jax.random.randint(ks[3], (N, 1), 0, 2).astype(jnp.int32),
        "same_scene_mask": jnp.zeros((N, 1), dtype=jnp.int32),
        "W_embed": jax.random.uniform(ks[4], (EMBED_SIZE, 2), minval=-k_e, maxval=k_e, dtype=jnp.float32),
        "b_embed": jax.random.uniform(ks[5], (EMBED_SIZE,), minval=-k_e, maxval=k_e, dtype=jnp.float32),
        "W_ih": jax.random.uniform(ks[6], (4 * HIDDEN_SIZE, EMBED_SIZE), minval=-k_h, maxval=k_h, dtype=jnp.float32),
        "W_hh": jax.random.uniform(ks[7], (4 * HIDDEN_SIZE, HIDDEN_SIZE), minval=-k_h, maxval=k_h, dtype=jnp.float32),
        "b_ih": jax.random.uniform(ks[8], (4 * HIDDEN_SIZE,), minval=-k_h, maxval=k_h, dtype=jnp.float32),
        "b_hh": jax.random.uniform(ks[9], (4 * HIDDEN_SIZE,), minval=-k_h, maxval=k_h, dtype=jnp.float32),
    }


def reference(ht_list, ct_list, traj, timestamp_mask, same_scene_mask, W_embed, b_embed, W_ih, W_hh, b_ih, b_hh):
    # Single scene: same_scene_mask is all zeros, so the torch scene loop
    # degenerates to one iteration over scene_id == 0 with curr_mask == all True.
    H = HIDDEN_SIZE
    n_total = ht_list.shape[1]
    ht = ht_list[0]
    ct = ct_list[0]
    tmask = timestamp_mask[:, 0] == 1
    count = jnp.sum(tmask.astype(jnp.int32))
    # pairwise relative positions: diff[i, j] = x[j] - x[i]
    x = traj
    a = jnp.broadcast_to(x[:, None, :], (n_total, n_total, 2))
    diff = jnp.transpose(a, (1, 0, 2)) - a
    # embed = Linear(2, embed_size) + ReLU
    e_uv = jax.nn.relu(diff.reshape(n_total * n_total, 2) @ W_embed.T + b_embed)
    # one LSTM step over the n^2 pairwise cells
    h1, c1 = _lstm_cell(e_uv, ht.reshape(n_total * n_total, H), ct.reshape(n_total * n_total, H), W_ih, W_hh, b_ih, b_hh)
    # a pair (i, j) is updated iff both agents are selected and more than one agent exists
    pair = tmask[:, None] & tmask[None, :] & (count > 1)
    ht_new = jnp.where(pair[:, :, None], h1.reshape(n_total, n_total, H), ht)
    ct_new = jnp.where(pair[:, :, None], c1.reshape(n_total, n_total, H), ct)
    return ht_list.at[0].set(ht_new), ct_list.at[0].set(ct_new)

if __name__ == "__main__":
    import jax
    _d = setup_inputs()
    print(jax.jit(kernel)(*tuple(_d.values())))

</pallas_src>

<mosaic_0001>
#map = affine_map<(d0, d1) -> (0, 0, 0, 0)>
module attributes {stable_mosaic.version = 14 : i64} {
  func.func @_sc_copy_body(%arg0: i32, %arg1: i32, %arg2: memref<1x512x64x512xf32, #tpu.memory_space<hbm>>, %arg3: memref<1x512x64x512xf32, #tpu.memory_space<hbm>>, %arg4: memref<1x512x64x512xf32, #tpu.memory_space<hbm>>, %arg5: memref<1x512x64x512xf32, #tpu.memory_space<hbm>>, %arg6: memref<3x64x512xf32, #tpu.memory_space<vmem>>, %arg7: memref<3x!tpu.dma_semaphore, #tpu.memory_space<semaphore_mem>>, %arg8: memref<3x!tpu.dma_semaphore, #tpu.memory_space<semaphore_mem>>) attributes {dimension_semantics = [#tpu.dimension_semantics<core_parallel>, #tpu.dimension_semantics<subcore_parallel>], iteration_bounds = array<i64: 2, 16>, scalar_prefetch = 0 : i64, scratch_operands = 3 : i64, tpu.core_type = #tpu.core_type<sc_vector_subcore>, window_params = [{transform_indices = #map}, {transform_indices = #map}, {transform_indices = #map}, {transform_indices = #map}]} {
    %mul3A = arith.constant 2 : i32
    %mul3A_0 = arith.muli %arg1, %mul3A : i32
    %add3A = arith.addi %mul3A_0, %arg0 : i32
    %mul3A_1 = arith.constant 16 : i32
    %mul3A_2 = arith.muli %add3A, %mul3A_1 : i32
    %add3A_3 = arith.constant 0 : i32
    %add3A_4 = arith.addi %mul3A_2, %add3A_3 : i32
    %dma_start3A = arith.constant 0 : i32
    %dma_start3A_5 = arith.constant 0 : i32
    %dma_start3A_6 = arith.constant 0 : i32
    %dma_start3A_7 = arith.constant 0 : i32
    %dma_start3A_8 = arith.constant 0 : i32
    %dma_start3A_9 = tpu.memref_slice %arg6[%dma_start3A_5, %dma_start3A_7, %dma_start3A_8] : memref<3x64x512xf32, #tpu.memory_space<vmem>> -> memref<1x64x512xf32, #tpu.memory_space<vmem>>
    %dma_start3A_10 = tpu.memref_squeeze %dma_start3A_9 : memref<1x64x512xf32, #tpu.memory_space<vmem>> -> memref<64x512xf32, #tpu.memory_space<vmem>>
    %dma_start3A_11 = arith.constant 0 : i32
    %dma_start3A_12 = arith.constant 0 : i32
    %dma_start3A_13 = tpu.memref_slice %arg2[%dma_start3A, %add3A_4, %dma_start3A_11, %dma_start3A_12] : memref<1x512x64x512xf32, #tpu.memory_space<hbm>> -> memref<1x1x64x512xf32, #tpu.memory_space<hbm>>
    %dma_start3A_14 = tpu.memref_squeeze %dma_start3A_13 : memref<1x1x64x512xf32, #tpu.memory_space<hbm>> -> memref<64x512xf32, #tpu.memory_space<hbm>>
    %dma_start3A_15 = tpu.memref_slice %arg7[%dma_start3A_6] : memref<3x!tpu.dma_semaphore, #tpu.memory_space<semaphore_mem>> -> memref<1x!tpu.dma_semaphore, #tpu.memory_space<semaphore_mem>>
    %dma_start3A_16 = tpu.memref_squeeze %dma_start3A_15 : memref<1x!tpu.dma_semaphore, #tpu.memory_space<semaphore_mem>> -> memref<!tpu.dma_semaphore, #tpu.memory_space<semaphore_mem>>
    %dma_start3A_17 = arith.constant 0 : i32
    %dma_start3A_18 = arith.constant 0 : i32
    %dma_start3A_19 = tpu.memref_slice %arg6[%dma_start3A_5, %dma_start3A_17, %dma_start3A_18] : memref<3x64x512xf32, #tpu.memory_space<vmem>> -> memref<1x64x512xf32, #tpu.memory_space<vmem>>
    %dma_start3A_20 = tpu.memref_squeeze %dma_start3A_19 : memref<1x64x512xf32, #tpu.memory_space<vmem>> -> memref<64x512xf32, #tpu.memory_space<vmem>>
    %dma_start3A_21 = arith.constant 0 : i32
    %dma_start3A_22 = arith.constant 0 : i32
    %dma_start3A_23 = tpu.memref_slice %arg2[%dma_start3A, %add3A_4, %dma_start3A_21, %dma_start3A_22] : memref<1x512x64x512xf32, #tpu.memory_space<hbm>> -> memref<1x1x64x512xf32, #tpu.memory_space<hbm>>
    %dma_start3A_24 = tpu.memref_squeeze %dma_start3A_23 : memref<1x1x64x512xf32, #tpu.memory_space<hbm>> -> memref<64x512xf32, #tpu.memory_space<hbm>>
    tpu.enqueue_dma source(%dma_start3A_24 : memref<64x512xf32, #tpu.memory_space<hbm>>) target(%dma_start3A_20 : memref<64x512xf32, #tpu.memory_space<vmem>>) target_semaphore(%dma_start3A_16 : memref<!tpu.dma_semaphore, #tpu.memory_space<semaphore_mem>>)
    %add3A_25 = arith.constant 1 : i32
    %add3A_26 = arith.addi %mul3A_2, %add3A_25 : i32
    %dma_start3A_27 = arith.constant 0 : i32
    %dma_start3A_28 = arith.constant 1 : i32
    %dma_start3A_29 = arith.constant 1 : i32
    %dma_start3A_30 = arith.constant 0 : i32
    %dma_start3A_31 = arith.constant 0 : i32
    %dma_start3A_32 = tpu.memref_slice %arg6[%dma_start3A_28, %dma_start3A_30, %dma_start3A_31] : memref<3x64x512xf32, #tpu.memory_space<vmem>> -> memref<1x64x512xf32, #tpu.memory_space<vmem>>
    %dma_start3A_33 = tpu.memref_squeeze %dma_start3A_32 : memref<1x64x512xf32, #tpu.memory_space<vmem>> -> memref<64x512xf32, #tpu.memory_space<vmem>>
    %dma_start3A_34 = arith.constant 0 : i32
    %dma_start3A_35 = arith.constant 0 : i32
    %dma_start3A_36 = tpu.memref_slice %arg2[%dma_start3A_27, %add3A_26, %dma_start3A_34, %dma_start3A_35] : memref<1x512x64x512xf32, #tpu.memory_space<hbm>> -> memref<1x1x64x512xf32, #tpu.memory_space<hbm>>
    %dma_start3A_37 = tpu.memref_squeeze %dma_start3A_36 : memref<1x1x64x512xf32, #tpu.memory_space<hbm>> -> memref<64x512xf32, #tpu.memory_space<hbm>>
    %dma_start3A_38 = tpu.memref_slice %arg7[%dma_start3A_29] : memref<3x!tpu.dma_semaphore, #tpu.memory_space<semaphore_mem>> -> memref<1x!tpu.dma_semaphore, #tpu.memory_space<semaphore_mem>>
    %dma_start3A_39 = tpu.memref_squeeze %dma_start3A_38 : memref<1x!tpu.dma_semaphore, #tpu.memory_space<semaphore_mem>> -> memref<!tpu.dma_semaphore, #tpu.memory_space<semaphore_mem>>
    %dma_start3A_40 = arith.constant 0 : i32
    %dma_start3A_41 = arith.constant 0 : i32
    %dma_start3A_42 = tpu.memref_slice %arg6[%dma_start3A_28, %dma_start3A_40, %dma_start3A_41] : memref<3x64x512xf32, #tpu.memory_space<vmem>> -> memref<1x64x512xf32, #tpu.memory_space<vmem>>
    %dma_start3A_43 = tpu.memref_squeeze %dma_start3A_42 : memref<1x64x512xf32, #tpu.memory_space<vmem>> -> memref<64x512xf32, #tpu.memory_space<vmem>>
    %dma_start3A_44 = arith.constant 0 : i32
    %dma_start3A_45 = arith.constant 0 : i32
    %dma_start3A_46 = tpu.memref_slice %arg2[%dma_start3A_27, %add3A_26, %dma_start3A_44, %dma_start3A_45] : memref<1x512x64x512xf32, #tpu.memory_space<hbm>> -> memref<1x1x64x512xf32, #tpu.memory_space<hbm>>
    %dma_start3A_47 = tpu.memref_squeeze %dma_start3A_46 : memref<1x1x64x512xf32, #tpu.memory_space<hbm>> -> memref<64x512xf32, #tpu.memory_space<hbm>>
    tpu.enqueue_dma source(%dma_start3A_47 : memref<64x512xf32, #tpu.memory_space<hbm>>) target(%dma_start3A_43 : memref<64x512xf32, #tpu.memory_space<vmem>>) target_semaphore(%dma_start3A_39 : memref<!tpu.dma_semaphore, #tpu.memory_space<semaphore_mem>>)
    %add3A_48 = arith.constant 2 : i32
    %add3A_49 = arith.addi %mul3A_2, %add3A_48 : i32
    %dma_start3A_50 = arith.constant 0 : i32
    %dma_start3A_51 = arith.constant 2 : i32
    %dma_start3A_52 = arith.constant 2 : i32
    %dma_start3A_53 = arith.constant 0 : i32
    %dma_start3A_54 = arith.constant 0 : i32
    %dma_start3A_55 = tpu.memref_slice %arg6[%dma_start3A_51, %dma_start3A_53, %dma_start3A_54] : memref<3x64x512xf32, #tpu.memory_space<vmem>> -> memref<1x64x512xf32, #tpu.memory_space<vmem>>
    %dma_start3A_56 = tpu.memref_squeeze %dma_start3A_55 : memref<1x64x512xf32, #tpu.memory_space<vmem>> -> memref<64x512xf32, #tpu.memory_space<vmem>>
    %dma_start3A_57 = arith.constant 0 : i32
    %dma_start3A_58 = arith.constant 0 : i32
    %dma_start3A_59 = tpu.memref_slice %arg2[%dma_start3A_50, %add3A_49, %dma_start3A_57, %dma_start3A_58] : memref<1x512x64x512xf32, #tpu.memory_space<hbm>> -> memref<1x1x64x512xf32, #tpu.memory_space<hbm>>
    %dma_start3A_60 = tpu.memref_squeeze %dma_start3A_59 : memref<1x1x64x512xf32, #tpu.memory_space<hbm>> -> memref<64x512xf32, #tpu.memory_space<hbm>>
    %dma_start3A_61 = tpu.memref_slice %arg7[%dma_start3A_52] : memref<3x!tpu.dma_semaphore, #tpu.memory_space<semaphore_mem>> -> memref<1x!tpu.dma_semaphore, #tpu.memory_space<semaphore_mem>>
    %dma_start3A_62 = tpu.memref_squeeze %dma_start3A_61 : memref<1x!tpu.dma_semaphore, #tpu.memory_space<semaphore_mem>> -> memref<!tpu.dma_semaphore, #tpu.memory_space<semaphore_mem>>
    %dma_start3A_63 = arith.constant 0 : i32
    %dma_start3A_64 = arith.constant 0 : i32
    %dma_start3A_65 = tpu.memref_slice %arg6[%dma_start3A_51, %dma_start3A_63, %dma_start3A_64] : memref<3x64x512xf32, #tpu.memory_space<vmem>> -> memref<1x64x512xf32, #tpu.memory_space<vmem>>
    %dma_start3A_66 = tpu.memref_squeeze %dma_start3A_65 : memref<1x64x512xf32, #tpu.memory_space<vmem>> -> memref<64x512xf32, #tpu.memory_space<vmem>>
    %dma_start3A_67 = arith.constant 0 : i32
    %dma_start3A_68 = arith.constant 0 : i32
    %dma_start3A_69 = tpu.memref_slice %arg2[%dma_start3A_50, %add3A_49, %dma_start3A_67, %dma_start3A_68] : memref<1x512x64x512xf32, #tpu.memory_space<hbm>> -> memref<1x1x64x512xf32, #tpu.memory_space<hbm>>
    %dma_start3A_70 = tpu.memref_squeeze %dma_start3A_69 : memref<1x1x64x512xf32, #tpu.memory_space<hbm>> -> memref<64x512xf32, #tpu.memory_space<hbm>>
    tpu.enqueue_dma source(%dma_start3A_70 : memref<64x512xf32, #tpu.memory_space<hbm>>) target(%dma_start3A_66 : memref<64x512xf32, #tpu.memory_space<vmem>>) target_semaphore(%dma_start3A_62 : memref<!tpu.dma_semaphore, #tpu.memory_space<semaphore_mem>>)
    %add3A_71 = arith.constant 0 : i32
    %add3A_72 = arith.addi %mul3A_2, %add3A_71 : i32
    %dma_wait3A = arith.constant 0 : i32
    %dma_wait3A_73 = arith.constant 0 : i32
    %dma_wait3A_74 = arith.constant 0 : i32
    %dma_wait3A_75 = arith.constant 0 : i32
    %dma_wait3A_76 = arith.constant 0 : i32
    %dma_wait3A_77 = tpu.memref_slice %arg6[%dma_wait3A_73, %dma_wait3A_75, %dma_wait3A_76] : memref<3x64x512xf32, #tpu.memory_space<vmem>> -> memref<1x64x512xf32, #tpu.memory_space<vmem>>
    %dma_wait3A_78 = tpu.memref_squeeze %dma_wait3A_77 : memref<1x64x512xf32, #tpu.memory_space<vmem>> -> memref<64x512xf32, #tpu.memory_space<vmem>>
    %dma_wait3A_79 = arith.constant 0 : i32
    %dma_wait3A_80 = arith.constant 0 : i32
    %dma_wait3A_81 = tpu.memref_slice %arg2[%dma_wait3A, %add3A_72, %dma_wait3A_79, %dma_wait3A_80] : memref<1x512x64x512xf32, #tpu.memory_space<hbm>> -> memref<1x1x64x512xf32, #tpu.memory_space<hbm>>
    %dma_wait3A_82 = tpu.memref_squeeze %dma_wait3A_81 : memref<1x1x64x512xf32, #tpu.memory_space<hbm>> -> memref<64x512xf32, #tpu.memory_space<hbm>>
    %dma_wait3A_83 = tpu.memref_slice %arg7[%dma_wait3A_74] : memref<3x!tpu.dma_semaphore, #tpu.memory_space<semaphore_mem>> -> memref<1x!tpu.dma_semaphore, #tpu.memory_space<semaphore_mem>>
    %dma_wait3A_84 = tpu.memref_squeeze %dma_wait3A_83 : memref<1x!tpu.dma_semaphore, #tpu.memory_space<semaphore_mem>> -> memref<!tpu.dma_semaphore, #tpu.memory_space<semaphore_mem>>
    %dma_wait3A_85 = arith.constant 0 : i32
    %dma_wait3A_86 = arith.constant 0 : i32
    %dma_wait3A_87 = tpu.memref_slice %arg6[%dma_wait3A_73, %dma_wait3A_85, %dma_wait3A_86] : memref<3x64x512xf32, #tpu.memory_space<vmem>> -> memref<1x64x512xf32, #tpu.memory_space<vmem>>
    %dma_wait3A_88 = tpu.memref_squeeze %dma_wait3A_87 : memref<1x64x512xf32, #tpu.memory_space<vmem>> -> memref<64x512xf32, #tpu.memory_space<vmem>>
    %dma_wait3A_89 = arith.constant 0 : i32
    %dma_wait3A_90 = arith.constant 0 : i32
    %dma_wait3A_91 = tpu.memref_slice %arg2[%dma_wait3A, %add3A_72, %dma_wait3A_89, %dma_wait3A_90] : memref<1x512x64x512xf32, #tpu.memory_space<hbm>> -> memref<1x1x64x512xf32, #tpu.memory_space<hbm>>
    %dma_wait3A_92 = tpu.memref_squeeze %dma_wait3A_91 : memref<1x1x64x512xf32, #tpu.memory_space<hbm>> -> memref<64x512xf32, #tpu.memory_space<hbm>>
    tpu.wait_dma2 semaphore(%dma_wait3A_84 : memref<!tpu.dma_semaphore, #tpu.memory_space<semaphore_mem>>) src(%dma_wait3A_92 : memref<64x512xf32, #tpu.memory_space<hbm>>) dst(%dma_wait3A_88 : memref<64x512xf32, #tpu.memory_space<vmem>>)
    %dma_start3A_93 = arith.constant 0 : i32
    %dma_start3A_94 = arith.constant 0 : i32
    %dma_start3A_95 = arith.constant 0 : i32
    %dma_start3A_96 = arith.constant 0 : i32
    %dma_start3A_97 = arith.constant 0 : i32
    %dma_start3A_98 = tpu.memref_slice %arg6[%dma_start3A_93, %dma_start3A_96, %dma_start3A_97] : memref<3x64x512xf32, #tpu.memory_space<vmem>> -> memref<1x64x512xf32, #tpu.memory_space<vmem>>
    %dma_start3A_99 = tpu.memref_squeeze %dma_start3A_98 : memref<1x64x512xf32, #tpu.memory_space<vmem>> -> memref<64x512xf32, #tpu.memory_space<vmem>>
    %dma_start3A_100 = arith.constant 0 : i32
    %dma_start3A_101 = arith.constant 0 : i32
    %dma_start3A_102 = tpu.memref_slice %arg4[%dma_start3A_94, %add3A_72, %dma_start3A_100, %dma_start3A_101] : memref<1x512x64x512xf32, #tpu.memory_space<hbm>> -> memref<1x1x64x512xf32, #tpu.memory_space<hbm>>
    %dma_start3A_103 = tpu.memref_squeeze %dma_start3A_102 : memref<1x1x64x512xf32, #tpu.memory_space<hbm>> -> memref<64x512xf32, #tpu.memory_space<hbm>>
    %dma_start3A_104 = tpu.memref_slice %arg8[%dma_start3A_95] : memref<3x!tpu.dma_semaphore, #tpu.memory_space<semaphore_mem>> -> memref<1x!tpu.dma_semaphore, #tpu.memory_space<semaphore_mem>>
    %dma_start3A_105 = tpu.memref_squeeze %dma_start3A_104 : memref<1x!tpu.dma_semaphore, #tpu.memory_space<semaphore_mem>> -> memref<!tpu.dma_semaphore, #tpu.memory_space<semaphore_mem>>
    %dma_start3A_106 = arith.constant 0 : i32
    %dma_start3A_107 = arith.constant 0 : i32
    %dma_start3A_108 = tpu.memref_slice %arg4[%dma_start3A_94, %add3A_72, %dma_start3A_106, %dma_start3A_107] : memref<1x512x64x512xf32, #tpu.memory_space<hbm>> -> memref<1x1x64x512xf32, #tpu.memory_space<hbm>>
    %dma_start3A_109 = tpu.memref_squeeze %dma_start3A_108 : memref<1x1x64x512xf32, #tpu.memory_space<hbm>> -> memref<64x512xf32, #tpu.memory_space<hbm>>
    %dma_start3A_110 = arith.constant 0 : i32
    %dma_start3A_111 = arith.constant 0 : i32
    %dma_start3A_112 = tpu.memref_slice %arg6[%dma_start3A_93, %dma_start3A_110, %dma_start3A_111] : memref<3x64x512xf32, #tpu.memory_space<vmem>> -> memref<1x64x512xf32, #tpu.memory_space<vmem>>
    %dma_start3A_113 = tpu.memref_squeeze %dma_start3A_112 : memref<1x64x512xf32, #tpu.memory_space<vmem>> -> memref<64x512xf32, #tpu.memory_space<vmem>>
    tpu.enqueue_dma source(%dma_start3A_113 : memref<64x512xf32, #tpu.memory_space<vmem>>) target(%dma_start3A_109 : memref<64x512xf32, #tpu.memory_space<hbm>>) target_semaphore(%dma_start3A_105 : memref<!tpu.dma_semaphore, #tpu.memory_space<semaphore_mem>>)
    %dma_wait3A_114 = arith.constant 0 : i32
    %dma_wait3A_115 = arith.constant 0 : i32
    %dma_wait3A_116 = arith.constant 0 : i32
    %dma_wait3A_117 = arith.constant 0 : i32
    %dma_wait3A_118 = arith.constant 0 : i32
    %dma_wait3A_119 = tpu.memref_slice %arg6[%dma_wait3A_114, %dma_wait3A_117, %dma_wait3A_118] : memref<3x64x512xf32, #tpu.memory_space<vmem>> -> memref<1x64x512xf32, #tpu.memory_space<vmem>>
    %dma_wait3A_120 = tpu.memref_squeeze %dma_wait3A_119 : memref<1x64x512xf32, #tpu.memory_space<vmem>> -> memref<64x512xf32, #tpu.memory_space<vmem>>
    %dma_wait3A_121 = arith.constant 0 : i32
    %dma_wait3A_122 = arith.constant 0 : i32
    %dma_wait3A_123 = tpu.memref_slice %arg4[%dma_wait3A_115, %add3A_72, %dma_wait3A_121, %dma_wait3A_122] : memref<1x512x64x512xf32, #tpu.memory_space<hbm>> -> memref<1x1x64x512xf32, #tpu.memory_space<hbm>>
    %dma_wait3A_124 = tpu.memref_squeeze %dma_wait3A_123 : memref<1x1x64x512xf32, #tpu.memory_space<hbm>> -> memref<64x512xf32, #tpu.memory_space<hbm>>
    %dma_wait3A_125 = tpu.memref_slice %arg8[%dma_wait3A_116] : memref<3x!tpu.dma_semaphore, #tpu.memory_space<semaphore_mem>> -> memref<1x!tpu.dma_semaphore, #tpu.memory_space<semaphore_mem>>
    %dma_wait3A_126 = tpu.memref_squeeze %dma_wait3A_125 : memref<1x!tpu.dma_semaphore, #tpu.memory_space<semaphore_mem>> -> memref<!tpu.dma_semaphore, #tpu.memory_space<semaphore_mem>>
    %dma_wait3A_127 = arith.constant 0 : i32
    %dma_wait3A_128 = arith.constant 0 : i32
    %dma_wait3A_129 = tpu.memref_slice %arg4[%dma_wait3A_115, %add3A_72, %dma_wait3A_127, %dma_wait3A_128] : memref<1x512x64x512xf32, #tpu.memory_space<hbm>> -> memref<1x1x64x512xf32, #tpu.memory_space<hbm>>
    %dma_wait3A_130 = tpu.memref_squeeze %dma_wait3A_129 : memref<1x1x64x512xf32, #tpu.memory_space<hbm>> -> memref<64x512xf32, #tpu.memory_space<hbm>>
    %dma_wait3A_131 = arith.constant 0 : i32
    %dma_wait3A_132 = arith.constant 0 : i32
    %dma_wait3A_133 = tpu.memref_slice %arg6[%dma_wait3A_114, %dma_wait3A_131, %dma_wait3A_132] : memref<3x64x512xf32, #tpu.memory_space<vmem>> -> memref<1x64x512xf32, #tpu.memory_space<vmem>>
    %dma_wait3A_134 = tpu.memref_squeeze %dma_wait3A_133 : memref<1x64x512xf32, #tpu.memory_space<vmem>> -> memref<64x512xf32, #tpu.memory_space<vmem>>
    tpu.wait_dma2 semaphore(%dma_wait3A_126 : memref<!tpu.dma_semaphore, #tpu.memory_space<semaphore_mem>>) src(%dma_wait3A_134 : memref<64x512xf32, #tpu.memory_space<vmem>>) dst(%dma_wait3A_130 : memref<64x512xf32, #tpu.memory_space<hbm>>)
    %add3A_135 = arith.constant 3 : i32
    %add3A_136 = arith.addi %mul3A_2, %add3A_135 : i32
    %dma_start3A_137 = arith.constant 0 : i32
    %dma_start3A_138 = arith.constant 0 : i32
    %dma_start3A_139 = arith.constant 0 : i32
    %dma_start3A_140 = arith.constant 0 : i32
    %dma_start3A_141 = arith.constant 0 : i32
    %dma_start3A_142 = tpu.memref_slice %arg6[%dma_start3A_138, %dma_start3A_140, %dma_start3A_141] : memref<3x64x512xf32, #tpu.memory_space<vmem>> -> memref<1x64x512xf32, #tpu.memory_space<vmem>>
    %dma_start3A_143 = tpu.memref_squeeze %dma_start3A_142 : memref<1x64x512xf32, #tpu.memory_space<vmem>> -> memref<64x512xf32, #tpu.memory_space<vmem>>
    %dma_start3A_144 = arith.constant 0 : i32
    %dma_start3A_145 = arith.constant 0 : i32
    %dma_start3A_146 = tpu.memref_slice %arg2[%dma_start3A_137, %add3A_136, %dma_start3A_144, %dma_start3A_145] : memref<1x512x64x512xf32, #tpu.memory_space<hbm>> -> memref<1x1x64x512xf32, #tpu.memory_space<hbm>>
    %dma_start3A_147 = tpu.memref_squeeze %dma_start3A_146 : memref<1x1x64x512xf32, #tpu.memory_space<hbm>> -> memref<64x512xf32, #tpu.memory_space<hbm>>
    %dma_start3A_148 = tpu.memref_slice %arg7[%dma_start3A_139] : memref<3x!tpu.dma_semaphore, #tpu.memory_space<semaphore_mem>> -> memref<1x!tpu.dma_semaphore, #tpu.memory_space<semaphore_mem>>
    %dma_start3A_149 = tpu.memref_squeeze %dma_start3A_148 : memref<1x!tpu.dma_semaphore, #tpu.memory_space<semaphore_mem>> -> memref<!tpu.dma_semaphore, #tpu.memory_space<semaphore_mem>>
    %dma_start3A_150 = arith.constant 0 : i32
    %dma_start3A_151 = arith.constant 0 : i32
    %dma_start3A_152 = tpu.memref_slice %arg6[%dma_start3A_138, %dma_start3A_150, %dma_start3A_151] : memref<3x64x512xf32, #tpu.memory_space<vmem>> -> memref<1x64x512xf32, #tpu.memory_space<vmem>>
    %dma_start3A_153 = tpu.memref_squeeze %dma_start3A_152 : memref<1x64x512xf32, #tpu.memory_space<vmem>> -> memref<64x512xf32, #tpu.memory_space<vmem>>
    %dma_start3A_154 = arith.constant 0 : i32
    %dma_start3A_155 = arith.constant 0 : i32
    %dma_start3A_156 = tpu.memref_slice %arg2[%dma_start3A_137, %add3A_136, %dma_start3A_154, %dma_start3A_155] : memref<1x512x64x512xf32, #tpu.memory_space<hbm>> -> memref<1x1x64x512xf32, #tpu.memory_space<hbm>>
    %dma_start3A_157 = tpu.memref_squeeze %dma_start3A_156 : memref<1x1x64x512xf32, #tpu.memory_space<hbm>> -> memref<64x512xf32, #tpu.memory_space<hbm>>
    tpu.enqueue_dma source(%dma_start3A_157 : memref<64x512xf32, #tpu.memory_space<hbm>>) target(%dma_start3A_153 : memref<64x512xf32, #tpu.memory_space<vmem>>) target_semaphore(%dma_start3A_149 : memref<!tpu.dma_semaphore, #tpu.memory_space<semaphore_mem>>)
    %add3A_158 = arith.constant 1 : i32
    %add3A_159 = arith.addi %mul3A_2, %add3A_158 : i32
    %dma_wait3A_160 = arith.constant 0 : i32
    %dma_wait3A_161 = arith.constant 1 : i32
    %dma_wait3A_162 = arith.constant 1 : i32
    %dma_wait3A_163 = arith.constant 0 : i32
    %dma_wait3A_164 = arith.constant 0 : i32
    %dma_wait3A_165 = tpu.memref_slice %arg6[%dma_wait3A_161, %dma_wait3A_163, %dma_wait3A_164] : memref<3x64x512xf32, #tpu.memory_space<vmem>> -> memref<1x64x512xf32, #tpu.memory_space<vmem>>
    %dma_wait3A_166 = tpu.memref_squeeze %dma_wait3A_165 : memref<1x64x512xf32, #tpu.memory_space<vmem>> -> memref<64x512xf32, #tpu.memory_space<vmem>>
    %dma_wait3A_167 = arith.constant 0 : i32
    %dma_wait3A_168 = arith.constant 0 : i32
    %dma_wait3A_169 = tpu.memref_slice %arg2[%dma_wait3A_160, %add3A_159, %dma_wait3A_167, %dma_wait3A_168] : memref<1x512x64x512xf32, #tpu.memory_space<hbm>> -> memref<1x1x64x512xf32, #tpu.memory_space<hbm>>
    %dma_wait3A_170 = tpu.memref_squeeze %dma_wait3A_169 : memref<1x1x64x512xf32, #tpu.memory_space<hbm>> -> memref<64x512xf32, #tpu.memory_space<hbm>>
    %dma_wait3A_171 = tpu.memref_slice %arg7[%dma_wait3A_162] : memref<3x!tpu.dma_semaphore, #tpu.memory_space<semaphore_mem>> -> memref<1x!tpu.dma_semaphore, #tpu.memory_space<semaphore_mem>>
    %dma_wait3A_172 = tpu.memref_squeeze %dma_wait3A_171 : memref<1x!tpu.dma_semaphore, #tpu.memory_space<semaphore_mem>> -> memref<!tpu.dma_semaphore, #tpu.memory_space<semaphore_mem>>
    %dma_wait3A_173 = arith.constant 0 : i32
    %dma_wait3A_174 = arith.constant 0 : i32
    %dma_wait3A_175 = tpu.memref_slice %arg6[%dma_wait3A_161, %dma_wait3A_173, %dma_wait3A_174] : memref<3x64x512xf32, #tpu.memory_space<vmem>> -> memref<1x64x512xf32, #tpu.memory_space<vmem>>
    %dma_wait3A_176 = tpu.memref_squeeze %dma_wait3A_175 : memref<1x64x512xf32, #tpu.memory_space<vmem>> -> memref<64x512xf32, #tpu.memory_space<vmem>>
    %dma_wait3A_177 = arith.constant 0 : i32
    %dma_wait3A_178 = arith.constant 0 : i32
    %dma_wait3A_179 = tpu.memref_slice %arg2[%dma_wait3A_160, %add3A_159, %dma_wait3A_177, %dma_wait3A_178] : memref<1x512x64x512xf32, #tpu.memory_space<hbm>> -> memref<1x1x64x512xf32, #tpu.memory_space<hbm>>
    %dma_wait3A_180 = tpu.memref_squeeze %dma_wait3A_179 : memref<1x1x64x512xf32, #tpu.memory_space<hbm>> -> memref<64x512xf32, #tpu.memory_space<hbm>>
    tpu.wait_dma2 semaphore(%dma_wait3A_172 : memref<!tpu.dma_semaphore, #tpu.memory_space<semaphore_mem>>) src(%dma_wait3A_180 : memref<64x512xf32, #tpu.memory_space<hbm>>) dst(%dma_wait3A_176 : memref<64x512xf32, #tpu.memory_space<vmem>>)
    %dma_start3A_181 = arith.constant 1 : i32
    %dma_start3A_182 = arith.constant 0 : i32
    %dma_start3A_183 = arith.constant 1 : i32
    %dma_start3A_184 = arith.constant 0 : i32
    %dma_start3A_185 = arith.constant 0 : i32
    %dma_start3A_186 = tpu.memref_slice %arg6[%dma_start3A_181, %dma_start3A_184, %dma_start3A_185] : memref<3x64x512xf32, #tpu.memory_space<vmem>> -> memref<1x64x512xf32, #tpu.memory_space<vmem>>
    %dma_start3A_187 = tpu.memref_squeeze %dma_start3A_186 : memref<1x64x512xf32, #tpu.memory_space<vmem>> -> memref<64x512xf32, #tpu.memory_space<vmem>>
    %dma_start3A_188 = arith.constant 0 : i32
    %dma_start3A_189 = arith.constant 0 : i32
    %dma_start3A_190 = tpu.memref_slice %arg4[%dma_start3A_182, %add3A_159, %dma_start3A_188, %dma_start3A_189] : memref<1x512x64x512xf32, #tpu.memory_space<hbm>> -> memref<1x1x64x512xf32, #tpu.memory_space<hbm>>
    %dma_start3A_191 = tpu.memref_squeeze %dma_start3A_190 : memref<1x1x64x512xf32, #tpu.memory_space<hbm>> -> memref<64x512xf32, #tpu.memory_space<hbm>>
    %dma_start3A_192 = tpu.memref_slice %arg8[%dma_start3A_183] : memref<3x!tpu.dma_semaphore, #tpu.memory_space<semaphore_mem>> -> memref<1x!tpu.dma_semaphore, #tpu.memory_space<semaphore_mem>>
    %dma_start3A_193 = tpu.memref_squeeze %dma_start3A_192 : memref<1x!tpu.dma_semaphore, #tpu.memory_space<semaphore_mem>> -> memref<!tpu.dma_semaphore, #tpu.memory_space<semaphore_mem>>
    %dma_start3A_194 = arith.constant 0 : i32
    %dma_start3A_195 = arith.constant 0 : i32
    %dma_start3A_196 = tpu.memref_slice %arg4[%dma_start3A_182, %add3A_159, %dma_start3A_194, %dma_start3A_195] : memref<1x512x64x512xf32, #tpu.memory_space<hbm>> -> memref<1x1x64x512xf32, #tpu.memory_space<hbm>>
    %dma_start3A_197 = tpu.memref_squeeze %dma_start3A_196 : memref<1x1x64x512xf32, #tpu.memory_space<hbm>> -> memref<64x512xf32, #tpu.memory_space<hbm>>
    %dma_start3A_198 = arith.constant 0 : i32
    %dma_start3A_199 = arith.constant 0 : i32
    %dma_start3A_200 = tpu.memref_slice %arg6[%dma_start3A_181, %dma_start3A_198, %dma_start3A_199] : memref<3x64x512xf32, #tpu.memory_space<vmem>> -> memref<1x64x512xf32, #tpu.memory_space<vmem>>
    %dma_start3A_201 = tpu.memref_squeeze %dma_start3A_200 : memref<1x64x512xf32, #tpu.memory_space<vmem>> -> memref<64x512xf32, #tpu.memory_space<vmem>>
    tpu.enqueue_dma source(%dma_start3A_201 : memref<64x512xf32, #tpu.memory_space<vmem>>) target(%dma_start3A_197 : memref<64x512xf32, #tpu.memory_space<hbm>>) target_semaphore(%dma_start3A_193 : memref<!tpu.dma_semaphore, #tpu.memory_space<semaphore_mem>>)
    %dma_wait3A_202 = arith.constant 1 : i32
    %dma_wait3A_203 = arith.constant 0 : i32
    %dma_wait3A_204 = arith.constant 1 : i32
    %dma_wait3A_205 = arith.constant 0 : i32
    %dma_wait3A_206 = arith.constant 0 : i32
    %dma_wait3A_207 = tpu.memref_slice %arg6[%dma_wait3A_202, %dma_wait3A_205, %dma_wait3A_206] : memref<3x64x512xf32, #tpu.memory_space<vmem>> -> memref<1x64x512xf32, #tpu.memory_space<vmem>>
    %dma_wait3A_208 = tpu.memref_squeeze %dma_wait3A_207 : memref<1x64x512xf32, #tpu.memory_space<vmem>> -> memref<64x512xf32, #tpu.memory_space<vmem>>
    %dma_wait3A_209 = arith.constant 0 : i32
    %dma_wait3A_210 = arith.constant 0 : i32
    %dma_wait3A_211 = tpu.memref_slice %arg4[%dma_wait3A_203, %add3A_159, %dma_wait3A_209, %dma_wait3A_210] : memref<1x512x64x512xf32, #tpu.memory_space<hbm>> -> memref<1x1x64x512xf32, #tpu.memory_space<hbm>>
    %dma_wait3A_212 = tpu.memref_squeeze %dma_wait3A_211 : memref<1x1x64x512xf32, #tpu.memory_space<hbm>> -> memref<64x512xf32, #tpu.memory_space<hbm>>
    %dma_wait3A_213 = tpu.memref_slice %arg8[%dma_wait3A_204] : memref<3x!tpu.dma_semaphore, #tpu.memory_space<semaphore_mem>> -> memref<1x!tpu.dma_semaphore, #tpu.memory_space<semaphore_mem>>
    %dma_wait3A_214 = tpu.memref_squeeze %dma_wait3A_213 : memref<1x!tpu.dma_semaphore, #tpu.memory_space<semaphore_mem>> -> memref<!tpu.dma_semaphore, #tpu.memory_space<semaphore_mem>>
    %dma_wait3A_215 = arith.constant 0 : i32
    %dma_wait3A_216 = arith.constant 0 : i32
    %dma_wait3A_217 = tpu.memref_slice %arg4[%dma_wait3A_203, %add3A_159, %dma_wait3A_215, %dma_wait3A_216] : memref<1x512x64x512xf32, #tpu.memory_space<hbm>> -> memref<1x1x64x512xf32, #tpu.memory_space<hbm>>
    %dma_wait3A_218 = tpu.memref_squeeze %dma_wait3A_217 : memref<1x1x64x512xf32, #tpu.memory_space<hbm>> -> memref<64x512xf32, #tpu.memory_space<hbm>>
    %dma_wait3A_219 = arith.constant 0 : i32
    %dma_wait3A_220 = arith.constant 0 : i32
    %dma_wait3A_221 = tpu.memref_slice %arg6[%dma_wait3A_202, %dma_wait3A_219, %dma_wait3A_220] : memref<3x64x512xf32, #tpu.memory_space<vmem>> -> memref<1x64x512xf32, #tpu.memory_space<vmem>>
    %dma_wait3A_222 = tpu.memref_squeeze %dma_wait3A_221 : memref<1x64x512xf32, #tpu.memory_space<vmem>> -> memref<64x512xf32, #tpu.memory_space<vmem>>
    tpu.wait_dma2 semaphore(%dma_wait3A_214 : memref<!tpu.dma_semaphore, #tpu.memory_space<semaphore_mem>>) src(%dma_wait3A_222 : memref<64x512xf32, #tpu.memory_space<vmem>>) dst(%dma_wait3A_218 : memref<64x512xf32, #tpu.memory_space<hbm>>)
    %add3A_223 = arith.constant 4 : i32
    %add3A_224 = arith.addi %mul3A_2, %add3A_223 : i32
    %dma_start3A_225 = arith.constant 0 : i32
    %dma_start3A_226 = arith.constant 1 : i32
    %dma_start3A_227 = arith.constant 1 : i32
    %dma_start3A_228 = arith.constant 0 : i32
    %dma_start3A_229 = arith.constant 0 : i32
    %dma_start3A_230 = tpu.memref_slice %arg6[%dma_start3A_226, %dma_start3A_228, %dma_start3A_229] : memref<3x64x512xf32, #tpu.memory_space<vmem>> -> memref<1x64x512xf32, #tpu.memory_space<vmem>>
    %dma_start3A_231 = tpu.memref_squeeze %dma_start3A_230 : memref<1x64x512xf32, #tpu.memory_space<vmem>> -> memref<64x512xf32, #tpu.memory_space<vmem>>
    %dma_start3A_232 = arith.constant 0 : i32
    %dma_start3A_233 = arith.constant 0 : i32
    %dma_start3A_234 = tpu.memref_slice %arg2[%dma_start3A_225, %add3A_224, %dma_start3A_232, %dma_start3A_233] : memref<1x512x64x512xf32, #tpu.memory_space<hbm>> -> memref<1x1x64x512xf32, #tpu.memory_space<hbm>>
    %dma_start3A_235 = tpu.memref_squeeze %dma_start3A_234 : memref<1x1x64x512xf32, #tpu.memory_space<hbm>> -> memref<64x512xf32, #tpu.memory_space<hbm>>
    %dma_start3A_236 = tpu.memref_slice %arg7[%dma_start3A_227] : memref<3x!tpu.dma_semaphore, #tpu.memory_space<semaphore_mem>> -> memref<1x!tpu.dma_semaphore, #tpu.memory_space<semaphore_mem>>
    %dma_start3A_237 = tpu.memref_squeeze %dma_start3A_236 : memref<1x!tpu.dma_semaphore, #tpu.memory_space<semaphore_mem>> -> memref<!tpu.dma_semaphore, #tpu.memory_space<semaphore_mem>>
    %dma_start3A_238 = arith.constant 0 : i32
    %dma_start3A_239 = arith.constant 0 : i32
    %dma_start3A_240 = tpu.memref_slice %arg6[%dma_start3A_226, %dma_start3A_238, %dma_start3A_239] : memref<3x64x512xf32, #tpu.memory_space<vmem>> -> memref<1x64x512xf32, #tpu.memory_space<vmem>>
    %dma_start3A_241 = tpu.memref_squeeze %dma_start3A_240 : memref<1x64x512xf32, #tpu.memory_space<vmem>> -> memref<64x512xf32, #tpu.memory_space<vmem>>
    %dma_start3A_242 = arith.constant 0 : i32
    %dma_start3A_243 = arith.constant 0 : i32
    %dma_start3A_244 = tpu.memref_slice %arg2[%dma_start3A_225, %add3A_224, %dma_start3A_242, %dma_start3A_243] : memref<1x512x64x512xf32, #tpu.memory_space<hbm>> -> memref<1x1x64x512xf32, #tpu.memory_space<hbm>>
    %dma_start3A_245 = tpu.memref_squeeze %dma_start3A_244 : memref<1x1x64x512xf32, #tpu.memory_space<hbm>> -> memref<64x512xf32, #tpu.memory_space<hbm>>
    tpu.enqueue_dma source(%dma_start3A_245 : memref<64x512xf32, #tpu.memory_space<hbm>>) target(%dma_start3A_241 : memref<64x512xf32, #tpu.memory_space<vmem>>) target_semaphore(%dma_start3A_237 : memref<!tpu.dma_semaphore, #tpu.memory_space<semaphore_mem>>)
    %add3A_246 = arith.constant 2 : i32
    %add3A_247 = arith.addi %mul3A_2, %add3A_246 : i32
    %dma_wait3A_248 = arith.constant 0 : i32
    %dma_wait3A_249 = arith.constant 2 : i32
    %dma_wait3A_250 = arith.constant 2 : i32
    %dma_wait3A_251 = arith.constant 0 : i32
    %dma_wait3A_252 = arith.constant 0 : i32
    %dma_wait3A_253 = tpu.memref_slice %arg6[%dma_wait3A_249, %dma_wait3A_251, %dma_wait3A_252] : memref<3x64x512xf32, #tpu.memory_space<vmem>> -> memref<1x64x512xf32, #tpu.memory_space<vmem>>
    %dma_wait3A_254 = tpu.memref_squeeze %dma_wait3A_253 : memref<1x64x512xf32, #tpu.memory_space<vmem>> -> memref<64x512xf32, #tpu.memory_space<vmem>>
    %dma_wait3A_255 = arith.constant 0 : i32
    %dma_wait3A_256 = arith.constant 0 : i32
    %dma_wait3A_257 = tpu.memref_slice %arg2[%dma_wait3A_248, %add3A_247, %dma_wait3A_255, %dma_wait3A_256] : memref<1x512x64x512xf32, #tpu.memory_space<hbm>> -> memref<1x1x64x512xf32, #tpu.memory_space<hbm>>
    %dma_wait3A_258 = tpu.memref_squeeze %dma_wait3A_257 : memref<1x1x64x512xf32, #tpu.memory_space<hbm>> -> memref<64x512xf32, #tpu.memory_space<hbm>>
    %dma_wait3A_259 = tpu.memref_slice %arg7[%dma_wait3A_250] : memref<3x!tpu.dma_semaphore, #tpu.memory_space<semaphore_mem>> -> memref<1x!tpu.dma_semaphore, #tpu.memory_space<semaphore_mem>>
    %dma_wait3A_260 = tpu.memref_squeeze %dma_wait3A_259 : memref<1x!tpu.dma_semaphore, #tpu.memory_space<semaphore_mem>> -> memref<!tpu.dma_semaphore, #tpu.memory_space<semaphore_mem>>
    %dma_wait3A_261 = arith.constant 0 : i32
    %dma_wait3A_262 = arith.constant 0 : i32
    %dma_wait3A_263 = tpu.memref_slice %arg6[%dma_wait3A_249, %dma_wait3A_261, %dma_wait3A_262] : memref<3x64x512xf32, #tpu.memory_space<vmem>> -> memref<1x64x512xf32, #tpu.memory_space<vmem>>
    %dma_wait3A_264 = tpu.memref_squeeze %dma_wait3A_263 : memref<1x64x512xf32, #tpu.memory_space<vmem>> -> memref<64x512xf32, #tpu.memory_space<vmem>>
    %dma_wait3A_265 = arith.constant 0 : i32
    %dma_wait3A_266 = arith.constant 0 : i32
    %dma_wait3A_267 = tpu.memref_slice %arg2[%dma_wait3A_248, %add3A_247, %dma_wait3A_265, %dma_wait3A_266] : memref<1x512x64x512xf32, #tpu.memory_space<hbm>> -> memref<1x1x64x512xf32, #tpu.memory_space<hbm>>
    %dma_wait3A_268 = tpu.memref_squeeze %dma_wait3A_267 : memref<1x1x64x512xf32, #tpu.memory_space<hbm>> -> memref<64x512xf32, #tpu.memory_space<hbm>>
    tpu.wait_dma2 semaphore(%dma_wait3A_260 : memref<!tpu.dma_semaphore, #tpu.memory_space<semaphore_mem>>) src(%dma_wait3A_268 : memref<64x512xf32, #tpu.memory_space<hbm>>) dst(%dma_wait3A_264 : memref<64x512xf32, #tpu.memory_space<vmem>>)
    %dma_start3A_269 = arith.constant 2 : i32
    %dma_start3A_270 = arith.constant 0 : i32
    %dma_start3A_271 = arith.constant 2 : i32
    %dma_start3A_272 = arith.constant 0 : i32
    %dma_start3A_273 = arith.constant 0 : i32
    %dma_start3A_274 = tpu.memref_slice %arg6[%dma_start3A_269, %dma_start3A_272, %dma_start3A_273] : memref<3x64x512xf32, #tpu.memory_space<vmem>> -> memref<1x64x512xf32, #tpu.memory_space<vmem>>
    %dma_start3A_275 = tpu.memref_squeeze %dma_start3A_274 : memref<1x64x512xf32, #tpu.memory_space<vmem>> -> memref<64x512xf32, #tpu.memory_space<vmem>>
    %dma_start3A_276 = arith.constant 0 : i32
    %dma_start3A_277 = arith.constant 0 : i32
    %dma_start3A_278 = tpu.memref_slice %arg4[%dma_start3A_270, %add3A_247, %dma_start3A_276, %dma_start3A_277] : memref<1x512x64x512xf32, #tpu.memory_space<hbm>> -> memref<1x1x64x512xf32, #tpu.memory_space<hbm>>
    %dma_start3A_279 = tpu.memref_squeeze %dma_start3A_278 : memref<1x1x64x512xf32, #tpu.memory_space<hbm>> -> memref<64x512xf32, #tpu.memory_space<hbm>>
    %dma_start3A_280 = tpu.memref_slice %arg8[%dma_start3A_271] : memref<3x!tpu.dma_semaphore, #tpu.memory_space<semaphore_mem>> -> memref<1x!tpu.dma_semaphore, #tpu.memory_space<semaphore_mem>>
    %dma_start3A_281 = tpu.memref_squeeze %dma_start3A_280 : memref<1x!tpu.dma_semaphore, #tpu.memory_space<semaphore_mem>> -> memref<!tpu.dma_semaphore, #tpu.memory_space<semaphore_mem>>
    %dma_start3A_282 = arith.constant 0 : i32
    %dma_start3A_283 = arith.constant 0 : i32
    %dma_start3A_284 = tpu.memref_slice %arg4[%dma_start3A_270, %add3A_247, %dma_start3A_282, %dma_start3A_283] : memref<1x512x64x512xf32, #tpu.memory_space<hbm>> -> memref<1x1x64x512xf32, #tpu.memory_space<hbm>>
    %dma_start3A_285 = tpu.memref_squeeze %dma_start3A_284 : memref<1x1x64x512xf32, #tpu.memory_space<hbm>> -> memref<64x512xf32, #tpu.memory_space<hbm>>
    %dma_start3A_286 = arith.constant 0 : i32
    %dma_start3A_287 = arith.constant 0 : i32
    %dma_start3A_288 = tpu.memref_slice %arg6[%dma_start3A_269, %dma_start3A_286, %dma_start3A_287] : memref<3x64x512xf32, #tpu.memory_space<vmem>> -> memref<1x64x512xf32, #tpu.memory_space<vmem>>
    %dma_start3A_289 = tpu.memref_squeeze %dma_start3A_288 : memref<1x64x512xf32, #tpu.memory_space<vmem>> -> memref<64x512xf32, #tpu.memory_space<vmem>>
    tpu.enqueue_dma source(%dma_start3A_289 : memref<64x512xf32, #tpu.memory_space<vmem>>) target(%dma_start3A_285 : memref<64x512xf32, #tpu.memory_space<hbm>>) target_semaphore(%dma_start3A_281 : memref<!tpu.dma_semaphore, #tpu.memory_space<semaphore_mem>>)
    %dma_wait3A_290 = arith.constant 2 : i32
    %dma_wait3A_291 = arith.constant 0 : i32
    %dma_wait3A_292 = arith.constant 2 : i32
    %dma_wait3A_293 = arith.constant 0 : i32
    %dma_wait3A_294 = arith.constant 0 : i32
    %dma_wait3A_295 = tpu.memref_slice %arg6[%dma_wait3A_290, %dma_wait3A_293, %dma_wait3A_294] : memref<3x64x512xf32, #tpu.memory_space<vmem>> -> memref<1x64x512xf32, #tpu.memory_space<vmem>>
    %dma_wait3A_296 = tpu.memref_squeeze %dma_wait3A_295 : memref<1x64x512xf32, #tpu.memory_space<vmem>> -> memref<64x512xf32, #tpu.memory_space<vmem>>
    %dma_wait3A_297 = arith.constant 0 : i32
    %dma_wait3A_298 = arith.constant 0 : i32
    %dma_wait3A_299 = tpu.memref_slice %arg4[%dma_wait3A_291, %add3A_247, %dma_wait3A_297, %dma_wait3A_298] : memref<1x512x64x512xf32, #tpu.memory_space<hbm>> -> memref<1x1x64x512xf32, #tpu.memory_space<hbm>>
    %dma_wait3A_300 = tpu.memref_squeeze %dma_wait3A_299 : memref<1x1x64x512xf32, #tpu.memory_space<hbm>> -> memref<64x512xf32, #tpu.memory_space<hbm>>
    %dma_wait3A_301 = tpu.memref_slice %arg8[%dma_wait3A_292] : memref<3x!tpu.dma_semaphore, #tpu.memory_space<semaphore_mem>> -> memref<1x!tpu.dma_semaphore, #tpu.memory_space<semaphore_mem>>
    %dma_wait3A_302 = tpu.memref_squeeze %dma_wait3A_301 : memref<1x!tpu.dma_semaphore, #tpu.memory_space<semaphore_mem>> -> memref<!tpu.dma_semaphore, #tpu.memory_space<semaphore_mem>>
    %dma_wait3A_303 = arith.constant 0 : i32
    %dma_wait3A_304 = arith.constant 0 : i32
    %dma_wait3A_305 = tpu.memref_slice %arg4[%dma_wait3A_291, %add3A_247, %dma_wait3A_303, %dma_wait3A_304] : memref<1x512x64x512xf32, #tpu.memory_space<hbm>> -> memref<1x1x64x512xf32, #tpu.memory_space<hbm>>
    %dma_wait3A_306 = tpu.memref_squeeze %dma_wait3A_305 : memref<1x1x64x512xf32, #tpu.memory_space<hbm>> -> memref<64x512xf32, #tpu.memory_space<hbm>>
    %dma_wait3A_307 = arith.constant 0 : i32
    %dma_wait3A_308 = arith.constant 0 : i32
    %dma_wait3A_309 = tpu.memref_slice %arg6[%dma_wait3A_290, %dma_wait3A_307, %dma_wait3A_308] : memref<3x64x512xf32, #tpu.memory_space<vmem>> -> memref<1x64x512xf32, #tpu.memory_space<vmem>>
    %dma_wait3A_310 = tpu.memref_squeeze %dma_wait3A_309 : memref<1x64x512xf32, #tpu.memory_space<vmem>> -> memref<64x512xf32, #tpu.memory_space<vmem>>
    tpu.wait_dma2 semaphore(%dma_wait3A_302 : memref<!tpu.dma_semaphore, #tpu.memory_space<semaphore_mem>>) src(%dma_wait3A_310 : memref<64x512xf32, #tpu.memory_space<vmem>>) dst(%dma_wait3A_306 : memref<64x512xf32, #tpu.memory_space<hbm>>)
    %add3A_311 = arith.constant 5 : i32
    %add3A_312 = arith.addi %mul3A_2, %add3A_311 : i32
    %dma_start3A_313 = arith.constant 0 : i32
    %dma_start3A_314 = arith.constant 2 : i32
    %dma_start3A_315 = arith.constant 2 : i32
    %dma_start3A_316 = arith.constant 0 : i32
    %dma_start3A_317 = arith.constant 0 : i32
    %dma_start3A_318 = tpu.memref_slice %arg6[%dma_start3A_314, %dma_start3A_316, %dma_start3A_317] : memref<3x64x512xf32, #tpu.memory_space<vmem>> -> memref<1x64x512xf32, #tpu.memory_space<vmem>>
    %dma_start3A_319 = tpu.memref_squeeze %dma_start3A_318 : memref<1x64x512xf32, #tpu.memory_space<vmem>> -> memref<64x512xf32, #tpu.memory_space<vmem>>
    %dma_start3A_320 = arith.constant 0 : i32
    %dma_start3A_321 = arith.constant 0 : i32
    %dma_start3A_322 = tpu.memref_slice %arg2[%dma_start3A_313, %add3A_312, %dma_start3A_320, %dma_start3A_321] : memref<1x512x64x512xf32, #tpu.memory_space<hbm>> -> memref<1x1x64x512xf32, #tpu.memory_space<hbm>>
    %dma_start3A_323 = tpu.memref_squeeze %dma_start3A_322 : memref<1x1x64x512xf32, #tpu.memory_space<hbm>> -> memref<64x512xf32, #tpu.memory_space<hbm>>
    %dma_start3A_324 = tpu.memref_slice %arg7[%dma_start3A_315] : memref<3x!tpu.dma_semaphore, #tpu.memory_space<semaphore_mem>> -> memref<1x!tpu.dma_semaphore, #tpu.memory_space<semaphore_mem>>
    %dma_start3A_325 = tpu.memref_squeeze %dma_start3A_324 : memref<1x!tpu.dma_semaphore, #tpu.memory_space<semaphore_mem>> -> memref<!tpu.dma_semaphore, #tpu.memory_space<semaphore_mem>>
    %dma_start3A_326 = arith.constant 0 : i32
    %dma_start3A_327 = arith.constant 0 : i32
    %dma_start3A_328 = tpu.memref_slice %arg6[%dma_start3A_314, %dma_start3A_326, %dma_start3A_327] : memref<3x64x512xf32, #tpu.memory_space<vmem>> -> memref<1x64x512xf32, #tpu.memory_space<vmem>>
    %dma_start3A_329 = tpu.memref_squeeze %dma_start3A_328 : memref<1x64x512xf32, #tpu.memory_space<vmem>> -> memref<64x512xf32, #tpu.memory_space<vmem>>
    %dma_start3A_330 = arith.constant 0 : i32
    %dma_start3A_331 = arith.constant 0 : i32
    %dma_start3A_332 = tpu.memref_slice %arg2[%dma_start3A_313, %add3A_312, %dma_start3A_330, %dma_start3A_331] : memref<1x512x64x512xf32, #tpu.memory_space<hbm>> -> memref<1x1x64x512xf32, #tpu.memory_space<hbm>>
    %dma_start3A_333 = tpu.memref_squeeze %dma_start3A_332 : memref<1x1x64x512xf32, #tpu.memory_space<hbm>> -> memref<64x512xf32, #tpu.memory_space<hbm>>
    tpu.enqueue_dma source(%dma_start3A_333 : memref<64x512xf32, #tpu.memory_space<hbm>>) target(%dma_start3A_329 : memref<64x512xf32, #tpu.memory_space<vmem>>) target_semaphore(%dma_start3A_325 : memref<!tpu.dma_semaphore, #tpu.memory_space<semaphore_mem>>)
    %add3A_334 = arith.constant 3 : i32
    %add3A_335 = arith.addi %mul3A_2, %add3A_334 : i32
    %dma_wait3A_336 = arith.constant 0 : i32
    %dma_wait3A_337 = arith.constant 0 : i32
    %dma_wait3A_338 = arith.constant 0 : i32
    %dma_wait3A_339 = arith.constant 0 : i32
    %dma_wait3A_340 = arith.constant 0 : i32
    %dma_wait3A_341 = tpu.memref_slice %arg6[%dma_wait3A_337, %dma_wait3A_339, %dma_wait3A_340] : memref<3x64x512xf32, #tpu.memory_space<vmem>> -> memref<1x64x512xf32, #tpu.memory_space<vmem>>
    %dma_wait3A_342 = tpu.memref_squeeze %dma_wait3A_341 : memref<1x64x512xf32, #tpu.memory_space<vmem>> -> memref<64x512xf32, #tpu.memory_space<vmem>>
    %dma_wait3A_343 = arith.constant 0 : i32
    %dma_wait3A_344 = arith.constant 0 : i32
    %dma_wait3A_345 = tpu.memref_slice %arg2[%dma_wait3A_336, %add3A_335, %dma_wait3A_343, %dma_wait3A_344] : memref<1x512x64x512xf32, #tpu.memory_space<hbm>> -> memref<1x1x64x512xf32, #tpu.memory_space<hbm>>
    %dma_wait3A_346 = tpu.memref_squeeze %dma_wait3A_345 : memref<1x1x64x512xf32, #tpu.memory_space<hbm>> -> memref<64x512xf32, #tpu.memory_space<hbm>>
    %dma_wait3A_347 = tpu.memref_slice %arg7[%dma_wait3A_338] : memref<3x!tpu.dma_semaphore, #tpu.memory_space<semaphore_mem>> -> memref<1x!tpu.dma_semaphore, #tpu.memory_space<semaphore_mem>>
    %dma_wait3A_348 = tpu.memref_squeeze %dma_wait3A_347 : memref<1x!tpu.dma_semaphore, #tpu.memory_space<semaphore_mem>> -> memref<!tpu.dma_semaphore, #tpu.memory_space<semaphore_mem>>
    %dma_wait3A_349 = arith.constant 0 : i32
    %dma_wait3A_350 = arith.constant 0 : i32
    %dma_wait3A_351 = tpu.memref_slice %arg6[%dma_wait3A_337, %dma_wait3A_349, %dma_wait3A_350] : memref<3x64x512xf32, #tpu.memory_space<vmem>> -> memref<1x64x512xf32, #tpu.memory_space<vmem>>
    %dma_wait3A_352 = tpu.memref_squeeze %dma_wait3A_351 : memref<1x64x512xf32, #tpu.memory_space<vmem>> -> memref<64x512xf32, #tpu.memory_space<vmem>>
    %dma_wait3A_353 = arith.constant 0 : i32
    %dma_wait3A_354 = arith.constant 0 : i32
    %dma_wait3A_355 = tpu.memref_slice %arg2[%dma_wait3A_336, %add3A_335, %dma_wait3A_353, %dma_wait3A_354] : memref<1x512x64x512xf32, #tpu.memory_space<hbm>> -> memref<1x1x64x512xf32, #tpu.memory_space<hbm>>
    %dma_wait3A_356 = tpu.memref_squeeze %dma_wait3A_355 : memref<1x1x64x512xf32, #tpu.memory_space<hbm>> -> memref<64x512xf32, #tpu.memory_space<hbm>>
    tpu.wait_dma2 semaphore(%dma_wait3A_348 : memref<!tpu.dma_semaphore, #tpu.memory_space<semaphore_mem>>) src(%dma_wait3A_356 : memref<64x512xf32, #tpu.memory_space<hbm>>) dst(%dma_wait3A_352 : memref<64x512xf32, #tpu.memory_space<vmem>>)
    %dma_start3A_357 = arith.constant 0 : i32
    %dma_start3A_358 = arith.constant 0 : i32
    %dma_start3A_359 = arith.constant 0 : i32
    %dma_start3A_360 = arith.constant 0 : i32
    %dma_start3A_361 = arith.constant 0 : i32
    %dma_start3A_362 = tpu.memref_slice %arg6[%dma_start3A_357, %dma_start3A_360, %dma_start3A_361] : memref<3x64x512xf32, #tpu.memory_space<vmem>> -> memref<1x64x512xf32, #tpu.memory_space<vmem>>
    %dma_start3A_363 = tpu.memref_squeeze %dma_start3A_362 : memref<1x64x512xf32, #tpu.memory_space<vmem>> -> memref<64x512xf32, #tpu.memory_space<vmem>>
    %dma_start3A_364 = arith.constant 0 : i32
    %dma_start3A_365 = arith.constant 0 : i32
    %dma_start3A_366 = tpu.memref_slice %arg4[%dma_start3A_358, %add3A_335, %dma_start3A_364, %dma_start3A_365] : memref<1x512x64x512xf32, #tpu.memory_space<hbm>> -> memref<1x1x64x512xf32, #tpu.memory_space<hbm>>
    %dma_start3A_367 = tpu.memref_squeeze %dma_start3A_366 : memref<1x1x64x512xf32, #tpu.memory_space<hbm>> -> memref<64x512xf32, #tpu.memory_space<hbm>>
    %dma_start3A_368 = tpu.memref_slice %arg8[%dma_start3A_359] : memref<3x!tpu.dma_semaphore, #tpu.memory_space<semaphore_mem>> -> memref<1x!tpu.dma_semaphore, #tpu.memory_space<semaphore_mem>>
    %dma_start3A_369 = tpu.memref_squeeze %dma_start3A_368 : memref<1x!tpu.dma_semaphore, #tpu.memory_space<semaphore_mem>> -> memref<!tpu.dma_semaphore, #tpu.memory_space<semaphore_mem>>
    %dma_start3A_370 = arith.constant 0 : i32
    %dma_start3A_371 = arith.constant 0 : i32
    %dma_start3A_372 = tpu.memref_slice %arg4[%dma_start3A_358, %add3A_335, %dma_start3A_370, %dma_start3A_371] : memref<1x512x64x512xf32, #tpu.memory_space<hbm>> -> memref<1x1x64x512xf32, #tpu.memory_space<hbm>>
    %dma_start3A_373 = tpu.memref_squeeze %dma_start3A_372 : memref<1x1x64x512xf32, #tpu.memory_space<hbm>> -> memref<64x512xf32, #tpu.memory_space<hbm>>
    %dma_start3A_374 = arith.constant 0 : i32
    %dma_start3A_375 = arith.constant 0 : i32
    %dma_start3A_376 = tpu.memref_slice %arg6[%dma_start3A_357, %dma_start3A_374, %dma_start3A_375] : memref<3x64x512xf32, #tpu.memory_space<vmem>> -> memref<1x64x512xf32, #tpu.memory_space<vmem>>
    %dma_start3A_377 = tpu.memref_squeeze %dma_start3A_376 : memref<1x64x512xf32, #tpu.memory_space<vmem>> -> memref<64x512xf32, #tpu.memory_space<vmem>>
    tpu.enqueue_dma source(%dma_start3A_377 : memref<64x512xf32, #tpu.memory_space<vmem>>) target(%dma_start3A_373 : memref<64x512xf32, #tpu.memory_space<hbm>>) target_semaphore(%dma_start3A_369 : memref<!tpu.dma_semaphore, #tpu.memory_space<semaphore_mem>>)
    %dma_wait3A_378 = arith.constant 0 : i32
    %dma_wait3A_379 = arith.constant 0 : i32
    %dma_wait3A_380 = arith.constant 0 : i32
    %dma_wait3A_381 = arith.constant 0 : i32
    %dma_wait3A_382 = arith.constant 0 : i32
    %dma_wait3A_383 = tpu.memref_slice %arg6[%dma_wait3A_378, %dma_wait3A_381, %dma_wait3A_382] : memref<3x64x512xf32, #tpu.memory_space<vmem>> -> memref<1x64x512xf32, #tpu.memory_space<vmem>>
    %dma_wait3A_384 = tpu.memref_squeeze %dma_wait3A_383 : memref<1x64x512xf32, #tpu.memory_space<vmem>> -> memref<64x512xf32, #tpu.memory_space<vmem>>
    %dma_wait3A_385 = arith.constant 0 : i32
    %dma_wait3A_386 = arith.constant 0 : i32
    %dma_wait3A_387 = tpu.memref_slice %arg4[%dma_wait3A_379, %add3A_335, %dma_wait3A_385, %dma_wait3A_386] : memref<1x512x64x512xf32, #tpu.memory_space<hbm>> -> memref<1x1x64x512xf32, #tpu.memory_space<hbm>>
    %dma_wait3A_388 = tpu.memref_squeeze %dma_wait3A_387 : memref<1x1x64x512xf32, #tpu.memory_space<hbm>> -> memref<64x512xf32, #tpu.memory_space<hbm>>
    %dma_wait3A_389 = tpu.memref_slice %arg8[%dma_wait3A_380] : memref<3x!tpu.dma_semaphore, #tpu.memory_space<semaphore_mem>> -> memref<1x!tpu.dma_semaphore, #tpu.memory_space<semaphore_mem>>
    %dma_wait3A_390 = tpu.memref_squeeze %dma_wait3A_389 : memref<1x!tpu.dma_semaphore, #tpu.memory_space<semaphore_mem>> -> memref<!tpu.dma_semaphore, #tpu.memory_space<semaphore_mem>>
    %dma_wait3A_391 = arith.constant 0 : i32
    %dma_wait3A_392 = arith.constant 0 : i32
    %dma_wait3A_393 = tpu.memref_slice %arg4[%dma_wait3A_379, %add3A_335, %dma_wait3A_391, %dma_wait3A_392] : memref<1x512x64x512xf32, #tpu.memory_space<hbm>> -> memref<1x1x64x512xf32, #tpu.memory_space<hbm>>
    %dma_wait3A_394 = tpu.memref_squeeze %dma_wait3A_393 : memref<1x1x64x512xf32, #tpu.memory_space<hbm>> -> memref<64x512xf32, #tpu.memory_space<hbm>>
    %dma_wait3A_395 = arith.constant 0 : i32
    %dma_wait3A_396 = arith.constant 0 : i32
    %dma_wait3A_397 = tpu.memref_slice %arg6[%dma_wait3A_378, %dma_wait3A_395, %dma_wait3A_396] : memref<3x64x512xf32, #tpu.memory_space<vmem>> -> memref<1x64x512xf32, #tpu.memory_space<vmem>>
    %dma_wait3A_398 = tpu.memref_squeeze %dma_wait3A_397 : memref<1x64x512xf32, #tpu.memory_space<vmem>> -> memref<64x512xf32, #tpu.memory_space<vmem>>
    tpu.wait_dma2 semaphore(%dma_wait3A_390 : memref<!tpu.dma_semaphore, #tpu.memory_space<semaphore_mem>>) src(%dma_wait3A_398 : memref<64x512xf32, #tpu.memory_space<vmem>>) dst(%dma_wait3A_394 : memref<64x512xf32, #tpu.memory_space<hbm>>)
    %add3A_399 = arith.constant 6 : i32
    %add3A_400 = arith.addi %mul3A_2, %add3A_399 : i32
    %dma_start3A_401 = arith.constant 0 : i32
    %dma_start3A_402 = arith.constant 0 : i32
    %dma_start3A_403 = arith.constant 0 : i32
    %dma_start3A_404 = arith.constant 0 : i32
    %dma_start3A_405 = arith.constant 0 : i32
    %dma_start3A_406 = tpu.memref_slice %arg6[%dma_start3A_402, %dma_start3A_404, %dma_start3A_405] : memref<3x64x512xf32, #tpu.memory_space<vmem>> -> memref<1x64x512xf32, #tpu.memory_space<vmem>>
    %dma_start3A_407 = tpu.memref_squeeze %dma_start3A_406 : memref<1x64x512xf32, #tpu.memory_space<vmem>> -> memref<64x512xf32, #tpu.memory_space<vmem>>
    %dma_start3A_408 = arith.constant 0 : i32
    %dma_start3A_409 = arith.constant 0 : i32
    %dma_start3A_410 = tpu.memref_slice %arg2[%dma_start3A_401, %add3A_400, %dma_start3A_408, %dma_start3A_409] : memref<1x512x64x512xf32, #tpu.memory_space<hbm>> -> memref<1x1x64x512xf32, #tpu.memory_space<hbm>>
    %dma_start3A_411 = tpu.memref_squeeze %dma_start3A_410 : memref<1x1x64x512xf32, #tpu.memory_space<hbm>> -> memref<64x512xf32, #tpu.memory_space<hbm>>
    %dma_start3A_412 = tpu.memref_slice %arg7[%dma_start3A_403] : memref<3x!tpu.dma_semaphore, #tpu.memory_space<semaphore_mem>> -> memref<1x!tpu.dma_semaphore, #tpu.memory_space<semaphore_mem>>
    %dma_start3A_413 = tpu.memref_squeeze %dma_start3A_412 : memref<1x!tpu.dma_semaphore, #tpu.memory_space<semaphore_mem>> -> memref<!tpu.dma_semaphore, #tpu.memory_space<semaphore_mem>>
    %dma_start3A_414 = arith.constant 0 : i32
    %dma_start3A_415 = arith.constant 0 : i32
    %dma_start3A_416 = tpu.memref_slice %arg6[%dma_start3A_402, %dma_start3A_414, %dma_start3A_415] : memref<3x64x512xf32, #tpu.memory_space<vmem>> -> memref<1x64x512xf32, #tpu.memory_space<vmem>>
    %dma_start3A_417 = tpu.memref_squeeze %dma_start3A_416 : memref<1x64x512xf32, #tpu.memory_space<vmem>> -> memref<64x512xf32, #tpu.memory_space<vmem>>
    %dma_start3A_418 = arith.constant 0 : i32
    %dma_start3A_419 = arith.constant 0 : i32
    %dma_start3A_420 = tpu.memref_slice %arg2[%dma_start3A_401, %add3A_400, %dma_start3A_418, %dma_start3A_419] : memref<1x512x64x512xf32, #tpu.memory_space<hbm>> -> memref<1x1x64x512xf32, #tpu.memory_space<hbm>>
    %dma_start3A_421 = tpu.memref_squeeze %dma_start3A_420 : memref<1x1x64x512xf32, #tpu.memory_space<hbm>> -> memref<64x512xf32, #tpu.memory_space<hbm>>
    tpu.enqueue_dma source(%dma_start3A_421 : memref<64x512xf32, #tpu.memory_space<hbm>>) target(%dma_start3A_417 : memref<64x512xf32, #tpu.memory_space<vmem>>) target_semaphore(%dma_start3A_413 : memref<!tpu.dma_semaphore, #tpu.memory_space<semaphore_mem>>)
    %add3A_422 = arith.constant 4 : i32
    %add3A_423 = arith.addi %mul3A_2, %add3A_422 : i32
    %dma_wait3A_424 = arith.constant 0 : i32
    %dma_wait3A_425 = arith.constant 1 : i32
    %dma_wait3A_426 = arith.constant 1 : i32
    %dma_wait3A_427 = arith.constant 0 : i32
    %dma_wait3A_428 = arith.constant 0 : i32
    %dma_wait3A_429 = tpu.memref_slice %arg6[%dma_wait3A_425, %dma_wait3A_427, %dma_wait3A_428] : memref<3x64x512xf32, #tpu.memory_space<vmem>> -> memref<1x64x512xf32, #tpu.memory_space<vmem>>
    %dma_wait3A_430 = tpu.memref_squeeze %dma_wait3A_429 : memref<1x64x512xf32, #tpu.memory_space<vmem>> -> memref<64x512xf32, #tpu.memory_space<vmem>>
    %dma_wait3A_431 = arith.constant 0 : i32
    %dma_wait3A_432 = arith.constant 0 : i32
    %dma_wait3A_433 = tpu.memref_slice %arg2[%dma_wait3A_424, %add3A_423, %dma_wait3A_431, %dma_wait3A_432] : memref<1x512x64x512xf32, #tpu.memory_space<hbm>> -> memref<1x1x64x512xf32, #tpu.memory_space<hbm>>
    %dma_wait3A_434 = tpu.memref_squeeze %dma_wait3A_433 : memref<1x1x64x512xf32, #tpu.memory_space<hbm>> -> memref<64x512xf32, #tpu.memory_space<hbm>>
    %dma_wait3A_435 = tpu.memref_slice %arg7[%dma_wait3A_426] : memref<3x!tpu.dma_semaphore, #tpu.memory_space<semaphore_mem>> -> memref<1x!tpu.dma_semaphore, #tpu.memory_space<semaphore_mem>>
    %dma_wait3A_436 = tpu.memref_squeeze %dma_wait3A_435 : memref<1x!tpu.dma_semaphore, #tpu.memory_space<semaphore_mem>> -> memref<!tpu.dma_semaphore, #tpu.memory_space<semaphore_mem>>
    %dma_wait3A_437 = arith.constant 0 : i32
    %dma_wait3A_438 = arith.constant 0 : i32
    %dma_wait3A_439 = tpu.memref_slice %arg6[%dma_wait3A_425, %dma_wait3A_437, %dma_wait3A_438] : memref<3x64x512xf32, #tpu.memory_space<vmem>> -> memref<1x64x512xf32, #tpu.memory_space<vmem>>
    %dma_wait3A_440 = tpu.memref_squeeze %dma_wait3A_439 : memref<1x64x512xf32, #tpu.memory_space<vmem>> -> memref<64x512xf32, #tpu.memory_space<vmem>>
    %dma_wait3A_441 = arith.constant 0 : i32
    %dma_wait3A_442 = arith.constant 0 : i32
    %dma_wait3A_443 = tpu.memref_slice %arg2[%dma_wait3A_424, %add3A_423, %dma_wait3A_441, %dma_wait3A_442] : memref<1x512x64x512xf32, #tpu.memory_space<hbm>> -> memref<1x1x64x512xf32, #tpu.memory_space<hbm>>
    %dma_wait3A_444 = tpu.memref_squeeze %dma_wait3A_443 : memref<1x1x64x512xf32, #tpu.memory_space<hbm>> -> memref<64x512xf32, #tpu.memory_space<hbm>>
    tpu.wait_dma2 semaphore(%dma_wait3A_436 : memref<!tpu.dma_semaphore, #tpu.memory_space<semaphore_mem>>) src(%dma_wait3A_444 : memref<64x512xf32, #tpu.memory_space<hbm>>) dst(%dma_wait3A_440 : memref<64x512xf32, #tpu.memory_space<vmem>>)
    %dma_start3A_445 = arith.constant 1 : i32
    %dma_start3A_446 = arith.constant 0 : i32
    %dma_start3A_447 = arith.constant 1 : i32
    %dma_start3A_448 = arith.constant 0 : i32
    %dma_start3A_449 = arith.constant 0 : i32
    %dma_start3A_450 = tpu.memref_slice %arg6[%dma_start3A_445, %dma_start3A_448, %dma_start3A_449] : memref<3x64x512xf32, #tpu.memory_space<vmem>> -> memref<1x64x512xf32, #tpu.memory_space<vmem>>
    %dma_start3A_451 = tpu.memref_squeeze %dma_start3A_450 : memref<1x64x512xf32, #tpu.memory_space<vmem>> -> memref<64x512xf32, #tpu.memory_space<vmem>>
    %dma_start3A_452 = arith.constant 0 : i32
    %dma_start3A_453 = arith.constant 0 : i32
    %dma_start3A_454 = tpu.memref_slice %arg4[%dma_start3A_446, %add3A_423, %dma_start3A_452, %dma_start3A_453] : memref<1x512x64x512xf32, #tpu.memory_space<hbm>> -> memref<1x1x64x512xf32, #tpu.memory_space<hbm>>
    %dma_start3A_455 = tpu.memref_squeeze %dma_start3A_454 : memref<1x1x64x512xf32, #tpu.memory_space<hbm>> -> memref<64x512xf32, #tpu.memory_space<hbm>>
    %dma_start3A_456 = tpu.memref_slice %arg8[%dma_start3A_447] : memref<3x!tpu.dma_semaphore, #tpu.memory_space<semaphore_mem>> -> memref<1x!tpu.dma_semaphore, #tpu.memory_space<semaphore_mem>>
    %dma_start3A_457 = tpu.memref_squeeze %dma_start3A_456 : memref<1x!tpu.dma_semaphore, #tpu.memory_space<semaphore_mem>> -> memref<!tpu.dma_semaphore, #tpu.memory_space<semaphore_mem>>
    %dma_start3A_458 = arith.constant 0 : i32
    %dma_start3A_459 = arith.constant 0 : i32
    %dma_start3A_460 = tpu.memref_slice %arg4[%dma_start3A_446, %add3A_423, %dma_start3A_458, %dma_start3A_459] : memref<1x512x64x512xf32, #tpu.memory_space<hbm>> -> memref<1x1x64x512xf32, #tpu.memory_space<hbm>>
    %dma_start3A_461 = tpu.memref_squeeze %dma_start3A_460 : memref<1x1x64x512xf32, #tpu.memory_space<hbm>> -> memref<64x512xf32, #tpu.memory_space<hbm>>
    %dma_start3A_462 = arith.constant 0 : i32
    %dma_start3A_463 = arith.constant 0 : i32
    %dma_start3A_464 = tpu.memref_slice %arg6[%dma_start3A_445, %dma_start3A_462, %dma_start3A_463] : memref<3x64x512xf32, #tpu.memory_space<vmem>> -> memref<1x64x512xf32, #tpu.memory_space<vmem>>
    %dma_start3A_465 = tpu.memref_squeeze %dma_start3A_464 : memref<1x64x512xf32, #tpu.memory_space<vmem>> -> memref<64x512xf32, #tpu.memory_space<vmem>>
    tpu.enqueue_dma source(%dma_start3A_465 : memref<64x512xf32, #tpu.memory_space<vmem>>) target(%dma_start3A_461 : memref<64x512xf32, #tpu.memory_space<hbm>>) target_semaphore(%dma_start3A_457 : memref<!tpu.dma_semaphore, #tpu.memory_space<semaphore_mem>>)
    %dma_wait3A_466 = arith.constant 1 : i32
    %dma_wait3A_467 = arith.constant 0 : i32
    %dma_wait3A_468 = arith.constant 1 : i32
    %dma_wait3A_469 = arith.constant 0 : i32
    %dma_wait3A_470 = arith.constant 0 : i32
    %dma_wait3A_471 = tpu.memref_slice %arg6[%dma_wait3A_466, %dma_wait3A_469, %dma_wait3A_470] : memref<3x64x512xf32, #tpu.memory_space<vmem>> -> memref<1x64x512xf32, #tpu.memory_space<vmem>>
    %dma_wait3A_472 = tpu.memref_squeeze %dma_wait3A_471 : memref<1x64x512xf32, #tpu.memory_space<vmem>> -> memref<64x512xf32, #tpu.memory_space<vmem>>
    %dma_wait3A_473 = arith.constant 0 : i32
    %dma_wait3A_474 = arith.constant 0 : i32
    %dma_wait3A_475 = tpu.memref_slice %arg4[%dma_wait3A_467, %add3A_423, %dma_wait3A_473, %dma_wait3A_474] : memref<1x512x64x512xf32, #tpu.memory_space<hbm>> -> memref<1x1x64x512xf32, #tpu.memory_space<hbm>>
    %dma_wait3A_476 = tpu.memref_squeeze %dma_wait3A_475 : memref<1x1x64x512xf32, #tpu.memory_space<hbm>> -> memref<64x512xf32, #tpu.memory_space<hbm>>
    %dma_wait3A_477 = tpu.memref_slice %arg8[%dma_wait3A_468] : memref<3x!tpu.dma_semaphore, #tpu.memory_space<semaphore_mem>> -> memref<1x!tpu.dma_semaphore, #tpu.memory_space<semaphore_mem>>
    %dma_wait3A_478 = tpu.memref_squeeze %dma_wait3A_477 : memref<1x!tpu.dma_semaphore, #tpu.memory_space<semaphore_mem>> -> memref<!tpu.dma_semaphore, #tpu.memory_space<semaphore_mem>>
    %dma_wait3A_479 = arith.constant 0 : i32
    %dma_wait3A_480 = arith.constant 0 : i32
    %dma_wait3A_481 = tpu.memref_slice %arg4[%dma_wait3A_467, %add3A_423, %dma_wait3A_479, %dma_wait3A_480] : memref<1x512x64x512xf32, #tpu.memory_space<hbm>> -> memref<1x1x64x512xf32, #tpu.memory_space<hbm>>
    %dma_wait3A_482 = tpu.memref_squeeze %dma_wait3A_481 : memref<1x1x64x512xf32, #tpu.memory_space<hbm>> -> memref<64x512xf32, #tpu.memory_space<hbm>>
    %dma_wait3A_483 = arith.constant 0 : i32
    %dma_wait3A_484 = arith.constant 0 : i32
    %dma_wait3A_485 = tpu.memref_slice %arg6[%dma_wait3A_466, %dma_wait3A_483, %dma_wait3A_484] : memref<3x64x512xf32, #tpu.memory_space<vmem>> -> memref<1x64x512xf32, #tpu.memory_space<vmem>>
    %dma_wait3A_486 = tpu.memref_squeeze %dma_wait3A_485 : memref<1x64x512xf32, #tpu.memory_space<vmem>> -> memref<64x512xf32, #tpu.memory_space<vmem>>
    tpu.wait_dma2 semaphore(%dma_wait3A_478 : memref<!tpu.dma_semaphore, #tpu.memory_space<semaphore_mem>>) src(%dma_wait3A_486 : memref<64x512xf32, #tpu.memory_space<vmem>>) dst(%dma_wait3A_482 : memref<64x512xf32, #tpu.memory_space<hbm>>)
    %add3A_487 = arith.constant 7 : i32
    %add3A_488 = arith.addi %mul3A_2, %add3A_487 : i32
    %dma_start3A_489 = arith.constant 0 : i32
    %dma_start3A_490 = arith.constant 1 : i32
    %dma_start3A_491 = arith.constant 1 : i32
    %dma_start3A_492 = arith.constant 0 : i32
    %dma_start3A_493 = arith.constant 0 : i32
    %dma_start3A_494 = tpu.memref_slice %arg6[%dma_start3A_490, %dma_start3A_492, %dma_start3A_493] : memref<3x64x512xf32, #tpu.memory_space<vmem>> -> memref<1x64x512xf32, #tpu.memory_space<vmem>>
    %dma_start3A_495 = tpu.memref_squeeze %dma_start3A_494 : memref<1x64x512xf32, #tpu.memory_space<vmem>> -> memref<64x512xf32, #tpu.memory_space<vmem>>
    %dma_start3A_496 = arith.constant 0 : i32
    %dma_start3A_497 = arith.constant 0 : i32
    %dma_start3A_498 = tpu.memref_slice %arg2[%dma_start3A_489, %add3A_488, %dma_start3A_496, %dma_start3A_497] : memref<1x512x64x512xf32, #tpu.memory_space<hbm>> -> memref<1x1x64x512xf32, #tpu.memory_space<hbm>>
    %dma_start3A_499 = tpu.memref_squeeze %dma_start3A_498 : memref<1x1x64x512xf32, #tpu.memory_space<hbm>> -> memref<64x512xf32, #tpu.memory_space<hbm>>
    %dma_start3A_500 = tpu.memref_slice %arg7[%dma_start3A_491] : memref<3x!tpu.dma_semaphore, #tpu.memory_space<semaphore_mem>> -> memref<1x!tpu.dma_semaphore, #tpu.memory_space<semaphore_mem>>
    %dma_start3A_501 = tpu.memref_squeeze %dma_start3A_500 : memref<1x!tpu.dma_semaphore, #tpu.memory_space<semaphore_mem>> -> memref<!tpu.dma_semaphore, #tpu.memory_space<semaphore_mem>>
    %dma_start3A_502 = arith.constant 0 : i32
    %dma_start3A_503 = arith.constant 0 : i32
    %dma_start3A_504 = tpu.memref_slice %arg6[%dma_start3A_490, %dma_start3A_502, %dma_start3A_503] : memref<3x64x512xf32, #tpu.memory_space<vmem>> -> memref<1x64x512xf32, #tpu.memory_space<vmem>>
    %dma_start3A_505 = tpu.memref_squeeze %dma_start3A_504 : memref<1x64x512xf32, #tpu.memory_space<vmem>> -> memref<64x512xf32, #tpu.memory_space<vmem>>
    %dma_start3A_506 = arith.constant 0 : i32
    %dma_start3A_507 = arith.constant 0 : i32
    %dma_start3A_508 = tpu.memref_slice %arg2[%dma_start3A_489, %add3A_488, %dma_start3A_506, %dma_start3A_507] : memref<1x512x64x512xf32, #tpu.memory_space<hbm>> -> memref<1x1x64x512xf32, #tpu.memory_space<hbm>>
    %dma_start3A_509 = tpu.memref_squeeze %dma_start3A_508 : memref<1x1x64x512xf32, #tpu.memory_space<hbm>> -> memref<64x512xf32, #tpu.memory_space<hbm>>
    tpu.enqueue_dma source(%dma_start3A_509 : memref<64x512xf32, #tpu.memory_space<hbm>>) target(%dma_start3A_505 : memref<64x512xf32, #tpu.memory_space<vmem>>) target_semaphore(%dma_start3A_501 : memref<!tpu.dma_semaphore, #tpu.memory_space<semaphore_mem>>)
    %add3A_510 = arith.constant 5 : i32
    %add3A_511 = arith.addi %mul3A_2, %add3A_510 : i32
    %dma_wait3A_512 = arith.constant 0 : i32
    %dma_wait3A_513 = arith.constant 2 : i32
    %dma_wait3A_514 = arith.constant 2 : i32
    %dma_wait3A_515 = arith.constant 0 : i32
    %dma_wait3A_516 = arith.constant 0 : i32
    %dma_wait3A_517 = tpu.memref_slice %arg6[%dma_wait3A_513, %dma_wait3A_515, %dma_wait3A_516] : memref<3x64x512xf32, #tpu.memory_space<vmem>> -> memref<1x64x512xf32, #tpu.memory_space<vmem>>
    %dma_wait3A_518 = tpu.memref_squeeze %dma_wait3A_517 : memref<1x64x512xf32, #tpu.memory_space<vmem>> -> memref<64x512xf32, #tpu.memory_space<vmem>>
    %dma_wait3A_519 = arith.constant 0 : i32
    %dma_wait3A_520 = arith.constant 0 : i32
    %dma_wait3A_521 = tpu.memref_slice %arg2[%dma_wait3A_512, %add3A_511, %dma_wait3A_519, %dma_wait3A_520] : memref<1x512x64x512xf32, #tpu.memory_space<hbm>> -> memref<1x1x64x512xf32, #tpu.memory_space<hbm>>
    %dma_wait3A_522 = tpu.memref_squeeze %dma_wait3A_521 : memref<1x1x64x512xf32, #tpu.memory_space<hbm>> -> memref<64x512xf32, #tpu.memory_space<hbm>>
    %dma_wait3A_523 = tpu.memref_slice %arg7[%dma_wait3A_514] : memref<3x!tpu.dma_semaphore, #tpu.memory_space<semaphore_mem>> -> memref<1x!tpu.dma_semaphore, #tpu.memory_space<semaphore_mem>>
    %dma_wait3A_524 = tpu.memref_squeeze %dma_wait3A_523 : memref<1x!tpu.dma_semaphore, #tpu.memory_space<semaphore_mem>> -> memref<!tpu.dma_semaphore, #tpu.memory_space<semaphore_mem>>
    %dma_wait3A_525 = arith.constant 0 : i32
    %dma_wait3A_526 = arith.constant 0 : i32
    %dma_wait3A_527 = tpu.memref_slice %arg6[%dma_wait3A_513, %dma_wait3A_525, %dma_wait3A_526] : memref<3x64x512xf32, #tpu.memory_space<vmem>> -> memref<1x64x512xf32, #tpu.memory_space<vmem>>
    %dma_wait3A_528 = tpu.memref_squeeze %dma_wait3A_527 : memref<1x64x512xf32, #tpu.memory_space<vmem>> -> memref<64x512xf32, #tpu.memory_space<vmem>>
    %dma_wait3A_529 = arith.constant 0 : i32
    %dma_wait3A_530 = arith.constant 0 : i32
    %dma_wait3A_531 = tpu.memref_slice %arg2[%dma_wait3A_512, %add3A_511, %dma_wait3A_529, %dma_wait3A_530] : memref<1x512x64x512xf32, #tpu.memory_space<hbm>> -> memref<1x1x64x512xf32, #tpu.memory_space<hbm>>
    %dma_wait3A_532 = tpu.memref_squeeze %dma_wait3A_531 : memref<1x1x64x512xf32, #tpu.memory_space<hbm>> -> memref<64x512xf32, #tpu.memory_space<hbm>>
    tpu.wait_dma2 semaphore(%dma_wait3A_524 : memref<!tpu.dma_semaphore, #tpu.memory_space<semaphore_mem>>) src(%dma_wait3A_532 : memref<64x512xf32, #tpu.memory_space<hbm>>) dst(%dma_wait3A_528 : memref<64x512xf32, #tpu.memory_space<vmem>>)
    %dma_start3A_533 = arith.constant 2 : i32
    %dma_start3A_534 = arith.constant 0 : i32
    %dma_start3A_535 = arith.constant 2 : i32
    %dma_start3A_536 = arith.constant 0 : i32
    %dma_start3A_537 = arith.constant 0 : i32
    %dma_start3A_538 = tpu.memref_slice %arg6[%dma_start3A_533, %dma_start3A_536, %dma_start3A_537] : memref<3x64x512xf32, #tpu.memory_space<vmem>> -> memref<1x64x512xf32, #tpu.memory_space<vmem>>
    %dma_start3A_539 = tpu.memref_squeeze %dma_start3A_538 : memref<1x64x512xf32, #tpu.memory_space<vmem>> -> memref<64x512xf32, #tpu.memory_space<vmem>>
    %dma_start3A_540 = arith.constant 0 : i32
    %dma_start3A_541 = arith.constant 0 : i32
    %dma_start3A_542 = tpu.memref_slice %arg4[%dma_start3A_534, %add3A_511, %dma_start3A_540, %dma_start3A_541] : memref<1x512x64x512xf32, #tpu.memory_space<hbm>> -> memref<1x1x64x512xf32, #tpu.memory_space<hbm>>
    %dma_start3A_543 = tpu.memref_squeeze %dma_start3A_542 : memref<1x1x64x512xf32, #tpu.memory_space<hbm>> -> memref<64x512xf32, #tpu.memory_space<hbm>>
    %dma_start3A_544 = tpu.memref_slice %arg8[%dma_start3A_535] : memref<3x!tpu.dma_semaphore, #tpu.memory_space<semaphore_mem>> -> memref<1x!tpu.dma_semaphore, #tpu.memory_space<semaphore_mem>>
    %dma_start3A_545 = tpu.memref_squeeze %dma_start3A_544 : memref<1x!tpu.dma_semaphore, #tpu.memory_space<semaphore_mem>> -> memref<!tpu.dma_semaphore, #tpu.memory_space<semaphore_mem>>
    %dma_start3A_546 = arith.constant 0 : i32
    %dma_start3A_547 = arith.constant 0 : i32
    %dma_start3A_548 = tpu.memref_slice %arg4[%dma_start3A_534, %add3A_511, %dma_start3A_546, %dma_start3A_547] : memref<1x512x64x512xf32, #tpu.memory_space<hbm>> -> memref<1x1x64x512xf32, #tpu.memory_space<hbm>>
    %dma_start3A_549 = tpu.memref_squeeze %dma_start3A_548 : memref<1x1x64x512xf32, #tpu.memory_space<hbm>> -> memref<64x512xf32, #tpu.memory_space<hbm>>
    %dma_start3A_550 = arith.constant 0 : i32
    %dma_start3A_551 = arith.constant 0 : i32
    %dma_start3A_552 = tpu.memref_slice %arg6[%dma_start3A_533, %dma_start3A_550, %dma_start3A_551] : memref<3x64x512xf32, #tpu.memory_space<vmem>> -> memref<1x64x512xf32, #tpu.memory_space<vmem>>
    %dma_start3A_553 = tpu.memref_squeeze %dma_start3A_552 : memref<1x64x512xf32, #tpu.memory_space<vmem>> -> memref<64x512xf32, #tpu.memory_space<vmem>>
    tpu.enqueue_dma source(%dma_start3A_553 : memref<64x512xf32, #tpu.memory_space<vmem>>) target(%dma_start3A_549 : memref<64x512xf32, #tpu.memory_space<hbm>>) target_semaphore(%dma_start3A_545 : memref<!tpu.dma_semaphore, #tpu.memory_space<semaphore_mem>>)
    %dma_wait3A_554 = arith.constant 2 : i32
    %dma_wait3A_555 = arith.constant 0 : i32
    %dma_wait3A_556 = arith.constant 2 : i32
    %dma_wait3A_557 = arith.constant 0 : i32
    %dma_wait3A_558 = arith.constant 0 : i32
    %dma_wait3A_559 = tpu.memref_slice %arg6[%dma_wait3A_554, %dma_wait3A_557, %dma_wait3A_558] : memref<3x64x512xf32, #tpu.memory_space<vmem>> -> memref<1x64x512xf32, #tpu.memory_space<vmem>>
    %dma_wait3A_560 = tpu.memref_squeeze %dma_wait3A_559 : memref<1x64x512xf32, #tpu.memory_space<vmem>> -> memref<64x512xf32, #tpu.memory_space<vmem>>
    %dma_wait3A_561 = arith.constant 0 : i32
    %dma_wait3A_562 = arith.constant 0 : i32
    %dma_wait3A_563 = tpu.memref_slice %arg4[%dma_wait3A_555, %add3A_511, %dma_wait3A_561, %dma_wait3A_562] : memref<1x512x64x512xf32, #tpu.memory_space<hbm>> -> memref<1x1x64x512xf32, #tpu.memory_space<hbm>>
    %dma_wait3A_564 = tpu.memref_squeeze %dma_wait3A_563 : memref<1x1x64x512xf32, #tpu.memory_space<hbm>> -> memref<64x512xf32, #tpu.memory_space<hbm>>
    %dma_wait3A_565 = tpu.memref_slice %arg8[%dma_wait3A_556] : memref<3x!tpu.dma_semaphore, #tpu.memory_space<semaphore_mem>> -> memref<1x!tpu.dma_semaphore, #tpu.memory_space<semaphore_mem>>
    %dma_wait3A_566 = tpu.memref_squeeze %dma_wait3A_565 : memref<1x!tpu.dma_semaphore, #tpu.memory_space<semaphore_mem>> -> memref<!tpu.dma_semaphore, #tpu.memory_space<semaphore_mem>>
    %dma_wait3A_567 = arith.constant 0 : i32
    %dma_wait3A_568 = arith.constant 0 : i32
    %dma_wait3A_569 = tpu.memref_slice %arg4[%dma_wait3A_555, %add3A_511, %dma_wait3A_567, %dma_wait3A_568] : memref<1x512x64x512xf32, #tpu.memory_space<hbm>> -> memref<1x1x64x512xf32, #tpu.memory_space<hbm>>
    %dma_wait3A_570 = tpu.memref_squeeze %dma_wait3A_569 : memref<1x1x64x512xf32, #tpu.memory_space<hbm>> -> memref<64x512xf32, #tpu.memory_space<hbm>>
    %dma_wait3A_571 = arith.constant 0 : i32
    %dma_wait3A_572 = arith.constant 0 : i32
    %dma_wait3A_573 = tpu.memref_slice %arg6[%dma_wait3A_554, %dma_wait3A_571, %dma_wait3A_572] : memref<3x64x512xf32, #tpu.memory_space<vmem>> -> memref<1x64x512xf32, #tpu.memory_space<vmem>>
    %dma_wait3A_574 = tpu.memref_squeeze %dma_wait3A_573 : memref<1x64x512xf32, #tpu.memory_space<vmem>> -> memref<64x512xf32, #tpu.memory_space<vmem>>
    tpu.wait_dma2 semaphore(%dma_wait3A_566 : memref<!tpu.dma_semaphore, #tpu.memory_space<semaphore_mem>>) src(%dma_wait3A_574 : memref<64x512xf32, #tpu.memory_space<vmem>>) dst(%dma_wait3A_570 : memref<64x512xf32, #tpu.memory_space<hbm>>)
    %add3A_575 = arith.constant 8 : i32
    %add3A_576 = arith.addi %mul3A_2, %add3A_575 : i32
    %dma_start3A_577 = arith.constant 0 : i32
    %dma_start3A_578 = arith.constant 2 : i32
    %dma_start3A_579 = arith.constant 2 : i32
    %dma_start3A_580 = arith.constant 0 : i32
    %dma_start3A_581 = arith.constant 0 : i32
    %dma_start3A_582 = tpu.memref_slice %arg6[%dma_start3A_578, %dma_start3A_580, %dma_start3A_581] : memref<3x64x512xf32, #tpu.memory_space<vmem>> -> memref<1x64x512xf32, #tpu.memory_space<vmem>>
    %dma_start3A_583 = tpu.memref_squeeze %dma_start3A_582 : memref<1x64x512xf32, #tpu.memory_space<vmem>> -> memref<64x512xf32, #tpu.memory_space<vmem>>
    %dma_start3A_584 = arith.constant 0 : i32
    %dma_start3A_585 = arith.constant 0 : i32
    %dma_start3A_586 = tpu.memref_slice %arg2[%dma_start3A_577, %add3A_576, %dma_start3A_584, %dma_start3A_585] : memref<1x512x64x512xf32, #tpu.memory_space<hbm>> -> memref<1x1x64x512xf32, #tpu.memory_space<hbm>>
    %dma_start3A_587 = tpu.memref_squeeze %dma_start3A_586 : memref<1x1x64x512xf32, #tpu.memory_space<hbm>> -> memref<64x512xf32, #tpu.memory_space<hbm>>
    %dma_start3A_588 = tpu.memref_slice %arg7[%dma_start3A_579] : memref<3x!tpu.dma_semaphore, #tpu.memory_space<semaphore_mem>> -> memref<1x!tpu.dma_semaphore, #tpu.memory_space<semaphore_mem>>
    %dma_start3A_589 = tpu.memref_squeeze %dma_start3A_588 : memref<1x!tpu.dma_semaphore, #tpu.memory_space<semaphore_mem>> -> memref<!tpu.dma_semaphore, #tpu.memory_space<semaphore_mem>>
    %dma_start3A_590 = arith.constant 0 : i32
    %dma_start3A_591 = arith.constant 0 : i32
    %dma_start3A_592 = tpu.memref_slice %arg6[%dma_start3A_578, %dma_start3A_590, %dma_start3A_591] : memref<3x64x512xf32, #tpu.memory_space<vmem>> -> memref<1x64x512xf32, #tpu.memory_space<vmem>>
    %dma_start3A_593 = tpu.memref_squeeze %dma_start3A_592 : memref<1x64x512xf32, #tpu.memory_space<vmem>> -> memref<64x512xf32, #tpu.memory_space<vmem>>
    %dma_start3A_594 = arith.constant 0 : i32
    %dma_start3A_595 = arith.constant 0 : i32
    %dma_start3A_596 = tpu.memref_slice %arg2[%dma_start3A_577, %add3A_576, %dma_start3A_594, %dma_start3A_595] : memref<1x512x64x512xf32, #tpu.memory_space<hbm>> -> memref<1x1x64x512xf32, #tpu.memory_space<hbm>>
    %dma_start3A_597 = tpu.memref_squeeze %dma_start3A_596 : memref<1x1x64x512xf32, #tpu.memory_space<hbm>> -> memref<64x512xf32, #tpu.memory_space<hbm>>
    tpu.enqueue_dma source(%dma_start3A_597 : memref<64x512xf32, #tpu.memory_space<hbm>>) target(%dma_start3A_593 : memref<64x512xf32, #tpu.memory_space<vmem>>) target_semaphore(%dma_start3A_589 : memref<!tpu.dma_semaphore, #tpu.memory_space<semaphore_mem>>)
    %add3A_598 = arith.constant 6 : i32
    %add3A_599 = arith.addi %mul3A_2, %add3A_598 : i32
    %dma_wait3A_600 = arith.constant 0 : i32
    %dma_wait3A_601 = arith.constant 0 : i32
    %dma_wait3A_602 = arith.constant 0 : i32
    %dma_wait3A_603 = arith.constant 0 : i32
    %dma_wait3A_604 = arith.constant 0 : i32
    %dma_wait3A_605 = tpu.memref_slice %arg6[%dma_wait3A_601, %dma_wait3A_603, %dma_wait3A_604] : memref<3x64x512xf32, #tpu.memory_space<vmem>> -> memref<1x64x512xf32, #tpu.memory_space<vmem>>
    %dma_wait3A_606 = tpu.memref_squeeze %dma_wait3A_605 : memref<1x64x512xf32, #tpu.memory_space<vmem>> -> memref<64x512xf32, #tpu.memory_space<vmem>>
    %dma_wait3A_607 = arith.constant 0 : i32
    %dma_wait3A_608 = arith.constant 0 : i32
    %dma_wait3A_609 = tpu.memref_slice %arg2[%dma_wait3A_600, %add3A_599, %dma_wait3A_607, %dma_wait3A_608] : memref<1x512x64x512xf32, #tpu.memory_space<hbm>> -> memref<1x1x64x512xf32, #tpu.memory_space<hbm>>
    %dma_wait3A_610 = tpu.memref_squeeze %dma_wait3A_609 : memref<1x1x64x512xf32, #tpu.memory_space<hbm>> -> memref<64x512xf32, #tpu.memory_space<hbm>>
    %dma_wait3A_611 = tpu.memref_slice %arg7[%dma_wait3A_602] : memref<3x!tpu.dma_semaphore, #tpu.memory_space<semaphore_mem>> -> memref<1x!tpu.dma_semaphore, #tpu.memory_space<semaphore_mem>>
    %dma_wait3A_612 = tpu.memref_squeeze %dma_wait3A_611 : memref<1x!tpu.dma_semaphore, #tpu.memory_space<semaphore_mem>> -> memref<!tpu.dma_semaphore, #tpu.memory_space<semaphore_mem>>
    %dma_wait3A_613 = arith.constant 0 : i32
    %dma_wait3A_614 = arith.constant 0 : i32
    %dma_wait3A_615 = tpu.memref_slice %arg6[%dma_wait3A_601, %dma_wait3A_613, %dma_wait3A_614] : memref<3x64x512xf32, #tpu.memory_space<vmem>> -> memref<1x64x512xf32, #tpu.memory_space<vmem>>
    %dma_wait3A_616 = tpu.memref_squeeze %dma_wait3A_615 : memref<1x64x512xf32, #tpu.memory_space<vmem>> -> memref<64x512xf32, #tpu.memory_space<vmem>>
    %dma_wait3A_617 = arith.constant 0 : i32
    %dma_wait3A_618 = arith.constant 0 : i32
    %dma_wait3A_619 = tpu.memref_slice %arg2[%dma_wait3A_600, %add3A_599, %dma_wait3A_617, %dma_wait3A_618] : memref<1x512x64x512xf32, #tpu.memory_space<hbm>> -> memref<1x1x64x512xf32, #tpu.memory_space<hbm>>
    %dma_wait3A_620 = tpu.memref_squeeze %dma_wait3A_619 : memref<1x1x64x512xf32, #tpu.memory_space<hbm>> -> memref<64x512xf32, #tpu.memory_space<hbm>>
    tpu.wait_dma2 semaphore(%dma_wait3A_612 : memref<!tpu.dma_semaphore, #tpu.memory_space<semaphore_mem>>) src(%dma_wait3A_620 : memref<64x512xf32, #tpu.memory_space<hbm>>) dst(%dma_wait3A_616 : memref<64x512xf32, #tpu.memory_space<vmem>>)
    %dma_start3A_621 = arith.constant 0 : i32
    %dma_start3A_622 = arith.constant 0 : i32
    %dma_start3A_623 = arith.constant 0 : i32
    %dma_start3A_624 = arith.constant 0 : i32
    %dma_start3A_625 = arith.constant 0 : i32
    %dma_start3A_626 = tpu.memref_slice %arg6[%dma_start3A_621, %dma_start3A_624, %dma_start3A_625] : memref<3x64x512xf32, #tpu.memory_space<vmem>> -> memref<1x64x512xf32, #tpu.memory_space<vmem>>
    %dma_start3A_627 = tpu.memref_squeeze %dma_start3A_626 : memref<1x64x512xf32, #tpu.memory_space<vmem>> -> memref<64x512xf32, #tpu.memory_space<vmem>>
    %dma_start3A_628 = arith.constant 0 : i32
    %dma_start3A_629 = arith.constant 0 : i32
    %dma_start3A_630 = tpu.memref_slice %arg4[%dma_start3A_622, %add3A_599, %dma_start3A_628, %dma_start3A_629] : memref<1x512x64x512xf32, #tpu.memory_space<hbm>> -> memref<1x1x64x512xf32, #tpu.memory_space<hbm>>
    %dma_start3A_631 = tpu.memref_squeeze %dma_start3A_630 : memref<1x1x64x512xf32, #tpu.memory_space<hbm>> -> memref<64x512xf32, #tpu.memory_space<hbm>>
    %dma_start3A_632 = tpu.memref_slice %arg8[%dma_start3A_623] : memref<3x!tpu.dma_semaphore, #tpu.memory_space<semaphore_mem>> -> memref<1x!tpu.dma_semaphore, #tpu.memory_space<semaphore_mem>>
    %dma_start3A_633 = tpu.memref_squeeze %dma_start3A_632 : memref<1x!tpu.dma_semaphore, #tpu.memory_space<semaphore_mem>> -> memref<!tpu.dma_semaphore, #tpu.memory_space<semaphore_mem>>
    %dma_start3A_634 = arith.constant 0 : i32
    %dma_start3A_635 = arith.constant 0 : i32
    %dma_start3A_636 = tpu.memref_slice %arg4[%dma_start3A_622, %add3A_599, %dma_start3A_634, %dma_start3A_635] : memref<1x512x64x512xf32, #tpu.memory_space<hbm>> -> memref<1x1x64x512xf32, #tpu.memory_space<hbm>>
    %dma_start3A_637 = tpu.memref_squeeze %dma_start3A_636 : memref<1x1x64x512xf32, #tpu.memory_space<hbm>> -> memref<64x512xf32, #tpu.memory_space<hbm>>
    %dma_start3A_638 = arith.constant 0 : i32
    %dma_start3A_639 = arith.constant 0 : i32
    %dma_start3A_640 = tpu.memref_slice %arg6[%dma_start3A_621, %dma_start3A_638, %dma_start3A_639] : memref<3x64x512xf32, #tpu.memory_space<vmem>> -> memref<1x64x512xf32, #tpu.memory_space<vmem>>
    %dma_start3A_641 = tpu.memref_squeeze %dma_start3A_640 : memref<1x64x512xf32, #tpu.memory_space<vmem>> -> memref<64x512xf32, #tpu.memory_space<vmem>>
    tpu.enqueue_dma source(%dma_start3A_641 : memref<64x512xf32, #tpu.memory_space<vmem>>) target(%dma_start3A_637 : memref<64x512xf32, #tpu.memory_space<hbm>>) target_semaphore(%dma_start3A_633 : memref<!tpu.dma_semaphore, #tpu.memory_space<semaphore_mem>>)
    %dma_wait3A_642 = arith.constant 0 : i32
    %dma_wait3A_643 = arith.constant 0 : i32
    %dma_wait3A_644 = arith.constant 0 : i32
    %dma_wait3A_645 = arith.constant 0 : i32
    %dma_wait3A_646 = arith.constant 0 : i32
    %dma_wait3A_647 = tpu.memref_slice %arg6[%dma_wait3A_642, %dma_wait3A_645, %dma_wait3A_646] : memref<3x64x512xf32, #tpu.memory_space<vmem>> -> memref<1x64x512xf32, #tpu.memory_space<vmem>>
    %dma_wait3A_648 = tpu.memref_squeeze %dma_wait3A_647 : memref<1x64x512xf32, #tpu.memory_space<vmem>> -> memref<64x512xf32, #tpu.memory_space<vmem>>
    %dma_wait3A_649 = arith.constant 0 : i32
    %dma_wait3A_650 = arith.constant 0 : i32
    %dma_wait3A_651 = tpu.memref_slice %arg4[%dma_wait3A_643, %add3A_599, %dma_wait3A_649, %dma_wait3A_650] : memref<1x512x64x512xf32, #tpu.memory_space<hbm>> -> memref<1x1x64x512xf32, #tpu.memory_space<hbm>>
    %dma_wait3A_652 = tpu.memref_squeeze %dma_wait3A_651 : memref<1x1x64x512xf32, #tpu.memory_space<hbm>> -> memref<64x512xf32, #tpu.memory_space<hbm>>
    %dma_wait3A_653 = tpu.memref_slice %arg8[%dma_wait3A_644] : memref<3x!tpu.dma_semaphore, #tpu.memory_space<semaphore_mem>> -> memref<1x!tpu.dma_semaphore, #tpu.memory_space<semaphore_mem>>
    %dma_wait3A_654 = tpu.memref_squeeze %dma_wait3A_653 : memref<1x!tpu.dma_semaphore, #tpu.memory_space<semaphore_mem>> -> memref<!tpu.dma_semaphore, #tpu.memory_space<semaphore_mem>>
    %dma_wait3A_655 = arith.constant 0 : i32
    %dma_wait3A_656 = arith.constant 0 : i32
    %dma_wait3A_657 = tpu.memref_slice %arg4[%dma_wait3A_643, %add3A_599, %dma_wait3A_655, %dma_wait3A_656] : memref<1x512x64x512xf32, #tpu.memory_space<hbm>> -> memref<1x1x64x512xf32, #tpu.memory_space<hbm>>
    %dma_wait3A_658 = tpu.memref_squeeze %dma_wait3A_657 : memref<1x1x64x512xf32, #tpu.memory_space<hbm>> -> memref<64x512xf32, #tpu.memory_space<hbm>>
    %dma_wait3A_659 = arith.constant 0 : i32
    %dma_wait3A_660 = arith.constant 0 : i32
    %dma_wait3A_661 = tpu.memref_slice %arg6[%dma_wait3A_642, %dma_wait3A_659, %dma_wait3A_660] : memref<3x64x512xf32, #tpu.memory_space<vmem>> -> memref<1x64x512xf32, #tpu.memory_space<vmem>>
    %dma_wait3A_662 = tpu.memref_squeeze %dma_wait3A_661 : memref<1x64x512xf32, #tpu.memory_space<vmem>> -> memref<64x512xf32, #tpu.memory_space<vmem>>
    tpu.wait_dma2 semaphore(%dma_wait3A_654 : memref<!tpu.dma_semaphore, #tpu.memory_space<semaphore_mem>>) src(%dma_wait3A_662 : memref<64x512xf32, #tpu.memory_space<vmem>>) dst(%dma_wait3A_658 : memref<64x512xf32, #tpu.memory_space<hbm>>)
    %add3A_663 = arith.constant 9 : i32
    %add3A_664 = arith.addi %mul3A_2, %add3A_663 : i32
    %dma_start3A_665 = arith.constant 0 : i32
    %dma_start3A_666 = arith.constant 0 : i32
    %dma_start3A_667 = arith.constant 0 : i32
    %dma_start3A_668 = arith.constant 0 : i32
    %dma_start3A_669 = arith.constant 0 : i32
    %dma_start3A_670 = tpu.memref_slice %arg6[%dma_start3A_666, %dma_start3A_668, %dma_start3A_669] : memref<3x64x512xf32, #tpu.memory_space<vmem>> -> memref<1x64x512xf32, #tpu.memory_space<vmem>>
    %dma_start3A_671 = tpu.memref_squeeze %dma_start3A_670 : memref<1x64x512xf32, #tpu.memory_space<vmem>> -> memref<64x512xf32, #tpu.memory_space<vmem>>
    %dma_start3A_672 = arith.constant 0 : i32
    %dma_start3A_673 = arith.constant 0 : i32
    %dma_start3A_674 = tpu.memref_slice %arg2[%dma_start3A_665, %add3A_664, %dma_start3A_672, %dma_start3A_673] : memref<1x512x64x512xf32, #tpu.memory_space<hbm>> -> memref<1x1x64x512xf32, #tpu.memory_space<hbm>>
    %dma_start3A_675 = tpu.memref_squeeze %dma_start3A_674 : memref<1x1x64x512xf32, #tpu.memory_space<hbm>> -> memref<64x512xf32, #tpu.memory_space<hbm>>
    %dma_start3A_676 = tpu.memref_slice %arg7[%dma_start3A_667] : memref<3x!tpu.dma_semaphore, #tpu.memory_space<semaphore_mem>> -> memref<1x!tpu.dma_semaphore, #tpu.memory_space<semaphore_mem>>
    %dma_start3A_677 = tpu.memref_squeeze %dma_start3A_676 : memref<1x!tpu.dma_semaphore, #tpu.memory_space<semaphore_mem>> -> memref<!tpu.dma_semaphore, #tpu.memory_space<semaphore_mem>>
    %dma_start3A_678 = arith.constant 0 : i32
    %dma_start3A_679 = arith.constant 0 : i32
    %dma_start3A_680 = tpu.memref_slice %arg6[%dma_start3A_666, %dma_start3A_678, %dma_start3A_679] : memref<3x64x512xf32, #tpu.memory_space<vmem>> -> memref<1x64x512xf32, #tpu.memory_space<vmem>>
    %dma_start3A_681 = tpu.memref_squeeze %dma_start3A_680 : memref<1x64x512xf32, #tpu.memory_space<vmem>> -> memref<64x512xf32, #tpu.memory_space<vmem>>
    %dma_start3A_682 = arith.constant 0 : i32
    %dma_start3A_683 = arith.constant 0 : i32
    %dma_start3A_684 = tpu.memref_slice %arg2[%dma_start3A_665, %add3A_664, %dma_start3A_682, %dma_start3A_683] : memref<1x512x64x512xf32, #tpu.memory_space<hbm>> -> memref<1x1x64x512xf32, #tpu.memory_space<hbm>>
    %dma_start3A_685 = tpu.memref_squeeze %dma_start3A_684 : memref<1x1x64x512xf32, #tpu.memory_space<hbm>> -> memref<64x512xf32, #tpu.memory_space<hbm>>
    tpu.enqueue_dma source(%dma_start3A_685 : memref<64x512xf32, #tpu.memory_space<hbm>>) target(%dma_start3A_681 : memref<64x512xf32, #tpu.memory_space<vmem>>) target_semaphore(%dma_start3A_677 : memref<!tpu.dma_semaphore, #tpu.memory_space<semaphore_mem>>)
    %add3A_686 = arith.constant 7 : i32
    %add3A_687 = arith.addi %mul3A_2, %add3A_686 : i32
    %dma_wait3A_688 = arith.constant 0 : i32
    %dma_wait3A_689 = arith.constant 1 : i32
    %dma_wait3A_690 = arith.constant 1 : i32
    %dma_wait3A_691 = arith.constant 0 : i32
    %dma_wait3A_692 = arith.constant 0 : i32
    %dma_wait3A_693 = tpu.memref_slice %arg6[%dma_wait3A_689, %dma_wait3A_691, %dma_wait3A_692] : memref<3x64x512xf32, #tpu.memory_space<vmem>> -> memref<1x64x512xf32, #tpu.memory_space<vmem>>
    %dma_wait3A_694 = tpu.memref_squeeze %dma_wait3A_693 : memref<1x64x512xf32, #tpu.memory_space<vmem>> -> memref<64x512xf32, #tpu.memory_space<vmem>>
    %dma_wait3A_695 = arith.constant 0 : i32
    %dma_wait3A_696 = arith.constant 0 : i32
    %dma_wait3A_697 = tpu.memref_slice %arg2[%dma_wait3A_688, %add3A_687, %dma_wait3A_695, %dma_wait3A_696] : memref<1x512x64x512xf32, #tpu.memory_space<hbm>> -> memref<1x1x64x512xf32, #tpu.memory_space<hbm>>
    %dma_wait3A_698 = tpu.memref_squeeze %dma_wait3A_697 : memref<1x1x64x512xf32, #tpu.memory_space<hbm>> -> memref<64x512xf32, #tpu.memory_space<hbm>>
    %dma_wait3A_699 = tpu.memref_slice %arg7[%dma_wait3A_690] : memref<3x!tpu.dma_semaphore, #tpu.memory_space<semaphore_mem>> -> memref<1x!tpu.dma_semaphore, #tpu.memory_space<semaphore_mem>>
    %dma_wait3A_700 = tpu.memref_squeeze %dma_wait3A_699 : memref<1x!tpu.dma_semaphore, #tpu.memory_space<semaphore_mem>> -> memref<!tpu.dma_semaphore, #tpu.memory_space<semaphore_mem>>
    %dma_wait3A_701 = arith.constant 0 : i32
    %dma_wait3A_702 = arith.constant 0 : i32
    %dma_wait3A_703 = tpu.memref_slice %arg6[%dma_wait3A_689, %dma_wait3A_701, %dma_wait3A_702] : memref<3x64x512xf32, #tpu.memory_space<vmem>> -> memref<1x64x512xf32, #tpu.memory_space<vmem>>
    %dma_wait3A_704 = tpu.memref_squeeze %dma_wait3A_703 : memref<1x64x512xf32, #tpu.memory_space<vmem>> -> memref<64x512xf32, #tpu.memory_space<vmem>>
    %dma_wait3A_705 = arith.constant 0 : i32
    %dma_wait3A_706 = arith.constant 0 : i32
    %dma_wait3A_707 = tpu.memref_slice %arg2[%dma_wait3A_688, %add3A_687, %dma_wait3A_705, %dma_wait3A_706] : memref<1x512x64x512xf32, #tpu.memory_space<hbm>> -> memref<1x1x64x512xf32, #tpu.memory_space<hbm>>
    %dma_wait3A_708 = tpu.memref_squeeze %dma_wait3A_707 : memref<1x1x64x512xf32, #tpu.memory_space<hbm>> -> memref<64x512xf32, #tpu.memory_space<hbm>>
    tpu.wait_dma2 semaphore(%dma_wait3A_700 : memref<!tpu.dma_semaphore, #tpu.memory_space<semaphore_mem>>) src(%dma_wait3A_708 : memref<64x512xf32, #tpu.memory_space<hbm>>) dst(%dma_wait3A_704 : memref<64x512xf32, #tpu.memory_space<vmem>>)
    %dma_start3A_709 = arith.constant 1 : i32
    %dma_start3A_710 = arith.constant 0 : i32
    %dma_start3A_711 = arith.constant 1 : i32
    %dma_start3A_712 = arith.constant 0 : i32
    %dma_start3A_713 = arith.constant 0 : i32
    %dma_start3A_714 = tpu.memref_slice %arg6[%dma_start3A_709, %dma_start3A_712, %dma_start3A_713] : memref<3x64x512xf32, #tpu.memory_space<vmem>> -> memref<1x64x512xf32, #tpu.memory_space<vmem>>
    %dma_start3A_715 = tpu.memref_squeeze %dma_start3A_714 : memref<1x64x512xf32, #tpu.memory_space<vmem>> -> memref<64x512xf32, #tpu.memory_space<vmem>>
    %dma_start3A_716 = arith.constant 0 : i32
    %dma_start3A_717 = arith.constant 0 : i32
    %dma_start3A_718 = tpu.memref_slice %arg4[%dma_start3A_710, %add3A_687, %dma_start3A_716, %dma_start3A_717] : memref<1x512x64x512xf32, #tpu.memory_space<hbm>> -> memref<1x1x64x512xf32, #tpu.memory_space<hbm>>
    %dma_start3A_719 = tpu.memref_squeeze %dma_start3A_718 : memref<1x1x64x512xf32, #tpu.memory_space<hbm>> -> memref<64x512xf32, #tpu.memory_space<hbm>>
    %dma_start3A_720 = tpu.memref_slice %arg8[%dma_start3A_711] : memref<3x!tpu.dma_semaphore, #tpu.memory_space<semaphore_mem>> -> memref<1x!tpu.dma_semaphore, #tpu.memory_space<semaphore_mem>>
    %dma_start3A_721 = tpu.memref_squeeze %dma_start3A_720 : memref<1x!tpu.dma_semaphore, #tpu.memory_space<semaphore_mem>> -> memref<!tpu.dma_semaphore, #tpu.memory_space<semaphore_mem>>
    %dma_start3A_722 = arith.constant 0 : i32
    %dma_start3A_723 = arith.constant 0 : i32
    %dma_start3A_724 = tpu.memref_slice %arg4[%dma_start3A_710, %add3A_687, %dma_start3A_722, %dma_start3A_723] : memref<1x512x64x512xf32, #tpu.memory_space<hbm>> -> memref<1x1x64x512xf32, #tpu.memory_space<hbm>>
    %dma_start3A_725 = tpu.memref_squeeze %dma_start3A_724 : memref<1x1x64x512xf32, #tpu.memory_space<hbm>> -> memref<64x512xf32, #tpu.memory_space<hbm>>
    %dma_start3A_726 = arith.constant 0 : i32
    %dma_start3A_727 = arith.constant 0 : i32
    %dma_start3A_728 = tpu.memref_slice %arg6[%dma_start3A_709, %dma_start3A_726, %dma_start3A_727] : memref<3x64x512xf32, #tpu.memory_space<vmem>> -> memref<1x64x512xf32, #tpu.memory_space<vmem>>
    %dma_start3A_729 = tpu.memref_squeeze %dma_start3A_728 : memref<1x64x512xf32, #tpu.memory_space<vmem>> -> memref<64x512xf32, #tpu.memory_space<vmem>>
    tpu.enqueue_dma source(%dma_start3A_729 : memref<64x512xf32, #tpu.memory_space<vmem>>) target(%dma_start3A_725 : memref<64x512xf32, #tpu.memory_space<hbm>>) target_semaphore(%dma_start3A_721 : memref<!tpu.dma_semaphore, #tpu.memory_space<semaphore_mem>>)
    %dma_wait3A_730 = arith.constant 1 : i32
    %dma_wait3A_731 = arith.constant 0 : i32
    %dma_wait3A_732 = arith.constant 1 : i32
    %dma_wait3A_733 = arith.constant 0 : i32
    %dma_wait3A_734 = arith.constant 0 : i32
    %dma_wait3A_735 = tpu.memref_slice %arg6[%dma_wait3A_730, %dma_wait3A_733, %dma_wait3A_734] : memref<3x64x512xf32, #tpu.memory_space<vmem>> -> memref<1x64x512xf32, #tpu.memory_space<vmem>>
    %dma_wait3A_736 = tpu.memref_squeeze %dma_wait3A_735 : memref<1x64x512xf32, #tpu.memory_space<vmem>> -> memref<64x512xf32, #tpu.memory_space<vmem>>
    %dma_wait3A_737 = arith.constant 0 : i32
    %dma_wait3A_738 = arith.constant 0 : i32
    %dma_wait3A_739 = tpu.memref_slice %arg4[%dma_wait3A_731, %add3A_687, %dma_wait3A_737, %dma_wait3A_738] : memref<1x512x64x512xf32, #tpu.memory_space<hbm>> -> memref<1x1x64x512xf32, #tpu.memory_space<hbm>>
    %dma_wait3A_740 = tpu.memref_squeeze %dma_wait3A_739 : memref<1x1x64x512xf32, #tpu.memory_space<hbm>> -> memref<64x512xf32, #tpu.memory_space<hbm>>
    %dma_wait3A_741 = tpu.memref_slice %arg8[%dma_wait3A_732] : memref<3x!tpu.dma_semaphore, #tpu.memory_space<semaphore_mem>> -> memref<1x!tpu.dma_semaphore, #tpu.memory_space<semaphore_mem>>
    %dma_wait3A_742 = tpu.memref_squeeze %dma_wait3A_741 : memref<1x!tpu.dma_semaphore, #tpu.memory_space<semaphore_mem>> -> memref<!tpu.dma_semaphore, #tpu.memory_space<semaphore_mem>>
    %dma_wait3A_743 = arith.constant 0 : i32
    %dma_wait3A_744 = arith.constant 0 : i32
    %dma_wait3A_745 = tpu.memref_slice %arg4[%dma_wait3A_731, %add3A_687, %dma_wait3A_743, %dma_wait3A_744] : memref<1x512x64x512xf32, #tpu.memory_space<hbm>> -> memref<1x1x64x512xf32, #tpu.memory_space<hbm>>
    %dma_wait3A_746 = tpu.memref_squeeze %dma_wait3A_745 : memref<1x1x64x512xf32, #tpu.memory_space<hbm>> -> memref<64x512xf32, #tpu.memory_space<hbm>>
    %dma_wait3A_747 = arith.constant 0 : i32
    %dma_wait3A_748 = arith.constant 0 : i32
    %dma_wait3A_749 = tpu.memref_slice %arg6[%dma_wait3A_730, %dma_wait3A_747, %dma_wait3A_748] : memref<3x64x512xf32, #tpu.memory_space<vmem>> -> memref<1x64x512xf32, #tpu.memory_space<vmem>>
    %dma_wait3A_750 = tpu.memref_squeeze %dma_wait3A_749 : memref<1x64x512xf32, #tpu.memory_space<vmem>> -> memref<64x512xf32, #tpu.memory_space<vmem>>
    tpu.wait_dma2 semaphore(%dma_wait3A_742 : memref<!tpu.dma_semaphore, #tpu.memory_space<semaphore_mem>>) src(%dma_wait3A_750 : memref<64x512xf32, #tpu.memory_space<vmem>>) dst(%dma_wait3A_746 : memref<64x512xf32, #tpu.memory_space<hbm>>)
    %add3A_751 = arith.constant 10 : i32
    %add3A_752 = arith.addi %mul3A_2, %add3A_751 : i32
    %dma_start3A_753 = arith.constant 0 : i32
    %dma_start3A_754 = arith.constant 1 : i32
    %dma_start3A_755 = arith.constant 1 : i32
    %dma_start3A_756 = arith.constant 0 : i32
    %dma_start3A_757 = arith.constant 0 : i32
    %dma_start3A_758 = tpu.memref_slice %arg6[%dma_start3A_754, %dma_start3A_756, %dma_start3A_757] : memref<3x64x512xf32, #tpu.memory_space<vmem>> -> memref<1x64x512xf32, #tpu.memory_space<vmem>>
    %dma_start3A_759 = tpu.memref_squeeze %dma_start3A_758 : memref<1x64x512xf32, #tpu.memory_space<vmem>> -> memref<64x512xf32, #tpu.memory_space<vmem>>
    %dma_start3A_760 = arith.constant 0 : i32
    %dma_start3A_761 = arith.constant 0 : i32
    %dma_start3A_762 = tpu.memref_slice %arg2[%dma_start3A_753, %add3A_752, %dma_start3A_760, %dma_start3A_761] : memref<1x512x64x512xf32, #tpu.memory_space<hbm>> -> memref<1x1x64x512xf32, #tpu.memory_space<hbm>>
    %dma_start3A_763 = tpu.memref_squeeze %dma_start3A_762 : memref<1x1x64x512xf32, #tpu.memory_space<hbm>> -> memref<64x512xf32, #tpu.memory_space<hbm>>
    %dma_start3A_764 = tpu.memref_slice %arg7[%dma_start3A_755] : memref<3x!tpu.dma_semaphore, #tpu.memory_space<semaphore_mem>> -> memref<1x!tpu.dma_semaphore, #tpu.memory_space<semaphore_mem>>
    %dma_start3A_765 = tpu.memref_squeeze %dma_start3A_764 : memref<1x!tpu.dma_semaphore, #tpu.memory_space<semaphore_mem>> -> memref<!tpu.dma_semaphore, #tpu.memory_space<semaphore_mem>>
    %dma_start3A_766 = arith.constant 0 : i32
    %dma_start3A_767 = arith.constant 0 : i32
    %dma_start3A_768 = tpu.memref_slice %arg6[%dma_start3A_754, %dma_start3A_766, %dma_start3A_767] : memref<3x64x512xf32, #tpu.memory_space<vmem>> -> memref<1x64x512xf32, #tpu.memory_space<vmem>>
    %dma_start3A_769 = tpu.memref_squeeze %dma_start3A_768 : memref<1x64x512xf32, #tpu.memory_space<vmem>> -> memref<64x512xf32, #tpu.memory_space<vmem>>
    %dma_start3A_770 = arith.constant 0 : i32
    %dma_start3A_771 = arith.constant 0 : i32
    %dma_start3A_772 = tpu.memref_slice %arg2[%dma_start3A_753, %add3A_752, %dma_start3A_770, %dma_start3A_771] : memref<1x512x64x512xf32, #tpu.memory_space<hbm>> -> memref<1x1x64x512xf32, #tpu.memory_space<hbm>>
    %dma_start3A_773 = tpu.memref_squeeze %dma_start3A_772 : memref<1x1x64x512xf32, #tpu.memory_space<hbm>> -> memref<64x512xf32, #tpu.memory_space<hbm>>
    tpu.enqueue_dma source(%dma_start3A_773 : memref<64x512xf32, #tpu.memory_space<hbm>>) target(%dma_start3A_769 : memref<64x512xf32, #tpu.memory_space<vmem>>) target_semaphore(%dma_start3A_765 : memref<!tpu.dma_semaphore, #tpu.memory_space<semaphore_mem>>)
    %add3A_774 = arith.constant 8 : i32
    %add3A_775 = arith.addi %mul3A_2, %add3A_774 : i32
    %dma_wait3A_776 = arith.constant 0 : i32
    %dma_wait3A_777 = arith.constant 2 : i32
    %dma_wait3A_778 = arith.constant 2 : i32
    %dma_wait3A_779 = arith.constant 0 : i32
    %dma_wait3A_780 = arith.constant 0 : i32
    %dma_wait3A_781 = tpu.memref_slice %arg6[%dma_wait3A_777, %dma_wait3A_779, %dma_wait3A_780] : memref<3x64x512xf32, #tpu.memory_space<vmem>> -> memref<1x64x512xf32, #tpu.memory_space<vmem>>
    %dma_wait3A_782 = tpu.memref_squeeze %dma_wait3A_781 : memref<1x64x512xf32, #tpu.memory_space<vmem>> -> memref<64x512xf32, #tpu.memory_space<vmem>>
    %dma_wait3A_783 = arith.constant 0 : i32
    %dma_wait3A_784 = arith.constant 0 : i32
    %dma_wait3A_785 = tpu.memref_slice %arg2[%dma_wait3A_776, %add3A_775, %dma_wait3A_783, %dma_wait3A_784] : memref<1x512x64x512xf32, #tpu.memory_space<hbm>> -> memref<1x1x64x512xf32, #tpu.memory_space<hbm>>
    %dma_wait3A_786 = tpu.memref_squeeze %dma_wait3A_785 : memref<1x1x64x512xf32, #tpu.memory_space<hbm>> -> memref<64x512xf32, #tpu.memory_space<hbm>>
    %dma_wait3A_787 = tpu.memref_slice %arg7[%dma_wait3A_778] : memref<3x!tpu.dma_semaphore, #tpu.memory_space<semaphore_mem>> -> memref<1x!tpu.dma_semaphore, #tpu.memory_space<semaphore_mem>>
    %dma_wait3A_788 = tpu.memref_squeeze %dma_wait3A_787 : memref<1x!tpu.dma_semaphore, #tpu.memory_space<semaphore_mem>> -> memref<!tpu.dma_semaphore, #tpu.memory_space<semaphore_mem>>
    %dma_wait3A_789 = arith.constant 0 : i32
    %dma_wait3A_790 = arith.constant 0 : i32
    %dma_wait3A_791 = tpu.memref_slice %arg6[%dma_wait3A_777, %dma_wait3A_789, %dma_wait3A_790] : memref<3x64x512xf32, #tpu.memory_space<vmem>> -> memref<1x64x512xf32, #tpu.memory_space<vmem>>
    %dma_wait3A_792 = tpu.memref_squeeze %dma_wait3A_791 : memref<1x64x512xf32, #tpu.memory_space<vmem>> -> memref<64x512xf32, #tpu.memory_space<vmem>>
    %dma_wait3A_793 = arith.constant 0 : i32
    %dma_wait3A_794 = arith.constant 0 : i32
    %dma_wait3A_795 = tpu.memref_slice %arg2[%dma_wait3A_776, %add3A_775, %dma_wait3A_793, %dma_wait3A_794] : memref<1x512x64x512xf32, #tpu.memory_space<hbm>> -> memref<1x1x64x512xf32, #tpu.memory_space<hbm>>
    %dma_wait3A_796 = tpu.memref_squeeze %dma_wait3A_795 : memref<1x1x64x512xf32, #tpu.memory_space<hbm>> -> memref<64x512xf32, #tpu.memory_space<hbm>>
    tpu.wait_dma2 semaphore(%dma_wait3A_788 : memref<!tpu.dma_semaphore, #tpu.memory_space<semaphore_mem>>) src(%dma_wait3A_796 : memref<64x512xf32, #tpu.memory_space<hbm>>) dst(%dma_wait3A_792 : memref<64x512xf32, #tpu.memory_space<vmem>>)
    %dma_start3A_797 = arith.constant 2 : i32
    %dma_start3A_798 = arith.constant 0 : i32
    %dma_start3A_799 = arith.constant 2 : i32
    %dma_start3A_800 = arith.constant 0 : i32
    %dma_start3A_801 = arith.constant 0 : i32
    %dma_start3A_802 = tpu.memref_slice %arg6[%dma_start3A_797, %dma_start3A_800, %dma_start3A_801] : memref<3x64x512xf32, #tpu.memory_space<vmem>> -> memref<1x64x512xf32, #tpu.memory_space<vmem>>
    %dma_start3A_803 = tpu.memref_squeeze %dma_start3A_802 : memref<1x64x512xf32, #tpu.memory_space<vmem>> -> memref<64x512xf32, #tpu.memory_space<vmem>>
    %dma_start3A_804 = arith.constant 0 : i32
    %dma_start3A_805 = arith.constant 0 : i32
    %dma_start3A_806 = tpu.memref_slice %arg4[%dma_start3A_798, %add3A_775, %dma_start3A_804, %dma_start3A_805] : memref<1x512x64x512xf32, #tpu.memory_space<hbm>> -> memref<1x1x64x512xf32, #tpu.memory_space<hbm>>
    %dma_start3A_807 = tpu.memref_squeeze %dma_start3A_806 : memref<1x1x64x512xf32, #tpu.memory_space<hbm>> -> memref<64x512xf32, #tpu.memory_space<hbm>>
    %dma_start3A_808 = tpu.memref_slice %arg8[%dma_start3A_799] : memref<3x!tpu.dma_semaphore, #tpu.memory_space<semaphore_mem>> -> memref<1x!tpu.dma_semaphore, #tpu.memory_space<semaphore_mem>>
    %dma_start3A_809 = tpu.memref_squeeze %dma_start3A_808 : memref<1x!tpu.dma_semaphore, #tpu.memory_space<semaphore_mem>> -> memref<!tpu.dma_semaphore, #tpu.memory_space<semaphore_mem>>
    %dma_start3A_810 = arith.constant 0 : i32
    %dma_start3A_811 = arith.constant 0 : i32
    %dma_start3A_812 = tpu.memref_slice %arg4[%dma_start3A_798, %add3A_775, %dma_start3A_810, %dma_start3A_811] : memref<1x512x64x512xf32, #tpu.memory_space<hbm>> -> memref<1x1x64x512xf32, #tpu.memory_space<hbm>>
    %dma_start3A_813 = tpu.memref_squeeze %dma_start3A_812 : memref<1x1x64x512xf32, #tpu.memory_space<hbm>> -> memref<64x512xf32, #tpu.memory_space<hbm>>
    %dma_start3A_814 = arith.constant 0 : i32
    %dma_start3A_815 = arith.constant 0 : i32
    %dma_start3A_816 = tpu.memref_slice %arg6[%dma_start3A_797, %dma_start3A_814, %dma_start3A_815] : memref<3x64x512xf32, #tpu.memory_space<vmem>> -> memref<1x64x512xf32, #tpu.memory_space<vmem>>
    %dma_start3A_817 = tpu.memref_squeeze %dma_start3A_816 : memref<1x64x512xf32, #tpu.memory_space<vmem>> -> memref<64x512xf32, #tpu.memory_space<vmem>>
    tpu.enqueue_dma source(%dma_start3A_817 : memref<64x512xf32, #tpu.memory_space<vmem>>) target(%dma_start3A_813 : memref<64x512xf32, #tpu.memory_space<hbm>>) target_semaphore(%dma_start3A_809 : memref<!tpu.dma_semaphore, #tpu.memory_space<semaphore_mem>>)
    %dma_wait3A_818 = arith.constant 2 : i32
    %dma_wait3A_819 = arith.constant 0 : i32
    %dma_wait3A_820 = arith.constant 2 : i32
    %dma_wait3A_821 = arith.constant 0 : i32
    %dma_wait3A_822 = arith.constant 0 : i32
    %dma_wait3A_823 = tpu.memref_slice %arg6[%dma_wait3A_818, %dma_wait3A_821, %dma_wait3A_822] : memref<3x64x512xf32, #tpu.memory_space<vmem>> -> memref<1x64x512xf32, #tpu.memory_space<vmem>>
    %dma_wait3A_824 = tpu.memref_squeeze %dma_wait3A_823 : memref<1x64x512xf32, #tpu.memory_space<vmem>> -> memref<64x512xf32, #tpu.memory_space<vmem>>
    %dma_wait3A_825 = arith.constant 0 : i32
    %dma_wait3A_826 = arith.constant 0 : i32
    %dma_wait3A_827 = tpu.memref_slice %arg4[%dma_wait3A_819, %add3A_775, %dma_wait3A_825, %dma_wait3A_826] : memref<1x512x64x512xf32, #tpu.memory_space<hbm>> -> memref<1x1x64x512xf32, #tpu.memory_space<hbm>>
    %dma_wait3A_828 = tpu.memref_squeeze %dma_wait3A_827 : memref<1x1x64x512xf32, #tpu.memory_space<hbm>> -> memref<64x512xf32, #tpu.memory_space<hbm>>
    %dma_wait3A_829 = tpu.memref_slice %arg8[%dma_wait3A_820] : memref<3x!tpu.dma_semaphore, #tpu.memory_space<semaphore_mem>> -> memref<1x!tpu.dma_semaphore, #tpu.memory_space<semaphore_mem>>
    %dma_wait3A_830 = tpu.memref_squeeze %dma_wait3A_829 : memref<1x!tpu.dma_semaphore, #tpu.memory_space<semaphore_mem>> -> memref<!tpu.dma_semaphore, #tpu.memory_space<semaphore_mem>>
    %dma_wait3A_831 = arith.constant 0 : i32
    %dma_wait3A_832 = arith.constant 0 : i32
    %dma_wait3A_833 = tpu.memref_slice %arg4[%dma_wait3A_819, %add3A_775, %dma_wait3A_831, %dma_wait3A_832] : memref<1x512x64x512xf32, #tpu.memory_space<hbm>> -> memref<1x1x64x512xf32, #tpu.memory_space<hbm>>
    %dma_wait3A_834 = tpu.memref_squeeze %dma_wait3A_833 : memref<1x1x64x512xf32, #tpu.memory_space<hbm>> -> memref<64x512xf32, #tpu.memory_space<hbm>>
    %dma_wait3A_835 = arith.constant 0 : i32
    %dma_wait3A_836 = arith.constant 0 : i32
    %dma_wait3A_837 = tpu.memref_slice %arg6[%dma_wait3A_818, %dma_wait3A_835, %dma_wait3A_836] : memref<3x64x512xf32, #tpu.memory_space<vmem>> -> memref<1x64x512xf32, #tpu.memory_space<vmem>>
    %dma_wait3A_838 = tpu.memref_squeeze %dma_wait3A_837 : memref<1x64x512xf32, #tpu.memory_space<vmem>> -> memref<64x512xf32, #tpu.memory_space<vmem>>
    tpu.wait_dma2 semaphore(%dma_wait3A_830 : memref<!tpu.dma_semaphore, #tpu.memory_space<semaphore_mem>>) src(%dma_wait3A_838 : memref<64x512xf32, #tpu.memory_space<vmem>>) dst(%dma_wait3A_834 : memref<64x512xf32, #tpu.memory_space<hbm>>)
    %add3A_839 = arith.constant 11 : i32
    %add3A_840 = arith.addi %mul3A_2, %add3A_839 : i32
    %dma_start3A_841 = arith.constant 0 : i32
    %dma_start3A_842 = arith.constant 2 : i32
    %dma_start3A_843 = arith.constant 2 : i32
    %dma_start3A_844 = arith.constant 0 : i32
    %dma_start3A_845 = arith.constant 0 : i32
    %dma_start3A_846 = tpu.memref_slice %arg6[%dma_start3A_842, %dma_start3A_844, %dma_start3A_845] : memref<3x64x512xf32, #tpu.memory_space<vmem>> -> memref<1x64x512xf32, #tpu.memory_space<vmem>>
    %dma_start3A_847 = tpu.memref_squeeze %dma_start3A_846 : memref<1x64x512xf32, #tpu.memory_space<vmem>> -> memref<64x512xf32, #tpu.memory_space<vmem>>
    %dma_start3A_848 = arith.constant 0 : i32
    %dma_start3A_849 = arith.constant 0 : i32
    %dma_start3A_850 = tpu.memref_slice %arg2[%dma_start3A_841, %add3A_840, %dma_start3A_848, %dma_start3A_849] : memref<1x512x64x512xf32, #tpu.memory_space<hbm>> -> memref<1x1x64x512xf32, #tpu.memory_space<hbm>>
    %dma_start3A_851 = tpu.memref_squeeze %dma_start3A_850 : memref<1x1x64x512xf32, #tpu.memory_space<hbm>> -> memref<64x512xf32, #tpu.memory_space<hbm>>
    %dma_start3A_852 = tpu.memref_slice %arg7[%dma_start3A_843] : memref<3x!tpu.dma_semaphore, #tpu.memory_space<semaphore_mem>> -> memref<1x!tpu.dma_semaphore, #tpu.memory_space<semaphore_mem>>
    %dma_start3A_853 = tpu.memref_squeeze %dma_start3A_852 : memref<1x!tpu.dma_semaphore, #tpu.memory_space<semaphore_mem>> -> memref<!tpu.dma_semaphore, #tpu.memory_space<semaphore_mem>>
    %dma_start3A_854 = arith.constant 0 : i32
    %dma_start3A_855 = arith.constant 0 : i32
    %dma_start3A_856 = tpu.memref_slice %arg6[%dma_start3A_842, %dma_start3A_854, %dma_start3A_855] : memref<3x64x512xf32, #tpu.memory_space<vmem>> -> memref<1x64x512xf32, #tpu.memory_space<vmem>>
    %dma_start3A_857 = tpu.memref_squeeze %dma_start3A_856 : memref<1x64x512xf32, #tpu.memory_space<vmem>> -> memref<64x512xf32, #tpu.memory_space<vmem>>
    %dma_start3A_858 = arith.constant 0 : i32
    %dma_start3A_859 = arith.constant 0 : i32
    %dma_start3A_860 = tpu.memref_slice %arg2[%dma_start3A_841, %add3A_840, %dma_start3A_858, %dma_start3A_859] : memref<1x512x64x512xf32, #tpu.memory_space<hbm>> -> memref<1x1x64x512xf32, #tpu.memory_space<hbm>>
    %dma_start3A_861 = tpu.memref_squeeze %dma_start3A_860 : memref<1x1x64x512xf32, #tpu.memory_space<hbm>> -> memref<64x512xf32, #tpu.memory_space<hbm>>
    tpu.enqueue_dma source(%dma_start3A_861 : memref<64x512xf32, #tpu.memory_space<hbm>>) target(%dma_start3A_857 : memref<64x512xf32, #tpu.memory_space<vmem>>) target_semaphore(%dma_start3A_853 : memref<!tpu.dma_semaphore, #tpu.memory_space<semaphore_mem>>)
    %add3A_862 = arith.constant 9 : i32
    %add3A_863 = arith.addi %mul3A_2, %add3A_862 : i32
    %dma_wait3A_864 = arith.constant 0 : i32
    %dma_wait3A_865 = arith.constant 0 : i32
    %dma_wait3A_866 = arith.constant 0 : i32
    %dma_wait3A_867 = arith.constant 0 : i32
    %dma_wait3A_868 = arith.constant 0 : i32
    %dma_wait3A_869 = tpu.memref_slice %arg6[%dma_wait3A_865, %dma_wait3A_867, %dma_wait3A_868] : memref<3x64x512xf32, #tpu.memory_space<vmem>> -> memref<1x64x512xf32, #tpu.memory_space<vmem>>
    %dma_wait3A_870 = tpu.memref_squeeze %dma_wait3A_869 : memref<1x64x512xf32, #tpu.memory_space<vmem>> -> memref<64x512xf32, #tpu.memory_space<vmem>>
    %dma_wait3A_871 = arith.constant 0 : i32
    %dma_wait3A_872 = arith.constant 0 : i32
    %dma_wait3A_873 = tpu.memref_slice %arg2[%dma_wait3A_864, %add3A_863, %dma_wait3A_871, %dma_wait3A_872] : memref<1x512x64x512xf32, #tpu.memory_space<hbm>> -> memref<1x1x64x512xf32, #tpu.memory_space<hbm>>
    %dma_wait3A_874 = tpu.memref_squeeze %dma_wait3A_873 : memref<1x1x64x512xf32, #tpu.memory_space<hbm>> -> memref<64x512xf32, #tpu.memory_space<hbm>>
    %dma_wait3A_875 = tpu.memref_slice %arg7[%dma_wait3A_866] : memref<3x!tpu.dma_semaphore, #tpu.memory_space<semaphore_mem>> -> memref<1x!tpu.dma_semaphore, #tpu.memory_space<semaphore_mem>>
    %dma_wait3A_876 = tpu.memref_squeeze %dma_wait3A_875 : memref<1x!tpu.dma_semaphore, #tpu.memory_space<semaphore_mem>> -> memref<!tpu.dma_semaphore, #tpu.memory_space<semaphore_mem>>
    %dma_wait3A_877 = arith.constant 0 : i32
    %dma_wait3A_878 = arith.constant 0 : i32
    %dma_wait3A_879 = tpu.memref_slice %arg6[%dma_wait3A_865, %dma_wait3A_877, %dma_wait3A_878] : memref<3x64x512xf32, #tpu.memory_space<vmem>> -> memref<1x64x512xf32, #tpu.memory_space<vmem>>
    %dma_wait3A_880 = tpu.memref_squeeze %dma_wait3A_879 : memref<1x64x512xf32, #tpu.memory_space<vmem>> -> memref<64x512xf32, #tpu.memory_space<vmem>>
    %dma_wait3A_881 = arith.constant 0 : i32
    %dma_wait3A_882 = arith.constant 0 : i32
    %dma_wait3A_883 = tpu.memref_slice %arg2[%dma_wait3A_864, %add3A_863, %dma_wait3A_881, %dma_wait3A_882] : memref<1x512x64x512xf32, #tpu.memory_space<hbm>> -> memref<1x1x64x512xf32, #tpu.memory_space<hbm>>
    %dma_wait3A_884 = tpu.memref_squeeze %dma_wait3A_883 : memref<1x1x64x512xf32, #tpu.memory_space<hbm>> -> memref<64x512xf32, #tpu.memory_space<hbm>>
    tpu.wait_dma2 semaphore(%dma_wait3A_876 : memref<!tpu.dma_semaphore, #tpu.memory_space<semaphore_mem>>) src(%dma_wait3A_884 : memref<64x512xf32, #tpu.memory_space<hbm>>) dst(%dma_wait3A_880 : memref<64x512xf32, #tpu.memory_space<vmem>>)
    %dma_start3A_885 = arith.constant 0 : i32
    %dma_start3A_886 = arith.constant 0 : i32
    %dma_start3A_887 = arith.constant 0 : i32
    %dma_start3A_888 = arith.constant 0 : i32
    %dma_start3A_889 = arith.constant 0 : i32
    %dma_start3A_890 = tpu.memref_slice %arg6[%dma_start3A_885, %dma_start3A_888, %dma_start3A_889] : memref<3x64x512xf32, #tpu.memory_space<vmem>> -> memref<1x64x512xf32, #tpu.memory_space<vmem>>
    %dma_start3A_891 = tpu.memref_squeeze %dma_start3A_890 : memref<1x64x512xf32, #tpu.memory_space<vmem>> -> memref<64x512xf32, #tpu.memory_space<vmem>>
    %dma_start3A_892 = arith.constant 0 : i32
    %dma_start3A_893 = arith.constant 0 : i32
    %dma_start3A_894 = tpu.memref_slice %arg4[%dma_start3A_886, %add3A_863, %dma_start3A_892, %dma_start3A_893] : memref<1x512x64x512xf32, #tpu.memory_space<hbm>> -> memref<1x1x64x512xf32, #tpu.memory_space<hbm>>
    %dma_start3A_895 = tpu.memref_squeeze %dma_start3A_894 : memref<1x1x64x512xf32, #tpu.memory_space<hbm>> -> memref<64x512xf32, #tpu.memory_space<hbm>>
    %dma_start3A_896 = tpu.memref_slice %arg8[%dma_start3A_887] : memref<3x!tpu.dma_semaphore, #tpu.memory_space<semaphore_mem>> -> memref<1x!tpu.dma_semaphore, #tpu.memory_space<semaphore_mem>>
    %dma_start3A_897 = tpu.memref_squeeze %dma_start3A_896 : memref<1x!tpu.dma_semaphore, #tpu.memory_space<semaphore_mem>> -> memref<!tpu.dma_semaphore, #tpu.memory_space<semaphore_mem>>
    %dma_start3A_898 = arith.constant 0 : i32
    %dma_start3A_899 = arith.constant 0 : i32
    %dma_start3A_900 = tpu.memref_slice %arg4[%dma_start3A_886, %add3A_863, %dma_start3A_898, %dma_start3A_899] : memref<1x512x64x512xf32, #tpu.memory_space<hbm>> -> memref<1x1x64x512xf32, #tpu.memory_space<hbm>>
    %dma_start3A_901 = tpu.memref_squeeze %dma_start3A_900 : memref<1x1x64x512xf32, #tpu.memory_space<hbm>> -> memref<64x512xf32, #tpu.memory_space<hbm>>
    %dma_start3A_902 = arith.constant 0 : i32
    %dma_start3A_903 = arith.constant 0 : i32
    %dma_start3A_904 = tpu.memref_slice %arg6[%dma_start3A_885, %dma_start3A_902, %dma_start3A_903] : memref<3x64x512xf32, #tpu.memory_space<vmem>> -> memref<1x64x512xf32, #tpu.memory_space<vmem>>
    %dma_start3A_905 = tpu.memref_squeeze %dma_start3A_904 : memref<1x64x512xf32, #tpu.memory_space<vmem>> -> memref<64x512xf32, #tpu.memory_space<vmem>>
    tpu.enqueue_dma source(%dma_start3A_905 : memref<64x512xf32, #tpu.memory_space<vmem>>) target(%dma_start3A_901 : memref<64x512xf32, #tpu.memory_space<hbm>>) target_semaphore(%dma_start3A_897 : memref<!tpu.dma_semaphore, #tpu.memory_space<semaphore_mem>>)
    %dma_wait3A_906 = arith.constant 0 : i32
    %dma_wait3A_907 = arith.constant 0 : i32
    %dma_wait3A_908 = arith.constant 0 : i32
    %dma_wait3A_909 = arith.constant 0 : i32
    %dma_wait3A_910 = arith.constant 0 : i32
    %dma_wait3A_911 = tpu.memref_slice %arg6[%dma_wait3A_906, %dma_wait3A_909, %dma_wait3A_910] : memref<3x64x512xf32, #tpu.memory_space<vmem>> -> memref<1x64x512xf32, #tpu.memory_space<vmem>>
    %dma_wait3A_912 = tpu.memref_squeeze %dma_wait3A_911 : memref<1x64x512xf32, #tpu.memory_space<vmem>> -> memref<64x512xf32, #tpu.memory_space<vmem>>
    %dma_wait3A_913 = arith.constant 0 : i32
    %dma_wait3A_914 = arith.constant 0 : i32
    %dma_wait3A_915 = tpu.memref_slice %arg4[%dma_wait3A_907, %add3A_863, %dma_wait3A_913, %dma_wait3A_914] : memref<1x512x64x512xf32, #tpu.memory_space<hbm>> -> memref<1x1x64x512xf32, #tpu.memory_space<hbm>>
    %dma_wait3A_916 = tpu.memref_squeeze %dma_wait3A_915 : memref<1x1x64x512xf32, #tpu.memory_space<hbm>> -> memref<64x512xf32, #tpu.memory_space<hbm>>
    %dma_wait3A_917 = tpu.memref_slice %arg8[%dma_wait3A_908] : memref<3x!tpu.dma_semaphore, #tpu.memory_space<semaphore_mem>> -> memref<1x!tpu.dma_semaphore, #tpu.memory_space<semaphore_mem>>
    %dma_wait3A_918 = tpu.memref_squeeze %dma_wait3A_917 : memref<1x!tpu.dma_semaphore, #tpu.memory_space<semaphore_mem>> -> memref<!tpu.dma_semaphore, #tpu.memory_space<semaphore_mem>>
    %dma_wait3A_919 = arith.constant 0 : i32
    %dma_wait3A_920 = arith.constant 0 : i32
    %dma_wait3A_921 = tpu.memref_slice %arg4[%dma_wait3A_907, %add3A_863, %dma_wait3A_919, %dma_wait3A_920] : memref<1x512x64x512xf32, #tpu.memory_space<hbm>> -> memref<1x1x64x512xf32, #tpu.memory_space<hbm>>
    %dma_wait3A_922 = tpu.memref_squeeze %dma_wait3A_921 : memref<1x1x64x512xf32, #tpu.memory_space<hbm>> -> memref<64x512xf32, #tpu.memory_space<hbm>>
    %dma_wait3A_923 = arith.constant 0 : i32
    %dma_wait3A_924 = arith.constant 0 : i32
    %dma_wait3A_925 = tpu.memref_slice %arg6[%dma_wait3A_906, %dma_wait3A_923, %dma_wait3A_924] : memref<3x64x512xf32, #tpu.memory_space<vmem>> -> memref<1x64x512xf32, #tpu.memory_space<vmem>>
    %dma_wait3A_926 = tpu.memref_squeeze %dma_wait3A_925 : memref<1x64x512xf32, #tpu.memory_space<vmem>> -> memref<64x512xf32, #tpu.memory_space<vmem>>
    tpu.wait_dma2 semaphore(%dma_wait3A_918 : memref<!tpu.dma_semaphore, #tpu.memory_space<semaphore_mem>>) src(%dma_wait3A_926 : memref<64x512xf32, #tpu.memory_space<vmem>>) dst(%dma_wait3A_922 : memref<64x512xf32, #tpu.memory_space<hbm>>)
    %add3A_927 = arith.constant 12 : i32
    %add3A_928 = arith.addi %mul3A_2, %add3A_927 : i32
    %dma_start3A_929 = arith.constant 0 : i32
    %dma_start3A_930 = arith.constant 0 : i32
    %dma_start3A_931 = arith.constant 0 : i32
    %dma_start3A_932 = arith.constant 0 : i32
    %dma_start3A_933 = arith.constant 0 : i32
    %dma_start3A_934 = tpu.memref_slice %arg6[%dma_start3A_930, %dma_start3A_932, %dma_start3A_933] : memref<3x64x512xf32, #tpu.memory_space<vmem>> -> memref<1x64x512xf32, #tpu.memory_space<vmem>>
    %dma_start3A_935 = tpu.memref_squeeze %dma_start3A_934 : memref<1x64x512xf32, #tpu.memory_space<vmem>> -> memref<64x512xf32, #tpu.memory_space<vmem>>
    %dma_start3A_936 = arith.constant 0 : i32
    %dma_start3A_937 = arith.constant 0 : i32
    %dma_start3A_938 = tpu.memref_slice %arg2[%dma_start3A_929, %add3A_928, %dma_start3A_936, %dma_start3A_937] : memref<1x512x64x512xf32, #tpu.memory_space<hbm>> -> memref<1x1x64x512xf32, #tpu.memory_space<hbm>>
    %dma_start3A_939 = tpu.memref_squeeze %dma_start3A_938 : memref<1x1x64x512xf32, #tpu.memory_space<hbm>> -> memref<64x512xf32, #tpu.memory_space<hbm>>
    %dma_start3A_940 = tpu.memref_slice %arg7[%dma_start3A_931] : memref<3x!tpu.dma_semaphore, #tpu.memory_space<semaphore_mem>> -> memref<1x!tpu.dma_semaphore, #tpu.memory_space<semaphore_mem>>
    %dma_start3A_941 = tpu.memref_squeeze %dma_start3A_940 : memref<1x!tpu.dma_semaphore, #tpu.memory_space<semaphore_mem>> -> memref<!tpu.dma_semaphore, #tpu.memory_space<semaphore_mem>>
    %dma_start3A_942 = arith.constant 0 : i32
    %dma_start3A_943 = arith.constant 0 : i32
    %dma_start3A_944 = tpu.memref_slice %arg6[%dma_start3A_930, %dma_start3A_942, %dma_start3A_943] : memref<3x64x512xf32, #tpu.memory_space<vmem>> -> memref<1x64x512xf32, #tpu.memory_space<vmem>>
    %dma_start3A_945 = tpu.memref_squeeze %dma_start3A_944 : memref<1x64x512xf32, #tpu.memory_space<vmem>> -> memref<64x512xf32, #tpu.memory_space<vmem>>
    %dma_start3A_946 = arith.constant 0 : i32
    %dma_start3A_947 = arith.constant 0 : i32
    %dma_start3A_948 = tpu.memref_slice %arg2[%dma_start3A_929, %add3A_928, %dma_start3A_946, %dma_start3A_947] : memref<1x512x64x512xf32, #tpu.memory_space<hbm>> -> memref<1x1x64x512xf32, #tpu.memory_space<hbm>>
    %dma_start3A_949 = tpu.memref_squeeze %dma_start3A_948 : memref<1x1x64x512xf32, #tpu.memory_space<hbm>> -> memref<64x512xf32, #tpu.memory_space<hbm>>
    tpu.enqueue_dma source(%dma_start3A_949 : memref<64x512xf32, #tpu.memory_space<hbm>>) target(%dma_start3A_945 : memref<64x512xf32, #tpu.memory_space<vmem>>) target_semaphore(%dma_start3A_941 : memref<!tpu.dma_semaphore, #tpu.memory_space<semaphore_mem>>)
    %add3A_950 = arith.constant 10 : i32
    %add3A_951 = arith.addi %mul3A_2, %add3A_950 : i32
    %dma_wait3A_952 = arith.constant 0 : i32
    %dma_wait3A_953 = arith.constant 1 : i32
    %dma_wait3A_954 = arith.constant 1 : i32
    %dma_wait3A_955 = arith.constant 0 : i32
    %dma_wait3A_956 = arith.constant 0 : i32
    %dma_wait3A_957 = tpu.memref_slice %arg6[%dma_wait3A_953, %dma_wait3A_955, %dma_wait3A_956] : memref<3x64x512xf32, #tpu.memory_space<vmem>> -> memref<1x64x512xf32, #tpu.memory_space<vmem>>
    %dma_wait3A_958 = tpu.memref_squeeze %dma_wait3A_957 : memref<1x64x512xf32, #tpu.memory_space<vmem>> -> memref<64x512xf32, #tpu.memory_space<vmem>>
    %dma_wait3A_959 = arith.constant 0 : i32
    %dma_wait3A_960 = arith.constant 0 : i32
    %dma_wait3A_961 = tpu.memref_slice %arg2[%dma_wait3A_952, %add3A_951, %dma_wait3A_959, %dma_wait3A_960] : memref<1x512x64x512xf32, #tpu.memory_space<hbm>> -> memref<1x1x64x512xf32, #tpu.memory_space<hbm>>
    %dma_wait3A_962 = tpu.memref_squeeze %dma_wait3A_961 : memref<1x1x64x512xf32, #tpu.memory_space<hbm>> -> memref<64x512xf32, #tpu.memory_space<hbm>>
    %dma_wait3A_963 = tpu.memref_slice %arg7[%dma_wait3A_954] : memref<3x!tpu.dma_semaphore, #tpu.memory_space<semaphore_mem>> -> memref<1x!tpu.dma_semaphore, #tpu.memory_space<semaphore_mem>>
    %dma_wait3A_964 = tpu.memref_squeeze %dma_wait3A_963 : memref<1x!tpu.dma_semaphore, #tpu.memory_space<semaphore_mem>> -> memref<!tpu.dma_semaphore, #tpu.memory_space<semaphore_mem>>
    %dma_wait3A_965 = arith.constant 0 : i32
    %dma_wait3A_966 = arith.constant 0 : i32
    %dma_wait3A_967 = tpu.memref_slice %arg6[%dma_wait3A_953, %dma_wait3A_965, %dma_wait3A_966] : memref<3x64x512xf32, #tpu.memory_space<vmem>> -> memref<1x64x512xf32, #tpu.memory_space<vmem>>
    %dma_wait3A_968 = tpu.memref_squeeze %dma_wait3A_967 : memref<1x64x512xf32, #tpu.memory_space<vmem>> -> memref<64x512xf32, #tpu.memory_space<vmem>>
    %dma_wait3A_969 = arith.constant 0 : i32
    %dma_wait3A_970 = arith.constant 0 : i32
    %dma_wait3A_971 = tpu.memref_slice %arg2[%dma_wait3A_952, %add3A_951, %dma_wait3A_969, %dma_wait3A_970] : memref<1x512x64x512xf32, #tpu.memory_space<hbm>> -> memref<1x1x64x512xf32, #tpu.memory_space<hbm>>
    %dma_wait3A_972 = tpu.memref_squeeze %dma_wait3A_971 : memref<1x1x64x512xf32, #tpu.memory_space<hbm>> -> memref<64x512xf32, #tpu.memory_space<hbm>>
    tpu.wait_dma2 semaphore(%dma_wait3A_964 : memref<!tpu.dma_semaphore, #tpu.memory_space<semaphore_mem>>) src(%dma_wait3A_972 : memref<64x512xf32, #tpu.memory_space<hbm>>) dst(%dma_wait3A_968 : memref<64x512xf32, #tpu.memory_space<vmem>>)
    %dma_start3A_973 = arith.constant 1 : i32
    %dma_start3A_974 = arith.constant 0 : i32
    %dma_start3A_975 = arith.constant 1 : i32
    %dma_start3A_976 = arith.constant 0 : i32
    %dma_start3A_977 = arith.constant 0 : i32
    %dma_start3A_978 = tpu.memref_slice %arg6[%dma_start3A_973, %dma_start3A_976, %dma_start3A_977] : memref<3x64x512xf32, #tpu.memory_space<vmem>> -> memref<1x64x512xf32, #tpu.memory_space<vmem>>
    %dma_start3A_979 = tpu.memref_squeeze %dma_start3A_978 : memref<1x64x512xf32, #tpu.memory_space<vmem>> -> memref<64x512xf32, #tpu.memory_space<vmem>>
    %dma_start3A_980 = arith.constant 0 : i32
    %dma_start3A_981 = arith.constant 0 : i32
    %dma_start3A_982 = tpu.memref_slice %arg4[%dma_start3A_974, %add3A_951, %dma_start3A_980, %dma_start3A_981] : memref<1x512x64x512xf32, #tpu.memory_space<hbm>> -> memref<1x1x64x512xf32, #tpu.memory_space<hbm>>
    %dma_start3A_983 = tpu.memref_squeeze %dma_start3A_982 : memref<1x1x64x512xf32, #tpu.memory_space<hbm>> -> memref<64x512xf32, #tpu.memory_space<hbm>>
    %dma_start3A_984 = tpu.memref_slice %arg8[%dma_start3A_975] : memref<3x!tpu.dma_semaphore, #tpu.memory_space<semaphore_mem>> -> memref<1x!tpu.dma_semaphore, #tpu.memory_space<semaphore_mem>>
    %dma_start3A_985 = tpu.memref_squeeze %dma_start3A_984 : memref<1x!tpu.dma_semaphore, #tpu.memory_space<semaphore_mem>> -> memref<!tpu.dma_semaphore, #tpu.memory_space<semaphore_mem>>
    %dma_start3A_986 = arith.constant 0 : i32
    %dma_start3A_987 = arith.constant 0 : i32
    %dma_start3A_988 = tpu.memref_slice %arg4[%dma_start3A_974, %add3A_951, %dma_start3A_986, %dma_start3A_987] : memref<1x512x64x512xf32, #tpu.memory_space<hbm>> -> memref<1x1x64x512xf32, #tpu.memory_space<hbm>>
    %dma_start3A_989 = tpu.memref_squeeze %dma_start3A_988 : memref<1x1x64x512xf32, #tpu.memory_space<hbm>> -> memref<64x512xf32, #tpu.memory_space<hbm>>
    %dma_start3A_990 = arith.constant 0 : i32
    %dma_start3A_991 = arith.constant 0 : i32
    %dma_start3A_992 = tpu.memref_slice %arg6[%dma_start3A_973, %dma_start3A_990, %dma_start3A_991] : memref<3x64x512xf32, #tpu.memory_space<vmem>> -> memref<1x64x512xf32, #tpu.memory_space<vmem>>
    %dma_start3A_993 = tpu.memref_squeeze %dma_start3A_992 : memref<1x64x512xf32, #tpu.memory_space<vmem>> -> memref<64x512xf32, #tpu.memory_space<vmem>>
    tpu.enqueue_dma source(%dma_start3A_993 : memref<64x512xf32, #tpu.memory_space<vmem>>) target(%dma_start3A_989 : memref<64x512xf32, #tpu.memory_space<hbm>>) target_semaphore(%dma_start3A_985 : memref<!tpu.dma_semaphore, #tpu.memory_space<semaphore_mem>>)
    %dma_wait3A_994 = arith.constant 1 : i32
    %dma_wait3A_995 = arith.constant 0 : i32
    %dma_wait3A_996 = arith.constant 1 : i32
    %dma_wait3A_997 = arith.constant 0 : i32
    %dma_wait3A_998 = arith.constant 0 : i32
    %dma_wait3A_999 = tpu.memref_slice %arg6[%dma_wait3A_994, %dma_wait3A_997, %dma_wait3A_998] : memref<3x64x512xf32, #tpu.memory_space<vmem>> -> memref<1x64x512xf32, #tpu.memory_space<vmem>>
    %dma_wait3A_1000 = tpu.memref_squeeze %dma_wait3A_999 : memref<1x64x512xf32, #tpu.memory_space<vmem>> -> memref<64x512xf32, #tpu.memory_space<vmem>>
    %dma_wait3A_1001 = arith.constant 0 : i32
    %dma_wait3A_1002 = arith.constant 0 : i32
    %dma_wait3A_1003 = tpu.memref_slice %arg4[%dma_wait3A_995, %add3A_951, %dma_wait3A_1001, %dma_wait3A_1002] : memref<1x512x64x512xf32, #tpu.memory_space<hbm>> -> memref<1x1x64x512xf32, #tpu.memory_space<hbm>>
    %dma_wait3A_1004 = tpu.memref_squeeze %dma_wait3A_1003 : memref<1x1x64x512xf32, #tpu.memory_space<hbm>> -> memref<64x512xf32, #tpu.memory_space<hbm>>
    %dma_wait3A_1005 = tpu.memref_slice %arg8[%dma_wait3A_996] : memref<3x!tpu.dma_semaphore, #tpu.memory_space<semaphore_mem>> -> memref<1x!tpu.dma_semaphore, #tpu.memory_space<semaphore_mem>>
    %dma_wait3A_1006 = tpu.memref_squeeze %dma_wait3A_1005 : memref<1x!tpu.dma_semaphore, #tpu.memory_space<semaphore_mem>> -> memref<!tpu.dma_semaphore, #tpu.memory_space<semaphore_mem>>
    %dma_wait3A_1007 = arith.constant 0 : i32
    %dma_wait3A_1008 = arith.constant 0 : i32
    %dma_wait3A_1009 = tpu.memref_slice %arg4[%dma_wait3A_995, %add3A_951, %dma_wait3A_1007, %dma_wait3A_1008] : memref<1x512x64x512xf32, #tpu.memory_space<hbm>> -> memref<1x1x64x512xf32, #tpu.memory_space<hbm>>
    %dma_wait3A_1010 = tpu.memref_squeeze %dma_wait3A_1009 : memref<1x1x64x512xf32, #tpu.memory_space<hbm>> -> memref<64x512xf32, #tpu.memory_space<hbm>>
    %dma_wait3A_1011 = arith.constant 0 : i32
    %dma_wait3A_1012 = arith.constant 0 : i32
    %dma_wait3A_1013 = tpu.memref_slice %arg6[%dma_wait3A_994, %dma_wait3A_1011, %dma_wait3A_1012] : memref<3x64x512xf32, #tpu.memory_space<vmem>> -> memref<1x64x512xf32, #tpu.memory_space<vmem>>
    %dma_wait3A_1014 = tpu.memref_squeeze %dma_wait3A_1013 : memref<1x64x512xf32, #tpu.memory_space<vmem>> -> memref<64x512xf32, #tpu.memory_space<vmem>>
    tpu.wait_dma2 semaphore(%dma_wait3A_1006 : memref<!tpu.dma_semaphore, #tpu.memory_space<semaphore_mem>>) src(%dma_wait3A_1014 : memref<64x512xf32, #tpu.memory_space<vmem>>) dst(%dma_wait3A_1010 : memref<64x512xf32, #tpu.memory_space<hbm>>)
    %add3A_1015 = arith.constant 13 : i32
    %add3A_1016 = arith.addi %mul3A_2, %add3A_1015 : i32
    %dma_start3A_1017 = arith.constant 0 : i32
    %dma_start3A_1018 = arith.constant 1 : i32
    %dma_start3A_1019 = arith.constant 1 : i32
    %dma_start3A_1020 = arith.constant 0 : i32
    %dma_start3A_1021 = arith.constant 0 : i32
    %dma_start3A_1022 = tpu.memref_slice %arg6[%dma_start3A_1018, %dma_start3A_1020, %dma_start3A_1021] : memref<3x64x512xf32, #tpu.memory_space<vmem>> -> memref<1x64x512xf32, #tpu.memory_space<vmem>>
    %dma_start3A_1023 = tpu.memref_squeeze %dma_start3A_1022 : memref<1x64x512xf32, #tpu.memory_space<vmem>> -> memref<64x512xf32, #tpu.memory_space<vmem>>
    %dma_start3A_1024 = arith.constant 0 : i32
    %dma_start3A_1025 = arith.constant 0 : i32
    %dma_start3A_1026 = tpu.memref_slice %arg2[%dma_start3A_1017, %add3A_1016, %dma_start3A_1024, %dma_start3A_1025] : memref<1x512x64x512xf32, #tpu.memory_space<hbm>> -> memref<1x1x64x512xf32, #tpu.memory_space<hbm>>
    %dma_start3A_1027 = tpu.memref_squeeze %dma_start3A_1026 : memref<1x1x64x512xf32, #tpu.memory_space<hbm>> -> memref<64x512xf32, #tpu.memory_space<hbm>>
    %dma_start3A_1028 = tpu.memref_slice %arg7[%dma_start3A_1019] : memref<3x!tpu.dma_semaphore, #tpu.memory_space<semaphore_mem>> -> memref<1x!tpu.dma_semaphore, #tpu.memory_space<semaphore_mem>>
    %dma_start3A_1029 = tpu.memref_squeeze %dma_start3A_1028 : memref<1x!tpu.dma_semaphore, #tpu.memory_space<semaphore_mem>> -> memref<!tpu.dma_semaphore, #tpu.memory_space<semaphore_mem>>
    %dma_start3A_1030 = arith.constant 0 : i32
    %dma_start3A_1031 = arith.constant 0 : i32
    %dma_start3A_1032 = tpu.memref_slice %arg6[%dma_start3A_1018, %dma_start3A_1030, %dma_start3A_1031] : memref<3x64x512xf32, #tpu.memory_space<vmem>> -> memref<1x64x512xf32, #tpu.memory_space<vmem>>
    %dma_start3A_1033 = tpu.memref_squeeze %dma_start3A_1032 : memref<1x64x512xf32, #tpu.memory_space<vmem>> -> memref<64x512xf32, #tpu.memory_space<vmem>>
    %dma_start3A_1034 = arith.constant 0 : i32
    %dma_start3A_1035 = arith.constant 0 : i32
    %dma_start3A_1036 = tpu.memref_slice %arg2[%dma_start3A_1017, %add3A_1016, %dma_start3A_1034, %dma_start3A_1035] : memref<1x512x64x512xf32, #tpu.memory_space<hbm>> -> memref<1x1x64x512xf32, #tpu.memory_space<hbm>>
    %dma_start3A_1037 = tpu.memref_squeeze %dma_start3A_1036 : memref<1x1x64x512xf32, #tpu.memory_space<hbm>> -> memref<64x512xf32, #tpu.memory_space<hbm>>
    tpu.enqueue_dma source(%dma_start3A_1037 : memref<64x512xf32, #tpu.memory_space<hbm>>) target(%dma_start3A_1033 : memref<64x512xf32, #tpu.memory_space<vmem>>) target_semaphore(%dma_start3A_1029 : memref<!tpu.dma_semaphore, #tpu.memory_space<semaphore_mem>>)
    %add3A_1038 = arith.constant 11 : i32
    %add3A_1039 = arith.addi %mul3A_2, %add3A_1038 : i32
    %dma_wait3A_1040 = arith.constant 0 : i32
    %dma_wait3A_1041 = arith.constant 2 : i32
    %dma_wait3A_1042 = arith.constant 2 : i32
    %dma_wait3A_1043 = arith.constant 0 : i32
    %dma_wait3A_1044 = arith.constant 0 : i32
    %dma_wait3A_1045 = tpu.memref_slice %arg6[%dma_wait3A_1041, %dma_wait3A_1043, %dma_wait3A_1044] : memref<3x64x512xf32, #tpu.memory_space<vmem>> -> memref<1x64x512xf32, #tpu.memory_space<vmem>>
    %dma_wait3A_1046 = tpu.memref_squeeze %dma_wait3A_1045 : memref<1x64x512xf32, #tpu.memory_space<vmem>> -> memref<64x512xf32, #tpu.memory_space<vmem>>
    %dma_wait3A_1047 = arith.constant 0 : i32
    %dma_wait3A_1048 = arith.constant 0 : i32
    %dma_wait3A_1049 = tpu.memref_slice %arg2[%dma_wait3A_1040, %add3A_1039, %dma_wait3A_1047, %dma_wait3A_1048] : memref<1x512x64x512xf32, #tpu.memory_space<hbm>> -> memref<1x1x64x512xf32, #tpu.memory_space<hbm>>
    %dma_wait3A_1050 = tpu.memref_squeeze %dma_wait3A_1049 : memref<1x1x64x512xf32, #tpu.memory_space<hbm>> -> memref<64x512xf32, #tpu.memory_space<hbm>>
    %dma_wait3A_1051 = tpu.memref_slice %arg7[%dma_wait3A_1042] : memref<3x!tpu.dma_semaphore, #tpu.memory_space<semaphore_mem>> -> memref<1x!tpu.dma_semaphore, #tpu.memory_space<semaphore_mem>>
    %dma_wait3A_1052 = tpu.memref_squeeze %dma_wait3A_1051 : memref<1x!tpu.dma_semaphore, #tpu.memory_space<semaphore_mem>> -> memref<!tpu.dma_semaphore, #tpu.memory_space<semaphore_mem>>
    %dma_wait3A_1053 = arith.constant 0 : i32
    %dma_wait3A_1054 = arith.constant 0 : i32
    %dma_wait3A_1055 = tpu.memref_slice %arg6[%dma_wait3A_1041, %dma_wait3A_1053, %dma_wait3A_1054] : memref<3x64x512xf32, #tpu.memory_space<vmem>> -> memref<1x64x512xf32, #tpu.memory_space<vmem>>
    %dma_wait3A_1056 = tpu.memref_squeeze %dma_wait3A_1055 : memref<1x64x512xf32, #tpu.memory_space<vmem>> -> memref<64x512xf32, #tpu.memory_space<vmem>>
    %dma_wait3A_1057 = arith.constant 0 : i32
    %dma_wait3A_1058 = arith.constant 0 : i32
    %dma_wait3A_1059 = tpu.memref_slice %arg2[%dma_wait3A_1040, %add3A_1039, %dma_wait3A_1057, %dma_wait3A_1058] : memref<1x512x64x512xf32, #tpu.memory_space<hbm>> -> memref<1x1x64x512xf32, #tpu.memory_space<hbm>>
    %dma_wait3A_1060 = tpu.memref_squeeze %dma_wait3A_1059 : memref<1x1x64x512xf32, #tpu.memory_space<hbm>> -> memref<64x512xf32, #tpu.memory_space<hbm>>
    tpu.wait_dma2 semaphore(%dma_wait3A_1052 : memref<!tpu.dma_semaphore, #tpu.memory_space<semaphore_mem>>) src(%dma_wait3A_1060 : memref<64x512xf32, #tpu.memory_space<hbm>>) dst(%dma_wait3A_1056 : memref<64x512xf32, #tpu.memory_space<vmem>>)
    %dma_start3A_1061 = arith.constant 2 : i32
    %dma_start3A_1062 = arith.constant 0 : i32
    %dma_start3A_1063 = arith.constant 2 : i32
    %dma_start3A_1064 = arith.constant 0 : i32
    %dma_start3A_1065 = arith.constant 0 : i32
    %dma_start3A_1066 = tpu.memref_slice %arg6[%dma_start3A_1061, %dma_start3A_1064, %dma_start3A_1065] : memref<3x64x512xf32, #tpu.memory_space<vmem>> -> memref<1x64x512xf32, #tpu.memory_space<vmem>>
    %dma_start3A_1067 = tpu.memref_squeeze %dma_start3A_1066 : memref<1x64x512xf32, #tpu.memory_space<vmem>> -> memref<64x512xf32, #tpu.memory_space<vmem>>
    %dma_start3A_1068 = arith.constant 0 : i32
    %dma_start3A_1069 = arith.constant 0 : i32
    %dma_start3A_1070 = tpu.memref_slice %arg4[%dma_start3A_1062, %add3A_1039, %dma_start3A_1068, %dma_start3A_1069] : memref<1x512x64x512xf32, #tpu.memory_space<hbm>> -> memref<1x1x64x512xf32, #tpu.memory_space<hbm>>
    %dma_start3A_1071 = tpu.memref_squeeze %dma_start3A_1070 : memref<1x1x64x512xf32, #tpu.memory_space<hbm>> -> memref<64x512xf32, #tpu.memory_space<hbm>>
    %dma_start3A_1072 = tpu.memref_slice %arg8[%dma_start3A_1063] : memref<3x!tpu.dma_semaphore, #tpu.memory_space<semaphore_mem>> -> memref<1x!tpu.dma_semaphore, #tpu.memory_space<semaphore_mem>>
    %dma_start3A_1073 = tpu.memref_squeeze %dma_start3A_1072 : memref<1x!tpu.dma_semaphore, #tpu.memory_space<semaphore_mem>> -> memref<!tpu.dma_semaphore, #tpu.memory_space<semaphore_mem>>
    %dma_start3A_1074 = arith.constant 0 : i32
    %dma_start3A_1075 = arith.constant 0 : i32
    %dma_start3A_1076 = tpu.memref_slice %arg4[%dma_start3A_1062, %add3A_1039, %dma_start3A_1074, %dma_start3A_1075] : memref<1x512x64x512xf32, #tpu.memory_space<hbm>> -> memref<1x1x64x512xf32, #tpu.memory_space<hbm>>
    %dma_start3A_1077 = tpu.memref_squeeze %dma_start3A_1076 : memref<1x1x64x512xf32, #tpu.memory_space<hbm>> -> memref<64x512xf32, #tpu.memory_space<hbm>>
    %dma_start3A_1078 = arith.constant 0 : i32
    %dma_start3A_1079 = arith.constant 0 : i32
    %dma_start3A_1080 = tpu.memref_slice %arg6[%dma_start3A_1061, %dma_start3A_1078, %dma_start3A_1079] : memref<3x64x512xf32, #tpu.memory_space<vmem>> -> memref<1x64x512xf32, #tpu.memory_space<vmem>>
    %dma_start3A_1081 = tpu.memref_squeeze %dma_start3A_1080 : memref<1x64x512xf32, #tpu.memory_space<vmem>> -> memref<64x512xf32, #tpu.memory_space<vmem>>
    tpu.enqueue_dma source(%dma_start3A_1081 : memref<64x512xf32, #tpu.memory_space<vmem>>) target(%dma_start3A_1077 : memref<64x512xf32, #tpu.memory_space<hbm>>) target_semaphore(%dma_start3A_1073 : memref<!tpu.dma_semaphore, #tpu.memory_space<semaphore_mem>>)
    %dma_wait3A_1082 = arith.constant 2 : i32
    %dma_wait3A_1083 = arith.constant 0 : i32
    %dma_wait3A_1084 = arith.constant 2 : i32
    %dma_wait3A_1085 = arith.constant 0 : i32
    %dma_wait3A_1086 = arith.constant 0 : i32
    %dma_wait3A_1087 = tpu.memref_slice %arg6[%dma_wait3A_1082, %dma_wait3A_1085, %dma_wait3A_1086] : memref<3x64x512xf32, #tpu.memory_space<vmem>> -> memref<1x64x512xf32, #tpu.memory_space<vmem>>
    %dma_wait3A_1088 = tpu.memref_squeeze %dma_wait3A_1087 : memref<1x64x512xf32, #tpu.memory_space<vmem>> -> memref<64x512xf32, #tpu.memory_space<vmem>>
    %dma_wait3A_1089 = arith.constant 0 : i32
    %dma_wait3A_1090 = arith.constant 0 : i32
    %dma_wait3A_1091 = tpu.memref_slice %arg4[%dma_wait3A_1083, %add3A_1039, %dma_wait3A_1089, %dma_wait3A_1090] : memref<1x512x64x512xf32, #tpu.memory_space<hbm>> -> memref<1x1x64x512xf32, #tpu.memory_space<hbm>>
    %dma_wait3A_1092 = tpu.memref_squeeze %dma_wait3A_1091 : memref<1x1x64x512xf32, #tpu.memory_space<hbm>> -> memref<64x512xf32, #tpu.memory_space<hbm>>
    %dma_wait3A_1093 = tpu.memref_slice %arg8[%dma_wait3A_1084] : memref<3x!tpu.dma_semaphore, #tpu.memory_space<semaphore_mem>> -> memref<1x!tpu.dma_semaphore, #tpu.memory_space<semaphore_mem>>
    %dma_wait3A_1094 = tpu.memref_squeeze %dma_wait3A_1093 : memref<1x!tpu.dma_semaphore, #tpu.memory_space<semaphore_mem>> -> memref<!tpu.dma_semaphore, #tpu.memory_space<semaphore_mem>>
    %dma_wait3A_1095 = arith.constant 0 : i32
    %dma_wait3A_1096 = arith.constant 0 : i32
    %dma_wait3A_1097 = tpu.memref_slice %arg4[%dma_wait3A_1083, %add3A_1039, %dma_wait3A_1095, %dma_wait3A_1096] : memref<1x512x64x512xf32, #tpu.memory_space<hbm>> -> memref<1x1x64x512xf32, #tpu.memory_space<hbm>>
    %dma_wait3A_1098 = tpu.memref_squeeze %dma_wait3A_1097 : memref<1x1x64x512xf32, #tpu.memory_space<hbm>> -> memref<64x512xf32, #tpu.memory_space<hbm>>
    %dma_wait3A_1099 = arith.constant 0 : i32
    %dma_wait3A_1100 = arith.constant 0 : i32
    %dma_wait3A_1101 = tpu.memref_slice %arg6[%dma_wait3A_1082, %dma_wait3A_1099, %dma_wait3A_1100] : memref<3x64x512xf32, #tpu.memory_space<vmem>> -> memref<1x64x512xf32, #tpu.memory_space<vmem>>
    %dma_wait3A_1102 = tpu.memref_squeeze %dma_wait3A_1101 : memref<1x64x512xf32, #tpu.memory_space<vmem>> -> memref<64x512xf32, #tpu.memory_space<vmem>>
    tpu.wait_dma2 semaphore(%dma_wait3A_1094 : memref<!tpu.dma_semaphore, #tpu.memory_space<semaphore_mem>>) src(%dma_wait3A_1102 : memref<64x512xf32, #tpu.memory_space<vmem>>) dst(%dma_wait3A_1098 : memref<64x512xf32, #tpu.memory_space<hbm>>)
    %add3A_1103 = arith.constant 14 : i32
    %add3A_1104 = arith.addi %mul3A_2, %add3A_1103 : i32
    %dma_start3A_1105 = arith.constant 0 : i32
    %dma_start3A_1106 = arith.constant 2 : i32
    %dma_start3A_1107 = arith.constant 2 : i32
    %dma_start3A_1108 = arith.constant 0 : i32
    %dma_start3A_1109 = arith.constant 0 : i32
    %dma_start3A_1110 = tpu.memref_slice %arg6[%dma_start3A_1106, %dma_start3A_1108, %dma_start3A_1109] : memref<3x64x512xf32, #tpu.memory_space<vmem>> -> memref<1x64x512xf32, #tpu.memory_space<vmem>>
    %dma_start3A_1111 = tpu.memref_squeeze %dma_start3A_1110 : memref<1x64x512xf32, #tpu.memory_space<vmem>> -> memref<64x512xf32, #tpu.memory_space<vmem>>
    %dma_start3A_1112 = arith.constant 0 : i32
    %dma_start3A_1113 = arith.constant 0 : i32
    %dma_start3A_1114 = tpu.memref_slice %arg2[%dma_start3A_1105, %add3A_1104, %dma_start3A_1112, %dma_start3A_1113] : memref<1x512x64x512xf32, #tpu.memory_space<hbm>> -> memref<1x1x64x512xf32, #tpu.memory_space<hbm>>
    %dma_start3A_1115 = tpu.memref_squeeze %dma_start3A_1114 : memref<1x1x64x512xf32, #tpu.memory_space<hbm>> -> memref<64x512xf32, #tpu.memory_space<hbm>>
    %dma_start3A_1116 = tpu.memref_slice %arg7[%dma_start3A_1107] : memref<3x!tpu.dma_semaphore, #tpu.memory_space<semaphore_mem>> -> memref<1x!tpu.dma_semaphore, #tpu.memory_space<semaphore_mem>>
    %dma_start3A_1117 = tpu.memref_squeeze %dma_start3A_1116 : memref<1x!tpu.dma_semaphore, #tpu.memory_space<semaphore_mem>> -> memref<!tpu.dma_semaphore, #tpu.memory_space<semaphore_mem>>
    %dma_start3A_1118 = arith.constant 0 : i32
    %dma_start3A_1119 = arith.constant 0 : i32
    %dma_start3A_1120 = tpu.memref_slice %arg6[%dma_start3A_1106, %dma_start3A_1118, %dma_start3A_1119] : memref<3x64x512xf32, #tpu.memory_space<vmem>> -> memref<1x64x512xf32, #tpu.memory_space<vmem>>
    %dma_start3A_1121 = tpu.memref_squeeze %dma_start3A_1120 : memref<1x64x512xf32, #tpu.memory_space<vmem>> -> memref<64x512xf32, #tpu.memory_space<vmem>>
    %dma_start3A_1122 = arith.constant 0 : i32
    %dma_start3A_1123 = arith.constant 0 : i32
    %dma_start3A_1124 = tpu.memref_slice %arg2[%dma_start3A_1105, %add3A_1104, %dma_start3A_1122, %dma_start3A_1123] : memref<1x512x64x512xf32, #tpu.memory_space<hbm>> -> memref<1x1x64x512xf32, #tpu.memory_space<hbm>>
    %dma_start3A_1125 = tpu.memref_squeeze %dma_start3A_1124 : memref<1x1x64x512xf32, #tpu.memory_space<hbm>> -> memref<64x512xf32, #tpu.memory_space<hbm>>
    tpu.enqueue_dma source(%dma_start3A_1125 : memref<64x512xf32, #tpu.memory_space<hbm>>) target(%dma_start3A_1121 : memref<64x512xf32, #tpu.memory_space<vmem>>) target_semaphore(%dma_start3A_1117 : memref<!tpu.dma_semaphore, #tpu.memory_space<semaphore_mem>>)
    %add3A_1126 = arith.constant 12 : i32
    %add3A_1127 = arith.addi %mul3A_2, %add3A_1126 : i32
    %dma_wait3A_1128 = arith.constant 0 : i32
    %dma_wait3A_1129 = arith.constant 0 : i32
    %dma_wait3A_1130 = arith.constant 0 : i32
    %dma_wait3A_1131 = arith.constant 0 : i32
    %dma_wait3A_1132 = arith.constant 0 : i32
    %dma_wait3A_1133 = tpu.memref_slice %arg6[%dma_wait3A_1129, %dma_wait3A_1131, %dma_wait3A_1132] : memref<3x64x512xf32, #tpu.memory_space<vmem>> -> memref<1x64x512xf32, #tpu.memory_space<vmem>>
    %dma_wait3A_1134 = tpu.memref_squeeze %dma_wait3A_1133 : memref<1x64x512xf32, #tpu.memory_space<vmem>> -> memref<64x512xf32, #tpu.memory_space<vmem>>
    %dma_wait3A_1135 = arith.constant 0 : i32
    %dma_wait3A_1136 = arith.constant 0 : i32
    %dma_wait3A_1137 = tpu.memref_slice %arg2[%dma_wait3A_1128, %add3A_1127, %dma_wait3A_1135, %dma_wait3A_1136] : memref<1x512x64x512xf32, #tpu.memory_space<hbm>> -> memref<1x1x64x512xf32, #tpu.memory_space<hbm>>
    %dma_wait3A_1138 = tpu.memref_squeeze %dma_wait3A_1137 : memref<1x1x64x512xf32, #tpu.memory_space<hbm>> -> memref<64x512xf32, #tpu.memory_space<hbm>>
    %dma_wait3A_1139 = tpu.memref_slice %arg7[%dma_wait3A_1130] : memref<3x!tpu.dma_semaphore, #tpu.memory_space<semaphore_mem>> -> memref<1x!tpu.dma_semaphore, #tpu.memory_space<semaphore_mem>>
    %dma_wait3A_1140 = tpu.memref_squeeze %dma_wait3A_1139 : memref<1x!tpu.dma_semaphore, #tpu.memory_space<semaphore_mem>> -> memref<!tpu.dma_semaphore, #tpu.memory_space<semaphore_mem>>
    %dma_wait3A_1141 = arith.constant 0 : i32
    %dma_wait3A_1142 = arith.constant 0 : i32
    %dma_wait3A_1143 = tpu.memref_slice %arg6[%dma_wait3A_1129, %dma_wait3A_1141, %dma_wait3A_1142] : memref<3x64x512xf32, #tpu.memory_space<vmem>> -> memref<1x64x512xf32, #tpu.memory_space<vmem>>
    %dma_wait3A_1144 = tpu.memref_squeeze %dma_wait3A_1143 : memref<1x64x512xf32, #tpu.memory_space<vmem>> -> memref<64x512xf32, #tpu.memory_space<vmem>>
    %dma_wait3A_1145 = arith.constant 0 : i32
    %dma_wait3A_1146 = arith.constant 0 : i32
    %dma_wait3A_1147 = tpu.memref_slice %arg2[%dma_wait3A_1128, %add3A_1127, %dma_wait3A_1145, %dma_wait3A_1146] : memref<1x512x64x512xf32, #tpu.memory_space<hbm>> -> memref<1x1x64x512xf32, #tpu.memory_space<hbm>>
    %dma_wait3A_1148 = tpu.memref_squeeze %dma_wait3A_1147 : memref<1x1x64x512xf32, #tpu.memory_space<hbm>> -> memref<64x512xf32, #tpu.memory_space<hbm>>
    tpu.wait_dma2 semaphore(%dma_wait3A_1140 : memref<!tpu.dma_semaphore, #tpu.memory_space<semaphore_mem>>) src(%dma_wait3A_1148 : memref<64x512xf32, #tpu.memory_space<hbm>>) dst(%dma_wait3A_1144 : memref<64x512xf32, #tpu.memory_space<vmem>>)
    %dma_start3A_1149 = arith.constant 0 : i32
    %dma_start3A_1150 = arith.constant 0 : i32
    %dma_start3A_1151 = arith.constant 0 : i32
    %dma_start3A_1152 = arith.constant 0 : i32
    %dma_start3A_1153 = arith.constant 0 : i32
    %dma_start3A_1154 = tpu.memref_slice %arg6[%dma_start3A_1149, %dma_start3A_1152, %dma_start3A_1153] : memref<3x64x512xf32, #tpu.memory_space<vmem>> -> memref<1x64x512xf32, #tpu.memory_space<vmem>>
    %dma_start3A_1155 = tpu.memref_squeeze %dma_start3A_1154 : memref<1x64x512xf32, #tpu.memory_space<vmem>> -> memref<64x512xf32, #tpu.memory_space<vmem>>
    %dma_start3A_1156 = arith.constant 0 : i32
    %dma_start3A_1157 = arith.constant 0 : i32
    %dma_start3A_1158 = tpu.memref_slice %arg4[%dma_start3A_1150, %add3A_1127, %dma_start3A_1156, %dma_start3A_1157] : memref<1x512x64x512xf32, #tpu.memory_space<hbm>> -> memref<1x1x64x512xf32, #tpu.memory_space<hbm>>
    %dma_start3A_1159 = tpu.memref_squeeze %dma_start3A_1158 : memref<1x1x64x512xf32, #tpu.memory_space<hbm>> -> memref<64x512xf32, #tpu.memory_space<hbm>>
    %dma_start3A_1160 = tpu.memref_slice %arg8[%dma_start3A_1151] : memref<3x!tpu.dma_semaphore, #tpu.memory_space<semaphore_mem>> -> memref<1x!tpu.dma_semaphore, #tpu.memory_space<semaphore_mem>>
    %dma_start3A_1161 = tpu.memref_squeeze %dma_start3A_1160 : memref<1x!tpu.dma_semaphore, #tpu.memory_space<semaphore_mem>> -> memref<!tpu.dma_semaphore, #tpu.memory_space<semaphore_mem>>
    %dma_start3A_1162 = arith.constant 0 : i32
    %dma_start3A_1163 = arith.constant 0 : i32
    %dma_start3A_1164 = tpu.memref_slice %arg4[%dma_start3A_1150, %add3A_1127, %dma_start3A_1162, %dma_start3A_1163] : memref<1x512x64x512xf32, #tpu.memory_space<hbm>> -> memref<1x1x64x512xf32, #tpu.memory_space<hbm>>
    %dma_start3A_1165 = tpu.memref_squeeze %dma_start3A_1164 : memref<1x1x64x512xf32, #tpu.memory_space<hbm>> -> memref<64x512xf32, #tpu.memory_space<hbm>>
    %dma_start3A_1166 = arith.constant 0 : i32
    %dma_start3A_1167 = arith.constant 0 : i32
    %dma_start3A_1168 = tpu.memref_slice %arg6[%dma_start3A_1149, %dma_start3A_1166, %dma_start3A_1167] : memref<3x64x512xf32, #tpu.memory_space<vmem>> -> memref<1x64x512xf32, #tpu.memory_space<vmem>>
    %dma_start3A_1169 = tpu.memref_squeeze %dma_start3A_1168 : memref<1x64x512xf32, #tpu.memory_space<vmem>> -> memref<64x512xf32, #tpu.memory_space<vmem>>
    tpu.enqueue_dma source(%dma_start3A_1169 : memref<64x512xf32, #tpu.memory_space<vmem>>) target(%dma_start3A_1165 : memref<64x512xf32, #tpu.memory_space<hbm>>) target_semaphore(%dma_start3A_1161 : memref<!tpu.dma_semaphore, #tpu.memory_space<semaphore_mem>>)
    %dma_wait3A_1170 = arith.constant 0 : i32
    %dma_wait3A_1171 = arith.constant 0 : i32
    %dma_wait3A_1172 = arith.constant 0 : i32
    %dma_wait3A_1173 = arith.constant 0 : i32
    %dma_wait3A_1174 = arith.constant 0 : i32
    %dma_wait3A_1175 = tpu.memref_slice %arg6[%dma_wait3A_1170, %dma_wait3A_1173, %dma_wait3A_1174] : memref<3x64x512xf32, #tpu.memory_space<vmem>> -> memref<1x64x512xf32, #tpu.memory_space<vmem>>
    %dma_wait3A_1176 = tpu.memref_squeeze %dma_wait3A_1175 : memref<1x64x512xf32, #tpu.memory_space<vmem>> -> memref<64x512xf32, #tpu.memory_space<vmem>>
    %dma_wait3A_1177 = arith.constant 0 : i32
    %dma_wait3A_1178 = arith.constant 0 : i32
    %dma_wait3A_1179 = tpu.memref_slice %arg4[%dma_wait3A_1171, %add3A_1127, %dma_wait3A_1177, %dma_wait3A_1178] : memref<1x512x64x512xf32, #tpu.memory_space<hbm>> -> memref<1x1x64x512xf32, #tpu.memory_space<hbm>>
    %dma_wait3A_1180 = tpu.memref_squeeze %dma_wait3A_1179 : memref<1x1x64x512xf32, #tpu.memory_space<hbm>> -> memref<64x512xf32, #tpu.memory_space<hbm>>
    %dma_wait3A_1181 = tpu.memref_slice %arg8[%dma_wait3A_1172] : memref<3x!tpu.dma_semaphore, #tpu.memory_space<semaphore_mem>> -> memref<1x!tpu.dma_semaphore, #tpu.memory_space<semaphore_mem>>
    %dma_wait3A_1182 = tpu.memref_squeeze %dma_wait3A_1181 : memref<1x!tpu.dma_semaphore, #tpu.memory_space<semaphore_mem>> -> memref<!tpu.dma_semaphore, #tpu.memory_space<semaphore_mem>>
    %dma_wait3A_1183 = arith.constant 0 : i32
    %dma_wait3A_1184 = arith.constant 0 : i32
    %dma_wait3A_1185 = tpu.memref_slice %arg4[%dma_wait3A_1171, %add3A_1127, %dma_wait3A_1183, %dma_wait3A_1184] : memref<1x512x64x512xf32, #tpu.memory_space<hbm>> -> memref<1x1x64x512xf32, #tpu.memory_space<hbm>>
    %dma_wait3A_1186 = tpu.memref_squeeze %dma_wait3A_1185 : memref<1x1x64x512xf32, #tpu.memory_space<hbm>> -> memref<64x512xf32, #tpu.memory_space<hbm>>
    %dma_wait3A_1187 = arith.constant 0 : i32
    %dma_wait3A_1188 = arith.constant 0 : i32
    %dma_wait3A_1189 = tpu.memref_slice %arg6[%dma_wait3A_1170, %dma_wait3A_1187, %dma_wait3A_1188] : memref<3x64x512xf32, #tpu.memory_space<vmem>> -> memref<1x64x512xf32, #tpu.memory_space<vmem>>
    %dma_wait3A_1190 = tpu.memref_squeeze %dma_wait3A_1189 : memref<1x64x512xf32, #tpu.memory_space<vmem>> -> memref<64x512xf32, #tpu.memory_space<vmem>>
    tpu.wait_dma2 semaphore(%dma_wait3A_1182 : memref<!tpu.dma_semaphore, #tpu.memory_space<semaphore_mem>>) src(%dma_wait3A_1190 : memref<64x512xf32, #tpu.memory_space<vmem>>) dst(%dma_wait3A_1186 : memref<64x512xf32, #tpu.memory_space<hbm>>)
    %add3A_1191 = arith.constant 15 : i32
    %add3A_1192 = arith.addi %mul3A_2, %add3A_1191 : i32
    %dma_start3A_1193 = arith.constant 0 : i32
    %dma_start3A_1194 = arith.constant 0 : i32
    %dma_start3A_1195 = arith.constant 0 : i32
    %dma_start3A_1196 = arith.constant 0 : i32
    %dma_start3A_1197 = arith.constant 0 : i32
    %dma_start3A_1198 = tpu.memref_slice %arg6[%dma_start3A_1194, %dma_start3A_1196, %dma_start3A_1197] : memref<3x64x512xf32, #tpu.memory_space<vmem>> -> memref<1x64x512xf32, #tpu.memory_space<vmem>>
    %dma_start3A_1199 = tpu.memref_squeeze %dma_start3A_1198 : memref<1x64x512xf32, #tpu.memory_space<vmem>> -> memref<64x512xf32, #tpu.memory_space<vmem>>
    %dma_start3A_1200 = arith.constant 0 : i32
    %dma_start3A_1201 = arith.constant 0 : i32
    %dma_start3A_1202 = tpu.memref_slice %arg2[%dma_start3A_1193, %add3A_1192, %dma_start3A_1200, %dma_start3A_1201] : memref<1x512x64x512xf32, #tpu.memory_space<hbm>> -> memref<1x1x64x512xf32, #tpu.memory_space<hbm>>
    %dma_start3A_1203 = tpu.memref_squeeze %dma_start3A_1202 : memref<1x1x64x512xf32, #tpu.memory_space<hbm>> -> memref<64x512xf32, #tpu.memory_space<hbm>>
    %dma_start3A_1204 = tpu.memref_slice %arg7[%dma_start3A_1195] : memref<3x!tpu.dma_semaphore, #tpu.memory_space<semaphore_mem>> -> memref<1x!tpu.dma_semaphore, #tpu.memory_space<semaphore_mem>>
    %dma_start3A_1205 = tpu.memref_squeeze %dma_start3A_1204 : memref<1x!tpu.dma_semaphore, #tpu.memory_space<semaphore_mem>> -> memref<!tpu.dma_semaphore, #tpu.memory_space<semaphore_mem>>
    %dma_start3A_1206 = arith.constant 0 : i32
    %dma_start3A_1207 = arith.constant 0 : i32
    %dma_start3A_1208 = tpu.memref_slice %arg6[%dma_start3A_1194, %dma_start3A_1206, %dma_start3A_1207] : memref<3x64x512xf32, #tpu.memory_space<vmem>> -> memref<1x64x512xf32, #tpu.memory_space<vmem>>
    %dma_start3A_1209 = tpu.memref_squeeze %dma_start3A_1208 : memref<1x64x512xf32, #tpu.memory_space<vmem>> -> memref<64x512xf32, #tpu.memory_space<vmem>>
    %dma_start3A_1210 = arith.constant 0 : i32
    %dma_start3A_1211 = arith.constant 0 : i32
    %dma_start3A_1212 = tpu.memref_slice %arg2[%dma_start3A_1193, %add3A_1192, %dma_start3A_1210, %dma_start3A_1211] : memref<1x512x64x512xf32, #tpu.memory_space<hbm>> -> memref<1x1x64x512xf32, #tpu.memory_space<hbm>>
    %dma_start3A_1213 = tpu.memref_squeeze %dma_start3A_1212 : memref<1x1x64x512xf32, #tpu.memory_space<hbm>> -> memref<64x512xf32, #tpu.memory_space<hbm>>
    tpu.enqueue_dma source(%dma_start3A_1213 : memref<64x512xf32, #tpu.memory_space<hbm>>) target(%dma_start3A_1209 : memref<64x512xf32, #tpu.memory_space<vmem>>) target_semaphore(%dma_start3A_1205 : memref<!tpu.dma_semaphore, #tpu.memory_space<semaphore_mem>>)
    %add3A_1214 = arith.constant 13 : i32
    %add3A_1215 = arith.addi %mul3A_2, %add3A_1214 : i32
    %dma_wait3A_1216 = arith.constant 0 : i32
    %dma_wait3A_1217 = arith.constant 1 : i32
    %dma_wait3A_1218 = arith.constant 1 : i32
    %dma_wait3A_1219 = arith.constant 0 : i32
    %dma_wait3A_1220 = arith.constant 0 : i32
    %dma_wait3A_1221 = tpu.memref_slice %arg6[%dma_wait3A_1217, %dma_wait3A_1219, %dma_wait3A_1220] : memref<3x64x512xf32, #tpu.memory_space<vmem>> -> memref<1x64x512xf32, #tpu.memory_space<vmem>>
    %dma_wait3A_1222 = tpu.memref_squeeze %dma_wait3A_1221 : memref<1x64x512xf32, #tpu.memory_space<vmem>> -> memref<64x512xf32, #tpu.memory_space<vmem>>
    %dma_wait3A_1223 = arith.constant 0 : i32
    %dma_wait3A_1224 = arith.constant 0 : i32
    %dma_wait3A_1225 = tpu.memref_slice %arg2[%dma_wait3A_1216, %add3A_1215, %dma_wait3A_1223, %dma_wait3A_1224] : memref<1x512x64x512xf32, #tpu.memory_space<hbm>> -> memref<1x1x64x512xf32, #tpu.memory_space<hbm>>
    %dma_wait3A_1226 = tpu.memref_squeeze %dma_wait3A_1225 : memref<1x1x64x512xf32, #tpu.memory_space<hbm>> -> memref<64x512xf32, #tpu.memory_space<hbm>>
    %dma_wait3A_1227 = tpu.memref_slice %arg7[%dma_wait3A_1218] : memref<3x!tpu.dma_semaphore, #tpu.memory_space<semaphore_mem>> -> memref<1x!tpu.dma_semaphore, #tpu.memory_space<semaphore_mem>>
    %dma_wait3A_1228 = tpu.memref_squeeze %dma_wait3A_1227 : memref<1x!tpu.dma_semaphore, #tpu.memory_space<semaphore_mem>> -> memref<!tpu.dma_semaphore, #tpu.memory_space<semaphore_mem>>
    %dma_wait3A_1229 = arith.constant 0 : i32
    %dma_wait3A_1230 = arith.constant 0 : i32
    %dma_wait3A_1231 = tpu.memref_slice %arg6[%dma_wait3A_1217, %dma_wait3A_1229, %dma_wait3A_1230] : memref<3x64x512xf32, #tpu.memory_space<vmem>> -> memref<1x64x512xf32, #tpu.memory_space<vmem>>
    %dma_wait3A_1232 = tpu.memref_squeeze %dma_wait3A_1231 : memref<1x64x512xf32, #tpu.memory_space<vmem>> -> memref<64x512xf32, #tpu.memory_space<vmem>>
    %dma_wait3A_1233 = arith.constant 0 : i32
    %dma_wait3A_1234 = arith.constant 0 : i32
    %dma_wait3A_1235 = tpu.memref_slice %arg2[%dma_wait3A_1216, %add3A_1215, %dma_wait3A_1233, %dma_wait3A_1234] : memref<1x512x64x512xf32, #tpu.memory_space<hbm>> -> memref<1x1x64x512xf32, #tpu.memory_space<hbm>>
    %dma_wait3A_1236 = tpu.memref_squeeze %dma_wait3A_1235 : memref<1x1x64x512xf32, #tpu.memory_space<hbm>> -> memref<64x512xf32, #tpu.memory_space<hbm>>
    tpu.wait_dma2 semaphore(%dma_wait3A_1228 : memref<!tpu.dma_semaphore, #tpu.memory_space<semaphore_mem>>) src(%dma_wait3A_1236 : memref<64x512xf32, #tpu.memory_space<hbm>>) dst(%dma_wait3A_1232 : memref<64x512xf32, #tpu.memory_space<vmem>>)
    %dma_start3A_1237 = arith.constant 1 : i32
    %dma_start3A_1238 = arith.constant 0 : i32
    %dma_start3A_1239 = arith.constant 1 : i32
    %dma_start3A_1240 = arith.constant 0 : i32
    %dma_start3A_1241 = arith.constant 0 : i32
    %dma_start3A_1242 = tpu.memref_slice %arg6[%dma_start3A_1237, %dma_start3A_1240, %dma_start3A_1241] : memref<3x64x512xf32, #tpu.memory_space<vmem>> -> memref<1x64x512xf32, #tpu.memory_space<vmem>>
    %dma_start3A_1243 = tpu.memref_squeeze %dma_start3A_1242 : memref<1x64x512xf32, #tpu.memory_space<vmem>> -> memref<64x512xf32, #tpu.memory_space<vmem>>
    %dma_start3A_1244 = arith.constant 0 : i32
    %dma_start3A_1245 = arith.constant 0 : i32
    %dma_start3A_1246 = tpu.memref_slice %arg4[%dma_start3A_1238, %add3A_1215, %dma_start3A_1244, %dma_start3A_1245] : memref<1x512x64x512xf32, #tpu.memory_space<hbm>> -> memref<1x1x64x512xf32, #tpu.memory_space<hbm>>
    %dma_start3A_1247 = tpu.memref_squeeze %dma_start3A_1246 : memref<1x1x64x512xf32, #tpu.memory_space<hbm>> -> memref<64x512xf32, #tpu.memory_space<hbm>>
    %dma_start3A_1248 = tpu.memref_slice %arg8[%dma_start3A_1239] : memref<3x!tpu.dma_semaphore, #tpu.memory_space<semaphore_mem>> -> memref<1x!tpu.dma_semaphore, #tpu.memory_space<semaphore_mem>>
    %dma_start3A_1249 = tpu.memref_squeeze %dma_start3A_1248 : memref<1x!tpu.dma_semaphore, #tpu.memory_space<semaphore_mem>> -> memref<!tpu.dma_semaphore, #tpu.memory_space<semaphore_mem>>
    %dma_start3A_1250 = arith.constant 0 : i32
    %dma_start3A_1251 = arith.constant 0 : i32
    %dma_start3A_1252 = tpu.memref_slice %arg4[%dma_start3A_1238, %add3A_1215, %dma_start3A_1250, %dma_start3A_1251] : memref<1x512x64x512xf32, #tpu.memory_space<hbm>> -> memref<1x1x64x512xf32, #tpu.memory_space<hbm>>
    %dma_start3A_1253 = tpu.memref_squeeze %dma_start3A_1252 : memref<1x1x64x512xf32, #tpu.memory_space<hbm>> -> memref<64x512xf32, #tpu.memory_space<hbm>>
    %dma_start3A_1254 = arith.constant 0 : i32
    %dma_start3A_1255 = arith.constant 0 : i32
    %dma_start3A_1256 = tpu.memref_slice %arg6[%dma_start3A_1237, %dma_start3A_1254, %dma_start3A_1255] : memref<3x64x512xf32, #tpu.memory_space<vmem>> -> memref<1x64x512xf32, #tpu.memory_space<vmem>>
    %dma_start3A_1257 = tpu.memref_squeeze %dma_start3A_1256 : memref<1x64x512xf32, #tpu.memory_space<vmem>> -> memref<64x512xf32, #tpu.memory_space<vmem>>
    tpu.enqueue_dma source(%dma_start3A_1257 : memref<64x512xf32, #tpu.memory_space<vmem>>) target(%dma_start3A_1253 : memref<64x512xf32, #tpu.memory_space<hbm>>) target_semaphore(%dma_start3A_1249 : memref<!tpu.dma_semaphore, #tpu.memory_space<semaphore_mem>>)
    %dma_wait3A_1258 = arith.constant 1 : i32
    %dma_wait3A_1259 = arith.constant 0 : i32
    %dma_wait3A_1260 = arith.constant 1 : i32
    %dma_wait3A_1261 = arith.constant 0 : i32
    %dma_wait3A_1262 = arith.constant 0 : i32
    %dma_wait3A_1263 = tpu.memref_slice %arg6[%dma_wait3A_1258, %dma_wait3A_1261, %dma_wait3A_1262] : memref<3x64x512xf32, #tpu.memory_space<vmem>> -> memref<1x64x512xf32, #tpu.memory_space<vmem>>
    %dma_wait3A_1264 = tpu.memref_squeeze %dma_wait3A_1263 : memref<1x64x512xf32, #tpu.memory_space<vmem>> -> memref<64x512xf32, #tpu.memory_space<vmem>>
    %dma_wait3A_1265 = arith.constant 0 : i32
    %dma_wait3A_1266 = arith.constant 0 : i32
    %dma_wait3A_1267 = tpu.memref_slice %arg4[%dma_wait3A_1259, %add3A_1215, %dma_wait3A_1265, %dma_wait3A_1266] : memref<1x512x64x512xf32, #tpu.memory_space<hbm>> -> memref<1x1x64x512xf32, #tpu.memory_space<hbm>>
    %dma_wait3A_1268 = tpu.memref_squeeze %dma_wait3A_1267 : memref<1x1x64x512xf32, #tpu.memory_space<hbm>> -> memref<64x512xf32, #tpu.memory_space<hbm>>
    %dma_wait3A_1269 = tpu.memref_slice %arg8[%dma_wait3A_1260] : memref<3x!tpu.dma_semaphore, #tpu.memory_space<semaphore_mem>> -> memref<1x!tpu.dma_semaphore, #tpu.memory_space<semaphore_mem>>
    %dma_wait3A_1270 = tpu.memref_squeeze %dma_wait3A_1269 : memref<1x!tpu.dma_semaphore, #tpu.memory_space<semaphore_mem>> -> memref<!tpu.dma_semaphore, #tpu.memory_space<semaphore_mem>>
    %dma_wait3A_1271 = arith.constant 0 : i32
    %dma_wait3A_1272 = arith.constant 0 : i32
    %dma_wait3A_1273 = tpu.memref_slice %arg4[%dma_wait3A_1259, %add3A_1215, %dma_wait3A_1271, %dma_wait3A_1272] : memref<1x512x64x512xf32, #tpu.memory_space<hbm>> -> memref<1x1x64x512xf32, #tpu.memory_space<hbm>>
    %dma_wait3A_1274 = tpu.memref_squeeze %dma_wait3A_1273 : memref<1x1x64x512xf32, #tpu.memory_space<hbm>> -> memref<64x512xf32, #tpu.memory_space<hbm>>
    %dma_wait3A_1275 = arith.constant 0 : i32
    %dma_wait3A_1276 = arith.constant 0 : i32
    %dma_wait3A_1277 = tpu.memref_slice %arg6[%dma_wait3A_1258, %dma_wait3A_1275, %dma_wait3A_1276] : memref<3x64x512xf32, #tpu.memory_space<vmem>> -> memref<1x64x512xf32, #tpu.memory_space<vmem>>
    %dma_wait3A_1278 = tpu.memref_squeeze %dma_wait3A_1277 : memref<1x64x512xf32, #tpu.memory_space<vmem>> -> memref<64x512xf32, #tpu.memory_space<vmem>>
    tpu.wait_dma2 semaphore(%dma_wait3A_1270 : memref<!tpu.dma_semaphore, #tpu.memory_space<semaphore_mem>>) src(%dma_wait3A_1278 : memref<64x512xf32, #tpu.memory_space<vmem>>) dst(%dma_wait3A_1274 : memref<64x512xf32, #tpu.memory_space<hbm>>)
    %add3A_1279 = arith.constant 0 : i32
    %add3A_1280 = arith.addi %mul3A_2, %add3A_1279 : i32
    %dma_start3A_1281 = arith.constant 0 : i32
    %dma_start3A_1282 = arith.constant 1 : i32
    %dma_start3A_1283 = arith.constant 1 : i32
    %dma_start3A_1284 = arith.constant 0 : i32
    %dma_start3A_1285 = arith.constant 0 : i32
    %dma_start3A_1286 = tpu.memref_slice %arg6[%dma_start3A_1282, %dma_start3A_1284, %dma_start3A_1285] : memref<3x64x512xf32, #tpu.memory_space<vmem>> -> memref<1x64x512xf32, #tpu.memory_space<vmem>>
    %dma_start3A_1287 = tpu.memref_squeeze %dma_start3A_1286 : memref<1x64x512xf32, #tpu.memory_space<vmem>> -> memref<64x512xf32, #tpu.memory_space<vmem>>
    %dma_start3A_1288 = arith.constant 0 : i32
    %dma_start3A_1289 = arith.constant 0 : i32
    %dma_start3A_1290 = tpu.memref_slice %arg3[%dma_start3A_1281, %add3A_1280, %dma_start3A_1288, %dma_start3A_1289] : memref<1x512x64x512xf32, #tpu.memory_space<hbm>> -> memref<1x1x64x512xf32, #tpu.memory_space<hbm>>
    %dma_start3A_1291 = tpu.memref_squeeze %dma_start3A_1290 : memref<1x1x64x512xf32, #tpu.memory_space<hbm>> -> memref<64x512xf32, #tpu.memory_space<hbm>>
    %dma_start3A_1292 = tpu.memref_slice %arg7[%dma_start3A_1283] : memref<3x!tpu.dma_semaphore, #tpu.memory_space<semaphore_mem>> -> memref<1x!tpu.dma_semaphore, #tpu.memory_space<semaphore_mem>>
    %dma_start3A_1293 = tpu.memref_squeeze %dma_start3A_1292 : memref<1x!tpu.dma_semaphore, #tpu.memory_space<semaphore_mem>> -> memref<!tpu.dma_semaphore, #tpu.memory_space<semaphore_mem>>
    %dma_start3A_1294 = arith.constant 0 : i32
    %dma_start3A_1295 = arith.constant 0 : i32
    %dma_start3A_1296 = tpu.memref_slice %arg6[%dma_start3A_1282, %dma_start3A_1294, %dma_start3A_1295] : memref<3x64x512xf32, #tpu.memory_space<vmem>> -> memref<1x64x512xf32, #tpu.memory_space<vmem>>
    %dma_start3A_1297 = tpu.memref_squeeze %dma_start3A_1296 : memref<1x64x512xf32, #tpu.memory_space<vmem>> -> memref<64x512xf32, #tpu.memory_space<vmem>>
    %dma_start3A_1298 = arith.constant 0 : i32
    %dma_start3A_1299 = arith.constant 0 : i32
    %dma_start3A_1300 = tpu.memref_slice %arg3[%dma_start3A_1281, %add3A_1280, %dma_start3A_1298, %dma_start3A_1299] : memref<1x512x64x512xf32, #tpu.memory_space<hbm>> -> memref<1x1x64x512xf32, #tpu.memory_space<hbm>>
    %dma_start3A_1301 = tpu.memref_squeeze %dma_start3A_1300 : memref<1x1x64x512xf32, #tpu.memory_space<hbm>> -> memref<64x512xf32, #tpu.memory_space<hbm>>
    tpu.enqueue_dma source(%dma_start3A_1301 : memref<64x512xf32, #tpu.memory_space<hbm>>) target(%dma_start3A_1297 : memref<64x512xf32, #tpu.memory_space<vmem>>) target_semaphore(%dma_start3A_1293 : memref<!tpu.dma_semaphore, #tpu.memory_space<semaphore_mem>>)
    %add3A_1302 = arith.constant 14 : i32
    %add3A_1303 = arith.addi %mul3A_2, %add3A_1302 : i32
    %dma_wait3A_1304 = arith.constant 0 : i32
    %dma_wait3A_1305 = arith.constant 2 : i32
    %dma_wait3A_1306 = arith.constant 2 : i32
    %dma_wait3A_1307 = arith.constant 0 : i32
    %dma_wait3A_1308 = arith.constant 0 : i32
    %dma_wait3A_1309 = tpu.memref_slice %arg6[%dma_wait3A_1305, %dma_wait3A_1307, %dma_wait3A_1308] : memref<3x64x512xf32, #tpu.memory_space<vmem>> -> memref<1x64x512xf32, #tpu.memory_space<vmem>>
    %dma_wait3A_1310 = tpu.memref_squeeze %dma_wait3A_1309 : memref<1x64x512xf32, #tpu.memory_space<vmem>> -> memref<64x512xf32, #tpu.memory_space<vmem>>
    %dma_wait3A_1311 = arith.constant 0 : i32
    %dma_wait3A_1312 = arith.constant 0 : i32
    %dma_wait3A_1313 = tpu.memref_slice %arg2[%dma_wait3A_1304, %add3A_1303, %dma_wait3A_1311, %dma_wait3A_1312] : memref<1x512x64x512xf32, #tpu.memory_space<hbm>> -> memref<1x1x64x512xf32, #tpu.memory_space<hbm>>
    %dma_wait3A_1314 = tpu.memref_squeeze %dma_wait3A_1313 : memref<1x1x64x512xf32, #tpu.memory_space<hbm>> -> memref<64x512xf32, #tpu.memory_space<hbm>>
    %dma_wait3A_1315 = tpu.memref_slice %arg7[%dma_wait3A_1306] : memref<3x!tpu.dma_semaphore, #tpu.memory_space<semaphore_mem>> -> memref<1x!tpu.dma_semaphore, #tpu.memory_space<semaphore_mem>>
    %dma_wait3A_1316 = tpu.memref_squeeze %dma_wait3A_1315 : memref<1x!tpu.dma_semaphore, #tpu.memory_space<semaphore_mem>> -> memref<!tpu.dma_semaphore, #tpu.memory_space<semaphore_mem>>
    %dma_wait3A_1317 = arith.constant 0 : i32
    %dma_wait3A_1318 = arith.constant 0 : i32
    %dma_wait3A_1319 = tpu.memref_slice %arg6[%dma_wait3A_1305, %dma_wait3A_1317, %dma_wait3A_1318] : memref<3x64x512xf32, #tpu.memory_space<vmem>> -> memref<1x64x512xf32, #tpu.memory_space<vmem>>
    %dma_wait3A_1320 = tpu.memref_squeeze %dma_wait3A_1319 : memref<1x64x512xf32, #tpu.memory_space<vmem>> -> memref<64x512xf32, #tpu.memory_space<vmem>>
    %dma_wait3A_1321 = arith.constant 0 : i32
    %dma_wait3A_1322 = arith.constant 0 : i32
    %dma_wait3A_1323 = tpu.memref_slice %arg2[%dma_wait3A_1304, %add3A_1303, %dma_wait3A_1321, %dma_wait3A_1322] : memref<1x512x64x512xf32, #tpu.memory_space<hbm>> -> memref<1x1x64x512xf32, #tpu.memory_space<hbm>>
    %dma_wait3A_1324 = tpu.memref_squeeze %dma_wait3A_1323 : memref<1x1x64x512xf32, #tpu.memory_space<hbm>> -> memref<64x512xf32, #tpu.memory_space<hbm>>
    tpu.wait_dma2 semaphore(%dma_wait3A_1316 : memref<!tpu.dma_semaphore, #tpu.memory_space<semaphore_mem>>) src(%dma_wait3A_1324 : memref<64x512xf32, #tpu.memory_space<hbm>>) dst(%dma_wait3A_1320 : memref<64x512xf32, #tpu.memory_space<vmem>>)
    %dma_start3A_1325 = arith.constant 2 : i32
    %dma_start3A_1326 = arith.constant 0 : i32
    %dma_start3A_1327 = arith.constant 2 : i32
    %dma_start3A_1328 = arith.constant 0 : i32
    %dma_start3A_1329 = arith.constant 0 : i32
    %dma_start3A_1330 = tpu.memref_slice %arg6[%dma_start3A_1325, %dma_start3A_1328, %dma_start3A_1329] : memref<3x64x512xf32, #tpu.memory_space<vmem>> -> memref<1x64x512xf32, #tpu.memory_space<vmem>>
    %dma_start3A_1331 = tpu.memref_squeeze %dma_start3A_1330 : memref<1x64x512xf32, #tpu.memory_space<vmem>> -> memref<64x512xf32, #tpu.memory_space<vmem>>
    %dma_start3A_1332 = arith.constant 0 : i32
    %dma_start3A_1333 = arith.constant 0 : i32
    %dma_start3A_1334 = tpu.memref_slice %arg4[%dma_start3A_1326, %add3A_1303, %dma_start3A_1332, %dma_start3A_1333] : memref<1x512x64x512xf32, #tpu.memory_space<hbm>> -> memref<1x1x64x512xf32, #tpu.memory_space<hbm>>
    %dma_start3A_1335 = tpu.memref_squeeze %dma_start3A_1334 : memref<1x1x64x512xf32, #tpu.memory_space<hbm>> -> memref<64x512xf32, #tpu.memory_space<hbm>>
    %dma_start3A_1336 = tpu.memref_slice %arg8[%dma_start3A_1327] : memref<3x!tpu.dma_semaphore, #tpu.memory_space<semaphore_mem>> -> memref<1x!tpu.dma_semaphore, #tpu.memory_space<semaphore_mem>>
    %dma_start3A_1337 = tpu.memref_squeeze %dma_start3A_1336 : memref<1x!tpu.dma_semaphore, #tpu.memory_space<semaphore_mem>> -> memref<!tpu.dma_semaphore, #tpu.memory_space<semaphore_mem>>
    %dma_start3A_1338 = arith.constant 0 : i32
    %dma_start3A_1339 = arith.constant 0 : i32
    %dma_start3A_1340 = tpu.memref_slice %arg4[%dma_start3A_1326, %add3A_1303, %dma_start3A_1338, %dma_start3A_1339] : memref<1x512x64x512xf32, #tpu.memory_space<hbm>> -> memref<1x1x64x512xf32, #tpu.memory_space<hbm>>
    %dma_start3A_1341 = tpu.memref_squeeze %dma_start3A_1340 : memref<1x1x64x512xf32, #tpu.memory_space<hbm>> -> memref<64x512xf32, #tpu.memory_space<hbm>>
    %dma_start3A_1342 = arith.constant 0 : i32
    %dma_start3A_1343 = arith.constant 0 : i32
    %dma_start3A_1344 = tpu.memref_slice %arg6[%dma_start3A_1325, %dma_start3A_1342, %dma_start3A_1343] : memref<3x64x512xf32, #tpu.memory_space<vmem>> -> memref<1x64x512xf32, #tpu.memory_space<vmem>>
    %dma_start3A_1345 = tpu.memref_squeeze %dma_start3A_1344 : memref<1x64x512xf32, #tpu.memory_space<vmem>> -> memref<64x512xf32, #tpu.memory_space<vmem>>
    tpu.enqueue_dma source(%dma_start3A_1345 : memref<64x512xf32, #tpu.memory_space<vmem>>) target(%dma_start3A_1341 : memref<64x512xf32, #tpu.memory_space<hbm>>) target_semaphore(%dma_start3A_1337 : memref<!tpu.dma_semaphore, #tpu.memory_space<semaphore_mem>>)
    %dma_wait3A_1346 = arith.constant 2 : i32
    %dma_wait3A_1347 = arith.constant 0 : i32
    %dma_wait3A_1348 = arith.constant 2 : i32
    %dma_wait3A_1349 = arith.constant 0 : i32
    %dma_wait3A_1350 = arith.constant 0 : i32
    %dma_wait3A_1351 = tpu.memref_slice %arg6[%dma_wait3A_1346, %dma_wait3A_1349, %dma_wait3A_1350] : memref<3x64x512xf32, #tpu.memory_space<vmem>> -> memref<1x64x512xf32, #tpu.memory_space<vmem>>
    %dma_wait3A_1352 = tpu.memref_squeeze %dma_wait3A_1351 : memref<1x64x512xf32, #tpu.memory_space<vmem>> -> memref<64x512xf32, #tpu.memory_space<vmem>>
    %dma_wait3A_1353 = arith.constant 0 : i32
    %dma_wait3A_1354 = arith.constant 0 : i32
    %dma_wait3A_1355 = tpu.memref_slice %arg4[%dma_wait3A_1347, %add3A_1303, %dma_wait3A_1353, %dma_wait3A_1354] : memref<1x512x64x512xf32, #tpu.memory_space<hbm>> -> memref<1x1x64x512xf32, #tpu.memory_space<hbm>>
    %dma_wait3A_1356 = tpu.memref_squeeze %dma_wait3A_1355 : memref<1x1x64x512xf32, #tpu.memory_space<hbm>> -> memref<64x512xf32, #tpu.memory_space<hbm>>
    %dma_wait3A_1357 = tpu.memref_slice %arg8[%dma_wait3A_1348] : memref<3x!tpu.dma_semaphore, #tpu.memory_space<semaphore_mem>> -> memref<1x!tpu.dma_semaphore, #tpu.memory_space<semaphore_mem>>
    %dma_wait3A_1358 = tpu.memref_squeeze %dma_wait3A_1357 : memref<1x!tpu.dma_semaphore, #tpu.memory_space<semaphore_mem>> -> memref<!tpu.dma_semaphore, #tpu.memory_space<semaphore_mem>>
    %dma_wait3A_1359 = arith.constant 0 : i32
    %dma_wait3A_1360 = arith.constant 0 : i32
    %dma_wait3A_1361 = tpu.memref_slice %arg4[%dma_wait3A_1347, %add3A_1303, %dma_wait3A_1359, %dma_wait3A_1360] : memref<1x512x64x512xf32, #tpu.memory_space<hbm>> -> memref<1x1x64x512xf32, #tpu.memory_space<hbm>>
    %dma_wait3A_1362 = tpu.memref_squeeze %dma_wait3A_1361 : memref<1x1x64x512xf32, #tpu.memory_space<hbm>> -> memref<64x512xf32, #tpu.memory_space<hbm>>
    %dma_wait3A_1363 = arith.constant 0 : i32
    %dma_wait3A_1364 = arith.constant 0 : i32
    %dma_wait3A_1365 = tpu.memref_slice %arg6[%dma_wait3A_1346, %dma_wait3A_1363, %dma_wait3A_1364] : memref<3x64x512xf32, #tpu.memory_space<vmem>> -> memref<1x64x512xf32, #tpu.memory_space<vmem>>
    %dma_wait3A_1366 = tpu.memref_squeeze %dma_wait3A_1365 : memref<1x64x512xf32, #tpu.memory_space<vmem>> -> memref<64x512xf32, #tpu.memory_space<vmem>>
    tpu.wait_dma2 semaphore(%dma_wait3A_1358 : memref<!tpu.dma_semaphore, #tpu.memory_space<semaphore_mem>>) src(%dma_wait3A_1366 : memref<64x512xf32, #tpu.memory_space<vmem>>) dst(%dma_wait3A_1362 : memref<64x512xf32, #tpu.memory_space<hbm>>)
    %add3A_1367 = arith.constant 1 : i32
    %add3A_1368 = arith.addi %mul3A_2, %add3A_1367 : i32
    %dma_start3A_1369 = arith.constant 0 : i32
    %dma_start3A_1370 = arith.constant 2 : i32
    %dma_start3A_1371 = arith.constant 2 : i32
    %dma_start3A_1372 = arith.constant 0 : i32
    %dma_start3A_1373 = arith.constant 0 : i32
    %dma_start3A_1374 = tpu.memref_slice %arg6[%dma_start3A_1370, %dma_start3A_1372, %dma_start3A_1373] : memref<3x64x512xf32, #tpu.memory_space<vmem>> -> memref<1x64x512xf32, #tpu.memory_space<vmem>>
    %dma_start3A_1375 = tpu.memref_squeeze %dma_start3A_1374 : memref<1x64x512xf32, #tpu.memory_space<vmem>> -> memref<64x512xf32, #tpu.memory_space<vmem>>
    %dma_start3A_1376 = arith.constant 0 : i32
    %dma_start3A_1377 = arith.constant 0 : i32
    %dma_start3A_1378 = tpu.memref_slice %arg3[%dma_start3A_1369, %add3A_1368, %dma_start3A_1376, %dma_start3A_1377] : memref<1x512x64x512xf32, #tpu.memory_space<hbm>> -> memref<1x1x64x512xf32, #tpu.memory_space<hbm>>
    %dma_start3A_1379 = tpu.memref_squeeze %dma_start3A_1378 : memref<1x1x64x512xf32, #tpu.memory_space<hbm>> -> memref<64x512xf32, #tpu.memory_space<hbm>>
    %dma_start3A_1380 = tpu.memref_slice %arg7[%dma_start3A_1371] : memref<3x!tpu.dma_semaphore, #tpu.memory_space<semaphore_mem>> -> memref<1x!tpu.dma_semaphore, #tpu.memory_space<semaphore_mem>>
    %dma_start3A_1381 = tpu.memref_squeeze %dma_start3A_1380 : memref<1x!tpu.dma_semaphore, #tpu.memory_space<semaphore_mem>> -> memref<!tpu.dma_semaphore, #tpu.memory_space<semaphore_mem>>
    %dma_start3A_1382 = arith.constant 0 : i32
    %dma_start3A_1383 = arith.constant 0 : i32
    %dma_start3A_1384 = tpu.memref_slice %arg6[%dma_start3A_1370, %dma_start3A_1382, %dma_start3A_1383] : memref<3x64x512xf32, #tpu.memory_space<vmem>> -> memref<1x64x512xf32, #tpu.memory_space<vmem>>
    %dma_start3A_1385 = tpu.memref_squeeze %dma_start3A_1384 : memref<1x64x512xf32, #tpu.memory_space<vmem>> -> memref<64x512xf32, #tpu.memory_space<vmem>>
    %dma_start3A_1386 = arith.constant 0 : i32
    %dma_start3A_1387 = arith.constant 0 : i32
    %dma_start3A_1388 = tpu.memref_slice %arg3[%dma_start3A_1369, %add3A_1368, %dma_start3A_1386, %dma_start3A_1387] : memref<1x512x64x512xf32, #tpu.memory_space<hbm>> -> memref<1x1x64x512xf32, #tpu.memory_space<hbm>>
    %dma_start3A_1389 = tpu.memref_squeeze %dma_start3A_1388 : memref<1x1x64x512xf32, #tpu.memory_space<hbm>> -> memref<64x512xf32, #tpu.memory_space<hbm>>
    tpu.enqueue_dma source(%dma_start3A_1389 : memref<64x512xf32, #tpu.memory_space<hbm>>) target(%dma_start3A_1385 : memref<64x512xf32, #tpu.memory_space<vmem>>) target_semaphore(%dma_start3A_1381 : memref<!tpu.dma_semaphore, #tpu.memory_space<semaphore_mem>>)
    %add3A_1390 = arith.constant 15 : i32
    %add3A_1391 = arith.addi %mul3A_2, %add3A_1390 : i32
    %dma_wait3A_1392 = arith.constant 0 : i32
    %dma_wait3A_1393 = arith.constant 0 : i32
    %dma_wait3A_1394 = arith.constant 0 : i32
    %dma_wait3A_1395 = arith.constant 0 : i32
    %dma_wait3A_1396 = arith.constant 0 : i32
    %dma_wait3A_1397 = tpu.memref_slice %arg6[%dma_wait3A_1393, %dma_wait3A_1395, %dma_wait3A_1396] : memref<3x64x512xf32, #tpu.memory_space<vmem>> -> memref<1x64x512xf32, #tpu.memory_space<vmem>>
    %dma_wait3A_1398 = tpu.memref_squeeze %dma_wait3A_1397 : memref<1x64x512xf32, #tpu.memory_space<vmem>> -> memref<64x512xf32, #tpu.memory_space<vmem>>
    %dma_wait3A_1399 = arith.constant 0 : i32
    %dma_wait3A_1400 = arith.constant 0 : i32
    %dma_wait3A_1401 = tpu.memref_slice %arg2[%dma_wait3A_1392, %add3A_1391, %dma_wait3A_1399, %dma_wait3A_1400] : memref<1x512x64x512xf32, #tpu.memory_space<hbm>> -> memref<1x1x64x512xf32, #tpu.memory_space<hbm>>
    %dma_wait3A_1402 = tpu.memref_squeeze %dma_wait3A_1401 : memref<1x1x64x512xf32, #tpu.memory_space<hbm>> -> memref<64x512xf32, #tpu.memory_space<hbm>>
    %dma_wait3A_1403 = tpu.memref_slice %arg7[%dma_wait3A_1394] : memref<3x!tpu.dma_semaphore, #tpu.memory_space<semaphore_mem>> -> memref<1x!tpu.dma_semaphore, #tpu.memory_space<semaphore_mem>>
    %dma_wait3A_1404 = tpu.memref_squeeze %dma_wait3A_1403 : memref<1x!tpu.dma_semaphore, #tpu.memory_space<semaphore_mem>> -> memref<!tpu.dma_semaphore, #tpu.memory_space<semaphore_mem>>
    %dma_wait3A_1405 = arith.constant 0 : i32
    %dma_wait3A_1406 = arith.constant 0 : i32
    %dma_wait3A_1407 = tpu.memref_slice %arg6[%dma_wait3A_1393, %dma_wait3A_1405, %dma_wait3A_1406] : memref<3x64x512xf32, #tpu.memory_space<vmem>> -> memref<1x64x512xf32, #tpu.memory_space<vmem>>
    %dma_wait3A_1408 = tpu.memref_squeeze %dma_wait3A_1407 : memref<1x64x512xf32, #tpu.memory_space<vmem>> -> memref<64x512xf32, #tpu.memory_space<vmem>>
    %dma_wait3A_1409 = arith.constant 0 : i32
    %dma_wait3A_1410 = arith.constant 0 : i32
    %dma_wait3A_1411 = tpu.memref_slice %arg2[%dma_wait3A_1392, %add3A_1391, %dma_wait3A_1409, %dma_wait3A_1410] : memref<1x512x64x512xf32, #tpu.memory_space<hbm>> -> memref<1x1x64x512xf32, #tpu.memory_space<hbm>>
    %dma_wait3A_1412 = tpu.memref_squeeze %dma_wait3A_1411 : memref<1x1x64x512xf32, #tpu.memory_space<hbm>> -> memref<64x512xf32, #tpu.memory_space<hbm>>
    tpu.wait_dma2 semaphore(%dma_wait3A_1404 : memref<!tpu.dma_semaphore, #tpu.memory_space<semaphore_mem>>) src(%dma_wait3A_1412 : memref<64x512xf32, #tpu.memory_space<hbm>>) dst(%dma_wait3A_1408 : memref<64x512xf32, #tpu.memory_space<vmem>>)
    %dma_start3A_1413 = arith.constant 0 : i32
    %dma_start3A_1414 = arith.constant 0 : i32
    %dma_start3A_1415 = arith.constant 0 : i32
    %dma_start3A_1416 = arith.constant 0 : i32
    %dma_start3A_1417 = arith.constant 0 : i32
    %dma_start3A_1418 = tpu.memref_slice %arg6[%dma_start3A_1413, %dma_start3A_1416, %dma_start3A_1417] : memref<3x64x512xf32, #tpu.memory_space<vmem>> -> memref<1x64x512xf32, #tpu.memory_space<vmem>>
    %dma_start3A_1419 = tpu.memref_squeeze %dma_start3A_1418 : memref<1x64x512xf32, #tpu.memory_space<vmem>> -> memref<64x512xf32, #tpu.memory_space<vmem>>
    %dma_start3A_1420 = arith.constant 0 : i32
    %dma_start3A_1421 = arith.constant 0 : i32
    %dma_start3A_1422 = tpu.memref_slice %arg4[%dma_start3A_1414, %add3A_1391, %dma_start3A_1420, %dma_start3A_1421] : memref<1x512x64x512xf32, #tpu.memory_space<hbm>> -> memref<1x1x64x512xf32, #tpu.memory_space<hbm>>
    %dma_start3A_1423 = tpu.memref_squeeze %dma_start3A_1422 : memref<1x1x64x512xf32, #tpu.memory_space<hbm>> -> memref<64x512xf32, #tpu.memory_space<hbm>>
    %dma_start3A_1424 = tpu.memref_slice %arg8[%dma_start3A_1415] : memref<3x!tpu.dma_semaphore, #tpu.memory_space<semaphore_mem>> -> memref<1x!tpu.dma_semaphore, #tpu.memory_space<semaphore_mem>>
    %dma_start3A_1425 = tpu.memref_squeeze %dma_start3A_1424 : memref<1x!tpu.dma_semaphore, #tpu.memory_space<semaphore_mem>> -> memref<!tpu.dma_semaphore, #tpu.memory_space<semaphore_mem>>
    %dma_start3A_1426 = arith.constant 0 : i32
    %dma_start3A_1427 = arith.constant 0 : i32
    %dma_start3A_1428 = tpu.memref_slice %arg4[%dma_start3A_1414, %add3A_1391, %dma_start3A_1426, %dma_start3A_1427] : memref<1x512x64x512xf32, #tpu.memory_space<hbm>> -> memref<1x1x64x512xf32, #tpu.memory_space<hbm>>
    %dma_start3A_1429 = tpu.memref_squeeze %dma_start3A_1428 : memref<1x1x64x512xf32, #tpu.memory_space<hbm>> -> memref<64x512xf32, #tpu.memory_space<hbm>>
    %dma_start3A_1430 = arith.constant 0 : i32
    %dma_start3A_1431 = arith.constant 0 : i32
    %dma_start3A_1432 = tpu.memref_slice %arg6[%dma_start3A_1413, %dma_start3A_1430, %dma_start3A_1431] : memref<3x64x512xf32, #tpu.memory_space<vmem>> -> memref<1x64x512xf32, #tpu.memory_space<vmem>>
    %dma_start3A_1433 = tpu.memref_squeeze %dma_start3A_1432 : memref<1x64x512xf32, #tpu.memory_space<vmem>> -> memref<64x512xf32, #tpu.memory_space<vmem>>
    tpu.enqueue_dma source(%dma_start3A_1433 : memref<64x512xf32, #tpu.memory_space<vmem>>) target(%dma_start3A_1429 : memref<64x512xf32, #tpu.memory_space<hbm>>) target_semaphore(%dma_start3A_1425 : memref<!tpu.dma_semaphore, #tpu.memory_space<semaphore_mem>>)
    %dma_wait3A_1434 = arith.constant 0 : i32
    %dma_wait3A_1435 = arith.constant 0 : i32
    %dma_wait3A_1436 = arith.constant 0 : i32
    %dma_wait3A_1437 = arith.constant 0 : i32
    %dma_wait3A_1438 = arith.constant 0 : i32
    %dma_wait3A_1439 = tpu.memref_slice %arg6[%dma_wait3A_1434, %dma_wait3A_1437, %dma_wait3A_1438] : memref<3x64x512xf32, #tpu.memory_space<vmem>> -> memref<1x64x512xf32, #tpu.memory_space<vmem>>
    %dma_wait3A_1440 = tpu.memref_squeeze %dma_wait3A_1439 : memref<1x64x512xf32, #tpu.memory_space<vmem>> -> memref<64x512xf32, #tpu.memory_space<vmem>>
    %dma_wait3A_1441 = arith.constant 0 : i32
    %dma_wait3A_1442 = arith.constant 0 : i32
    %dma_wait3A_1443 = tpu.memref_slice %arg4[%dma_wait3A_1435, %add3A_1391, %dma_wait3A_1441, %dma_wait3A_1442] : memref<1x512x64x512xf32, #tpu.memory_space<hbm>> -> memref<1x1x64x512xf32, #tpu.memory_space<hbm>>
    %dma_wait3A_1444 = tpu.memref_squeeze %dma_wait3A_1443 : memref<1x1x64x512xf32, #tpu.memory_space<hbm>> -> memref<64x512xf32, #tpu.memory_space<hbm>>
    %dma_wait3A_1445 = tpu.memref_slice %arg8[%dma_wait3A_1436] : memref<3x!tpu.dma_semaphore, #tpu.memory_space<semaphore_mem>> -> memref<1x!tpu.dma_semaphore, #tpu.memory_space<semaphore_mem>>
    %dma_wait3A_1446 = tpu.memref_squeeze %dma_wait3A_1445 : memref<1x!tpu.dma_semaphore, #tpu.memory_space<semaphore_mem>> -> memref<!tpu.dma_semaphore, #tpu.memory_space<semaphore_mem>>
    %dma_wait3A_1447 = arith.constant 0 : i32
    %dma_wait3A_1448 = arith.constant 0 : i32
    %dma_wait3A_1449 = tpu.memref_slice %arg4[%dma_wait3A_1435, %add3A_1391, %dma_wait3A_1447, %dma_wait3A_1448] : memref<1x512x64x512xf32, #tpu.memory_space<hbm>> -> memref<1x1x64x512xf32, #tpu.memory_space<hbm>>
    %dma_wait3A_1450 = tpu.memref_squeeze %dma_wait3A_1449 : memref<1x1x64x512xf32, #tpu.memory_space<hbm>> -> memref<64x512xf32, #tpu.memory_space<hbm>>
    %dma_wait3A_1451 = arith.constant 0 : i32
    %dma_wait3A_1452 = arith.constant 0 : i32
    %dma_wait3A_1453 = tpu.memref_slice %arg6[%dma_wait3A_1434, %dma_wait3A_1451, %dma_wait3A_1452] : memref<3x64x512xf32, #tpu.memory_space<vmem>> -> memref<1x64x512xf32, #tpu.memory_space<vmem>>
    %dma_wait3A_1454 = tpu.memref_squeeze %dma_wait3A_1453 : memref<1x64x512xf32, #tpu.memory_space<vmem>> -> memref<64x512xf32, #tpu.memory_space<vmem>>
    tpu.wait_dma2 semaphore(%dma_wait3A_1446 : memref<!tpu.dma_semaphore, #tpu.memory_space<semaphore_mem>>) src(%dma_wait3A_1454 : memref<64x512xf32, #tpu.memory_space<vmem>>) dst(%dma_wait3A_1450 : memref<64x512xf32, #tpu.memory_space<hbm>>)
    %add3A_1455 = arith.constant 2 : i32
    %add3A_1456 = arith.addi %mul3A_2, %add3A_1455 : i32
    %dma_start3A_1457 = arith.constant 0 : i32
    %dma_start3A_1458 = arith.constant 0 : i32
    %dma_start3A_1459 = arith.constant 0 : i32
    %dma_start3A_1460 = arith.constant 0 : i32
    %dma_start3A_1461 = arith.constant 0 : i32
    %dma_start3A_1462 = tpu.memref_slice %arg6[%dma_start3A_1458, %dma_start3A_1460, %dma_start3A_1461] : memref<3x64x512xf32, #tpu.memory_space<vmem>> -> memref<1x64x512xf32, #tpu.memory_space<vmem>>
    %dma_start3A_1463 = tpu.memref_squeeze %dma_start3A_1462 : memref<1x64x512xf32, #tpu.memory_space<vmem>> -> memref<64x512xf32, #tpu.memory_space<vmem>>
    %dma_start3A_1464 = arith.constant 0 : i32
    %dma_start3A_1465 = arith.constant 0 : i32
    %dma_start3A_1466 = tpu.memref_slice %arg3[%dma_start3A_1457, %add3A_1456, %dma_start3A_1464, %dma_start3A_1465] : memref<1x512x64x512xf32, #tpu.memory_space<hbm>> -> memref<1x1x64x512xf32, #tpu.memory_space<hbm>>
    %dma_start3A_1467 = tpu.memref_squeeze %dma_start3A_1466 : memref<1x1x64x512xf32, #tpu.memory_space<hbm>> -> memref<64x512xf32, #tpu.memory_space<hbm>>
    %dma_start3A_1468 = tpu.memref_slice %arg7[%dma_start3A_1459] : memref<3x!tpu.dma_semaphore, #tpu.memory_space<semaphore_mem>> -> memref<1x!tpu.dma_semaphore, #tpu.memory_space<semaphore_mem>>
    %dma_start3A_1469 = tpu.memref_squeeze %dma_start3A_1468 : memref<1x!tpu.dma_semaphore, #tpu.memory_space<semaphore_mem>> -> memref<!tpu.dma_semaphore, #tpu.memory_space<semaphore_mem>>
    %dma_start3A_1470 = arith.constant 0 : i32
    %dma_start3A_1471 = arith.constant 0 : i32
    %dma_start3A_1472 = tpu.memref_slice %arg6[%dma_start3A_1458, %dma_start3A_1470, %dma_start3A_1471] : memref<3x64x512xf32, #tpu.memory_space<vmem>> -> memref<1x64x512xf32, #tpu.memory_space<vmem>>
    %dma_start3A_1473 = tpu.memref_squeeze %dma_start3A_1472 : memref<1x64x512xf32, #tpu.memory_space<vmem>> -> memref<64x512xf32, #tpu.memory_space<vmem>>
    %dma_start3A_1474 = arith.constant 0 : i32
    %dma_start3A_1475 = arith.constant 0 : i32
    %dma_start3A_1476 = tpu.memref_slice %arg3[%dma_start3A_1457, %add3A_1456, %dma_start3A_1474, %dma_start3A_1475] : memref<1x512x64x512xf32, #tpu.memory_space<hbm>> -> memref<1x1x64x512xf32, #tpu.memory_space<hbm>>
    %dma_start3A_1477 = tpu.memref_squeeze %dma_start3A_1476 : memref<1x1x64x512xf32, #tpu.memory_space<hbm>> -> memref<64x512xf32, #tpu.memory_space<hbm>>
    tpu.enqueue_dma source(%dma_start3A_1477 : memref<64x512xf32, #tpu.memory_space<hbm>>) target(%dma_start3A_1473 : memref<64x512xf32, #tpu.memory_space<vmem>>) target_semaphore(%dma_start3A_1469 : memref<!tpu.dma_semaphore, #tpu.memory_space<semaphore_mem>>)
    %add3A_1478 = arith.constant 0 : i32
    %add3A_1479 = arith.addi %mul3A_2, %add3A_1478 : i32
    %dma_wait3A_1480 = arith.constant 0 : i32
    %dma_wait3A_1481 = arith.constant 1 : i32
    %dma_wait3A_1482 = arith.constant 1 : i32
    %dma_wait3A_1483 = arith.constant 0 : i32
    %dma_wait3A_1484 = arith.constant 0 : i32
    %dma_wait3A_1485 = tpu.memref_slice %arg6[%dma_wait3A_1481, %dma_wait3A_1483, %dma_wait3A_1484] : memref<3x64x512xf32, #tpu.memory_space<vmem>> -> memref<1x64x512xf32, #tpu.memory_space<vmem>>
    %dma_wait3A_1486 = tpu.memref_squeeze %dma_wait3A_1485 : memref<1x64x512xf32, #tpu.memory_space<vmem>> -> memref<64x512xf32, #tpu.memory_space<vmem>>
    %dma_wait3A_1487 = arith.constant 0 : i32
    %dma_wait3A_1488 = arith.constant 0 : i32
    %dma_wait3A_1489 = tpu.memref_slice %arg3[%dma_wait3A_1480, %add3A_1479, %dma_wait3A_1487, %dma_wait3A_1488] : memref<1x512x64x512xf32, #tpu.memory_space<hbm>> -> memref<1x1x64x512xf32, #tpu.memory_space<hbm>>
    %dma_wait3A_1490 = tpu.memref_squeeze %dma_wait3A_1489 : memref<1x1x64x512xf32, #tpu.memory_space<hbm>> -> memref<64x512xf32, #tpu.memory_space<hbm>>
    %dma_wait3A_1491 = tpu.memref_slice %arg7[%dma_wait3A_1482] : memref<3x!tpu.dma_semaphore, #tpu.memory_space<semaphore_mem>> -> memref<1x!tpu.dma_semaphore, #tpu.memory_space<semaphore_mem>>
    %dma_wait3A_1492 = tpu.memref_squeeze %dma_wait3A_1491 : memref<1x!tpu.dma_semaphore, #tpu.memory_space<semaphore_mem>> -> memref<!tpu.dma_semaphore, #tpu.memory_space<semaphore_mem>>
    %dma_wait3A_1493 = arith.constant 0 : i32
    %dma_wait3A_1494 = arith.constant 0 : i32
    %dma_wait3A_1495 = tpu.memref_slice %arg6[%dma_wait3A_1481, %dma_wait3A_1493, %dma_wait3A_1494] : memref<3x64x512xf32, #tpu.memory_space<vmem>> -> memref<1x64x512xf32, #tpu.memory_space<vmem>>
    %dma_wait3A_1496 = tpu.memref_squeeze %dma_wait3A_1495 : memref<1x64x512xf32, #tpu.memory_space<vmem>> -> memref<64x512xf32, #tpu.memory_space<vmem>>
    %dma_wait3A_1497 = arith.constant 0 : i32
    %dma_wait3A_1498 = arith.constant 0 : i32
    %dma_wait3A_1499 = tpu.memref_slice %arg3[%dma_wait3A_1480, %add3A_1479, %dma_wait3A_1497, %dma_wait3A_1498] : memref<1x512x64x512xf32, #tpu.memory_space<hbm>> -> memref<1x1x64x512xf32, #tpu.memory_space<hbm>>
    %dma_wait3A_1500 = tpu.memref_squeeze %dma_wait3A_1499 : memref<1x1x64x512xf32, #tpu.memory_space<hbm>> -> memref<64x512xf32, #tpu.memory_space<hbm>>
    tpu.wait_dma2 semaphore(%dma_wait3A_1492 : memref<!tpu.dma_semaphore, #tpu.memory_space<semaphore_mem>>) src(%dma_wait3A_1500 : memref<64x512xf32, #tpu.memory_space<hbm>>) dst(%dma_wait3A_1496 : memref<64x512xf32, #tpu.memory_space<vmem>>)
    %dma_start3A_1501 = arith.constant 1 : i32
    %dma_start3A_1502 = arith.constant 0 : i32
    %dma_start3A_1503 = arith.constant 1 : i32
    %dma_start3A_1504 = arith.constant 0 : i32
    %dma_start3A_1505 = arith.constant 0 : i32
    %dma_start3A_1506 = tpu.memref_slice %arg6[%dma_start3A_1501, %dma_start3A_1504, %dma_start3A_1505] : memref<3x64x512xf32, #tpu.memory_space<vmem>> -> memref<1x64x512xf32, #tpu.memory_space<vmem>>
    %dma_start3A_1507 = tpu.memref_squeeze %dma_start3A_1506 : memref<1x64x512xf32, #tpu.memory_space<vmem>> -> memref<64x512xf32, #tpu.memory_space<vmem>>
    %dma_start3A_1508 = arith.constant 0 : i32
    %dma_start3A_1509 = arith.constant 0 : i32
    %dma_start3A_1510 = tpu.memref_slice %arg5[%dma_start3A_1502, %add3A_1479, %dma_start3A_1508, %dma_start3A_1509] : memref<1x512x64x512xf32, #tpu.memory_space<hbm>> -> memref<1x1x64x512xf32, #tpu.memory_space<hbm>>
    %dma_start3A_1511 = tpu.memref_squeeze %dma_start3A_1510 : memref<1x1x64x512xf32, #tpu.memory_space<hbm>> -> memref<64x512xf32, #tpu.memory_space<hbm>>
    %dma_start3A_1512 = tpu.memref_slice %arg8[%dma_start3A_1503] : memref<3x!tpu.dma_semaphore, #tpu.memory_space<semaphore_mem>> -> memref<1x!tpu.dma_semaphore, #tpu.memory_space<semaphore_mem>>
    %dma_start3A_1513 = tpu.memref_squeeze %dma_start3A_1512 : memref<1x!tpu.dma_semaphore, #tpu.memory_space<semaphore_mem>> -> memref<!tpu.dma_semaphore, #tpu.memory_space<semaphore_mem>>
    %dma_start3A_1514 = arith.constant 0 : i32
    %dma_start3A_1515 = arith.constant 0 : i32
    %dma_start3A_1516 = tpu.memref_slice %arg5[%dma_start3A_1502, %add3A_1479, %dma_start3A_1514, %dma_start3A_1515] : memref<1x512x64x512xf32, #tpu.memory_space<hbm>> -> memref<1x1x64x512xf32, #tpu.memory_space<hbm>>
    %dma_start3A_1517 = tpu.memref_squeeze %dma_start3A_1516 : memref<1x1x64x512xf32, #tpu.memory_space<hbm>> -> memref<64x512xf32, #tpu.memory_space<hbm>>
    %dma_start3A_1518 = arith.constant 0 : i32
    %dma_start3A_1519 = arith.constant 0 : i32
    %dma_start3A_1520 = tpu.memref_slice %arg6[%dma_start3A_1501, %dma_start3A_1518, %dma_start3A_1519] : memref<3x64x512xf32, #tpu.memory_space<vmem>> -> memref<1x64x512xf32, #tpu.memory_space<vmem>>
    %dma_start3A_1521 = tpu.memref_squeeze %dma_start3A_1520 : memref<1x64x512xf32, #tpu.memory_space<vmem>> -> memref<64x512xf32, #tpu.memory_space<vmem>>
    tpu.enqueue_dma source(%dma_start3A_1521 : memref<64x512xf32, #tpu.memory_space<vmem>>) target(%dma_start3A_1517 : memref<64x512xf32, #tpu.memory_space<hbm>>) target_semaphore(%dma_start3A_1513 : memref<!tpu.dma_semaphore, #tpu.memory_space<semaphore_mem>>)
    %dma_wait3A_1522 = arith.constant 1 : i32
    %dma_wait3A_1523 = arith.constant 0 : i32
    %dma_wait3A_1524 = arith.constant 1 : i32
    %dma_wait3A_1525 = arith.constant 0 : i32
    %dma_wait3A_1526 = arith.constant 0 : i32
    %dma_wait3A_1527 = tpu.memref_slice %arg6[%dma_wait3A_1522, %dma_wait3A_1525, %dma_wait3A_1526] : memref<3x64x512xf32, #tpu.memory_space<vmem>> -> memref<1x64x512xf32, #tpu.memory_space<vmem>>
    %dma_wait3A_1528 = tpu.memref_squeeze %dma_wait3A_1527 : memref<1x64x512xf32, #tpu.memory_space<vmem>> -> memref<64x512xf32, #tpu.memory_space<vmem>>
    %dma_wait3A_1529 = arith.constant 0 : i32
    %dma_wait3A_1530 = arith.constant 0 : i32
    %dma_wait3A_1531 = tpu.memref_slice %arg5[%dma_wait3A_1523, %add3A_1479, %dma_wait3A_1529, %dma_wait3A_1530] : memref<1x512x64x512xf32, #tpu.memory_space<hbm>> -> memref<1x1x64x512xf32, #tpu.memory_space<hbm>>
    %dma_wait3A_1532 = tpu.memref_squeeze %dma_wait3A_1531 : memref<1x1x64x512xf32, #tpu.memory_space<hbm>> -> memref<64x512xf32, #tpu.memory_space<hbm>>
    %dma_wait3A_1533 = tpu.memref_slice %arg8[%dma_wait3A_1524] : memref<3x!tpu.dma_semaphore, #tpu.memory_space<semaphore_mem>> -> memref<1x!tpu.dma_semaphore, #tpu.memory_space<semaphore_mem>>
    %dma_wait3A_1534 = tpu.memref_squeeze %dma_wait3A_1533 : memref<1x!tpu.dma_semaphore, #tpu.memory_space<semaphore_mem>> -> memref<!tpu.dma_semaphore, #tpu.memory_space<semaphore_mem>>
    %dma_wait3A_1535 = arith.constant 0 : i32
    %dma_wait3A_1536 = arith.constant 0 : i32
    %dma_wait3A_1537 = tpu.memref_slice %arg5[%dma_wait3A_1523, %add3A_1479, %dma_wait3A_1535, %dma_wait3A_1536] : memref<1x512x64x512xf32, #tpu.memory_space<hbm>> -> memref<1x1x64x512xf32, #tpu.memory_space<hbm>>
    %dma_wait3A_1538 = tpu.memref_squeeze %dma_wait3A_1537 : memref<1x1x64x512xf32, #tpu.memory_space<hbm>> -> memref<64x512xf32, #tpu.memory_space<hbm>>
    %dma_wait3A_1539 = arith.constant 0 : i32
    %dma_wait3A_1540 = arith.constant 0 : i32
    %dma_wait3A_1541 = tpu.memref_slice %arg6[%dma_wait3A_1522, %dma_wait3A_1539, %dma_wait3A_1540] : memref<3x64x512xf32, #tpu.memory_space<vmem>> -> memref<1x64x512xf32, #tpu.memory_space<vmem>>
    %dma_wait3A_1542 = tpu.memref_squeeze %dma_wait3A_1541 : memref<1x64x512xf32, #tpu.memory_space<vmem>> -> memref<64x512xf32, #tpu.memory_space<vmem>>
    tpu.wait_dma2 semaphore(%dma_wait3A_1534 : memref<!tpu.dma_semaphore, #tpu.memory_space<semaphore_mem>>) src(%dma_wait3A_1542 : memref<64x512xf32, #tpu.memory_space<vmem>>) dst(%dma_wait3A_1538 : memref<64x512xf32, #tpu.memory_space<hbm>>)
    %add3A_1543 = arith.constant 3 : i32
    %add3A_1544 = arith.addi %mul3A_2, %add3A_1543 : i32
    %dma_start3A_1545 = arith.constant 0 : i32
    %dma_start3A_1546 = arith.constant 1 : i32
    %dma_start3A_1547 = arith.constant 1 : i32
    %dma_start3A_1548 = arith.constant 0 : i32
    %dma_start3A_1549 = arith.constant 0 : i32
    %dma_start3A_1550 = tpu.memref_slice %arg6[%dma_start3A_1546, %dma_start3A_1548, %dma_start3A_1549] : memref<3x64x512xf32, #tpu.memory_space<vmem>> -> memref<1x64x512xf32, #tpu.memory_space<vmem>>
    %dma_start3A_1551 = tpu.memref_squeeze %dma_start3A_1550 : memref<1x64x512xf32, #tpu.memory_space<vmem>> -> memref<64x512xf32, #tpu.memory_space<vmem>>
    %dma_start3A_1552 = arith.constant 0 : i32
    %dma_start3A_1553 = arith.constant 0 : i32
    %dma_start3A_1554 = tpu.memref_slice %arg3[%dma_start3A_1545, %add3A_1544, %dma_start3A_1552, %dma_start3A_1553] : memref<1x512x64x512xf32, #tpu.memory_space<hbm>> -> memref<1x1x64x512xf32, #tpu.memory_space<hbm>>
    %dma_start3A_1555 = tpu.memref_squeeze %dma_start3A_1554 : memref<1x1x64x512xf32, #tpu.memory_space<hbm>> -> memref<64x512xf32, #tpu.memory_space<hbm>>
    %dma_start3A_1556 = tpu.memref_slice %arg7[%dma_start3A_1547] : memref<3x!tpu.dma_semaphore, #tpu.memory_space<semaphore_mem>> -> memref<1x!tpu.dma_semaphore, #tpu.memory_space<semaphore_mem>>
    %dma_start3A_1557 = tpu.memref_squeeze %dma_start3A_1556 : memref<1x!tpu.dma_semaphore, #tpu.memory_space<semaphore_mem>> -> memref<!tpu.dma_semaphore, #tpu.memory_space<semaphore_mem>>
    %dma_start3A_1558 = arith.constant 0 : i32
    %dma_start3A_1559 = arith.constant 0 : i32
    %dma_start3A_1560 = tpu.memref_slice %arg6[%dma_start3A_1546, %dma_start3A_1558, %dma_start3A_1559] : memref<3x64x512xf32, #tpu.memory_space<vmem>> -> memref<1x64x512xf32, #tpu.memory_space<vmem>>
    %dma_start3A_1561 = tpu.memref_squeeze %dma_start3A_1560 : memref<1x64x512xf32, #tpu.memory_space<vmem>> -> memref<64x512xf32, #tpu.memory_space<vmem>>
    %dma_start3A_1562 = arith.constant 0 : i32
    %dma_start3A_1563 = arith.constant 0 : i32
    %dma_start3A_1564 = tpu.memref_slice %arg3[%dma_start3A_1545, %add3A_1544, %dma_start3A_1562, %dma_start3A_1563] : memref<1x512x64x512xf32, #tpu.memory_space<hbm>> -> memref<1x1x64x512xf32, #tpu.memory_space<hbm>>
    %dma_start3A_1565 = tpu.memref_squeeze %dma_start3A_1564 : memref<1x1x64x512xf32, #tpu.memory_space<hbm>> -> memref<64x512xf32, #tpu.memory_space<hbm>>
    tpu.enqueue_dma source(%dma_start3A_1565 : memref<64x512xf32, #tpu.memory_space<hbm>>) target(%dma_start3A_1561 : memref<64x512xf32, #tpu.memory_space<vmem>>) target_semaphore(%dma_start3A_1557 : memref<!tpu.dma_semaphore, #tpu.memory_space<semaphore_mem>>)
    %add3A_1566 = arith.constant 1 : i32
    %add3A_1567 = arith.addi %mul3A_2, %add3A_1566 : i32
    %dma_wait3A_1568 = arith.constant 0 : i32
    %dma_wait3A_1569 = arith.constant 2 : i32
    %dma_wait3A_1570 = arith.constant 2 : i32
    %dma_wait3A_1571 = arith.constant 0 : i32
    %dma_wait3A_1572 = arith.constant 0 : i32
    %dma_wait3A_1573 = tpu.memref_slice %arg6[%dma_wait3A_1569, %dma_wait3A_1571, %dma_wait3A_1572] : memref<3x64x512xf32, #tpu.memory_space<vmem>> -> memref<1x64x512xf32, #tpu.memory_space<vmem>>
    %dma_wait3A_1574 = tpu.memref_squeeze %dma_wait3A_1573 : memref<1x64x512xf32, #tpu.memory_space<vmem>> -> memref<64x512xf32, #tpu.memory_space<vmem>>
    %dma_wait3A_1575 = arith.constant 0 : i32
    %dma_wait3A_1576 = arith.constant 0 : i32
    %dma_wait3A_1577 = tpu.memref_slice %arg3[%dma_wait3A_1568, %add3A_1567, %dma_wait3A_1575, %dma_wait3A_1576] : memref<1x512x64x512xf32, #tpu.memory_space<hbm>> -> memref<1x1x64x512xf32, #tpu.memory_space<hbm>>
    %dma_wait3A_1578 = tpu.memref_squeeze %dma_wait3A_1577 : memref<1x1x64x512xf32, #tpu.memory_space<hbm>> -> memref<64x512xf32, #tpu.memory_space<hbm>>
    %dma_wait3A_1579 = tpu.memref_slice %arg7[%dma_wait3A_1570] : memref<3x!tpu.dma_semaphore, #tpu.memory_space<semaphore_mem>> -> memref<1x!tpu.dma_semaphore, #tpu.memory_space<semaphore_mem>>
    %dma_wait3A_1580 = tpu.memref_squeeze %dma_wait3A_1579 : memref<1x!tpu.dma_semaphore, #tpu.memory_space<semaphore_mem>> -> memref<!tpu.dma_semaphore, #tpu.memory_space<semaphore_mem>>
    %dma_wait3A_1581 = arith.constant 0 : i32
    %dma_wait3A_1582 = arith.constant 0 : i32
    %dma_wait3A_1583 = tpu.memref_slice %arg6[%dma_wait3A_1569, %dma_wait3A_1581, %dma_wait3A_1582] : memref<3x64x512xf32, #tpu.memory_space<vmem>> -> memref<1x64x512xf32, #tpu.memory_space<vmem>>
    %dma_wait3A_1584 = tpu.memref_squeeze %dma_wait3A_1583 : memref<1x64x512xf32, #tpu.memory_space<vmem>> -> memref<64x512xf32, #tpu.memory_space<vmem>>
    %dma_wait3A_1585 = arith.constant 0 : i32
    %dma_wait3A_1586 = arith.constant 0 : i32
    %dma_wait3A_1587 = tpu.memref_slice %arg3[%dma_wait3A_1568, %add3A_1567, %dma_wait3A_1585, %dma_wait3A_1586] : memref<1x512x64x512xf32, #tpu.memory_space<hbm>> -> memref<1x1x64x512xf32, #tpu.memory_space<hbm>>
    %dma_wait3A_1588 = tpu.memref_squeeze %dma_wait3A_1587 : memref<1x1x64x512xf32, #tpu.memory_space<hbm>> -> memref<64x512xf32, #tpu.memory_space<hbm>>
    tpu.wait_dma2 semaphore(%dma_wait3A_1580 : memref<!tpu.dma_semaphore, #tpu.memory_space<semaphore_mem>>) src(%dma_wait3A_1588 : memref<64x512xf32, #tpu.memory_space<hbm>>) dst(%dma_wait3A_1584 : memref<64x512xf32, #tpu.memory_space<vmem>>)
    %dma_start3A_1589 = arith.constant 2 : i32
    %dma_start3A_1590 = arith.constant 0 : i32
    %dma_start3A_1591 = arith.constant 2 : i32
    %dma_start3A_1592 = arith.constant 0 : i32
    %dma_start3A_1593 = arith.constant 0 : i32
    %dma_start3A_1594 = tpu.memref_slice %arg6[%dma_start3A_1589, %dma_start3A_1592, %dma_start3A_1593] : memref<3x64x512xf32, #tpu.memory_space<vmem>> -> memref<1x64x512xf32, #tpu.memory_space<vmem>>
    %dma_start3A_1595 = tpu.memref_squeeze %dma_start3A_1594 : memref<1x64x512xf32, #tpu.memory_space<vmem>> -> memref<64x512xf32, #tpu.memory_space<vmem>>
    %dma_start3A_1596 = arith.constant 0 : i32
    %dma_start3A_1597 = arith.constant 0 : i32
    %dma_start3A_1598 = tpu.memref_slice %arg5[%dma_start3A_1590, %add3A_1567, %dma_start3A_1596, %dma_start3A_1597] : memref<1x512x64x512xf32, #tpu.memory_space<hbm>> -> memref<1x1x64x512xf32, #tpu.memory_space<hbm>>
    %dma_start3A_1599 = tpu.memref_squeeze %dma_start3A_1598 : memref<1x1x64x512xf32, #tpu.memory_space<hbm>> -> memref<64x512xf32, #tpu.memory_space<hbm>>
    %dma_start3A_1600 = tpu.memref_slice %arg8[%dma_start3A_1591] : memref<3x!tpu.dma_semaphore, #tpu.memory_space<semaphore_mem>> -> memref<1x!tpu.dma_semaphore, #tpu.memory_space<semaphore_mem>>
    %dma_start3A_1601 = tpu.memref_squeeze %dma_start3A_1600 : memref<1x!tpu.dma_semaphore, #tpu.memory_space<semaphore_mem>> -> memref<!tpu.dma_semaphore, #tpu.memory_space<semaphore_mem>>
    %dma_start3A_1602 = arith.constant 0 : i32
    %dma_start3A_1603 = arith.constant 0 : i32
    %dma_start3A_1604 = tpu.memref_slice %arg5[%dma_start3A_1590, %add3A_1567, %dma_start3A_1602, %dma_start3A_1603] : memref<1x512x64x512xf32, #tpu.memory_space<hbm>> -> memref<1x1x64x512xf32, #tpu.memory_space<hbm>>
    %dma_start3A_1605 = tpu.memref_squeeze %dma_start3A_1604 : memref<1x1x64x512xf32, #tpu.memory_space<hbm>> -> memref<64x512xf32, #tpu.memory_space<hbm>>
    %dma_start3A_1606 = arith.constant 0 : i32
    %dma_start3A_1607 = arith.constant 0 : i32
    %dma_start3A_1608 = tpu.memref_slice %arg6[%dma_start3A_1589, %dma_start3A_1606, %dma_start3A_1607] : memref<3x64x512xf32, #tpu.memory_space<vmem>> -> memref<1x64x512xf32, #tpu.memory_space<vmem>>
    %dma_start3A_1609 = tpu.memref_squeeze %dma_start3A_1608 : memref<1x64x512xf32, #tpu.memory_space<vmem>> -> memref<64x512xf32, #tpu.memory_space<vmem>>
    tpu.enqueue_dma source(%dma_start3A_1609 : memref<64x512xf32, #tpu.memory_space<vmem>>) target(%dma_start3A_1605 : memref<64x512xf32, #tpu.memory_space<hbm>>) target_semaphore(%dma_start3A_1601 : memref<!tpu.dma_semaphore, #tpu.memory_space<semaphore_mem>>)
    %dma_wait3A_1610 = arith.constant 2 : i32
    %dma_wait3A_1611 = arith.constant 0 : i32
    %dma_wait3A_1612 = arith.constant 2 : i32
    %dma_wait3A_1613 = arith.constant 0 : i32
    %dma_wait3A_1614 = arith.constant 0 : i32
    %dma_wait3A_1615 = tpu.memref_slice %arg6[%dma_wait3A_1610, %dma_wait3A_1613, %dma_wait3A_1614] : memref<3x64x512xf32, #tpu.memory_space<vmem>> -> memref<1x64x512xf32, #tpu.memory_space<vmem>>
    %dma_wait3A_1616 = tpu.memref_squeeze %dma_wait3A_1615 : memref<1x64x512xf32, #tpu.memory_space<vmem>> -> memref<64x512xf32, #tpu.memory_space<vmem>>
    %dma_wait3A_1617 = arith.constant 0 : i32
    %dma_wait3A_1618 = arith.constant 0 : i32
    %dma_wait3A_1619 = tpu.memref_slice %arg5[%dma_wait3A_1611, %add3A_1567, %dma_wait3A_1617, %dma_wait3A_1618] : memref<1x512x64x512xf32, #tpu.memory_space<hbm>> -> memref<1x1x64x512xf32, #tpu.memory_space<hbm>>
    %dma_wait3A_1620 = tpu.memref_squeeze %dma_wait3A_1619 : memref<1x1x64x512xf32, #tpu.memory_space<hbm>> -> memref<64x512xf32, #tpu.memory_space<hbm>>
    %dma_wait3A_1621 = tpu.memref_slice %arg8[%dma_wait3A_1612] : memref<3x!tpu.dma_semaphore, #tpu.memory_space<semaphore_mem>> -> memref<1x!tpu.dma_semaphore, #tpu.memory_space<semaphore_mem>>
    %dma_wait3A_1622 = tpu.memref_squeeze %dma_wait3A_1621 : memref<1x!tpu.dma_semaphore, #tpu.memory_space<semaphore_mem>> -> memref<!tpu.dma_semaphore, #tpu.memory_space<semaphore_mem>>
    %dma_wait3A_1623 = arith.constant 0 : i32
    %dma_wait3A_1624 = arith.constant 0 : i32
    %dma_wait3A_1625 = tpu.memref_slice %arg5[%dma_wait3A_1611, %add3A_1567, %dma_wait3A_1623, %dma_wait3A_1624] : memref<1x512x64x512xf32, #tpu.memory_space<hbm>> -> memref<1x1x64x512xf32, #tpu.memory_space<hbm>>
    %dma_wait3A_1626 = tpu.memref_squeeze %dma_wait3A_1625 : memref<1x1x64x512xf32, #tpu.memory_space<hbm>> -> memref<64x512xf32, #tpu.memory_space<hbm>>
    %dma_wait3A_1627 = arith.constant 0 : i32
    %dma_wait3A_1628 = arith.constant 0 : i32
    %dma_wait3A_1629 = tpu.memref_slice %arg6[%dma_wait3A_1610, %dma_wait3A_1627, %dma_wait3A_1628] : memref<3x64x512xf32, #tpu.memory_space<vmem>> -> memref<1x64x512xf32, #tpu.memory_space<vmem>>
    %dma_wait3A_1630 = tpu.memref_squeeze %dma_wait3A_1629 : memref<1x64x512xf32, #tpu.memory_space<vmem>> -> memref<64x512xf32, #tpu.memory_space<vmem>>
    tpu.wait_dma2 semaphore(%dma_wait3A_1622 : memref<!tpu.dma_semaphore, #tpu.memory_space<semaphore_mem>>) src(%dma_wait3A_1630 : memref<64x512xf32, #tpu.memory_space<vmem>>) dst(%dma_wait3A_1626 : memref<64x512xf32, #tpu.memory_space<hbm>>)
    %add3A_1631 = arith.constant 4 : i32
    %add3A_1632 = arith.addi %mul3A_2, %add3A_1631 : i32
    %dma_start3A_1633 = arith.constant 0 : i32
    %dma_start3A_1634 = arith.constant 2 : i32
    %dma_start3A_1635 = arith.constant 2 : i32
    %dma_start3A_1636 = arith.constant 0 : i32
    %dma_start3A_1637 = arith.constant 0 : i32
    %dma_start3A_1638 = tpu.memref_slice %arg6[%dma_start3A_1634, %dma_start3A_1636, %dma_start3A_1637] : memref<3x64x512xf32, #tpu.memory_space<vmem>> -> memref<1x64x512xf32, #tpu.memory_space<vmem>>
    %dma_start3A_1639 = tpu.memref_squeeze %dma_start3A_1638 : memref<1x64x512xf32, #tpu.memory_space<vmem>> -> memref<64x512xf32, #tpu.memory_space<vmem>>
    %dma_start3A_1640 = arith.constant 0 : i32
    %dma_start3A_1641 = arith.constant 0 : i32
    %dma_start3A_1642 = tpu.memref_slice %arg3[%dma_start3A_1633, %add3A_1632, %dma_start3A_1640, %dma_start3A_1641] : memref<1x512x64x512xf32, #tpu.memory_space<hbm>> -> memref<1x1x64x512xf32, #tpu.memory_space<hbm>>
    %dma_start3A_1643 = tpu.memref_squeeze %dma_start3A_1642 : memref<1x1x64x512xf32, #tpu.memory_space<hbm>> -> memref<64x512xf32, #tpu.memory_space<hbm>>
    %dma_start3A_1644 = tpu.memref_slice %arg7[%dma_start3A_1635] : memref<3x!tpu.dma_semaphore, #tpu.memory_space<semaphore_mem>> -> memref<1x!tpu.dma_semaphore, #tpu.memory_space<semaphore_mem>>
    %dma_start3A_1645 = tpu.memref_squeeze %dma_start3A_1644 : memref<1x!tpu.dma_semaphore, #tpu.memory_space<semaphore_mem>> -> memref<!tpu.dma_semaphore, #tpu.memory_space<semaphore_mem>>
    %dma_start3A_1646 = arith.constant 0 : i32
    %dma_start3A_1647 = arith.constant 0 : i32
    %dma_start3A_1648 = tpu.memref_slice %arg6[%dma_start3A_1634, %dma_start3A_1646, %dma_start3A_1647] : memref<3x64x512xf32, #tpu.memory_space<vmem>> -> memref<1x64x512xf32, #tpu.memory_space<vmem>>
    %dma_start3A_1649 = tpu.memref_squeeze %dma_start3A_1648 : memref<1x64x512xf32, #tpu.memory_space<vmem>> -> memref<64x512xf32, #tpu.memory_space<vmem>>
    %dma_start3A_1650 = arith.constant 0 : i32
    %dma_start3A_1651 = arith.constant 0 : i32
    %dma_start3A_1652 = tpu.memref_slice %arg3[%dma_start3A_1633, %add3A_1632, %dma_start3A_1650, %dma_start3A_1651] : memref<1x512x64x512xf32, #tpu.memory_space<hbm>> -> memref<1x1x64x512xf32, #tpu.memory_space<hbm>>
    %dma_start3A_1653 = tpu.memref_squeeze %dma_start3A_1652 : memref<1x1x64x512xf32, #tpu.memory_space<hbm>> -> memref<64x512xf32, #tpu.memory_space<hbm>>
    tpu.enqueue_dma source(%dma_start3A_1653 : memref<64x512xf32, #tpu.memory_space<hbm>>) target(%dma_start3A_1649 : memref<64x512xf32, #tpu.memory_space<vmem>>) target_semaphore(%dma_start3A_1645 : memref<!tpu.dma_semaphore, #tpu.memory_space<semaphore_mem>>)
    %add3A_1654 = arith.constant 2 : i32
    %add3A_1655 = arith.addi %mul3A_2, %add3A_1654 : i32
    %dma_wait3A_1656 = arith.constant 0 : i32
    %dma_wait3A_1657 = arith.constant 0 : i32
    %dma_wait3A_1658 = arith.constant 0 : i32
    %dma_wait3A_1659 = arith.constant 0 : i32
    %dma_wait3A_1660 = arith.constant 0 : i32
    %dma_wait3A_1661 = tpu.memref_slice %arg6[%dma_wait3A_1657, %dma_wait3A_1659, %dma_wait3A_1660] : memref<3x64x512xf32, #tpu.memory_space<vmem>> -> memref<1x64x512xf32, #tpu.memory_space<vmem>>
    %dma_wait3A_1662 = tpu.memref_squeeze %dma_wait3A_1661 : memref<1x64x512xf32, #tpu.memory_space<vmem>> -> memref<64x512xf32, #tpu.memory_space<vmem>>
    %dma_wait3A_1663 = arith.constant 0 : i32
    %dma_wait3A_1664 = arith.constant 0 : i32
    %dma_wait3A_1665 = tpu.memref_slice %arg3[%dma_wait3A_1656, %add3A_1655, %dma_wait3A_1663, %dma_wait3A_1664] : memref<1x512x64x512xf32, #tpu.memory_space<hbm>> -> memref<1x1x64x512xf32, #tpu.memory_space<hbm>>
    %dma_wait3A_1666 = tpu.memref_squeeze %dma_wait3A_1665 : memref<1x1x64x512xf32, #tpu.memory_space<hbm>> -> memref<64x512xf32, #tpu.memory_space<hbm>>
    %dma_wait3A_1667 = tpu.memref_slice %arg7[%dma_wait3A_1658] : memref<3x!tpu.dma_semaphore, #tpu.memory_space<semaphore_mem>> -> memref<1x!tpu.dma_semaphore, #tpu.memory_space<semaphore_mem>>
    %dma_wait3A_1668 = tpu.memref_squeeze %dma_wait3A_1667 : memref<1x!tpu.dma_semaphore, #tpu.memory_space<semaphore_mem>> -> memref<!tpu.dma_semaphore, #tpu.memory_space<semaphore_mem>>
    %dma_wait3A_1669 = arith.constant 0 : i32
    %dma_wait3A_1670 = arith.constant 0 : i32
    %dma_wait3A_1671 = tpu.memref_slice %arg6[%dma_wait3A_1657, %dma_wait3A_1669, %dma_wait3A_1670] : memref<3x64x512xf32, #tpu.memory_space<vmem>> -> memref<1x64x512xf32, #tpu.memory_space<vmem>>
    %dma_wait3A_1672 = tpu.memref_squeeze %dma_wait3A_1671 : memref<1x64x512xf32, #tpu.memory_space<vmem>> -> memref<64x512xf32, #tpu.memory_space<vmem>>
    %dma_wait3A_1673 = arith.constant 0 : i32
    %dma_wait3A_1674 = arith.constant 0 : i32
    %dma_wait3A_1675 = tpu.memref_slice %arg3[%dma_wait3A_1656, %add3A_1655, %dma_wait3A_1673, %dma_wait3A_1674] : memref<1x512x64x512xf32, #tpu.memory_space<hbm>> -> memref<1x1x64x512xf32, #tpu.memory_space<hbm>>
    %dma_wait3A_1676 = tpu.memref_squeeze %dma_wait3A_1675 : memref<1x1x64x512xf32, #tpu.memory_space<hbm>> -> memref<64x512xf32, #tpu.memory_space<hbm>>
    tpu.wait_dma2 semaphore(%dma_wait3A_1668 : memref<!tpu.dma_semaphore, #tpu.memory_space<semaphore_mem>>) src(%dma_wait3A_1676 : memref<64x512xf32, #tpu.memory_space<hbm>>) dst(%dma_wait3A_1672 : memref<64x512xf32, #tpu.memory_space<vmem>>)
    %dma_start3A_1677 = arith.constant 0 : i32
    %dma_start3A_1678 = arith.constant 0 : i32
    %dma_start3A_1679 = arith.constant 0 : i32
    %dma_start3A_1680 = arith.constant 0 : i32
    %dma_start3A_1681 = arith.constant 0 : i32
    %dma_start3A_1682 = tpu.memref_slice %arg6[%dma_start3A_1677, %dma_start3A_1680, %dma_start3A_1681] : memref<3x64x512xf32, #tpu.memory_space<vmem>> -> memref<1x64x512xf32, #tpu.memory_space<vmem>>
    %dma_start3A_1683 = tpu.memref_squeeze %dma_start3A_1682 : memref<1x64x512xf32, #tpu.memory_space<vmem>> -> memref<64x512xf32, #tpu.memory_space<vmem>>
    %dma_start3A_1684 = arith.constant 0 : i32
    %dma_start3A_1685 = arith.constant 0 : i32
    %dma_start3A_1686 = tpu.memref_slice %arg5[%dma_start3A_1678, %add3A_1655, %dma_start3A_1684, %dma_start3A_1685] : memref<1x512x64x512xf32, #tpu.memory_space<hbm>> -> memref<1x1x64x512xf32, #tpu.memory_space<hbm>>
    %dma_start3A_1687 = tpu.memref_squeeze %dma_start3A_1686 : memref<1x1x64x512xf32, #tpu.memory_space<hbm>> -> memref<64x512xf32, #tpu.memory_space<hbm>>
    %dma_start3A_1688 = tpu.memref_slice %arg8[%dma_start3A_1679] : memref<3x!tpu.dma_semaphore, #tpu.memory_space<semaphore_mem>> -> memref<1x!tpu.dma_semaphore, #tpu.memory_space<semaphore_mem>>
    %dma_start3A_1689 = tpu.memref_squeeze %dma_start3A_1688 : memref<1x!tpu.dma_semaphore, #tpu.memory_space<semaphore_mem>> -> memref<!tpu.dma_semaphore, #tpu.memory_space<semaphore_mem>>
    %dma_start3A_1690 = arith.constant 0 : i32
    %dma_start3A_1691 = arith.constant 0 : i32
    %dma_start3A_1692 = tpu.memref_slice %arg5[%dma_start3A_1678, %add3A_1655, %dma_start3A_1690, %dma_start3A_1691] : memref<1x512x64x512xf32, #tpu.memory_space<hbm>> -> memref<1x1x64x512xf32, #tpu.memory_space<hbm>>
    %dma_start3A_1693 = tpu.memref_squeeze %dma_start3A_1692 : memref<1x1x64x512xf32, #tpu.memory_space<hbm>> -> memref<64x512xf32, #tpu.memory_space<hbm>>
    %dma_start3A_1694 = arith.constant 0 : i32
    %dma_start3A_1695 = arith.constant 0 : i32
    %dma_start3A_1696 = tpu.memref_slice %arg6[%dma_start3A_1677, %dma_start3A_1694, %dma_start3A_1695] : memref<3x64x512xf32, #tpu.memory_space<vmem>> -> memref<1x64x512xf32, #tpu.memory_space<vmem>>
    %dma_start3A_1697 = tpu.memref_squeeze %dma_start3A_1696 : memref<1x64x512xf32, #tpu.memory_space<vmem>> -> memref<64x512xf32, #tpu.memory_space<vmem>>
    tpu.enqueue_dma source(%dma_start3A_1697 : memref<64x512xf32, #tpu.memory_space<vmem>>) target(%dma_start3A_1693 : memref<64x512xf32, #tpu.memory_space<hbm>>) target_semaphore(%dma_start3A_1689 : memref<!tpu.dma_semaphore, #tpu.memory_space<semaphore_mem>>)
    %dma_wait3A_1698 = arith.constant 0 : i32
    %dma_wait3A_1699 = arith.constant 0 : i32
    %dma_wait3A_1700 = arith.constant 0 : i32
    %dma_wait3A_1701 = arith.constant 0 : i32
    %dma_wait3A_1702 = arith.constant 0 : i32
    %dma_wait3A_1703 = tpu.memref_slice %arg6[%dma_wait3A_1698, %dma_wait3A_1701, %dma_wait3A_1702] : memref<3x64x512xf32, #tpu.memory_space<vmem>> -> memref<1x64x512xf32, #tpu.memory_space<vmem>>
    %dma_wait3A_1704 = tpu.memref_squeeze %dma_wait3A_1703 : memref<1x64x512xf32, #tpu.memory_space<vmem>> -> memref<64x512xf32, #tpu.memory_space<vmem>>
    %dma_wait3A_1705 = arith.constant 0 : i32
    %dma_wait3A_1706 = arith.constant 0 : i32
    %dma_wait3A_1707 = tpu.memref_slice %arg5[%dma_wait3A_1699, %add3A_1655, %dma_wait3A_1705, %dma_wait3A_1706] : memref<1x512x64x512xf32, #tpu.memory_space<hbm>> -> memref<1x1x64x512xf32, #tpu.memory_space<hbm>>
    %dma_wait3A_1708 = tpu.memref_squeeze %dma_wait3A_1707 : memref<1x1x64x512xf32, #tpu.memory_space<hbm>> -> memref<64x512xf32, #tpu.memory_space<hbm>>
    %dma_wait3A_1709 = tpu.memref_slice %arg8[%dma_wait3A_1700] : memref<3x!tpu.dma_semaphore, #tpu.memory_space<semaphore_mem>> -> memref<1x!tpu.dma_semaphore, #tpu.memory_space<semaphore_mem>>
    %dma_wait3A_1710 = tpu.memref_squeeze %dma_wait3A_1709 : memref<1x!tpu.dma_semaphore, #tpu.memory_space<semaphore_mem>> -> memref<!tpu.dma_semaphore, #tpu.memory_space<semaphore_mem>>
    %dma_wait3A_1711 = arith.constant 0 : i32
    %dma_wait3A_1712 = arith.constant 0 : i32
    %dma_wait3A_1713 = tpu.memref_slice %arg5[%dma_wait3A_1699, %add3A_1655, %dma_wait3A_1711, %dma_wait3A_1712] : memref<1x512x64x512xf32, #tpu.memory_space<hbm>> -> memref<1x1x64x512xf32, #tpu.memory_space<hbm>>
    %dma_wait3A_1714 = tpu.memref_squeeze %dma_wait3A_1713 : memref<1x1x64x512xf32, #tpu.memory_space<hbm>> -> memref<64x512xf32, #tpu.memory_space<hbm>>
    %dma_wait3A_1715 = arith.constant 0 : i32
    %dma_wait3A_1716 = arith.constant 0 : i32
    %dma_wait3A_1717 = tpu.memref_slice %arg6[%dma_wait3A_1698, %dma_wait3A_1715, %dma_wait3A_1716] : memref<3x64x512xf32, #tpu.memory_space<vmem>> -> memref<1x64x512xf32, #tpu.memory_space<vmem>>
    %dma_wait3A_1718 = tpu.memref_squeeze %dma_wait3A_1717 : memref<1x64x512xf32, #tpu.memory_space<vmem>> -> memref<64x512xf32, #tpu.memory_space<vmem>>
    tpu.wait_dma2 semaphore(%dma_wait3A_1710 : memref<!tpu.dma_semaphore, #tpu.memory_space<semaphore_mem>>) src(%dma_wait3A_1718 : memref<64x512xf32, #tpu.memory_space<vmem>>) dst(%dma_wait3A_1714 : memref<64x512xf32, #tpu.memory_space<hbm>>)
    %add3A_1719 = arith.constant 5 : i32
    %add3A_1720 = arith.addi %mul3A_2, %add3A_1719 : i32
    %dma_start3A_1721 = arith.constant 0 : i32
    %dma_start3A_1722 = arith.constant 0 : i32
    %dma_start3A_1723 = arith.constant 0 : i32
    %dma_start3A_1724 = arith.constant 0 : i32
    %dma_start3A_1725 = arith.constant 0 : i32
    %dma_start3A_1726 = tpu.memref_slice %arg6[%dma_start3A_1722, %dma_start3A_1724, %dma_start3A_1725] : memref<3x64x512xf32, #tpu.memory_space<vmem>> -> memref<1x64x512xf32, #tpu.memory_space<vmem>>
    %dma_start3A_1727 = tpu.memref_squeeze %dma_start3A_1726 : memref<1x64x512xf32, #tpu.memory_space<vmem>> -> memref<64x512xf32, #tpu.memory_space<vmem>>
    %dma_start3A_1728 = arith.constant 0 : i32
    %dma_start3A_1729 = arith.constant 0 : i32
    %dma_start3A_1730 = tpu.memref_slice %arg3[%dma_start3A_1721, %add3A_1720, %dma_start3A_1728, %dma_start3A_1729] : memref<1x512x64x512xf32, #tpu.memory_space<hbm>> -> memref<1x1x64x512xf32, #tpu.memory_space<hbm>>
    %dma_start3A_1731 = tpu.memref_squeeze %dma_start3A_1730 : memref<1x1x64x512xf32, #tpu.memory_space<hbm>> -> memref<64x512xf32, #tpu.memory_space<hbm>>
    %dma_start3A_1732 = tpu.memref_slice %arg7[%dma_start3A_1723] : memref<3x!tpu.dma_semaphore, #tpu.memory_space<semaphore_mem>> -> memref<1x!tpu.dma_semaphore, #tpu.memory_space<semaphore_mem>>
    %dma_start3A_1733 = tpu.memref_squeeze %dma_start3A_1732 : memref<1x!tpu.dma_semaphore, #tpu.memory_space<semaphore_mem>> -> memref<!tpu.dma_semaphore, #tpu.memory_space<semaphore_mem>>
    %dma_start3A_1734 = arith.constant 0 : i32
    %dma_start3A_1735 = arith.constant 0 : i32
    %dma_start3A_1736 = tpu.memref_slice %arg6[%dma_start3A_1722, %dma_start3A_1734, %dma_start3A_1735] : memref<3x64x512xf32, #tpu.memory_space<vmem>> -> memref<1x64x512xf32, #tpu.memory_space<vmem>>
    %dma_start3A_1737 = tpu.memref_squeeze %dma_start3A_1736 : memref<1x64x512xf32, #tpu.memory_space<vmem>> -> memref<64x512xf32, #tpu.memory_space<vmem>>
    %dma_start3A_1738 = arith.constant 0 : i32
    %dma_start3A_1739 = arith.constant 0 : i32
    %dma_start3A_1740 = tpu.memref_slice %arg3[%dma_start3A_1721, %add3A_1720, %dma_start3A_1738, %dma_start3A_1739] : memref<1x512x64x512xf32, #tpu.memory_space<hbm>> -> memref<1x1x64x512xf32, #tpu.memory_space<hbm>>
    %dma_start3A_1741 = tpu.memref_squeeze %dma_start3A_1740 : memref<1x1x64x512xf32, #tpu.memory_space<hbm>> -> memref<64x512xf32, #tpu.memory_space<hbm>>
    tpu.enqueue_dma source(%dma_start3A_1741 : memref<64x512xf32, #tpu.memory_space<hbm>>) target(%dma_start3A_1737 : memref<64x512xf32, #tpu.memory_space<vmem>>) target_semaphore(%dma_start3A_1733 : memref<!tpu.dma_semaphore, #tpu.memory_space<semaphore_mem>>)
    %add3A_1742 = arith.constant 3 : i32
    %add3A_1743 = arith.addi %mul3A_2, %add3A_1742 : i32
    %dma_wait3A_1744 = arith.constant 0 : i32
    %dma_wait3A_1745 = arith.constant 1 : i32
    %dma_wait3A_1746 = arith.constant 1 : i32
    %dma_wait3A_1747 = arith.constant 0 : i32
    %dma_wait3A_1748 = arith.constant 0 : i32
    %dma_wait3A_1749 = tpu.memref_slice %arg6[%dma_wait3A_1745, %dma_wait3A_1747, %dma_wait3A_1748] : memref<3x64x512xf32, #tpu.memory_space<vmem>> -> memref<1x64x512xf32, #tpu.memory_space<vmem>>
    %dma_wait3A_1750 = tpu.memref_squeeze %dma_wait3A_1749 : memref<1x64x512xf32, #tpu.memory_space<vmem>> -> memref<64x512xf32, #tpu.memory_space<vmem>>
    %dma_wait3A_1751 = arith.constant 0 : i32
    %dma_wait3A_1752 = arith.constant 0 : i32
    %dma_wait3A_1753 = tpu.memref_slice %arg3[%dma_wait3A_1744, %add3A_1743, %dma_wait3A_1751, %dma_wait3A_1752] : memref<1x512x64x512xf32, #tpu.memory_space<hbm>> -> memref<1x1x64x512xf32, #tpu.memory_space<hbm>>
    %dma_wait3A_1754 = tpu.memref_squeeze %dma_wait3A_1753 : memref<1x1x64x512xf32, #tpu.memory_space<hbm>> -> memref<64x512xf32, #tpu.memory_space<hbm>>
    %dma_wait3A_1755 = tpu.memref_slice %arg7[%dma_wait3A_1746] : memref<3x!tpu.dma_semaphore, #tpu.memory_space<semaphore_mem>> -> memref<1x!tpu.dma_semaphore, #tpu.memory_space<semaphore_mem>>
    %dma_wait3A_1756 = tpu.memref_squeeze %dma_wait3A_1755 : memref<1x!tpu.dma_semaphore, #tpu.memory_space<semaphore_mem>> -> memref<!tpu.dma_semaphore, #tpu.memory_space<semaphore_mem>>
    %dma_wait3A_1757 = arith.constant 0 : i32
    %dma_wait3A_1758 = arith.constant 0 : i32
    %dma_wait3A_1759 = tpu.memref_slice %arg6[%dma_wait3A_1745, %dma_wait3A_1757, %dma_wait3A_1758] : memref<3x64x512xf32, #tpu.memory_space<vmem>> -> memref<1x64x512xf32, #tpu.memory_space<vmem>>
    %dma_wait3A_1760 = tpu.memref_squeeze %dma_wait3A_1759 : memref<1x64x512xf32, #tpu.memory_space<vmem>> -> memref<64x512xf32, #tpu.memory_space<vmem>>
    %dma_wait3A_1761 = arith.constant 0 : i32
    %dma_wait3A_1762 = arith.constant 0 : i32
    %dma_wait3A_1763 = tpu.memref_slice %arg3[%dma_wait3A_1744, %add3A_1743, %dma_wait3A_1761, %dma_wait3A_1762] : memref<1x512x64x512xf32, #tpu.memory_space<hbm>> -> memref<1x1x64x512xf32, #tpu.memory_space<hbm>>
    %dma_wait3A_1764 = tpu.memref_squeeze %dma_wait3A_1763 : memref<1x1x64x512xf32, #tpu.memory_space<hbm>> -> memref<64x512xf32, #tpu.memory_space<hbm>>
    tpu.wait_dma2 semaphore(%dma_wait3A_1756 : memref<!tpu.dma_semaphore, #tpu.memory_space<semaphore_mem>>) src(%dma_wait3A_1764 : memref<64x512xf32, #tpu.memory_space<hbm>>) dst(%dma_wait3A_1760 : memref<64x512xf32, #tpu.memory_space<vmem>>)
    %dma_start3A_1765 = arith.constant 1 : i32
    %dma_start3A_1766 = arith.constant 0 : i32
    %dma_start3A_1767 = arith.constant 1 : i32
    %dma_start3A_1768 = arith.constant 0 : i32
    %dma_start3A_1769 = arith.constant 0 : i32
    %dma_start3A_1770 = tpu.memref_slice %arg6[%dma_start3A_1765, %dma_start3A_1768, %dma_start3A_1769] : memref<3x64x512xf32, #tpu.memory_space<vmem>> -> memref<1x64x512xf32, #tpu.memory_space<vmem>>
    %dma_start3A_1771 = tpu.memref_squeeze %dma_start3A_1770 : memref<1x64x512xf32, #tpu.memory_space<vmem>> -> memref<64x512xf32, #tpu.memory_space<vmem>>
    %dma_start3A_1772 = arith.constant 0 : i32
    %dma_start3A_1773 = arith.constant 0 : i32
    %dma_start3A_1774 = tpu.memref_slice %arg5[%dma_start3A_1766, %add3A_1743, %dma_start3A_1772, %dma_start3A_1773] : memref<1x512x64x512xf32, #tpu.memory_space<hbm>> -> memref<1x1x64x512xf32, #tpu.memory_space<hbm>>
    %dma_start3A_1775 = tpu.memref_squeeze %dma_start3A_1774 : memref<1x1x64x512xf32, #tpu.memory_space<hbm>> -> memref<64x512xf32, #tpu.memory_space<hbm>>
    %dma_start3A_1776 = tpu.memref_slice %arg8[%dma_start3A_1767] : memref<3x!tpu.dma_semaphore, #tpu.memory_space<semaphore_mem>> -> memref<1x!tpu.dma_semaphore, #tpu.memory_space<semaphore_mem>>
    %dma_start3A_1777 = tpu.memref_squeeze %dma_start3A_1776 : memref<1x!tpu.dma_semaphore, #tpu.memory_space<semaphore_mem>> -> memref<!tpu.dma_semaphore, #tpu.memory_space<semaphore_mem>>
    %dma_start3A_1778 = arith.constant 0 : i32
    %dma_start3A_1779 = arith.constant 0 : i32
    %dma_start3A_1780 = tpu.memref_slice %arg5[%dma_start3A_1766, %add3A_1743, %dma_start3A_1778, %dma_start3A_1779] : memref<1x512x64x512xf32, #tpu.memory_space<hbm>> -> memref<1x1x64x512xf32, #tpu.memory_space<hbm>>
    %dma_start3A_1781 = tpu.memref_squeeze %dma_start3A_1780 : memref<1x1x64x512xf32, #tpu.memory_space<hbm>> -> memref<64x512xf32, #tpu.memory_space<hbm>>
    %dma_start3A_1782 = arith.constant 0 : i32
    %dma_start3A_1783 = arith.constant 0 : i32
    %dma_start3A_1784 = tpu.memref_slice %arg6[%dma_start3A_1765, %dma_start3A_1782, %dma_start3A_1783] : memref<3x64x512xf32, #tpu.memory_space<vmem>> -> memref<1x64x512xf32, #tpu.memory_space<vmem>>
    %dma_start3A_1785 = tpu.memref_squeeze %dma_start3A_1784 : memref<1x64x512xf32, #tpu.memory_space<vmem>> -> memref<64x512xf32, #tpu.memory_space<vmem>>
    tpu.enqueue_dma source(%dma_start3A_1785 : memref<64x512xf32, #tpu.memory_space<vmem>>) target(%dma_start3A_1781 : memref<64x512xf32, #tpu.memory_space<hbm>>) target_semaphore(%dma_start3A_1777 : memref<!tpu.dma_semaphore, #tpu.memory_space<semaphore_mem>>)
    %dma_wait3A_1786 = arith.constant 1 : i32
    %dma_wait3A_1787 = arith.constant 0 : i32
    %dma_wait3A_1788 = arith.constant 1 : i32
    %dma_wait3A_1789 = arith.constant 0 : i32
    %dma_wait3A_1790 = arith.constant 0 : i32
    %dma_wait3A_1791 = tpu.memref_slice %arg6[%dma_wait3A_1786, %dma_wait3A_1789, %dma_wait3A_1790] : memref<3x64x512xf32, #tpu.memory_space<vmem>> -> memref<1x64x512xf32, #tpu.memory_space<vmem>>
    %dma_wait3A_1792 = tpu.memref_squeeze %dma_wait3A_1791 : memref<1x64x512xf32, #tpu.memory_space<vmem>> -> memref<64x512xf32, #tpu.memory_space<vmem>>
    %dma_wait3A_1793 = arith.constant 0 : i32
    %dma_wait3A_1794 = arith.constant 0 : i32
    %dma_wait3A_1795 = tpu.memref_slice %arg5[%dma_wait3A_1787, %add3A_1743, %dma_wait3A_1793, %dma_wait3A_1794] : memref<1x512x64x512xf32, #tpu.memory_space<hbm>> -> memref<1x1x64x512xf32, #tpu.memory_space<hbm>>
    %dma_wait3A_1796 = tpu.memref_squeeze %dma_wait3A_1795 : memref<1x1x64x512xf32, #tpu.memory_space<hbm>> -> memref<64x512xf32, #tpu.memory_space<hbm>>
    %dma_wait3A_1797 = tpu.memref_slice %arg8[%dma_wait3A_1788] : memref<3x!tpu.dma_semaphore, #tpu.memory_space<semaphore_mem>> -> memref<1x!tpu.dma_semaphore, #tpu.memory_space<semaphore_mem>>
    %dma_wait3A_1798 = tpu.memref_squeeze %dma_wait3A_1797 : memref<1x!tpu.dma_semaphore, #tpu.memory_space<semaphore_mem>> -> memref<!tpu.dma_semaphore, #tpu.memory_space<semaphore_mem>>
    %dma_wait3A_1799 = arith.constant 0 : i32
    %dma_wait3A_1800 = arith.constant 0 : i32
    %dma_wait3A_1801 = tpu.memref_slice %arg5[%dma_wait3A_1787, %add3A_1743, %dma_wait3A_1799, %dma_wait3A_1800] : memref<1x512x64x512xf32, #tpu.memory_space<hbm>> -> memref<1x1x64x512xf32, #tpu.memory_space<hbm>>
    %dma_wait3A_1802 = tpu.memref_squeeze %dma_wait3A_1801 : memref<1x1x64x512xf32, #tpu.memory_space<hbm>> -> memref<64x512xf32, #tpu.memory_space<hbm>>
    %dma_wait3A_1803 = arith.constant 0 : i32
    %dma_wait3A_1804 = arith.constant 0 : i32
    %dma_wait3A_1805 = tpu.memref_slice %arg6[%dma_wait3A_1786, %dma_wait3A_1803, %dma_wait3A_1804] : memref<3x64x512xf32, #tpu.memory_space<vmem>> -> memref<1x64x512xf32, #tpu.memory_space<vmem>>
    %dma_wait3A_1806 = tpu.memref_squeeze %dma_wait3A_1805 : memref<1x64x512xf32, #tpu.memory_space<vmem>> -> memref<64x512xf32, #tpu.memory_space<vmem>>
    tpu.wait_dma2 semaphore(%dma_wait3A_1798 : memref<!tpu.dma_semaphore, #tpu.memory_space<semaphore_mem>>) src(%dma_wait3A_1806 : memref<64x512xf32, #tpu.memory_space<vmem>>) dst(%dma_wait3A_1802 : memref<64x512xf32, #tpu.memory_space<hbm>>)
    %add3A_1807 = arith.constant 6 : i32
    %add3A_1808 = arith.addi %mul3A_2, %add3A_1807 : i32
    %dma_start3A_1809 = arith.constant 0 : i32
    %dma_start3A_1810 = arith.constant 1 : i32
    %dma_start3A_1811 = arith.constant 1 : i32
    %dma_start3A_1812 = arith.constant 0 : i32
    %dma_start3A_1813 = arith.constant 0 : i32
    %dma_start3A_1814 = tpu.memref_slice %arg6[%dma_start3A_1810, %dma_start3A_1812, %dma_start3A_1813] : memref<3x64x512xf32, #tpu.memory_space<vmem>> -> memref<1x64x512xf32, #tpu.memory_space<vmem>>
    %dma_start3A_1815 = tpu.memref_squeeze %dma_start3A_1814 : memref<1x64x512xf32, #tpu.memory_space<vmem>> -> memref<64x512xf32, #tpu.memory_space<vmem>>
    %dma_start3A_1816 = arith.constant 0 : i32
    %dma_start3A_1817 = arith.constant 0 : i32
    %dma_start3A_1818 = tpu.memref_slice %arg3[%dma_start3A_1809, %add3A_1808, %dma_start3A_1816, %dma_start3A_1817] : memref<1x512x64x512xf32, #tpu.memory_space<hbm>> -> memref<1x1x64x512xf32, #tpu.memory_space<hbm>>
    %dma_start3A_1819 = tpu.memref_squeeze %dma_start3A_1818 : memref<1x1x64x512xf32, #tpu.memory_space<hbm>> -> memref<64x512xf32, #tpu.memory_space<hbm>>
    %dma_start3A_1820 = tpu.memref_slice %arg7[%dma_start3A_1811] : memref<3x!tpu.dma_semaphore, #tpu.memory_space<semaphore_mem>> -> memref<1x!tpu.dma_semaphore, #tpu.memory_space<semaphore_mem>>
    %dma_start3A_1821 = tpu.memref_squeeze %dma_start3A_1820 : memref<1x!tpu.dma_semaphore, #tpu.memory_space<semaphore_mem>> -> memref<!tpu.dma_semaphore, #tpu.memory_space<semaphore_mem>>
    %dma_start3A_1822 = arith.constant 0 : i32
    %dma_start3A_1823 = arith.constant 0 : i32
    %dma_start3A_1824 = tpu.memref_slice %arg6[%dma_start3A_1810, %dma_start3A_1822, %dma_start3A_1823] : memref<3x64x512xf32, #tpu.memory_space<vmem>> -> memref<1x64x512xf32, #tpu.memory_space<vmem>>
    %dma_start3A_1825 = tpu.memref_squeeze %dma_start3A_1824 : memref<1x64x512xf32, #tpu.memory_space<vmem>> -> memref<64x512xf32, #tpu.memory_space<vmem>>
    %dma_start3A_1826 = arith.constant 0 : i32
    %dma_start3A_1827 = arith.constant 0 : i32
    %dma_start3A_1828 = tpu.memref_slice %arg3[%dma_start3A_1809, %add3A_1808, %dma_start3A_1826, %dma_start3A_1827] : memref<1x512x64x512xf32, #tpu.memory_space<hbm>> -> memref<1x1x64x512xf32, #tpu.memory_space<hbm>>
    %dma_start3A_1829 = tpu.memref_squeeze %dma_start3A_1828 : memref<1x1x64x512xf32, #tpu.memory_space<hbm>> -> memref<64x512xf32, #tpu.memory_space<hbm>>
    tpu.enqueue_dma source(%dma_start3A_1829 : memref<64x512xf32, #tpu.memory_space<hbm>>) target(%dma_start3A_1825 : memref<64x512xf32, #tpu.memory_space<vmem>>) target_semaphore(%dma_start3A_1821 : memref<!tpu.dma_semaphore, #tpu.memory_space<semaphore_mem>>)
    %add3A_1830 = arith.constant 4 : i32
    %add3A_1831 = arith.addi %mul3A_2, %add3A_1830 : i32
    %dma_wait3A_1832 = arith.constant 0 : i32
    %dma_wait3A_1833 = arith.constant 2 : i32
    %dma_wait3A_1834 = arith.constant 2 : i32
    %dma_wait3A_1835 = arith.constant 0 : i32
    %dma_wait3A_1836 = arith.constant 0 : i32
    %dma_wait3A_1837 = tpu.memref_slice %arg6[%dma_wait3A_1833, %dma_wait3A_1835, %dma_wait3A_1836] : memref<3x64x512xf32, #tpu.memory_space<vmem>> -> memref<1x64x512xf32, #tpu.memory_space<vmem>>
    %dma_wait3A_1838 = tpu.memref_squeeze %dma_wait3A_1837 : memref<1x64x512xf32, #tpu.memory_space<vmem>> -> memref<64x512xf32, #tpu.memory_space<vmem>>
    %dma_wait3A_1839 = arith.constant 0 : i32
    %dma_wait3A_1840 = arith.constant 0 : i32
    %dma_wait3A_1841 = tpu.memref_slice %arg3[%dma_wait3A_1832, %add3A_1831, %dma_wait3A_1839, %dma_wait3A_1840] : memref<1x512x64x512xf32, #tpu.memory_space<hbm>> -> memref<1x1x64x512xf32, #tpu.memory_space<hbm>>
    %dma_wait3A_1842 = tpu.memref_squeeze %dma_wait3A_1841 : memref<1x1x64x512xf32, #tpu.memory_space<hbm>> -> memref<64x512xf32, #tpu.memory_space<hbm>>
    %dma_wait3A_1843 = tpu.memref_slice %arg7[%dma_wait3A_1834] : memref<3x!tpu.dma_semaphore, #tpu.memory_space<semaphore_mem>> -> memref<1x!tpu.dma_semaphore, #tpu.memory_space<semaphore_mem>>
    %dma_wait3A_1844 = tpu.memref_squeeze %dma_wait3A_1843 : memref<1x!tpu.dma_semaphore, #tpu.memory_space<semaphore_mem>> -> memref<!tpu.dma_semaphore, #tpu.memory_space<semaphore_mem>>
    %dma_wait3A_1845 = arith.constant 0 : i32
    %dma_wait3A_1846 = arith.constant 0 : i32
    %dma_wait3A_1847 = tpu.memref_slice %arg6[%dma_wait3A_1833, %dma_wait3A_1845, %dma_wait3A_1846] : memref<3x64x512xf32, #tpu.memory_space<vmem>> -> memref<1x64x512xf32, #tpu.memory_space<vmem>>
    %dma_wait3A_1848 = tpu.memref_squeeze %dma_wait3A_1847 : memref<1x64x512xf32, #tpu.memory_space<vmem>> -> memref<64x512xf32, #tpu.memory_space<vmem>>
    %dma_wait3A_1849 = arith.constant 0 : i32
    %dma_wait3A_1850 = arith.constant 0 : i32
    %dma_wait3A_1851 = tpu.memref_slice %arg3[%dma_wait3A_1832, %add3A_1831, %dma_wait3A_1849, %dma_wait3A_1850] : memref<1x512x64x512xf32, #tpu.memory_space<hbm>> -> memref<1x1x64x512xf32, #tpu.memory_space<hbm>>
    %dma_wait3A_1852 = tpu.memref_squeeze %dma_wait3A_1851 : memref<1x1x64x512xf32, #tpu.memory_space<hbm>> -> memref<64x512xf32, #tpu.memory_space<hbm>>
    tpu.wait_dma2 semaphore(%dma_wait3A_1844 : memref<!tpu.dma_semaphore, #tpu.memory_space<semaphore_mem>>) src(%dma_wait3A_1852 : memref<64x512xf32, #tpu.memory_space<hbm>>) dst(%dma_wait3A_1848 : memref<64x512xf32, #tpu.memory_space<vmem>>)
    %dma_start3A_1853 = arith.constant 2 : i32
    %dma_start3A_1854 = arith.constant 0 : i32
    %dma_start3A_1855 = arith.constant 2 : i32
    %dma_start3A_1856 = arith.constant 0 : i32
    %dma_start3A_1857 = arith.constant 0 : i32
    %dma_start3A_1858 = tpu.memref_slice %arg6[%dma_start3A_1853, %dma_start3A_1856, %dma_start3A_1857] : memref<3x64x512xf32, #tpu.memory_space<vmem>> -> memref<1x64x512xf32, #tpu.memory_space<vmem>>
    %dma_start3A_1859 = tpu.memref_squeeze %dma_start3A_1858 : memref<1x64x512xf32, #tpu.memory_space<vmem>> -> memref<64x512xf32, #tpu.memory_space<vmem>>
    %dma_start3A_1860 = arith.constant 0 : i32
    %dma_start3A_1861 = arith.constant 0 : i32
    %dma_start3A_1862 = tpu.memref_slice %arg5[%dma_start3A_1854, %add3A_1831, %dma_start3A_1860, %dma_start3A_1861] : memref<1x512x64x512xf32, #tpu.memory_space<hbm>> -> memref<1x1x64x512xf32, #tpu.memory_space<hbm>>
    %dma_start3A_1863 = tpu.memref_squeeze %dma_start3A_1862 : memref<1x1x64x512xf32, #tpu.memory_space<hbm>> -> memref<64x512xf32, #tpu.memory_space<hbm>>
    %dma_start3A_1864 = tpu.memref_slice %arg8[%dma_start3A_1855] : memref<3x!tpu.dma_semaphore, #tpu.memory_space<semaphore_mem>> -> memref<1x!tpu.dma_semaphore, #tpu.memory_space<semaphore_mem>>
    %dma_start3A_1865 = tpu.memref_squeeze %dma_start3A_1864 : memref<1x!tpu.dma_semaphore, #tpu.memory_space<semaphore_mem>> -> memref<!tpu.dma_semaphore, #tpu.memory_space<semaphore_mem>>
    %dma_start3A_1866 = arith.constant 0 : i32
    %dma_start3A_1867 = arith.constant 0 : i32
    %dma_start3A_1868 = tpu.memref_slice %arg5[%dma_start3A_1854, %add3A_1831, %dma_start3A_1866, %dma_start3A_1867] : memref<1x512x64x512xf32, #tpu.memory_space<hbm>> -> memref<1x1x64x512xf32, #tpu.memory_space<hbm>>
    %dma_start3A_1869 = tpu.memref_squeeze %dma_start3A_1868 : memref<1x1x64x512xf32, #tpu.memory_space<hbm>> -> memref<64x512xf32, #tpu.memory_space<hbm>>
    %dma_start3A_1870 = arith.constant 0 : i32
    %dma_start3A_1871 = arith.constant 0 : i32
    %dma_start3A_1872 = tpu.memref_slice %arg6[%dma_start3A_1853, %dma_start3A_1870, %dma_start3A_1871] : memref<3x64x512xf32, #tpu.memory_space<vmem>> -> memref<1x64x512xf32, #tpu.memory_space<vmem>>
    %dma_start3A_1873 = tpu.memref_squeeze %dma_start3A_1872 : memref<1x64x512xf32, #tpu.memory_space<vmem>> -> memref<64x512xf32, #tpu.memory_space<vmem>>
    tpu.enqueue_dma source(%dma_start3A_1873 : memref<64x512xf32, #tpu.memory_space<vmem>>) target(%dma_start3A_1869 : memref<64x512xf32, #tpu.memory_space<hbm>>) target_semaphore(%dma_start3A_1865 : memref<!tpu.dma_semaphore, #tpu.memory_space<semaphore_mem>>)
    %dma_wait3A_1874 = arith.constant 2 : i32
    %dma_wait3A_1875 = arith.constant 0 : i32
    %dma_wait3A_1876 = arith.constant 2 : i32
    %dma_wait3A_1877 = arith.constant 0 : i32
    %dma_wait3A_1878 = arith.constant 0 : i32
    %dma_wait3A_1879 = tpu.memref_slice %arg6[%dma_wait3A_1874, %dma_wait3A_1877, %dma_wait3A_1878] : memref<3x64x512xf32, #tpu.memory_space<vmem>> -> memref<1x64x512xf32, #tpu.memory_space<vmem>>
    %dma_wait3A_1880 = tpu.memref_squeeze %dma_wait3A_1879 : memref<1x64x512xf32, #tpu.memory_space<vmem>> -> memref<64x512xf32, #tpu.memory_space<vmem>>
    %dma_wait3A_1881 = arith.constant 0 : i32
    %dma_wait3A_1882 = arith.constant 0 : i32
    %dma_wait3A_1883 = tpu.memref_slice %arg5[%dma_wait3A_1875, %add3A_1831, %dma_wait3A_1881, %dma_wait3A_1882] : memref<1x512x64x512xf32, #tpu.memory_space<hbm>> -> memref<1x1x64x512xf32, #tpu.memory_space<hbm>>
    %dma_wait3A_1884 = tpu.memref_squeeze %dma_wait3A_1883 : memref<1x1x64x512xf32, #tpu.memory_space<hbm>> -> memref<64x512xf32, #tpu.memory_space<hbm>>
    %dma_wait3A_1885 = tpu.memref_slice %arg8[%dma_wait3A_1876] : memref<3x!tpu.dma_semaphore, #tpu.memory_space<semaphore_mem>> -> memref<1x!tpu.dma_semaphore, #tpu.memory_space<semaphore_mem>>
    %dma_wait3A_1886 = tpu.memref_squeeze %dma_wait3A_1885 : memref<1x!tpu.dma_semaphore, #tpu.memory_space<semaphore_mem>> -> memref<!tpu.dma_semaphore, #tpu.memory_space<semaphore_mem>>
    %dma_wait3A_1887 = arith.constant 0 : i32
    %dma_wait3A_1888 = arith.constant 0 : i32
    %dma_wait3A_1889 = tpu.memref_slice %arg5[%dma_wait3A_1875, %add3A_1831, %dma_wait3A_1887, %dma_wait3A_1888] : memref<1x512x64x512xf32, #tpu.memory_space<hbm>> -> memref<1x1x64x512xf32, #tpu.memory_space<hbm>>
    %dma_wait3A_1890 = tpu.memref_squeeze %dma_wait3A_1889 : memref<1x1x64x512xf32, #tpu.memory_space<hbm>> -> memref<64x512xf32, #tpu.memory_space<hbm>>
    %dma_wait3A_1891 = arith.constant 0 : i32
    %dma_wait3A_1892 = arith.constant 0 : i32
    %dma_wait3A_1893 = tpu.memref_slice %arg6[%dma_wait3A_1874, %dma_wait3A_1891, %dma_wait3A_1892] : memref<3x64x512xf32, #tpu.memory_space<vmem>> -> memref<1x64x512xf32, #tpu.memory_space<vmem>>
    %dma_wait3A_1894 = tpu.memref_squeeze %dma_wait3A_1893 : memref<1x64x512xf32, #tpu.memory_space<vmem>> -> memref<64x512xf32, #tpu.memory_space<vmem>>
    tpu.wait_dma2 semaphore(%dma_wait3A_1886 : memref<!tpu.dma_semaphore, #tpu.memory_space<semaphore_mem>>) src(%dma_wait3A_1894 : memref<64x512xf32, #tpu.memory_space<vmem>>) dst(%dma_wait3A_1890 : memref<64x512xf32, #tpu.memory_space<hbm>>)
    %add3A_1895 = arith.constant 7 : i32
    %add3A_1896 = arith.addi %mul3A_2, %add3A_1895 : i32
    %dma_start3A_1897 = arith.constant 0 : i32
    %dma_start3A_1898 = arith.constant 2 : i32
    %dma_start3A_1899 = arith.constant 2 : i32
    %dma_start3A_1900 = arith.constant 0 : i32
    %dma_start3A_1901 = arith.constant 0 : i32
    %dma_start3A_1902 = tpu.memref_slice %arg6[%dma_start3A_1898, %dma_start3A_1900, %dma_start3A_1901] : memref<3x64x512xf32, #tpu.memory_space<vmem>> -> memref<1x64x512xf32, #tpu.memory_space<vmem>>
    %dma_start3A_1903 = tpu.memref_squeeze %dma_start3A_1902 : memref<1x64x512xf32, #tpu.memory_space<vmem>> -> memref<64x512xf32, #tpu.memory_space<vmem>>
    %dma_start3A_1904 = arith.constant 0 : i32
    %dma_start3A_1905 = arith.constant 0 : i32
    %dma_start3A_1906 = tpu.memref_slice %arg3[%dma_start3A_1897, %add3A_1896, %dma_start3A_1904, %dma_start3A_1905] : memref<1x512x64x512xf32, #tpu.memory_space<hbm>> -> memref<1x1x64x512xf32, #tpu.memory_space<hbm>>
    %dma_start3A_1907 = tpu.memref_squeeze %dma_start3A_1906 : memref<1x1x64x512xf32, #tpu.memory_space<hbm>> -> memref<64x512xf32, #tpu.memory_space<hbm>>
    %dma_start3A_1908 = tpu.memref_slice %arg7[%dma_start3A_1899] : memref<3x!tpu.dma_semaphore, #tpu.memory_space<semaphore_mem>> -> memref<1x!tpu.dma_semaphore, #tpu.memory_space<semaphore_mem>>
    %dma_start3A_1909 = tpu.memref_squeeze %dma_start3A_1908 : memref<1x!tpu.dma_semaphore, #tpu.memory_space<semaphore_mem>> -> memref<!tpu.dma_semaphore, #tpu.memory_space<semaphore_mem>>
    %dma_start3A_1910 = arith.constant 0 : i32
    %dma_start3A_1911 = arith.constant 0 : i32
    %dma_start3A_1912 = tpu.memref_slice %arg6[%dma_start3A_1898, %dma_start3A_1910, %dma_start3A_1911] : memref<3x64x512xf32, #tpu.memory_space<vmem>> -> memref<1x64x512xf32, #tpu.memory_space<vmem>>
    %dma_start3A_1913 = tpu.memref_squeeze %dma_start3A_1912 : memref<1x64x512xf32, #tpu.memory_space<vmem>> -> memref<64x512xf32, #tpu.memory_space<vmem>>
    %dma_start3A_1914 = arith.constant 0 : i32
    %dma_start3A_1915 = arith.constant 0 : i32
    %dma_start3A_1916 = tpu.memref_slice %arg3[%dma_start3A_1897, %add3A_1896, %dma_start3A_1914, %dma_start3A_1915] : memref<1x512x64x512xf32, #tpu.memory_space<hbm>> -> memref<1x1x64x512xf32, #tpu.memory_space<hbm>>
    %dma_start3A_1917 = tpu.memref_squeeze %dma_start3A_1916 : memref<1x1x64x512xf32, #tpu.memory_space<hbm>> -> memref<64x512xf32, #tpu.memory_space<hbm>>
    tpu.enqueue_dma source(%dma_start3A_1917 : memref<64x512xf32, #tpu.memory_space<hbm>>) target(%dma_start3A_1913 : memref<64x512xf32, #tpu.memory_space<vmem>>) target_semaphore(%dma_start3A_1909 : memref<!tpu.dma_semaphore, #tpu.memory_space<semaphore_mem>>)
    %add3A_1918 = arith.constant 5 : i32
    %add3A_1919 = arith.addi %mul3A_2, %add3A_1918 : i32
    %dma_wait3A_1920 = arith.constant 0 : i32
    %dma_wait3A_1921 = arith.constant 0 : i32
    %dma_wait3A_1922 = arith.constant 0 : i32
    %dma_wait3A_1923 = arith.constant 0 : i32
    %dma_wait3A_1924 = arith.constant 0 : i32
    %dma_wait3A_1925 = tpu.memref_slice %arg6[%dma_wait3A_1921, %dma_wait3A_1923, %dma_wait3A_1924] : memref<3x64x512xf32, #tpu.memory_space<vmem>> -> memref<1x64x512xf32, #tpu.memory_space<vmem>>
    %dma_wait3A_1926 = tpu.memref_squeeze %dma_wait3A_1925 : memref<1x64x512xf32, #tpu.memory_space<vmem>> -> memref<64x512xf32, #tpu.memory_space<vmem>>
    %dma_wait3A_1927 = arith.constant 0 : i32
    %dma_wait3A_1928 = arith.constant 0 : i32
    %dma_wait3A_1929 = tpu.memref_slice %arg3[%dma_wait3A_1920, %add3A_1919, %dma_wait3A_1927, %dma_wait3A_1928] : memref<1x512x64x512xf32, #tpu.memory_space<hbm>> -> memref<1x1x64x512xf32, #tpu.memory_space<hbm>>
    %dma_wait3A_1930 = tpu.memref_squeeze %dma_wait3A_1929 : memref<1x1x64x512xf32, #tpu.memory_space<hbm>> -> memref<64x512xf32, #tpu.memory_space<hbm>>
    %dma_wait3A_1931 = tpu.memref_slice %arg7[%dma_wait3A_1922] : memref<3x!tpu.dma_semaphore, #tpu.memory_space<semaphore_mem>> -> memref<1x!tpu.dma_semaphore, #tpu.memory_space<semaphore_mem>>
    %dma_wait3A_1932 = tpu.memref_squeeze %dma_wait3A_1931 : memref<1x!tpu.dma_semaphore, #tpu.memory_space<semaphore_mem>> -> memref<!tpu.dma_semaphore, #tpu.memory_space<semaphore_mem>>
    %dma_wait3A_1933 = arith.constant 0 : i32
    %dma_wait3A_1934 = arith.constant 0 : i32
    %dma_wait3A_1935 = tpu.memref_slice %arg6[%dma_wait3A_1921, %dma_wait3A_1933, %dma_wait3A_1934] : memref<3x64x512xf32, #tpu.memory_space<vmem>> -> memref<1x64x512xf32, #tpu.memory_space<vmem>>
    %dma_wait3A_1936 = tpu.memref_squeeze %dma_wait3A_1935 : memref<1x64x512xf32, #tpu.memory_space<vmem>> -> memref<64x512xf32, #tpu.memory_space<vmem>>
    %dma_wait3A_1937 = arith.constant 0 : i32
    %dma_wait3A_1938 = arith.constant 0 : i32
    %dma_wait3A_1939 = tpu.memref_slice %arg3[%dma_wait3A_1920, %add3A_1919, %dma_wait3A_1937, %dma_wait3A_1938] : memref<1x512x64x512xf32, #tpu.memory_space<hbm>> -> memref<1x1x64x512xf32, #tpu.memory_space<hbm>>
    %dma_wait3A_1940 = tpu.memref_squeeze %dma_wait3A_1939 : memref<1x1x64x512xf32, #tpu.memory_space<hbm>> -> memref<64x512xf32, #tpu.memory_space<hbm>>
    tpu.wait_dma2 semaphore(%dma_wait3A_1932 : memref<!tpu.dma_semaphore, #tpu.memory_space<semaphore_mem>>) src(%dma_wait3A_1940 : memref<64x512xf32, #tpu.memory_space<hbm>>) dst(%dma_wait3A_1936 : memref<64x512xf32, #tpu.memory_space<vmem>>)
    %dma_start3A_1941 = arith.constant 0 : i32
    %dma_start3A_1942 = arith.constant 0 : i32
    %dma_start3A_1943 = arith.constant 0 : i32
    %dma_start3A_1944 = arith.constant 0 : i32
    %dma_start3A_1945 = arith.constant 0 : i32
    %dma_start3A_1946 = tpu.memref_slice %arg6[%dma_start3A_1941, %dma_start3A_1944, %dma_start3A_1945] : memref<3x64x512xf32, #tpu.memory_space<vmem>> -> memref<1x64x512xf32, #tpu.memory_space<vmem>>
    %dma_start3A_1947 = tpu.memref_squeeze %dma_start3A_1946 : memref<1x64x512xf32, #tpu.memory_space<vmem>> -> memref<64x512xf32, #tpu.memory_space<vmem>>
    %dma_start3A_1948 = arith.constant 0 : i32
    %dma_start3A_1949 = arith.constant 0 : i32
    %dma_start3A_1950 = tpu.memref_slice %arg5[%dma_start3A_1942, %add3A_1919, %dma_start3A_1948, %dma_start3A_1949] : memref<1x512x64x512xf32, #tpu.memory_space<hbm>> -> memref<1x1x64x512xf32, #tpu.memory_space<hbm>>
    %dma_start3A_1951 = tpu.memref_squeeze %dma_start3A_1950 : memref<1x1x64x512xf32, #tpu.memory_space<hbm>> -> memref<64x512xf32, #tpu.memory_space<hbm>>
    %dma_start3A_1952 = tpu.memref_slice %arg8[%dma_start3A_1943] : memref<3x!tpu.dma_semaphore, #tpu.memory_space<semaphore_mem>> -> memref<1x!tpu.dma_semaphore, #tpu.memory_space<semaphore_mem>>
    %dma_start3A_1953 = tpu.memref_squeeze %dma_start3A_1952 : memref<1x!tpu.dma_semaphore, #tpu.memory_space<semaphore_mem>> -> memref<!tpu.dma_semaphore, #tpu.memory_space<semaphore_mem>>
    %dma_start3A_1954 = arith.constant 0 : i32
    %dma_start3A_1955 = arith.constant 0 : i32
    %dma_start3A_1956 = tpu.memref_slice %arg5[%dma_start3A_1942, %add3A_1919, %dma_start3A_1954, %dma_start3A_1955] : memref<1x512x64x512xf32, #tpu.memory_space<hbm>> -> memref<1x1x64x512xf32, #tpu.memory_space<hbm>>
    %dma_start3A_1957 = tpu.memref_squeeze %dma_start3A_1956 : memref<1x1x64x512xf32, #tpu.memory_space<hbm>> -> memref<64x512xf32, #tpu.memory_space<hbm>>
    %dma_start3A_1958 = arith.constant 0 : i32
    %dma_start3A_1959 = arith.constant 0 : i32
    %dma_start3A_1960 = tpu.memref_slice %arg6[%dma_start3A_1941, %dma_start3A_1958, %dma_start3A_1959] : memref<3x64x512xf32, #tpu.memory_space<vmem>> -> memref<1x64x512xf32, #tpu.memory_space<vmem>>
    %dma_start3A_1961 = tpu.memref_squeeze %dma_start3A_1960 : memref<1x64x512xf32, #tpu.memory_space<vmem>> -> memref<64x512xf32, #tpu.memory_space<vmem>>
    tpu.enqueue_dma source(%dma_start3A_1961 : memref<64x512xf32, #tpu.memory_space<vmem>>) target(%dma_start3A_1957 : memref<64x512xf32, #tpu.memory_space<hbm>>) target_semaphore(%dma_start3A_1953 : memref<!tpu.dma_semaphore, #tpu.memory_space<semaphore_mem>>)
    %dma_wait3A_1962 = arith.constant 0 : i32
    %dma_wait3A_1963 = arith.constant 0 : i32
    %dma_wait3A_1964 = arith.constant 0 : i32
    %dma_wait3A_1965 = arith.constant 0 : i32
    %dma_wait3A_1966 = arith.constant 0 : i32
    %dma_wait3A_1967 = tpu.memref_slice %arg6[%dma_wait3A_1962, %dma_wait3A_1965, %dma_wait3A_1966] : memref<3x64x512xf32, #tpu.memory_space<vmem>> -> memref<1x64x512xf32, #tpu.memory_space<vmem>>
    %dma_wait3A_1968 = tpu.memref_squeeze %dma_wait3A_1967 : memref<1x64x512xf32, #tpu.memory_space<vmem>> -> memref<64x512xf32, #tpu.memory_space<vmem>>
    %dma_wait3A_1969 = arith.constant 0 : i32
    %dma_wait3A_1970 = arith.constant 0 : i32
    %dma_wait3A_1971 = tpu.memref_slice %arg5[%dma_wait3A_1963, %add3A_1919, %dma_wait3A_1969, %dma_wait3A_1970] : memref<1x512x64x512xf32, #tpu.memory_space<hbm>> -> memref<1x1x64x512xf32, #tpu.memory_space<hbm>>
    %dma_wait3A_1972 = tpu.memref_squeeze %dma_wait3A_1971 : memref<1x1x64x512xf32, #tpu.memory_space<hbm>> -> memref<64x512xf32, #tpu.memory_space<hbm>>
    %dma_wait3A_1973 = tpu.memref_slice %arg8[%dma_wait3A_1964] : memref<3x!tpu.dma_semaphore, #tpu.memory_space<semaphore_mem>> -> memref<1x!tpu.dma_semaphore, #tpu.memory_space<semaphore_mem>>
    %dma_wait3A_1974 = tpu.memref_squeeze %dma_wait3A_1973 : memref<1x!tpu.dma_semaphore, #tpu.memory_space<semaphore_mem>> -> memref<!tpu.dma_semaphore, #tpu.memory_space<semaphore_mem>>
    %dma_wait3A_1975 = arith.constant 0 : i32
    %dma_wait3A_1976 = arith.constant 0 : i32
    %dma_wait3A_1977 = tpu.memref_slice %arg5[%dma_wait3A_1963, %add3A_1919, %dma_wait3A_1975, %dma_wait3A_1976] : memref<1x512x64x512xf32, #tpu.memory_space<hbm>> -> memref<1x1x64x512xf32, #tpu.memory_space<hbm>>
    %dma_wait3A_1978 = tpu.memref_squeeze %dma_wait3A_1977 : memref<1x1x64x512xf32, #tpu.memory_space<hbm>> -> memref<64x512xf32, #tpu.memory_space<hbm>>
    %dma_wait3A_1979 = arith.constant 0 : i32
    %dma_wait3A_1980 = arith.constant 0 : i32
    %dma_wait3A_1981 = tpu.memref_slice %arg6[%dma_wait3A_1962, %dma_wait3A_1979, %dma_wait3A_1980] : memref<3x64x512xf32, #tpu.memory_space<vmem>> -> memref<1x64x512xf32, #tpu.memory_space<vmem>>
    %dma_wait3A_1982 = tpu.memref_squeeze %dma_wait3A_1981 : memref<1x64x512xf32, #tpu.memory_space<vmem>> -> memref<64x512xf32, #tpu.memory_space<vmem>>
    tpu.wait_dma2 semaphore(%dma_wait3A_1974 : memref<!tpu.dma_semaphore, #tpu.memory_space<semaphore_mem>>) src(%dma_wait3A_1982 : memref<64x512xf32, #tpu.memory_space<vmem>>) dst(%dma_wait3A_1978 : memref<64x512xf32, #tpu.memory_space<hbm>>)
    %add3A_1983 = arith.constant 8 : i32
    %add3A_1984 = arith.addi %mul3A_2, %add3A_1983 : i32
    %dma_start3A_1985 = arith.constant 0 : i32
    %dma_start3A_1986 = arith.constant 0 : i32
    %dma_start3A_1987 = arith.constant 0 : i32
    %dma_start3A_1988 = arith.constant 0 : i32
    %dma_start3A_1989 = arith.constant 0 : i32
    %dma_start3A_1990 = tpu.memref_slice %arg6[%dma_start3A_1986, %dma_start3A_1988, %dma_start3A_1989] : memref<3x64x512xf32, #tpu.memory_space<vmem>> -> memref<1x64x512xf32, #tpu.memory_space<vmem>>
    %dma_start3A_1991 = tpu.memref_squeeze %dma_start3A_1990 : memref<1x64x512xf32, #tpu.memory_space<vmem>> -> memref<64x512xf32, #tpu.memory_space<vmem>>
    %dma_start3A_1992 = arith.constant 0 : i32
    %dma_start3A_1993 = arith.constant 0 : i32
    %dma_start3A_1994 = tpu.memref_slice %arg3[%dma_start3A_1985, %add3A_1984, %dma_start3A_1992, %dma_start3A_1993] : memref<1x512x64x512xf32, #tpu.memory_space<hbm>> -> memref<1x1x64x512xf32, #tpu.memory_space<hbm>>
    %dma_start3A_1995 = tpu.memref_squeeze %dma_start3A_1994 : memref<1x1x64x512xf32, #tpu.memory_space<hbm>> -> memref<64x512xf32, #tpu.memory_space<hbm>>
    %dma_start3A_1996 = tpu.memref_slice %arg7[%dma_start3A_1987] : memref<3x!tpu.dma_semaphore, #tpu.memory_space<semaphore_mem>> -> memref<1x!tpu.dma_semaphore, #tpu.memory_space<semaphore_mem>>
    %dma_start3A_1997 = tpu.memref_squeeze %dma_start3A_1996 : memref<1x!tpu.dma_semaphore, #tpu.memory_space<semaphore_mem>> -> memref<!tpu.dma_semaphore, #tpu.memory_space<semaphore_mem>>
    %dma_start3A_1998 = arith.constant 0 : i32
    %dma_start3A_1999 = arith.constant 0 : i32
    %dma_start3A_2000 = tpu.memref_slice %arg6[%dma_start3A_1986, %dma_start3A_1998, %dma_start3A_1999] : memref<3x64x512xf32, #tpu.memory_space<vmem>> -> memref<1x64x512xf32, #tpu.memory_space<vmem>>
    %dma_start3A_2001 = tpu.memref_squeeze %dma_start3A_2000 : memref<1x64x512xf32, #tpu.memory_space<vmem>> -> memref<64x512xf32, #tpu.memory_space<vmem>>
    %dma_start3A_2002 = arith.constant 0 : i32
    %dma_start3A_2003 = arith.constant 0 : i32
    %dma_start3A_2004 = tpu.memref_slice %arg3[%dma_start3A_1985, %add3A_1984, %dma_start3A_2002, %dma_start3A_2003] : memref<1x512x64x512xf32, #tpu.memory_space<hbm>> -> memref<1x1x64x512xf32, #tpu.memory_space<hbm>>
    %dma_start3A_2005 = tpu.memref_squeeze %dma_start3A_2004 : memref<1x1x64x512xf32, #tpu.memory_space<hbm>> -> memref<64x512xf32, #tpu.memory_space<hbm>>
    tpu.enqueue_dma source(%dma_start3A_2005 : memref<64x512xf32, #tpu.memory_space<hbm>>) target(%dma_start3A_2001 : memref<64x512xf32, #tpu.memory_space<vmem>>) target_semaphore(%dma_start3A_1997 : memref<!tpu.dma_semaphore, #tpu.memory_space<semaphore_mem>>)
    %add3A_2006 = arith.constant 6 : i32
    %add3A_2007 = arith.addi %mul3A_2, %add3A_2006 : i32
    %dma_wait3A_2008 = arith.constant 0 : i32
    %dma_wait3A_2009 = arith.constant 1 : i32
    %dma_wait3A_2010 = arith.constant 1 : i32
    %dma_wait3A_2011 = arith.constant 0 : i32
    %dma_wait3A_2012 = arith.constant 0 : i32
    %dma_wait3A_2013 = tpu.memref_slice %arg6[%dma_wait3A_2009, %dma_wait3A_2011, %dma_wait3A_2012] : memref<3x64x512xf32, #tpu.memory_space<vmem>> -> memref<1x64x512xf32, #tpu.memory_space<vmem>>
    %dma_wait3A_2014 = tpu.memref_squeeze %dma_wait3A_2013 : memref<1x64x512xf32, #tpu.memory_space<vmem>> -> memref<64x512xf32, #tpu.memory_space<vmem>>
    %dma_wait3A_2015 = arith.constant 0 : i32
    %dma_wait3A_2016 = arith.constant 0 : i32
    %dma_wait3A_2017 = tpu.memref_slice %arg3[%dma_wait3A_2008, %add3A_2007, %dma_wait3A_2015, %dma_wait3A_2016] : memref<1x512x64x512xf32, #tpu.memory_space<hbm>> -> memref<1x1x64x512xf32, #tpu.memory_space<hbm>>
    %dma_wait3A_2018 = tpu.memref_squeeze %dma_wait3A_2017 : memref<1x1x64x512xf32, #tpu.memory_space<hbm>> -> memref<64x512xf32, #tpu.memory_space<hbm>>
    %dma_wait3A_2019 = tpu.memref_slice %arg7[%dma_wait3A_2010] : memref<3x!tpu.dma_semaphore, #tpu.memory_space<semaphore_mem>> -> memref<1x!tpu.dma_semaphore, #tpu.memory_space<semaphore_mem>>
    %dma_wait3A_2020 = tpu.memref_squeeze %dma_wait3A_2019 : memref<1x!tpu.dma_semaphore, #tpu.memory_space<semaphore_mem>> -> memref<!tpu.dma_semaphore, #tpu.memory_space<semaphore_mem>>
    %dma_wait3A_2021 = arith.constant 0 : i32
    %dma_wait3A_2022 = arith.constant 0 : i32
    %dma_wait3A_2023 = tpu.memref_slice %arg6[%dma_wait3A_2009, %dma_wait3A_2021, %dma_wait3A_2022] : memref<3x64x512xf32, #tpu.memory_space<vmem>> -> memref<1x64x512xf32, #tpu.memory_space<vmem>>
    %dma_wait3A_2024 = tpu.memref_squeeze %dma_wait3A_2023 : memref<1x64x512xf32, #tpu.memory_space<vmem>> -> memref<64x512xf32, #tpu.memory_space<vmem>>
    %dma_wait3A_2025 = arith.constant 0 : i32
    %dma_wait3A_2026 = arith.constant 0 : i32
    %dma_wait3A_2027 = tpu.memref_slice %arg3[%dma_wait3A_2008, %add3A_2007, %dma_wait3A_2025, %dma_wait3A_2026] : memref<1x512x64x512xf32, #tpu.memory_space<hbm>> -> memref<1x1x64x512xf32, #tpu.memory_space<hbm>>
    %dma_wait3A_2028 = tpu.memref_squeeze %dma_wait3A_2027 : memref<1x1x64x512xf32, #tpu.memory_space<hbm>> -> memref<64x512xf32, #tpu.memory_space<hbm>>
    tpu.wait_dma2 semaphore(%dma_wait3A_2020 : memref<!tpu.dma_semaphore, #tpu.memory_space<semaphore_mem>>) src(%dma_wait3A_2028 : memref<64x512xf32, #tpu.memory_space<hbm>>) dst(%dma_wait3A_2024 : memref<64x512xf32, #tpu.memory_space<vmem>>)
    %dma_start3A_2029 = arith.constant 1 : i32
    %dma_start3A_2030 = arith.constant 0 : i32
    %dma_start3A_2031 = arith.constant 1 : i32
    %dma_start3A_2032 = arith.constant 0 : i32
    %dma_start3A_2033 = arith.constant 0 : i32
    %dma_start3A_2034 = tpu.memref_slice %arg6[%dma_start3A_2029, %dma_start3A_2032, %dma_start3A_2033] : memref<3x64x512xf32, #tpu.memory_space<vmem>> -> memref<1x64x512xf32, #tpu.memory_space<vmem>>
    %dma_start3A_2035 = tpu.memref_squeeze %dma_start3A_2034 : memref<1x64x512xf32, #tpu.memory_space<vmem>> -> memref<64x512xf32, #tpu.memory_space<vmem>>
    %dma_start3A_2036 = arith.constant 0 : i32
    %dma_start3A_2037 = arith.constant 0 : i32
    %dma_start3A_2038 = tpu.memref_slice %arg5[%dma_start3A_2030, %add3A_2007, %dma_start3A_2036, %dma_start3A_2037] : memref<1x512x64x512xf32, #tpu.memory_space<hbm>> -> memref<1x1x64x512xf32, #tpu.memory_space<hbm>>
    %dma_start3A_2039 = tpu.memref_squeeze %dma_start3A_2038 : memref<1x1x64x512xf32, #tpu.memory_space<hbm>> -> memref<64x512xf32, #tpu.memory_space<hbm>>
    %dma_start3A_2040 = tpu.memref_slice %arg8[%dma_start3A_2031] : memref<3x!tpu.dma_semaphore, #tpu.memory_space<semaphore_mem>> -> memref<1x!tpu.dma_semaphore, #tpu.memory_space<semaphore_mem>>
    %dma_start3A_2041 = tpu.memref_squeeze %dma_start3A_2040 : memref<1x!tpu.dma_semaphore, #tpu.memory_space<semaphore_mem>> -> memref<!tpu.dma_semaphore, #tpu.memory_space<semaphore_mem>>
    %dma_start3A_2042 = arith.constant 0 : i32
    %dma_start3A_2043 = arith.constant 0 : i32
    %dma_start3A_2044 = tpu.memref_slice %arg5[%dma_start3A_2030, %add3A_2007, %dma_start3A_2042, %dma_start3A_2043] : memref<1x512x64x512xf32, #tpu.memory_space<hbm>> -> memref<1x1x64x512xf32, #tpu.memory_space<hbm>>
    %dma_start3A_2045 = tpu.memref_squeeze %dma_start3A_2044 : memref<1x1x64x512xf32, #tpu.memory_space<hbm>> -> memref<64x512xf32, #tpu.memory_space<hbm>>
    %dma_start3A_2046 = arith.constant 0 : i32
    %dma_start3A_2047 = arith.constant 0 : i32
    %dma_start3A_2048 = tpu.memref_slice %arg6[%dma_start3A_2029, %dma_start3A_2046, %dma_start3A_2047] : memref<3x64x512xf32, #tpu.memory_space<vmem>> -> memref<1x64x512xf32, #tpu.memory_space<vmem>>
    %dma_start3A_2049 = tpu.memref_squeeze %dma_start3A_2048 : memref<1x64x512xf32, #tpu.memory_space<vmem>> -> memref<64x512xf32, #tpu.memory_space<vmem>>
    tpu.enqueue_dma source(%dma_start3A_2049 : memref<64x512xf32, #tpu.memory_space<vmem>>) target(%dma_start3A_2045 : memref<64x512xf32, #tpu.memory_space<hbm>>) target_semaphore(%dma_start3A_2041 : memref<!tpu.dma_semaphore, #tpu.memory_space<semaphore_mem>>)
    %dma_wait3A_2050 = arith.constant 1 : i32
    %dma_wait3A_2051 = arith.constant 0 : i32
    %dma_wait3A_2052 = arith.constant 1 : i32
    %dma_wait3A_2053 = arith.constant 0 : i32
    %dma_wait3A_2054 = arith.constant 0 : i32
    %dma_wait3A_2055 = tpu.memref_slice %arg6[%dma_wait3A_2050, %dma_wait3A_2053, %dma_wait3A_2054] : memref<3x64x512xf32, #tpu.memory_space<vmem>> -> memref<1x64x512xf32, #tpu.memory_space<vmem>>
    %dma_wait3A_2056 = tpu.memref_squeeze %dma_wait3A_2055 : memref<1x64x512xf32, #tpu.memory_space<vmem>> -> memref<64x512xf32, #tpu.memory_space<vmem>>
    %dma_wait3A_2057 = arith.constant 0 : i32
    %dma_wait3A_2058 = arith.constant 0 : i32
    %dma_wait3A_2059 = tpu.memref_slice %arg5[%dma_wait3A_2051, %add3A_2007, %dma_wait3A_2057, %dma_wait3A_2058] : memref<1x512x64x512xf32, #tpu.memory_space<hbm>> -> memref<1x1x64x512xf32, #tpu.memory_space<hbm>>
    %dma_wait3A_2060 = tpu.memref_squeeze %dma_wait3A_2059 : memref<1x1x64x512xf32, #tpu.memory_space<hbm>> -> memref<64x512xf32, #tpu.memory_space<hbm>>
    %dma_wait3A_2061 = tpu.memref_slice %arg8[%dma_wait3A_2052] : memref<3x!tpu.dma_semaphore, #tpu.memory_space<semaphore_mem>> -> memref<1x!tpu.dma_semaphore, #tpu.memory_space<semaphore_mem>>
    %dma_wait3A_2062 = tpu.memref_squeeze %dma_wait3A_2061 : memref<1x!tpu.dma_semaphore, #tpu.memory_space<semaphore_mem>> -> memref<!tpu.dma_semaphore, #tpu.memory_space<semaphore_mem>>
    %dma_wait3A_2063 = arith.constant 0 : i32
    %dma_wait3A_2064 = arith.constant 0 : i32
    %dma_wait3A_2065 = tpu.memref_slice %arg5[%dma_wait3A_2051, %add3A_2007, %dma_wait3A_2063, %dma_wait3A_2064] : memref<1x512x64x512xf32, #tpu.memory_space<hbm>> -> memref<1x1x64x512xf32, #tpu.memory_space<hbm>>
    %dma_wait3A_2066 = tpu.memref_squeeze %dma_wait3A_2065 : memref<1x1x64x512xf32, #tpu.memory_space<hbm>> -> memref<64x512xf32, #tpu.memory_space<hbm>>
    %dma_wait3A_2067 = arith.constant 0 : i32
    %dma_wait3A_2068 = arith.constant 0 : i32
    %dma_wait3A_2069 = tpu.memref_slice %arg6[%dma_wait3A_2050, %dma_wait3A_2067, %dma_wait3A_2068] : memref<3x64x512xf32, #tpu.memory_space<vmem>> -> memref<1x64x512xf32, #tpu.memory_space<vmem>>
    %dma_wait3A_2070 = tpu.memref_squeeze %dma_wait3A_2069 : memref<1x64x512xf32, #tpu.memory_space<vmem>> -> memref<64x512xf32, #tpu.memory_space<vmem>>
    tpu.wait_dma2 semaphore(%dma_wait3A_2062 : memref<!tpu.dma_semaphore, #tpu.memory_space<semaphore_mem>>) src(%dma_wait3A_2070 : memref<64x512xf32, #tpu.memory_space<vmem>>) dst(%dma_wait3A_2066 : memref<64x512xf32, #tpu.memory_space<hbm>>)
    %add3A_2071 = arith.constant 9 : i32
    %add3A_2072 = arith.addi %mul3A_2, %add3A_2071 : i32
    %dma_start3A_2073 = arith.constant 0 : i32
    %dma_start3A_2074 = arith.constant 1 : i32
    %dma_start3A_2075 = arith.constant 1 : i32
    %dma_start3A_2076 = arith.constant 0 : i32
    %dma_start3A_2077 = arith.constant 0 : i32
    %dma_start3A_2078 = tpu.memref_slice %arg6[%dma_start3A_2074, %dma_start3A_2076, %dma_start3A_2077] : memref<3x64x512xf32, #tpu.memory_space<vmem>> -> memref<1x64x512xf32, #tpu.memory_space<vmem>>
    %dma_start3A_2079 = tpu.memref_squeeze %dma_start3A_2078 : memref<1x64x512xf32, #tpu.memory_space<vmem>> -> memref<64x512xf32, #tpu.memory_space<vmem>>
    %dma_start3A_2080 = arith.constant 0 : i32
    %dma_start3A_2081 = arith.constant 0 : i32
    %dma_start3A_2082 = tpu.memref_slice %arg3[%dma_start3A_2073, %add3A_2072, %dma_start3A_2080, %dma_start3A_2081] : memref<1x512x64x512xf32, #tpu.memory_space<hbm>> -> memref<1x1x64x512xf32, #tpu.memory_space<hbm>>
    %dma_start3A_2083 = tpu.memref_squeeze %dma_start3A_2082 : memref<1x1x64x512xf32, #tpu.memory_space<hbm>> -> memref<64x512xf32, #tpu.memory_space<hbm>>
    %dma_start3A_2084 = tpu.memref_slice %arg7[%dma_start3A_2075] : memref<3x!tpu.dma_semaphore, #tpu.memory_space<semaphore_mem>> -> memref<1x!tpu.dma_semaphore, #tpu.memory_space<semaphore_mem>>
    %dma_start3A_2085 = tpu.memref_squeeze %dma_start3A_2084 : memref<1x!tpu.dma_semaphore, #tpu.memory_space<semaphore_mem>> -> memref<!tpu.dma_semaphore, #tpu.memory_space<semaphore_mem>>
    %dma_start3A_2086 = arith.constant 0 : i32
    %dma_start3A_2087 = arith.constant 0 : i32
    %dma_start3A_2088 = tpu.memref_slice %arg6[%dma_start3A_2074, %dma_start3A_2086, %dma_start3A_2087] : memref<3x64x512xf32, #tpu.memory_space<vmem>> -> memref<1x64x512xf32, #tpu.memory_space<vmem>>
    %dma_start3A_2089 = tpu.memref_squeeze %dma_start3A_2088 : memref<1x64x512xf32, #tpu.memory_space<vmem>> -> memref<64x512xf32, #tpu.memory_space<vmem>>
    %dma_start3A_2090 = arith.constant 0 : i32
    %dma_start3A_2091 = arith.constant 0 : i32
    %dma_start3A_2092 = tpu.memref_slice %arg3[%dma_start3A_2073, %add3A_2072, %dma_start3A_2090, %dma_start3A_2091] : memref<1x512x64x512xf32, #tpu.memory_space<hbm>> -> memref<1x1x64x512xf32, #tpu.memory_space<hbm>>
    %dma_start3A_2093 = tpu.memref_squeeze %dma_start3A_2092 : memref<1x1x64x512xf32, #tpu.memory_space<hbm>> -> memref<64x512xf32, #tpu.memory_space<hbm>>
    tpu.enqueue_dma source(%dma_start3A_2093 : memref<64x512xf32, #tpu.memory_space<hbm>>) target(%dma_start3A_2089 : memref<64x512xf32, #tpu.memory_space<vmem>>) target_semaphore(%dma_start3A_2085 : memref<!tpu.dma_semaphore, #tpu.memory_space<semaphore_mem>>)
    %add3A_2094 = arith.constant 7 : i32
    %add3A_2095 = arith.addi %mul3A_2, %add3A_2094 : i32
    %dma_wait3A_2096 = arith.constant 0 : i32
    %dma_wait3A_2097 = arith.constant 2 : i32
    %dma_wait3A_2098 = arith.constant 2 : i32
    %dma_wait3A_2099 = arith.constant 0 : i32
    %dma_wait3A_2100 = arith.constant 0 : i32
    %dma_wait3A_2101 = tpu.memref_slice %arg6[%dma_wait3A_2097, %dma_wait3A_2099, %dma_wait3A_2100] : memref<3x64x512xf32, #tpu.memory_space<vmem>> -> memref<1x64x512xf32, #tpu.memory_space<vmem>>
    %dma_wait3A_2102 = tpu.memref_squeeze %dma_wait3A_2101 : memref<1x64x512xf32, #tpu.memory_space<vmem>> -> memref<64x512xf32, #tpu.memory_space<vmem>>
    %dma_wait3A_2103 = arith.constant 0 : i32
    %dma_wait3A_2104 = arith.constant 0 : i32
    %dma_wait3A_2105 = tpu.memref_slice %arg3[%dma_wait3A_2096, %add3A_2095, %dma_wait3A_2103, %dma_wait3A_2104] : memref<1x512x64x512xf32, #tpu.memory_space<hbm>> -> memref<1x1x64x512xf32, #tpu.memory_space<hbm>>
    %dma_wait3A_2106 = tpu.memref_squeeze %dma_wait3A_2105 : memref<1x1x64x512xf32, #tpu.memory_space<hbm>> -> memref<64x512xf32, #tpu.memory_space<hbm>>
    %dma_wait3A_2107 = tpu.memref_slice %arg7[%dma_wait3A_2098] : memref<3x!tpu.dma_semaphore, #tpu.memory_space<semaphore_mem>> -> memref<1x!tpu.dma_semaphore, #tpu.memory_space<semaphore_mem>>
    %dma_wait3A_2108 = tpu.memref_squeeze %dma_wait3A_2107 : memref<1x!tpu.dma_semaphore, #tpu.memory_space<semaphore_mem>> -> memref<!tpu.dma_semaphore, #tpu.memory_space<semaphore_mem>>
    %dma_wait3A_2109 = arith.constant 0 : i32
    %dma_wait3A_2110 = arith.constant 0 : i32
    %dma_wait3A_2111 = tpu.memref_slice %arg6[%dma_wait3A_2097, %dma_wait3A_2109, %dma_wait3A_2110] : memref<3x64x512xf32, #tpu.memory_space<vmem>> -> memref<1x64x512xf32, #tpu.memory_space<vmem>>
    %dma_wait3A_2112 = tpu.memref_squeeze %dma_wait3A_2111 : memref<1x64x512xf32, #tpu.memory_space<vmem>> -> memref<64x512xf32, #tpu.memory_space<vmem>>
    %dma_wait3A_2113 = arith.constant 0 : i32
    %dma_wait3A_2114 = arith.constant 0 : i32
    %dma_wait3A_2115 = tpu.memref_slice %arg3[%dma_wait3A_2096, %add3A_2095, %dma_wait3A_2113, %dma_wait3A_2114] : memref<1x512x64x512xf32, #tpu.memory_space<hbm>> -> memref<1x1x64x512xf32, #tpu.memory_space<hbm>>
    %dma_wait3A_2116 = tpu.memref_squeeze %dma_wait3A_2115 : memref<1x1x64x512xf32, #tpu.memory_space<hbm>> -> memref<64x512xf32, #tpu.memory_space<hbm>>
    tpu.wait_dma2 semaphore(%dma_wait3A_2108 : memref<!tpu.dma_semaphore, #tpu.memory_space<semaphore_mem>>) src(%dma_wait3A_2116 : memref<64x512xf32, #tpu.memory_space<hbm>>) dst(%dma_wait3A_2112 : memref<64x512xf32, #tpu.memory_space<vmem>>)
    %dma_start3A_2117 = arith.constant 2 : i32
    %dma_start3A_2118 = arith.constant 0 : i32
    %dma_start3A_2119 = arith.constant 2 : i32
    %dma_start3A_2120 = arith.constant 0 : i32
    %dma_start3A_2121 = arith.constant 0 : i32
    %dma_start3A_2122 = tpu.memref_slice %arg6[%dma_start3A_2117, %dma_start3A_2120, %dma_start3A_2121] : memref<3x64x512xf32, #tpu.memory_space<vmem>> -> memref<1x64x512xf32, #tpu.memory_space<vmem>>
    %dma_start3A_2123 = tpu.memref_squeeze %dma_start3A_2122 : memref<1x64x512xf32, #tpu.memory_space<vmem>> -> memref<64x512xf32, #tpu.memory_space<vmem>>
    %dma_start3A_2124 = arith.constant 0 : i32
    %dma_start3A_2125 = arith.constant 0 : i32
    %dma_start3A_2126 = tpu.memref_slice %arg5[%dma_start3A_2118, %add3A_2095, %dma_start3A_2124, %dma_start3A_2125] : memref<1x512x64x512xf32, #tpu.memory_space<hbm>> -> memref<1x1x64x512xf32, #tpu.memory_space<hbm>>
    %dma_start3A_2127 = tpu.memref_squeeze %dma_start3A_2126 : memref<1x1x64x512xf32, #tpu.memory_space<hbm>> -> memref<64x512xf32, #tpu.memory_space<hbm>>
    %dma_start3A_2128 = tpu.memref_slice %arg8[%dma_start3A_2119] : memref<3x!tpu.dma_semaphore, #tpu.memory_space<semaphore_mem>> -> memref<1x!tpu.dma_semaphore, #tpu.memory_space<semaphore_mem>>
    %dma_start3A_2129 = tpu.memref_squeeze %dma_start3A_2128 : memref<1x!tpu.dma_semaphore, #tpu.memory_space<semaphore_mem>> -> memref<!tpu.dma_semaphore, #tpu.memory_space<semaphore_mem>>
    %dma_start3A_2130 = arith.constant 0 : i32
    %dma_start3A_2131 = arith.constant 0 : i32
    %dma_start3A_2132 = tpu.memref_slice %arg5[%dma_start3A_2118, %add3A_2095, %dma_start3A_2130, %dma_start3A_2131] : memref<1x512x64x512xf32, #tpu.memory_space<hbm>> -> memref<1x1x64x512xf32, #tpu.memory_space<hbm>>
    %dma_start3A_2133 = tpu.memref_squeeze %dma_start3A_2132 : memref<1x1x64x512xf32, #tpu.memory_space<hbm>> -> memref<64x512xf32, #tpu.memory_space<hbm>>
    %dma_start3A_2134 = arith.constant 0 : i32
    %dma_start3A_2135 = arith.constant 0 : i32
    %dma_start3A_2136 = tpu.memref_slice %arg6[%dma_start3A_2117, %dma_start3A_2134, %dma_start3A_2135] : memref<3x64x512xf32, #tpu.memory_space<vmem>> -> memref<1x64x512xf32, #tpu.memory_space<vmem>>
    %dma_start3A_2137 = tpu.memref_squeeze %dma_start3A_2136 : memref<1x64x512xf32, #tpu.memory_space<vmem>> -> memref<64x512xf32, #tpu.memory_space<vmem>>
    tpu.enqueue_dma source(%dma_start3A_2137 : memref<64x512xf32, #tpu.memory_space<vmem>>) target(%dma_start3A_2133 : memref<64x512xf32, #tpu.memory_space<hbm>>) target_semaphore(%dma_start3A_2129 : memref<!tpu.dma_semaphore, #tpu.memory_space<semaphore_mem>>)
    %dma_wait3A_2138 = arith.constant 2 : i32
    %dma_wait3A_2139 = arith.constant 0 : i32
    %dma_wait3A_2140 = arith.constant 2 : i32
    %dma_wait3A_2141 = arith.constant 0 : i32
    %dma_wait3A_2142 = arith.constant 0 : i32
    %dma_wait3A_2143 = tpu.memref_slice %arg6[%dma_wait3A_2138, %dma_wait3A_2141, %dma_wait3A_2142] : memref<3x64x512xf32, #tpu.memory_space<vmem>> -> memref<1x64x512xf32, #tpu.memory_space<vmem>>
    %dma_wait3A_2144 = tpu.memref_squeeze %dma_wait3A_2143 : memref<1x64x512xf32, #tpu.memory_space<vmem>> -> memref<64x512xf32, #tpu.memory_space<vmem>>
    %dma_wait3A_2145 = arith.constant 0 : i32
    %dma_wait3A_2146 = arith.constant 0 : i32
    %dma_wait3A_2147 = tpu.memref_slice %arg5[%dma_wait3A_2139, %add3A_2095, %dma_wait3A_2145, %dma_wait3A_2146] : memref<1x512x64x512xf32, #tpu.memory_space<hbm>> -> memref<1x1x64x512xf32, #tpu.memory_space<hbm>>
    %dma_wait3A_2148 = tpu.memref_squeeze %dma_wait3A_2147 : memref<1x1x64x512xf32, #tpu.memory_space<hbm>> -> memref<64x512xf32, #tpu.memory_space<hbm>>
    %dma_wait3A_2149 = tpu.memref_slice %arg8[%dma_wait3A_2140] : memref<3x!tpu.dma_semaphore, #tpu.memory_space<semaphore_mem>> -> memref<1x!tpu.dma_semaphore, #tpu.memory_space<semaphore_mem>>
    %dma_wait3A_2150 = tpu.memref_squeeze %dma_wait3A_2149 : memref<1x!tpu.dma_semaphore, #tpu.memory_space<semaphore_mem>> -> memref<!tpu.dma_semaphore, #tpu.memory_space<semaphore_mem>>
    %dma_wait3A_2151 = arith.constant 0 : i32
    %dma_wait3A_2152 = arith.constant 0 : i32
    %dma_wait3A_2153 = tpu.memref_slice %arg5[%dma_wait3A_2139, %add3A_2095, %dma_wait3A_2151, %dma_wait3A_2152] : memref<1x512x64x512xf32, #tpu.memory_space<hbm>> -> memref<1x1x64x512xf32, #tpu.memory_space<hbm>>
    %dma_wait3A_2154 = tpu.memref_squeeze %dma_wait3A_2153 : memref<1x1x64x512xf32, #tpu.memory_space<hbm>> -> memref<64x512xf32, #tpu.memory_space<hbm>>
    %dma_wait3A_2155 = arith.constant 0 : i32
    %dma_wait3A_2156 = arith.constant 0 : i32
    %dma_wait3A_2157 = tpu.memref_slice %arg6[%dma_wait3A_2138, %dma_wait3A_2155, %dma_wait3A_2156] : memref<3x64x512xf32, #tpu.memory_space<vmem>> -> memref<1x64x512xf32, #tpu.memory_space<vmem>>
    %dma_wait3A_2158 = tpu.memref_squeeze %dma_wait3A_2157 : memref<1x64x512xf32, #tpu.memory_space<vmem>> -> memref<64x512xf32, #tpu.memory_space<vmem>>
    tpu.wait_dma2 semaphore(%dma_wait3A_2150 : memref<!tpu.dma_semaphore, #tpu.memory_space<semaphore_mem>>) src(%dma_wait3A_2158 : memref<64x512xf32, #tpu.memory_space<vmem>>) dst(%dma_wait3A_2154 : memref<64x512xf32, #tpu.memory_space<hbm>>)
    %add3A_2159 = arith.constant 10 : i32
    %add3A_2160 = arith.addi %mul3A_2, %add3A_2159 : i32
    %dma_start3A_2161 = arith.constant 0 : i32
    %dma_start3A_2162 = arith.constant 2 : i32
    %dma_start3A_2163 = arith.constant 2 : i32
    %dma_start3A_2164 = arith.constant 0 : i32
    %dma_start3A_2165 = arith.constant 0 : i32
    %dma_start3A_2166 = tpu.memref_slice %arg6[%dma_start3A_2162, %dma_start3A_2164, %dma_start3A_2165] : memref<3x64x512xf32, #tpu.memory_space<vmem>> -> memref<1x64x512xf32, #tpu.memory_space<vmem>>
    %dma_start3A_2167 = tpu.memref_squeeze %dma_start3A_2166 : memref<1x64x512xf32, #tpu.memory_space<vmem>> -> memref<64x512xf32, #tpu.memory_space<vmem>>
    %dma_start3A_2168 = arith.constant 0 : i32
    %dma_start3A_2169 = arith.constant 0 : i32
    %dma_start3A_2170 = tpu.memref_slice %arg3[%dma_start3A_2161, %add3A_2160, %dma_start3A_2168, %dma_start3A_2169] : memref<1x512x64x512xf32, #tpu.memory_space<hbm>> -> memref<1x1x64x512xf32, #tpu.memory_space<hbm>>
    %dma_start3A_2171 = tpu.memref_squeeze %dma_start3A_2170 : memref<1x1x64x512xf32, #tpu.memory_space<hbm>> -> memref<64x512xf32, #tpu.memory_space<hbm>>
    %dma_start3A_2172 = tpu.memref_slice %arg7[%dma_start3A_2163] : memref<3x!tpu.dma_semaphore, #tpu.memory_space<semaphore_mem>> -> memref<1x!tpu.dma_semaphore, #tpu.memory_space<semaphore_mem>>
    %dma_start3A_2173 = tpu.memref_squeeze %dma_start3A_2172 : memref<1x!tpu.dma_semaphore, #tpu.memory_space<semaphore_mem>> -> memref<!tpu.dma_semaphore, #tpu.memory_space<semaphore_mem>>
    %dma_start3A_2174 = arith.constant 0 : i32
    %dma_start3A_2175 = arith.constant 0 : i32
    %dma_start3A_2176 = tpu.memref_slice %arg6[%dma_start3A_2162, %dma_start3A_2174, %dma_start3A_2175] : memref<3x64x512xf32, #tpu.memory_space<vmem>> -> memref<1x64x512xf32, #tpu.memory_space<vmem>>
    %dma_start3A_2177 = tpu.memref_squeeze %dma_start3A_2176 : memref<1x64x512xf32, #tpu.memory_space<vmem>> -> memref<64x512xf32, #tpu.memory_space<vmem>>
    %dma_start3A_2178 = arith.constant 0 : i32
    %dma_start3A_2179 = arith.constant 0 : i32
    %dma_start3A_2180 = tpu.memref_slice %arg3[%dma_start3A_2161, %add3A_2160, %dma_start3A_2178, %dma_start3A_2179] : memref<1x512x64x512xf32, #tpu.memory_space<hbm>> -> memref<1x1x64x512xf32, #tpu.memory_space<hbm>>
    %dma_start3A_2181 = tpu.memref_squeeze %dma_start3A_2180 : memref<1x1x64x512xf32, #tpu.memory_space<hbm>> -> memref<64x512xf32, #tpu.memory_space<hbm>>
    tpu.enqueue_dma source(%dma_start3A_2181 : memref<64x512xf32, #tpu.memory_space<hbm>>) target(%dma_start3A_2177 : memref<64x512xf32, #tpu.memory_space<vmem>>) target_semaphore(%dma_start3A_2173 : memref<!tpu.dma_semaphore, #tpu.memory_space<semaphore_mem>>)
    %add3A_2182 = arith.constant 8 : i32
    %add3A_2183 = arith.addi %mul3A_2, %add3A_2182 : i32
    %dma_wait3A_2184 = arith.constant 0 : i32
    %dma_wait3A_2185 = arith.constant 0 : i32
    %dma_wait3A_2186 = arith.constant 0 : i32
    %dma_wait3A_2187 = arith.constant 0 : i32
    %dma_wait3A_2188 = arith.constant 0 : i32
    %dma_wait3A_2189 = tpu.memref_slice %arg6[%dma_wait3A_2185, %dma_wait3A_2187, %dma_wait3A_2188] : memref<3x64x512xf32, #tpu.memory_space<vmem>> -> memref<1x64x512xf32, #tpu.memory_space<vmem>>
    %dma_wait3A_2190 = tpu.memref_squeeze %dma_wait3A_2189 : memref<1x64x512xf32, #tpu.memory_space<vmem>> -> memref<64x512xf32, #tpu.memory_space<vmem>>
    %dma_wait3A_2191 = arith.constant 0 : i32
    %dma_wait3A_2192 = arith.constant 0 : i32
    %dma_wait3A_2193 = tpu.memref_slice %arg3[%dma_wait3A_2184, %add3A_2183, %dma_wait3A_2191, %dma_wait3A_2192] : memref<1x512x64x512xf32, #tpu.memory_space<hbm>> -> memref<1x1x64x512xf32, #tpu.memory_space<hbm>>
    %dma_wait3A_2194 = tpu.memref_squeeze %dma_wait3A_2193 : memref<1x1x64x512xf32, #tpu.memory_space<hbm>> -> memref<64x512xf32, #tpu.memory_space<hbm>>
    %dma_wait3A_2195 = tpu.memref_slice %arg7[%dma_wait3A_2186] : memref<3x!tpu.dma_semaphore, #tpu.memory_space<semaphore_mem>> -> memref<1x!tpu.dma_semaphore, #tpu.memory_space<semaphore_mem>>
    %dma_wait3A_2196 = tpu.memref_squeeze %dma_wait3A_2195 : memref<1x!tpu.dma_semaphore, #tpu.memory_space<semaphore_mem>> -> memref<!tpu.dma_semaphore, #tpu.memory_space<semaphore_mem>>
    %dma_wait3A_2197 = arith.constant 0 : i32
    %dma_wait3A_2198 = arith.constant 0 : i32
    %dma_wait3A_2199 = tpu.memref_slice %arg6[%dma_wait3A_2185, %dma_wait3A_2197, %dma_wait3A_2198] : memref<3x64x512xf32, #tpu.memory_space<vmem>> -> memref<1x64x512xf32, #tpu.memory_space<vmem>>
    %dma_wait3A_2200 = tpu.memref_squeeze %dma_wait3A_2199 : memref<1x64x512xf32, #tpu.memory_space<vmem>> -> memref<64x512xf32, #tpu.memory_space<vmem>>
    %dma_wait3A_2201 = arith.constant 0 : i32
    %dma_wait3A_2202 = arith.constant 0 : i32
    %dma_wait3A_2203 = tpu.memref_slice %arg3[%dma_wait3A_2184, %add3A_2183, %dma_wait3A_2201, %dma_wait3A_2202] : memref<1x512x64x512xf32, #tpu.memory_space<hbm>> -> memref<1x1x64x512xf32, #tpu.memory_space<hbm>>
    %dma_wait3A_2204 = tpu.memref_squeeze %dma_wait3A_2203 : memref<1x1x64x512xf32, #tpu.memory_space<hbm>> -> memref<64x512xf32, #tpu.memory_space<hbm>>
    tpu.wait_dma2 semaphore(%dma_wait3A_2196 : memref<!tpu.dma_semaphore, #tpu.memory_space<semaphore_mem>>) src(%dma_wait3A_2204 : memref<64x512xf32, #tpu.memory_space<hbm>>) dst(%dma_wait3A_2200 : memref<64x512xf32, #tpu.memory_space<vmem>>)
    %dma_start3A_2205 = arith.constant 0 : i32
    %dma_start3A_2206 = arith.constant 0 : i32
    %dma_start3A_2207 = arith.constant 0 : i32
    %dma_start3A_2208 = arith.constant 0 : i32
    %dma_start3A_2209 = arith.constant 0 : i32
    %dma_start3A_2210 = tpu.memref_slice %arg6[%dma_start3A_2205, %dma_start3A_2208, %dma_start3A_2209] : memref<3x64x512xf32, #tpu.memory_space<vmem>> -> memref<1x64x512xf32, #tpu.memory_space<vmem>>
    %dma_start3A_2211 = tpu.memref_squeeze %dma_start3A_2210 : memref<1x64x512xf32, #tpu.memory_space<vmem>> -> memref<64x512xf32, #tpu.memory_space<vmem>>
    %dma_start3A_2212 = arith.constant 0 : i32
    %dma_start3A_2213 = arith.constant 0 : i32
    %dma_start3A_2214 = tpu.memref_slice %arg5[%dma_start3A_2206, %add3A_2183, %dma_start3A_2212, %dma_start3A_2213] : memref<1x512x64x512xf32, #tpu.memory_space<hbm>> -> memref<1x1x64x512xf32, #tpu.memory_space<hbm>>
    %dma_start3A_2215 = tpu.memref_squeeze %dma_start3A_2214 : memref<1x1x64x512xf32, #tpu.memory_space<hbm>> -> memref<64x512xf32, #tpu.memory_space<hbm>>
    %dma_start3A_2216 = tpu.memref_slice %arg8[%dma_start3A_2207] : memref<3x!tpu.dma_semaphore, #tpu.memory_space<semaphore_mem>> -> memref<1x!tpu.dma_semaphore, #tpu.memory_space<semaphore_mem>>
    %dma_start3A_2217 = tpu.memref_squeeze %dma_start3A_2216 : memref<1x!tpu.dma_semaphore, #tpu.memory_space<semaphore_mem>> -> memref<!tpu.dma_semaphore, #tpu.memory_space<semaphore_mem>>
    %dma_start3A_2218 = arith.constant 0 : i32
    %dma_start3A_2219 = arith.constant 0 : i32
    %dma_start3A_2220 = tpu.memref_slice %arg5[%dma_start3A_2206, %add3A_2183, %dma_start3A_2218, %dma_start3A_2219] : memref<1x512x64x512xf32, #tpu.memory_space<hbm>> -> memref<1x1x64x512xf32, #tpu.memory_space<hbm>>
    %dma_start3A_2221 = tpu.memref_squeeze %dma_start3A_2220 : memref<1x1x64x512xf32, #tpu.memory_space<hbm>> -> memref<64x512xf32, #tpu.memory_space<hbm>>
    %dma_start3A_2222 = arith.constant 0 : i32
    %dma_start3A_2223 = arith.constant 0 : i32
    %dma_start3A_2224 = tpu.memref_slice %arg6[%dma_start3A_2205, %dma_start3A_2222, %dma_start3A_2223] : memref<3x64x512xf32, #tpu.memory_space<vmem>> -> memref<1x64x512xf32, #tpu.memory_space<vmem>>
    %dma_start3A_2225 = tpu.memref_squeeze %dma_start3A_2224 : memref<1x64x512xf32, #tpu.memory_space<vmem>> -> memref<64x512xf32, #tpu.memory_space<vmem>>
    tpu.enqueue_dma source(%dma_start3A_2225 : memref<64x512xf32, #tpu.memory_space<vmem>>) target(%dma_start3A_2221 : memref<64x512xf32, #tpu.memory_space<hbm>>) target_semaphore(%dma_start3A_2217 : memref<!tpu.dma_semaphore, #tpu.memory_space<semaphore_mem>>)
    %dma_wait3A_2226 = arith.constant 0 : i32
    %dma_wait3A_2227 = arith.constant 0 : i32
    %dma_wait3A_2228 = arith.constant 0 : i32
    %dma_wait3A_2229 = arith.constant 0 : i32
    %dma_wait3A_2230 = arith.constant 0 : i32
    %dma_wait3A_2231 = tpu.memref_slice %arg6[%dma_wait3A_2226, %dma_wait3A_2229, %dma_wait3A_2230] : memref<3x64x512xf32, #tpu.memory_space<vmem>> -> memref<1x64x512xf32, #tpu.memory_space<vmem>>
    %dma_wait3A_2232 = tpu.memref_squeeze %dma_wait3A_2231 : memref<1x64x512xf32, #tpu.memory_space<vmem>> -> memref<64x512xf32, #tpu.memory_space<vmem>>
    %dma_wait3A_2233 = arith.constant 0 : i32
    %dma_wait3A_2234 = arith.constant 0 : i32
    %dma_wait3A_2235 = tpu.memref_slice %arg5[%dma_wait3A_2227, %add3A_2183, %dma_wait3A_2233, %dma_wait3A_2234] : memref<1x512x64x512xf32, #tpu.memory_space<hbm>> -> memref<1x1x64x512xf32, #tpu.memory_space<hbm>>
    %dma_wait3A_2236 = tpu.memref_squeeze %dma_wait3A_2235 : memref<1x1x64x512xf32, #tpu.memory_space<hbm>> -> memref<64x512xf32, #tpu.memory_space<hbm>>
    %dma_wait3A_2237 = tpu.memref_slice %arg8[%dma_wait3A_2228] : memref<3x!tpu.dma_semaphore, #tpu.memory_space<semaphore_mem>> -> memref<1x!tpu.dma_semaphore, #tpu.memory_space<semaphore_mem>>
    %dma_wait3A_2238 = tpu.memref_squeeze %dma_wait3A_2237 : memref<1x!tpu.dma_semaphore, #tpu.memory_space<semaphore_mem>> -> memref<!tpu.dma_semaphore, #tpu.memory_space<semaphore_mem>>
    %dma_wait3A_2239 = arith.constant 0 : i32
    %dma_wait3A_2240 = arith.constant 0 : i32
    %dma_wait3A_2241 = tpu.memref_slice %arg5[%dma_wait3A_2227, %add3A_2183, %dma_wait3A_2239, %dma_wait3A_2240] : memref<1x512x64x512xf32, #tpu.memory_space<hbm>> -> memref<1x1x64x512xf32, #tpu.memory_space<hbm>>
    %dma_wait3A_2242 = tpu.memref_squeeze %dma_wait3A_2241 : memref<1x1x64x512xf32, #tpu.memory_space<hbm>> -> memref<64x512xf32, #tpu.memory_space<hbm>>
    %dma_wait3A_2243 = arith.constant 0 : i32
    %dma_wait3A_2244 = arith.constant 0 : i32
    %dma_wait3A_2245 = tpu.memref_slice %arg6[%dma_wait3A_2226, %dma_wait3A_2243, %dma_wait3A_2244] : memref<3x64x512xf32, #tpu.memory_space<vmem>> -> memref<1x64x512xf32, #tpu.memory_space<vmem>>
    %dma_wait3A_2246 = tpu.memref_squeeze %dma_wait3A_2245 : memref<1x64x512xf32, #tpu.memory_space<vmem>> -> memref<64x512xf32, #tpu.memory_space<vmem>>
    tpu.wait_dma2 semaphore(%dma_wait3A_2238 : memref<!tpu.dma_semaphore, #tpu.memory_space<semaphore_mem>>) src(%dma_wait3A_2246 : memref<64x512xf32, #tpu.memory_space<vmem>>) dst(%dma_wait3A_2242 : memref<64x512xf32, #tpu.memory_space<hbm>>)
    %add3A_2247 = arith.constant 11 : i32
    %add3A_2248 = arith.addi %mul3A_2, %add3A_2247 : i32
    %dma_start3A_2249 = arith.constant 0 : i32
    %dma_start3A_2250 = arith.constant 0 : i32
    %dma_start3A_2251 = arith.constant 0 : i32
    %dma_start3A_2252 = arith.constant 0 : i32
    %dma_start3A_2253 = arith.constant 0 : i32
    %dma_start3A_2254 = tpu.memref_slice %arg6[%dma_start3A_2250, %dma_start3A_2252, %dma_start3A_2253] : memref<3x64x512xf32, #tpu.memory_space<vmem>> -> memref<1x64x512xf32, #tpu.memory_space<vmem>>
    %dma_start3A_2255 = tpu.memref_squeeze %dma_start3A_2254 : memref<1x64x512xf32, #tpu.memory_space<vmem>> -> memref<64x512xf32, #tpu.memory_space<vmem>>
    %dma_start3A_2256 = arith.constant 0 : i32
    %dma_start3A_2257 = arith.constant 0 : i32
    %dma_start3A_2258 = tpu.memref_slice %arg3[%dma_start3A_2249, %add3A_2248, %dma_start3A_2256, %dma_start3A_2257] : memref<1x512x64x512xf32, #tpu.memory_space<hbm>> -> memref<1x1x64x512xf32, #tpu.memory_space<hbm>>
    %dma_start3A_2259 = tpu.memref_squeeze %dma_start3A_2258 : memref<1x1x64x512xf32, #tpu.memory_space<hbm>> -> memref<64x512xf32, #tpu.memory_space<hbm>>
    %dma_start3A_2260 = tpu.memref_slice %arg7[%dma_start3A_2251] : memref<3x!tpu.dma_semaphore, #tpu.memory_space<semaphore_mem>> -> memref<1x!tpu.dma_semaphore, #tpu.memory_space<semaphore_mem>>
    %dma_start3A_2261 = tpu.memref_squeeze %dma_start3A_2260 : memref<1x!tpu.dma_semaphore, #tpu.memory_space<semaphore_mem>> -> memref<!tpu.dma_semaphore, #tpu.memory_space<semaphore_mem>>
    %dma_start3A_2262 = arith.constant 0 : i32
    %dma_start3A_2263 = arith.constant 0 : i32
    %dma_start3A_2264 = tpu.memref_slice %arg6[%dma_start3A_2250, %dma_start3A_2262, %dma_start3A_2263] : memref<3x64x512xf32, #tpu.memory_space<vmem>> -> memref<1x64x512xf32, #tpu.memory_space<vmem>>
    %dma_start3A_2265 = tpu.memref_squeeze %dma_start3A_2264 : memref<1x64x512xf32, #tpu.memory_space<vmem>> -> memref<64x512xf32, #tpu.memory_space<vmem>>
    %dma_start3A_2266 = arith.constant 0 : i32
    %dma_start3A_2267 = arith.constant 0 : i32
    %dma_start3A_2268 = tpu.memref_slice %arg3[%dma_start3A_2249, %add3A_2248, %dma_start3A_2266, %dma_start3A_2267] : memref<1x512x64x512xf32, #tpu.memory_space<hbm>> -> memref<1x1x64x512xf32, #tpu.memory_space<hbm>>
    %dma_start3A_2269 = tpu.memref_squeeze %dma_start3A_2268 : memref<1x1x64x512xf32, #tpu.memory_space<hbm>> -> memref<64x512xf32, #tpu.memory_space<hbm>>
    tpu.enqueue_dma source(%dma_start3A_2269 : memref<64x512xf32, #tpu.memory_space<hbm>>) target(%dma_start3A_2265 : memref<64x512xf32, #tpu.memory_space<vmem>>) target_semaphore(%dma_start3A_2261 : memref<!tpu.dma_semaphore, #tpu.memory_space<semaphore_mem>>)
    %add3A_2270 = arith.constant 9 : i32
    %add3A_2271 = arith.addi %mul3A_2, %add3A_2270 : i32
    %dma_wait3A_2272 = arith.constant 0 : i32
    %dma_wait3A_2273 = arith.constant 1 : i32
    %dma_wait3A_2274 = arith.constant 1 : i32
    %dma_wait3A_2275 = arith.constant 0 : i32
    %dma_wait3A_2276 = arith.constant 0 : i32
    %dma_wait3A_2277 = tpu.memref_slice %arg6[%dma_wait3A_2273, %dma_wait3A_2275, %dma_wait3A_2276] : memref<3x64x512xf32, #tpu.memory_space<vmem>> -> memref<1x64x512xf32, #tpu.memory_space<vmem>>
    %dma_wait3A_2278 = tpu.memref_squeeze %dma_wait3A_2277 : memref<1x64x512xf32, #tpu.memory_space<vmem>> -> memref<64x512xf32, #tpu.memory_space<vmem>>
    %dma_wait3A_2279 = arith.constant 0 : i32
    %dma_wait3A_2280 = arith.constant 0 : i32
    %dma_wait3A_2281 = tpu.memref_slice %arg3[%dma_wait3A_2272, %add3A_2271, %dma_wait3A_2279, %dma_wait3A_2280] : memref<1x512x64x512xf32, #tpu.memory_space<hbm>> -> memref<1x1x64x512xf32, #tpu.memory_space<hbm>>
    %dma_wait3A_2282 = tpu.memref_squeeze %dma_wait3A_2281 : memref<1x1x64x512xf32, #tpu.memory_space<hbm>> -> memref<64x512xf32, #tpu.memory_space<hbm>>
    %dma_wait3A_2283 = tpu.memref_slice %arg7[%dma_wait3A_2274] : memref<3x!tpu.dma_semaphore, #tpu.memory_space<semaphore_mem>> -> memref<1x!tpu.dma_semaphore, #tpu.memory_space<semaphore_mem>>
    %dma_wait3A_2284 = tpu.memref_squeeze %dma_wait3A_2283 : memref<1x!tpu.dma_semaphore, #tpu.memory_space<semaphore_mem>> -> memref<!tpu.dma_semaphore, #tpu.memory_space<semaphore_mem>>
    %dma_wait3A_2285 = arith.constant 0 : i32
    %dma_wait3A_2286 = arith.constant 0 : i32
    %dma_wait3A_2287 = tpu.memref_slice %arg6[%dma_wait3A_2273, %dma_wait3A_2285, %dma_wait3A_2286] : memref<3x64x512xf32, #tpu.memory_space<vmem>> -> memref<1x64x512xf32, #tpu.memory_space<vmem>>
    %dma_wait3A_2288 = tpu.memref_squeeze %dma_wait3A_2287 : memref<1x64x512xf32, #tpu.memory_space<vmem>> -> memref<64x512xf32, #tpu.memory_space<vmem>>
    %dma_wait3A_2289 = arith.constant 0 : i32
    %dma_wait3A_2290 = arith.constant 0 : i32
    %dma_wait3A_2291 = tpu.memref_slice %arg3[%dma_wait3A_2272, %add3A_2271, %dma_wait3A_2289, %dma_wait3A_2290] : memref<1x512x64x512xf32, #tpu.memory_space<hbm>> -> memref<1x1x64x512xf32, #tpu.memory_space<hbm>>
    %dma_wait3A_2292 = tpu.memref_squeeze %dma_wait3A_2291 : memref<1x1x64x512xf32, #tpu.memory_space<hbm>> -> memref<64x512xf32, #tpu.memory_space<hbm>>
    tpu.wait_dma2 semaphore(%dma_wait3A_2284 : memref<!tpu.dma_semaphore, #tpu.memory_space<semaphore_mem>>) src(%dma_wait3A_2292 : memref<64x512xf32, #tpu.memory_space<hbm>>) dst(%dma_wait3A_2288 : memref<64x512xf32, #tpu.memory_space<vmem>>)
    %dma_start3A_2293 = arith.constant 1 : i32
    %dma_start3A_2294 = arith.constant 0 : i32
    %dma_start3A_2295 = arith.constant 1 : i32
    %dma_start3A_2296 = arith.constant 0 : i32
    %dma_start3A_2297 = arith.constant 0 : i32
    %dma_start3A_2298 = tpu.memref_slice %arg6[%dma_start3A_2293, %dma_start3A_2296, %dma_start3A_2297] : memref<3x64x512xf32, #tpu.memory_space<vmem>> -> memref<1x64x512xf32, #tpu.memory_space<vmem>>
    %dma_start3A_2299 = tpu.memref_squeeze %dma_start3A_2298 : memref<1x64x512xf32, #tpu.memory_space<vmem>> -> memref<64x512xf32, #tpu.memory_space<vmem>>
    %dma_start3A_2300 = arith.constant 0 : i32
    %dma_start3A_2301 = arith.constant 0 : i32
    %dma_start3A_2302 = tpu.memref_slice %arg5[%dma_start3A_2294, %add3A_2271, %dma_start3A_2300, %dma_start3A_2301] : memref<1x512x64x512xf32, #tpu.memory_space<hbm>> -> memref<1x1x64x512xf32, #tpu.memory_space<hbm>>
    %dma_start3A_2303 = tpu.memref_squeeze %dma_start3A_2302 : memref<1x1x64x512xf32, #tpu.memory_space<hbm>> -> memref<64x512xf32, #tpu.memory_space<hbm>>
    %dma_start3A_2304 = tpu.memref_slice %arg8[%dma_start3A_2295] : memref<3x!tpu.dma_semaphore, #tpu.memory_space<semaphore_mem>> -> memref<1x!tpu.dma_semaphore, #tpu.memory_space<semaphore_mem>>
    %dma_start3A_2305 = tpu.memref_squeeze %dma_start3A_2304 : memref<1x!tpu.dma_semaphore, #tpu.memory_space<semaphore_mem>> -> memref<!tpu.dma_semaphore, #tpu.memory_space<semaphore_mem>>
    %dma_start3A_2306 = arith.constant 0 : i32
    %dma_start3A_2307 = arith.constant 0 : i32
    %dma_start3A_2308 = tpu.memref_slice %arg5[%dma_start3A_2294, %add3A_2271, %dma_start3A_2306, %dma_start3A_2307] : memref<1x512x64x512xf32, #tpu.memory_space<hbm>> -> memref<1x1x64x512xf32, #tpu.memory_space<hbm>>
    %dma_start3A_2309 = tpu.memref_squeeze %dma_start3A_2308 : memref<1x1x64x512xf32, #tpu.memory_space<hbm>> -> memref<64x512xf32, #tpu.memory_space<hbm>>
    %dma_start3A_2310 = arith.constant 0 : i32
    %dma_start3A_2311 = arith.constant 0 : i32
    %dma_start3A_2312 = tpu.memref_slice %arg6[%dma_start3A_2293, %dma_start3A_2310, %dma_start3A_2311] : memref<3x64x512xf32, #tpu.memory_space<vmem>> -> memref<1x64x512xf32, #tpu.memory_space<vmem>>
    %dma_start3A_2313 = tpu.memref_squeeze %dma_start3A_2312 : memref<1x64x512xf32, #tpu.memory_space<vmem>> -> memref<64x512xf32, #tpu.memory_space<vmem>>
    tpu.enqueue_dma source(%dma_start3A_2313 : memref<64x512xf32, #tpu.memory_space<vmem>>) target(%dma_start3A_2309 : memref<64x512xf32, #tpu.memory_space<hbm>>) target_semaphore(%dma_start3A_2305 : memref<!tpu.dma_semaphore, #tpu.memory_space<semaphore_mem>>)
    %dma_wait3A_2314 = arith.constant 1 : i32
    %dma_wait3A_2315 = arith.constant 0 : i32
    %dma_wait3A_2316 = arith.constant 1 : i32
    %dma_wait3A_2317 = arith.constant 0 : i32
    %dma_wait3A_2318 = arith.constant 0 : i32
    %dma_wait3A_2319 = tpu.memref_slice %arg6[%dma_wait3A_2314, %dma_wait3A_2317, %dma_wait3A_2318] : memref<3x64x512xf32, #tpu.memory_space<vmem>> -> memref<1x64x512xf32, #tpu.memory_space<vmem>>
    %dma_wait3A_2320 = tpu.memref_squeeze %dma_wait3A_2319 : memref<1x64x512xf32, #tpu.memory_space<vmem>> -> memref<64x512xf32, #tpu.memory_space<vmem>>
    %dma_wait3A_2321 = arith.constant 0 : i32
    %dma_wait3A_2322 = arith.constant 0 : i32
    %dma_wait3A_2323 = tpu.memref_slice %arg5[%dma_wait3A_2315, %add3A_2271, %dma_wait3A_2321, %dma_wait3A_2322] : memref<1x512x64x512xf32, #tpu.memory_space<hbm>> -> memref<1x1x64x512xf32, #tpu.memory_space<hbm>>
    %dma_wait3A_2324 = tpu.memref_squeeze %dma_wait3A_2323 : memref<1x1x64x512xf32, #tpu.memory_space<hbm>> -> memref<64x512xf32, #tpu.memory_space<hbm>>
    %dma_wait3A_2325 = tpu.memref_slice %arg8[%dma_wait3A_2316] : memref<3x!tpu.dma_semaphore, #tpu.memory_space<semaphore_mem>> -> memref<1x!tpu.dma_semaphore, #tpu.memory_space<semaphore_mem>>
    %dma_wait3A_2326 = tpu.memref_squeeze %dma_wait3A_2325 : memref<1x!tpu.dma_semaphore, #tpu.memory_space<semaphore_mem>> -> memref<!tpu.dma_semaphore, #tpu.memory_space<semaphore_mem>>
    %dma_wait3A_2327 = arith.constant 0 : i32
    %dma_wait3A_2328 = arith.constant 0 : i32
    %dma_wait3A_2329 = tpu.memref_slice %arg5[%dma_wait3A_2315, %add3A_2271, %dma_wait3A_2327, %dma_wait3A_2328] : memref<1x512x64x512xf32, #tpu.memory_space<hbm>> -> memref<1x1x64x512xf32, #tpu.memory_space<hbm>>
    %dma_wait3A_2330 = tpu.memref_squeeze %dma_wait3A_2329 : memref<1x1x64x512xf32, #tpu.memory_space<hbm>> -> memref<64x512xf32, #tpu.memory_space<hbm>>
    %dma_wait3A_2331 = arith.constant 0 : i32
    %dma_wait3A_2332 = arith.constant 0 : i32
    %dma_wait3A_2333 = tpu.memref_slice %arg6[%dma_wait3A_2314, %dma_wait3A_2331, %dma_wait3A_2332] : memref<3x64x512xf32, #tpu.memory_space<vmem>> -> memref<1x64x512xf32, #tpu.memory_space<vmem>>
    %dma_wait3A_2334 = tpu.memref_squeeze %dma_wait3A_2333 : memref<1x64x512xf32, #tpu.memory_space<vmem>> -> memref<64x512xf32, #tpu.memory_space<vmem>>
    tpu.wait_dma2 semaphore(%dma_wait3A_2326 : memref<!tpu.dma_semaphore, #tpu.memory_space<semaphore_mem>>) src(%dma_wait3A_2334 : memref<64x512xf32, #tpu.memory_space<vmem>>) dst(%dma_wait3A_2330 : memref<64x512xf32, #tpu.memory_space<hbm>>)
    %add3A_2335 = arith.constant 12 : i32
    %add3A_2336 = arith.addi %mul3A_2, %add3A_2335 : i32
    %dma_start3A_2337 = arith.constant 0 : i32
    %dma_start3A_2338 = arith.constant 1 : i32
    %dma_start3A_2339 = arith.constant 1 : i32
    %dma_start3A_2340 = arith.constant 0 : i32
    %dma_start3A_2341 = arith.constant 0 : i32
    %dma_start3A_2342 = tpu.memref_slice %arg6[%dma_start3A_2338, %dma_start3A_2340, %dma_start3A_2341] : memref<3x64x512xf32, #tpu.memory_space<vmem>> -> memref<1x64x512xf32, #tpu.memory_space<vmem>>
    %dma_start3A_2343 = tpu.memref_squeeze %dma_start3A_2342 : memref<1x64x512xf32, #tpu.memory_space<vmem>> -> memref<64x512xf32, #tpu.memory_space<vmem>>
    %dma_start3A_2344 = arith.constant 0 : i32
    %dma_start3A_2345 = arith.constant 0 : i32
    %dma_start3A_2346 = tpu.memref_slice %arg3[%dma_start3A_2337, %add3A_2336, %dma_start3A_2344, %dma_start3A_2345] : memref<1x512x64x512xf32, #tpu.memory_space<hbm>> -> memref<1x1x64x512xf32, #tpu.memory_space<hbm>>
    %dma_start3A_2347 = tpu.memref_squeeze %dma_start3A_2346 : memref<1x1x64x512xf32, #tpu.memory_space<hbm>> -> memref<64x512xf32, #tpu.memory_space<hbm>>
    %dma_start3A_2348 = tpu.memref_slice %arg7[%dma_start3A_2339] : memref<3x!tpu.dma_semaphore, #tpu.memory_space<semaphore_mem>> -> memref<1x!tpu.dma_semaphore, #tpu.memory_space<semaphore_mem>>
    %dma_start3A_2349 = tpu.memref_squeeze %dma_start3A_2348 : memref<1x!tpu.dma_semaphore, #tpu.memory_space<semaphore_mem>> -> memref<!tpu.dma_semaphore, #tpu.memory_space<semaphore_mem>>
    %dma_start3A_2350 = arith.constant 0 : i32
    %dma_start3A_2351 = arith.constant 0 : i32
    %dma_start3A_2352 = tpu.memref_slice %arg6[%dma_start3A_2338, %dma_start3A_2350, %dma_start3A_2351] : memref<3x64x512xf32, #tpu.memory_space<vmem>> -> memref<1x64x512xf32, #tpu.memory_space<vmem>>
    %dma_start3A_2353 = tpu.memref_squeeze %dma_start3A_2352 : memref<1x64x512xf32, #tpu.memory_space<vmem>> -> memref<64x512xf32, #tpu.memory_space<vmem>>
    %dma_start3A_2354 = arith.constant 0 : i32
    %dma_start3A_2355 = arith.constant 0 : i32
    %dma_start3A_2356 = tpu.memref_slice %arg3[%dma_start3A_2337, %add3A_2336, %dma_start3A_2354, %dma_start3A_2355] : memref<1x512x64x512xf32, #tpu.memory_space<hbm>> -> memref<1x1x64x512xf32, #tpu.memory_space<hbm>>
    %dma_start3A_2357 = tpu.memref_squeeze %dma_start3A_2356 : memref<1x1x64x512xf32, #tpu.memory_space<hbm>> -> memref<64x512xf32, #tpu.memory_space<hbm>>
    tpu.enqueue_dma source(%dma_start3A_2357 : memref<64x512xf32, #tpu.memory_space<hbm>>) target(%dma_start3A_2353 : memref<64x512xf32, #tpu.memory_space<vmem>>) target_semaphore(%dma_start3A_2349 : memref<!tpu.dma_semaphore, #tpu.memory_space<semaphore_mem>>)
    %add3A_2358 = arith.constant 10 : i32
    %add3A_2359 = arith.addi %mul3A_2, %add3A_2358 : i32
    %dma_wait3A_2360 = arith.constant 0 : i32
    %dma_wait3A_2361 = arith.constant 2 : i32
    %dma_wait3A_2362 = arith.constant 2 : i32
    %dma_wait3A_2363 = arith.constant 0 : i32
    %dma_wait3A_2364 = arith.constant 0 : i32
    %dma_wait3A_2365 = tpu.memref_slice %arg6[%dma_wait3A_2361, %dma_wait3A_2363, %dma_wait3A_2364] : memref<3x64x512xf32, #tpu.memory_space<vmem>> -> memref<1x64x512xf32, #tpu.memory_space<vmem>>
    %dma_wait3A_2366 = tpu.memref_squeeze %dma_wait3A_2365 : memref<1x64x512xf32, #tpu.memory_space<vmem>> -> memref<64x512xf32, #tpu.memory_space<vmem>>
    %dma_wait3A_2367 = arith.constant 0 : i32
    %dma_wait3A_2368 = arith.constant 0 : i32
    %dma_wait3A_2369 = tpu.memref_slice %arg3[%dma_wait3A_2360, %add3A_2359, %dma_wait3A_2367, %dma_wait3A_2368] : memref<1x512x64x512xf32, #tpu.memory_space<hbm>> -> memref<1x1x64x512xf32, #tpu.memory_space<hbm>>
    %dma_wait3A_2370 = tpu.memref_squeeze %dma_wait3A_2369 : memref<1x1x64x512xf32, #tpu.memory_space<hbm>> -> memref<64x512xf32, #tpu.memory_space<hbm>>
    %dma_wait3A_2371 = tpu.memref_slice %arg7[%dma_wait3A_2362] : memref<3x!tpu.dma_semaphore, #tpu.memory_space<semaphore_mem>> -> memref<1x!tpu.dma_semaphore, #tpu.memory_space<semaphore_mem>>
    %dma_wait3A_2372 = tpu.memref_squeeze %dma_wait3A_2371 : memref<1x!tpu.dma_semaphore, #tpu.memory_space<semaphore_mem>> -> memref<!tpu.dma_semaphore, #tpu.memory_space<semaphore_mem>>
    %dma_wait3A_2373 = arith.constant 0 : i32
    %dma_wait3A_2374 = arith.constant 0 : i32
    %dma_wait3A_2375 = tpu.memref_slice %arg6[%dma_wait3A_2361, %dma_wait3A_2373, %dma_wait3A_2374] : memref<3x64x512xf32, #tpu.memory_space<vmem>> -> memref<1x64x512xf32, #tpu.memory_space<vmem>>
    %dma_wait3A_2376 = tpu.memref_squeeze %dma_wait3A_2375 : memref<1x64x512xf32, #tpu.memory_space<vmem>> -> memref<64x512xf32, #tpu.memory_space<vmem>>
    %dma_wait3A_2377 = arith.constant 0 : i32
    %dma_wait3A_2378 = arith.constant 0 : i32
    %dma_wait3A_2379 = tpu.memref_slice %arg3[%dma_wait3A_2360, %add3A_2359, %dma_wait3A_2377, %dma_wait3A_2378] : memref<1x512x64x512xf32, #tpu.memory_space<hbm>> -> memref<1x1x64x512xf32, #tpu.memory_space<hbm>>
    %dma_wait3A_2380 = tpu.memref_squeeze %dma_wait3A_2379 : memref<1x1x64x512xf32, #tpu.memory_space<hbm>> -> memref<64x512xf32, #tpu.memory_space<hbm>>
    tpu.wait_dma2 semaphore(%dma_wait3A_2372 : memref<!tpu.dma_semaphore, #tpu.memory_space<semaphore_mem>>) src(%dma_wait3A_2380 : memref<64x512xf32, #tpu.memory_space<hbm>>) dst(%dma_wait3A_2376 : memref<64x512xf32, #tpu.memory_space<vmem>>)
    %dma_start3A_2381 = arith.constant 2 : i32
    %dma_start3A_2382 = arith.constant 0 : i32
    %dma_start3A_2383 = arith.constant 2 : i32
    %dma_start3A_2384 = arith.constant 0 : i32
    %dma_start3A_2385 = arith.constant 0 : i32
    %dma_start3A_2386 = tpu.memref_slice %arg6[%dma_start3A_2381, %dma_start3A_2384, %dma_start3A_2385] : memref<3x64x512xf32, #tpu.memory_space<vmem>> -> memref<1x64x512xf32, #tpu.memory_space<vmem>>
    %dma_start3A_2387 = tpu.memref_squeeze %dma_start3A_2386 : memref<1x64x512xf32, #tpu.memory_space<vmem>> -> memref<64x512xf32, #tpu.memory_space<vmem>>
    %dma_start3A_2388 = arith.constant 0 : i32
    %dma_start3A_2389 = arith.constant 0 : i32
    %dma_start3A_2390 = tpu.memref_slice %arg5[%dma_start3A_2382, %add3A_2359, %dma_start3A_2388, %dma_start3A_2389] : memref<1x512x64x512xf32, #tpu.memory_space<hbm>> -> memref<1x1x64x512xf32, #tpu.memory_space<hbm>>
    %dma_start3A_2391 = tpu.memref_squeeze %dma_start3A_2390 : memref<1x1x64x512xf32, #tpu.memory_space<hbm>> -> memref<64x512xf32, #tpu.memory_space<hbm>>
    %dma_start3A_2392 = tpu.memref_slice %arg8[%dma_start3A_2383] : memref<3x!tpu.dma_semaphore, #tpu.memory_space<semaphore_mem>> -> memref<1x!tpu.dma_semaphore, #tpu.memory_space<semaphore_mem>>
    %dma_start3A_2393 = tpu.memref_squeeze %dma_start3A_2392 : memref<1x!tpu.dma_semaphore, #tpu.memory_space<semaphore_mem>> -> memref<!tpu.dma_semaphore, #tpu.memory_space<semaphore_mem>>
    %dma_start3A_2394 = arith.constant 0 : i32
    %dma_start3A_2395 = arith.constant 0 : i32
    %dma_start3A_2396 = tpu.memref_slice %arg5[%dma_start3A_2382, %add3A_2359, %dma_start3A_2394, %dma_start3A_2395] : memref<1x512x64x512xf32, #tpu.memory_space<hbm>> -> memref<1x1x64x512xf32, #tpu.memory_space<hbm>>
    %dma_start3A_2397 = tpu.memref_squeeze %dma_start3A_2396 : memref<1x1x64x512xf32, #tpu.memory_space<hbm>> -> memref<64x512xf32, #tpu.memory_space<hbm>>
    %dma_start3A_2398 = arith.constant 0 : i32
    %dma_start3A_2399 = arith.constant 0 : i32
    %dma_start3A_2400 = tpu.memref_slice %arg6[%dma_start3A_2381, %dma_start3A_2398, %dma_start3A_2399] : memref<3x64x512xf32, #tpu.memory_space<vmem>> -> memref<1x64x512xf32, #tpu.memory_space<vmem>>
    %dma_start3A_2401 = tpu.memref_squeeze %dma_start3A_2400 : memref<1x64x512xf32, #tpu.memory_space<vmem>> -> memref<64x512xf32, #tpu.memory_space<vmem>>
    tpu.enqueue_dma source(%dma_start3A_2401 : memref<64x512xf32, #tpu.memory_space<vmem>>) target(%dma_start3A_2397 : memref<64x512xf32, #tpu.memory_space<hbm>>) target_semaphore(%dma_start3A_2393 : memref<!tpu.dma_semaphore, #tpu.memory_space<semaphore_mem>>)
    %dma_wait3A_2402 = arith.constant 2 : i32
    %dma_wait3A_2403 = arith.constant 0 : i32
    %dma_wait3A_2404 = arith.constant 2 : i32
    %dma_wait3A_2405 = arith.constant 0 : i32
    %dma_wait3A_2406 = arith.constant 0 : i32
    %dma_wait3A_2407 = tpu.memref_slice %arg6[%dma_wait3A_2402, %dma_wait3A_2405, %dma_wait3A_2406] : memref<3x64x512xf32, #tpu.memory_space<vmem>> -> memref<1x64x512xf32, #tpu.memory_space<vmem>>
    %dma_wait3A_2408 = tpu.memref_squeeze %dma_wait3A_2407 : memref<1x64x512xf32, #tpu.memory_space<vmem>> -> memref<64x512xf32, #tpu.memory_space<vmem>>
    %dma_wait3A_2409 = arith.constant 0 : i32
    %dma_wait3A_2410 = arith.constant 0 : i32
    %dma_wait3A_2411 = tpu.memref_slice %arg5[%dma_wait3A_2403, %add3A_2359, %dma_wait3A_2409, %dma_wait3A_2410] : memref<1x512x64x512xf32, #tpu.memory_space<hbm>> -> memref<1x1x64x512xf32, #tpu.memory_space<hbm>>
    %dma_wait3A_2412 = tpu.memref_squeeze %dma_wait3A_2411 : memref<1x1x64x512xf32, #tpu.memory_space<hbm>> -> memref<64x512xf32, #tpu.memory_space<hbm>>
    %dma_wait3A_2413 = tpu.memref_slice %arg8[%dma_wait3A_2404] : memref<3x!tpu.dma_semaphore, #tpu.memory_space<semaphore_mem>> -> memref<1x!tpu.dma_semaphore, #tpu.memory_space<semaphore_mem>>
    %dma_wait3A_2414 = tpu.memref_squeeze %dma_wait3A_2413 : memref<1x!tpu.dma_semaphore, #tpu.memory_space<semaphore_mem>> -> memref<!tpu.dma_semaphore, #tpu.memory_space<semaphore_mem>>
    %dma_wait3A_2415 = arith.constant 0 : i32
    %dma_wait3A_2416 = arith.constant 0 : i32
    %dma_wait3A_2417 = tpu.memref_slice %arg5[%dma_wait3A_2403, %add3A_2359, %dma_wait3A_2415, %dma_wait3A_2416] : memref<1x512x64x512xf32, #tpu.memory_space<hbm>> -> memref<1x1x64x512xf32, #tpu.memory_space<hbm>>
    %dma_wait3A_2418 = tpu.memref_squeeze %dma_wait3A_2417 : memref<1x1x64x512xf32, #tpu.memory_space<hbm>> -> memref<64x512xf32, #tpu.memory_space<hbm>>
    %dma_wait3A_2419 = arith.constant 0 : i32
    %dma_wait3A_2420 = arith.constant 0 : i32
    %dma_wait3A_2421 = tpu.memref_slice %arg6[%dma_wait3A_2402, %dma_wait3A_2419, %dma_wait3A_2420] : memref<3x64x512xf32, #tpu.memory_space<vmem>> -> memref<1x64x512xf32, #tpu.memory_space<vmem>>
    %dma_wait3A_2422 = tpu.memref_squeeze %dma_wait3A_2421 : memref<1x64x512xf32, #tpu.memory_space<vmem>> -> memref<64x512xf32, #tpu.memory_space<vmem>>
    tpu.wait_dma2 semaphore(%dma_wait3A_2414 : memref<!tpu.dma_semaphore, #tpu.memory_space<semaphore_mem>>) src(%dma_wait3A_2422 : memref<64x512xf32, #tpu.memory_space<vmem>>) dst(%dma_wait3A_2418 : memref<64x512xf32, #tpu.memory_space<hbm>>)
    %add3A_2423 = arith.constant 13 : i32
    %add3A_2424 = arith.addi %mul3A_2, %add3A_2423 : i32
    %dma_start3A_2425 = arith.constant 0 : i32
    %dma_start3A_2426 = arith.constant 2 : i32
    %dma_start3A_2427 = arith.constant 2 : i32
    %dma_start3A_2428 = arith.constant 0 : i32
    %dma_start3A_2429 = arith.constant 0 : i32
    %dma_start3A_2430 = tpu.memref_slice %arg6[%dma_start3A_2426, %dma_start3A_2428, %dma_start3A_2429] : memref<3x64x512xf32, #tpu.memory_space<vmem>> -> memref<1x64x512xf32, #tpu.memory_space<vmem>>
    %dma_start3A_2431 = tpu.memref_squeeze %dma_start3A_2430 : memref<1x64x512xf32, #tpu.memory_space<vmem>> -> memref<64x512xf32, #tpu.memory_space<vmem>>
    %dma_start3A_2432 = arith.constant 0 : i32
    %dma_start3A_2433 = arith.constant 0 : i32
    %dma_start3A_2434 = tpu.memref_slice %arg3[%dma_start3A_2425, %add3A_2424, %dma_start3A_2432, %dma_start3A_2433] : memref<1x512x64x512xf32, #tpu.memory_space<hbm>> -> memref<1x1x64x512xf32, #tpu.memory_space<hbm>>
    %dma_start3A_2435 = tpu.memref_squeeze %dma_start3A_2434 : memref<1x1x64x512xf32, #tpu.memory_space<hbm>> -> memref<64x512xf32, #tpu.memory_space<hbm>>
    %dma_start3A_2436 = tpu.memref_slice %arg7[%dma_start3A_2427] : memref<3x!tpu.dma_semaphore, #tpu.memory_space<semaphore_mem>> -> memref<1x!tpu.dma_semaphore, #tpu.memory_space<semaphore_mem>>
    %dma_start3A_2437 = tpu.memref_squeeze %dma_start3A_2436 : memref<1x!tpu.dma_semaphore, #tpu.memory_space<semaphore_mem>> -> memref<!tpu.dma_semaphore, #tpu.memory_space<semaphore_mem>>
    %dma_start3A_2438 = arith.constant 0 : i32
    %dma_start3A_2439 = arith.constant 0 : i32
    %dma_start3A_2440 = tpu.memref_slice %arg6[%dma_start3A_2426, %dma_start3A_2438, %dma_start3A_2439] : memref<3x64x512xf32, #tpu.memory_space<vmem>> -> memref<1x64x512xf32, #tpu.memory_space<vmem>>
    %dma_start3A_2441 = tpu.memref_squeeze %dma_start3A_2440 : memref<1x64x512xf32, #tpu.memory_space<vmem>> -> memref<64x512xf32, #tpu.memory_space<vmem>>
    %dma_start3A_2442 = arith.constant 0 : i32
    %dma_start3A_2443 = arith.constant 0 : i32
    %dma_start3A_2444 = tpu.memref_slice %arg3[%dma_start3A_2425, %add3A_2424, %dma_start3A_2442, %dma_start3A_2443] : memref<1x512x64x512xf32, #tpu.memory_space<hbm>> -> memref<1x1x64x512xf32, #tpu.memory_space<hbm>>
    %dma_start3A_2445 = tpu.memref_squeeze %dma_start3A_2444 : memref<1x1x64x512xf32, #tpu.memory_space<hbm>> -> memref<64x512xf32, #tpu.memory_space<hbm>>
    tpu.enqueue_dma source(%dma_start3A_2445 : memref<64x512xf32, #tpu.memory_space<hbm>>) target(%dma_start3A_2441 : memref<64x512xf32, #tpu.memory_space<vmem>>) target_semaphore(%dma_start3A_2437 : memref<!tpu.dma_semaphore, #tpu.memory_space<semaphore_mem>>)
    %add3A_2446 = arith.constant 11 : i32
    %add3A_2447 = arith.addi %mul3A_2, %add3A_2446 : i32
    %dma_wait3A_2448 = arith.constant 0 : i32
    %dma_wait3A_2449 = arith.constant 0 : i32
    %dma_wait3A_2450 = arith.constant 0 : i32
    %dma_wait3A_2451 = arith.constant 0 : i32
    %dma_wait3A_2452 = arith.constant 0 : i32
    %dma_wait3A_2453 = tpu.memref_slice %arg6[%dma_wait3A_2449, %dma_wait3A_2451, %dma_wait3A_2452] : memref<3x64x512xf32, #tpu.memory_space<vmem>> -> memref<1x64x512xf32, #tpu.memory_space<vmem>>
    %dma_wait3A_2454 = tpu.memref_squeeze %dma_wait3A_2453 : memref<1x64x512xf32, #tpu.memory_space<vmem>> -> memref<64x512xf32, #tpu.memory_space<vmem>>
    %dma_wait3A_2455 = arith.constant 0 : i32
    %dma_wait3A_2456 = arith.constant 0 : i32
    %dma_wait3A_2457 = tpu.memref_slice %arg3[%dma_wait3A_2448, %add3A_2447, %dma_wait3A_2455, %dma_wait3A_2456] : memref<1x512x64x512xf32, #tpu.memory_space<hbm>> -> memref<1x1x64x512xf32, #tpu.memory_space<hbm>>
    %dma_wait3A_2458 = tpu.memref_squeeze %dma_wait3A_2457 : memref<1x1x64x512xf32, #tpu.memory_space<hbm>> -> memref<64x512xf32, #tpu.memory_space<hbm>>
    %dma_wait3A_2459 = tpu.memref_slice %arg7[%dma_wait3A_2450] : memref<3x!tpu.dma_semaphore, #tpu.memory_space<semaphore_mem>> -> memref<1x!tpu.dma_semaphore, #tpu.memory_space<semaphore_mem>>
    %dma_wait3A_2460 = tpu.memref_squeeze %dma_wait3A_2459 : memref<1x!tpu.dma_semaphore, #tpu.memory_space<semaphore_mem>> -> memref<!tpu.dma_semaphore, #tpu.memory_space<semaphore_mem>>
    %dma_wait3A_2461 = arith.constant 0 : i32
    %dma_wait3A_2462 = arith.constant 0 : i32
    %dma_wait3A_2463 = tpu.memref_slice %arg6[%dma_wait3A_2449, %dma_wait3A_2461, %dma_wait3A_2462] : memref<3x64x512xf32, #tpu.memory_space<vmem>> -> memref<1x64x512xf32, #tpu.memory_space<vmem>>
    %dma_wait3A_2464 = tpu.memref_squeeze %dma_wait3A_2463 : memref<1x64x512xf32, #tpu.memory_space<vmem>> -> memref<64x512xf32, #tpu.memory_space<vmem>>
    %dma_wait3A_2465 = arith.constant 0 : i32
    %dma_wait3A_2466 = arith.constant 0 : i32
    %dma_wait3A_2467 = tpu.memref_slice %arg3[%dma_wait3A_2448, %add3A_2447, %dma_wait3A_2465, %dma_wait3A_2466] : memref<1x512x64x512xf32, #tpu.memory_space<hbm>> -> memref<1x1x64x512xf32, #tpu.memory_space<hbm>>
    %dma_wait3A_2468 = tpu.memref_squeeze %dma_wait3A_2467 : memref<1x1x64x512xf32, #tpu.memory_space<hbm>> -> memref<64x512xf32, #tpu.memory_space<hbm>>
    tpu.wait_dma2 semaphore(%dma_wait3A_2460 : memref<!tpu.dma_semaphore, #tpu.memory_space<semaphore_mem>>) src(%dma_wait3A_2468 : memref<64x512xf32, #tpu.memory_space<hbm>>) dst(%dma_wait3A_2464 : memref<64x512xf32, #tpu.memory_space<vmem>>)
    %dma_start3A_2469 = arith.constant 0 : i32
    %dma_start3A_2470 = arith.constant 0 : i32
    %dma_start3A_2471 = arith.constant 0 : i32
    %dma_start3A_2472 = arith.constant 0 : i32
    %dma_start3A_2473 = arith.constant 0 : i32
    %dma_start3A_2474 = tpu.memref_slice %arg6[%dma_start3A_2469, %dma_start3A_2472, %dma_start3A_2473] : memref<3x64x512xf32, #tpu.memory_space<vmem>> -> memref<1x64x512xf32, #tpu.memory_space<vmem>>
    %dma_start3A_2475 = tpu.memref_squeeze %dma_start3A_2474 : memref<1x64x512xf32, #tpu.memory_space<vmem>> -> memref<64x512xf32, #tpu.memory_space<vmem>>
    %dma_start3A_2476 = arith.constant 0 : i32
    %dma_start3A_2477 = arith.constant 0 : i32
    %dma_start3A_2478 = tpu.memref_slice %arg5[%dma_start3A_2470, %add3A_2447, %dma_start3A_2476, %dma_start3A_2477] : memref<1x512x64x512xf32, #tpu.memory_space<hbm>> -> memref<1x1x64x512xf32, #tpu.memory_space<hbm>>
    %dma_start3A_2479 = tpu.memref_squeeze %dma_start3A_2478 : memref<1x1x64x512xf32, #tpu.memory_space<hbm>> -> memref<64x512xf32, #tpu.memory_space<hbm>>
    %dma_start3A_2480 = tpu.memref_slice %arg8[%dma_start3A_2471] : memref<3x!tpu.dma_semaphore, #tpu.memory_space<semaphore_mem>> -> memref<1x!tpu.dma_semaphore, #tpu.memory_space<semaphore_mem>>
    %dma_start3A_2481 = tpu.memref_squeeze %dma_start3A_2480 : memref<1x!tpu.dma_semaphore, #tpu.memory_space<semaphore_mem>> -> memref<!tpu.dma_semaphore, #tpu.memory_space<semaphore_mem>>
    %dma_start3A_2482 = arith.constant 0 : i32
    %dma_start3A_2483 = arith.constant 0 : i32
    %dma_start3A_2484 = tpu.memref_slice %arg5[%dma_start3A_2470, %add3A_2447, %dma_start3A_2482, %dma_start3A_2483] : memref<1x512x64x512xf32, #tpu.memory_space<hbm>> -> memref<1x1x64x512xf32, #tpu.memory_space<hbm>>
    %dma_start3A_2485 = tpu.memref_squeeze %dma_start3A_2484 : memref<1x1x64x512xf32, #tpu.memory_space<hbm>> -> memref<64x512xf32, #tpu.memory_space<hbm>>
    %dma_start3A_2486 = arith.constant 0 : i32
    %dma_start3A_2487 = arith.constant 0 : i32
    %dma_start3A_2488 = tpu.memref_slice %arg6[%dma_start3A_2469, %dma_start3A_2486, %dma_start3A_2487] : memref<3x64x512xf32, #tpu.memory_space<vmem>> -> memref<1x64x512xf32, #tpu.memory_space<vmem>>
    %dma_start3A_2489 = tpu.memref_squeeze %dma_start3A_2488 : memref<1x64x512xf32, #tpu.memory_space<vmem>> -> memref<64x512xf32, #tpu.memory_space<vmem>>
    tpu.enqueue_dma source(%dma_start3A_2489 : memref<64x512xf32, #tpu.memory_space<vmem>>) target(%dma_start3A_2485 : memref<64x512xf32, #tpu.memory_space<hbm>>) target_semaphore(%dma_start3A_2481 : memref<!tpu.dma_semaphore, #tpu.memory_space<semaphore_mem>>)
    %dma_wait3A_2490 = arith.constant 0 : i32
    %dma_wait3A_2491 = arith.constant 0 : i32
    %dma_wait3A_2492 = arith.constant 0 : i32
    %dma_wait3A_2493 = arith.constant 0 : i32
    %dma_wait3A_2494 = arith.constant 0 : i32
    %dma_wait3A_2495 = tpu.memref_slice %arg6[%dma_wait3A_2490, %dma_wait3A_2493, %dma_wait3A_2494] : memref<3x64x512xf32, #tpu.memory_space<vmem>> -> memref<1x64x512xf32, #tpu.memory_space<vmem>>
    %dma_wait3A_2496 = tpu.memref_squeeze %dma_wait3A_2495 : memref<1x64x512xf32, #tpu.memory_space<vmem>> -> memref<64x512xf32, #tpu.memory_space<vmem>>
    %dma_wait3A_2497 = arith.constant 0 : i32
    %dma_wait3A_2498 = arith.constant 0 : i32
    %dma_wait3A_2499 = tpu.memref_slice %arg5[%dma_wait3A_2491, %add3A_2447, %dma_wait3A_2497, %dma_wait3A_2498] : memref<1x512x64x512xf32, #tpu.memory_space<hbm>> -> memref<1x1x64x512xf32, #tpu.memory_space<hbm>>
    %dma_wait3A_2500 = tpu.memref_squeeze %dma_wait3A_2499 : memref<1x1x64x512xf32, #tpu.memory_space<hbm>> -> memref<64x512xf32, #tpu.memory_space<hbm>>
    %dma_wait3A_2501 = tpu.memref_slice %arg8[%dma_wait3A_2492] : memref<3x!tpu.dma_semaphore, #tpu.memory_space<semaphore_mem>> -> memref<1x!tpu.dma_semaphore, #tpu.memory_space<semaphore_mem>>
    %dma_wait3A_2502 = tpu.memref_squeeze %dma_wait3A_2501 : memref<1x!tpu.dma_semaphore, #tpu.memory_space<semaphore_mem>> -> memref<!tpu.dma_semaphore, #tpu.memory_space<semaphore_mem>>
    %dma_wait3A_2503 = arith.constant 0 : i32
    %dma_wait3A_2504 = arith.constant 0 : i32
    %dma_wait3A_2505 = tpu.memref_slice %arg5[%dma_wait3A_2491, %add3A_2447, %dma_wait3A_2503, %dma_wait3A_2504] : memref<1x512x64x512xf32, #tpu.memory_space<hbm>> -> memref<1x1x64x512xf32, #tpu.memory_space<hbm>>
    %dma_wait3A_2506 = tpu.memref_squeeze %dma_wait3A_2505 : memref<1x1x64x512xf32, #tpu.memory_space<hbm>> -> memref<64x512xf32, #tpu.memory_space<hbm>>
    %dma_wait3A_2507 = arith.constant 0 : i32
    %dma_wait3A_2508 = arith.constant 0 : i32
    %dma_wait3A_2509 = tpu.memref_slice %arg6[%dma_wait3A_2490, %dma_wait3A_2507, %dma_wait3A_2508] : memref<3x64x512xf32, #tpu.memory_space<vmem>> -> memref<1x64x512xf32, #tpu.memory_space<vmem>>
    %dma_wait3A_2510 = tpu.memref_squeeze %dma_wait3A_2509 : memref<1x64x512xf32, #tpu.memory_space<vmem>> -> memref<64x512xf32, #tpu.memory_space<vmem>>
    tpu.wait_dma2 semaphore(%dma_wait3A_2502 : memref<!tpu.dma_semaphore, #tpu.memory_space<semaphore_mem>>) src(%dma_wait3A_2510 : memref<64x512xf32, #tpu.memory_space<vmem>>) dst(%dma_wait3A_2506 : memref<64x512xf32, #tpu.memory_space<hbm>>)
    %add3A_2511 = arith.constant 14 : i32
    %add3A_2512 = arith.addi %mul3A_2, %add3A_2511 : i32
    %dma_start3A_2513 = arith.constant 0 : i32
    %dma_start3A_2514 = arith.constant 0 : i32
    %dma_start3A_2515 = arith.constant 0 : i32
    %dma_start3A_2516 = arith.constant 0 : i32
    %dma_start3A_2517 = arith.constant 0 : i32
    %dma_start3A_2518 = tpu.memref_slice %arg6[%dma_start3A_2514, %dma_start3A_2516, %dma_start3A_2517] : memref<3x64x512xf32, #tpu.memory_space<vmem>> -> memref<1x64x512xf32, #tpu.memory_space<vmem>>
    %dma_start3A_2519 = tpu.memref_squeeze %dma_start3A_2518 : memref<1x64x512xf32, #tpu.memory_space<vmem>> -> memref<64x512xf32, #tpu.memory_space<vmem>>
    %dma_start3A_2520 = arith.constant 0 : i32
    %dma_start3A_2521 = arith.constant 0 : i32
    %dma_start3A_2522 = tpu.memref_slice %arg3[%dma_start3A_2513, %add3A_2512, %dma_start3A_2520, %dma_start3A_2521] : memref<1x512x64x512xf32, #tpu.memory_space<hbm>> -> memref<1x1x64x512xf32, #tpu.memory_space<hbm>>
    %dma_start3A_2523 = tpu.memref_squeeze %dma_start3A_2522 : memref<1x1x64x512xf32, #tpu.memory_space<hbm>> -> memref<64x512xf32, #tpu.memory_space<hbm>>
    %dma_start3A_2524 = tpu.memref_slice %arg7[%dma_start3A_2515] : memref<3x!tpu.dma_semaphore, #tpu.memory_space<semaphore_mem>> -> memref<1x!tpu.dma_semaphore, #tpu.memory_space<semaphore_mem>>
    %dma_start3A_2525 = tpu.memref_squeeze %dma_start3A_2524 : memref<1x!tpu.dma_semaphore, #tpu.memory_space<semaphore_mem>> -> memref<!tpu.dma_semaphore, #tpu.memory_space<semaphore_mem>>
    %dma_start3A_2526 = arith.constant 0 : i32
    %dma_start3A_2527 = arith.constant 0 : i32
    %dma_start3A_2528 = tpu.memref_slice %arg6[%dma_start3A_2514, %dma_start3A_2526, %dma_start3A_2527] : memref<3x64x512xf32, #tpu.memory_space<vmem>> -> memref<1x64x512xf32, #tpu.memory_space<vmem>>
    %dma_start3A_2529 = tpu.memref_squeeze %dma_start3A_2528 : memref<1x64x512xf32, #tpu.memory_space<vmem>> -> memref<64x512xf32, #tpu.memory_space<vmem>>
    %dma_start3A_2530 = arith.constant 0 : i32
    %dma_start3A_2531 = arith.constant 0 : i32
    %dma_start3A_2532 = tpu.memref_slice %arg3[%dma_start3A_2513, %add3A_2512, %dma_start3A_2530, %dma_start3A_2531] : memref<1x512x64x512xf32, #tpu.memory_space<hbm>> -> memref<1x1x64x512xf32, #tpu.memory_space<hbm>>
    %dma_start3A_2533 = tpu.memref_squeeze %dma_start3A_2532 : memref<1x1x64x512xf32, #tpu.memory_space<hbm>> -> memref<64x512xf32, #tpu.memory_space<hbm>>
    tpu.enqueue_dma source(%dma_start3A_2533 : memref<64x512xf32, #tpu.memory_space<hbm>>) target(%dma_start3A_2529 : memref<64x512xf32, #tpu.memory_space<vmem>>) target_semaphore(%dma_start3A_2525 : memref<!tpu.dma_semaphore, #tpu.memory_space<semaphore_mem>>)
    %add3A_2534 = arith.constant 12 : i32
    %add3A_2535 = arith.addi %mul3A_2, %add3A_2534 : i32
    %dma_wait3A_2536 = arith.constant 0 : i32
    %dma_wait3A_2537 = arith.constant 1 : i32
    %dma_wait3A_2538 = arith.constant 1 : i32
    %dma_wait3A_2539 = arith.constant 0 : i32
    %dma_wait3A_2540 = arith.constant 0 : i32
    %dma_wait3A_2541 = tpu.memref_slice %arg6[%dma_wait3A_2537, %dma_wait3A_2539, %dma_wait3A_2540] : memref<3x64x512xf32, #tpu.memory_space<vmem>> -> memref<1x64x512xf32, #tpu.memory_space<vmem>>
    %dma_wait3A_2542 = tpu.memref_squeeze %dma_wait3A_2541 : memref<1x64x512xf32, #tpu.memory_space<vmem>> -> memref<64x512xf32, #tpu.memory_space<vmem>>
    %dma_wait3A_2543 = arith.constant 0 : i32
    %dma_wait3A_2544 = arith.constant 0 : i32
    %dma_wait3A_2545 = tpu.memref_slice %arg3[%dma_wait3A_2536, %add3A_2535, %dma_wait3A_2543, %dma_wait3A_2544] : memref<1x512x64x512xf32, #tpu.memory_space<hbm>> -> memref<1x1x64x512xf32, #tpu.memory_space<hbm>>
    %dma_wait3A_2546 = tpu.memref_squeeze %dma_wait3A_2545 : memref<1x1x64x512xf32, #tpu.memory_space<hbm>> -> memref<64x512xf32, #tpu.memory_space<hbm>>
    %dma_wait3A_2547 = tpu.memref_slice %arg7[%dma_wait3A_2538] : memref<3x!tpu.dma_semaphore, #tpu.memory_space<semaphore_mem>> -> memref<1x!tpu.dma_semaphore, #tpu.memory_space<semaphore_mem>>
    %dma_wait3A_2548 = tpu.memref_squeeze %dma_wait3A_2547 : memref<1x!tpu.dma_semaphore, #tpu.memory_space<semaphore_mem>> -> memref<!tpu.dma_semaphore, #tpu.memory_space<semaphore_mem>>
    %dma_wait3A_2549 = arith.constant 0 : i32
    %dma_wait3A_2550 = arith.constant 0 : i32
    %dma_wait3A_2551 = tpu.memref_slice %arg6[%dma_wait3A_2537, %dma_wait3A_2549, %dma_wait3A_2550] : memref<3x64x512xf32, #tpu.memory_space<vmem>> -> memref<1x64x512xf32, #tpu.memory_space<vmem>>
    %dma_wait3A_2552 = tpu.memref_squeeze %dma_wait3A_2551 : memref<1x64x512xf32, #tpu.memory_space<vmem>> -> memref<64x512xf32, #tpu.memory_space<vmem>>
    %dma_wait3A_2553 = arith.constant 0 : i32
    %dma_wait3A_2554 = arith.constant 0 : i32
    %dma_wait3A_2555 = tpu.memref_slice %arg3[%dma_wait3A_2536, %add3A_2535, %dma_wait3A_2553, %dma_wait3A_2554] : memref<1x512x64x512xf32, #tpu.memory_space<hbm>> -> memref<1x1x64x512xf32, #tpu.memory_space<hbm>>
    %dma_wait3A_2556 = tpu.memref_squeeze %dma_wait3A_2555 : memref<1x1x64x512xf32, #tpu.memory_space<hbm>> -> memref<64x512xf32, #tpu.memory_space<hbm>>
    tpu.wait_dma2 semaphore(%dma_wait3A_2548 : memref<!tpu.dma_semaphore, #tpu.memory_space<semaphore_mem>>) src(%dma_wait3A_2556 : memref<64x512xf32, #tpu.memory_space<hbm>>) dst(%dma_wait3A_2552 : memref<64x512xf32, #tpu.memory_space<vmem>>)
    %dma_start3A_2557 = arith.constant 1 : i32
    %dma_start3A_2558 = arith.constant 0 : i32
    %dma_start3A_2559 = arith.constant 1 : i32
    %dma_start3A_2560 = arith.constant 0 : i32
    %dma_start3A_2561 = arith.constant 0 : i32
    %dma_start3A_2562 = tpu.memref_slice %arg6[%dma_start3A_2557, %dma_start3A_2560, %dma_start3A_2561] : memref<3x64x512xf32, #tpu.memory_space<vmem>> -> memref<1x64x512xf32, #tpu.memory_space<vmem>>
    %dma_start3A_2563 = tpu.memref_squeeze %dma_start3A_2562 : memref<1x64x512xf32, #tpu.memory_space<vmem>> -> memref<64x512xf32, #tpu.memory_space<vmem>>
    %dma_start3A_2564 = arith.constant 0 : i32
    %dma_start3A_2565 = arith.constant 0 : i32
    %dma_start3A_2566 = tpu.memref_slice %arg5[%dma_start3A_2558, %add3A_2535, %dma_start3A_2564, %dma_start3A_2565] : memref<1x512x64x512xf32, #tpu.memory_space<hbm>> -> memref<1x1x64x512xf32, #tpu.memory_space<hbm>>
    %dma_start3A_2567 = tpu.memref_squeeze %dma_start3A_2566 : memref<1x1x64x512xf32, #tpu.memory_space<hbm>> -> memref<64x512xf32, #tpu.memory_space<hbm>>
    %dma_start3A_2568 = tpu.memref_slice %arg8[%dma_start3A_2559] : memref<3x!tpu.dma_semaphore, #tpu.memory_space<semaphore_mem>> -> memref<1x!tpu.dma_semaphore, #tpu.memory_space<semaphore_mem>>
    %dma_start3A_2569 = tpu.memref_squeeze %dma_start3A_2568 : memref<1x!tpu.dma_semaphore, #tpu.memory_space<semaphore_mem>> -> memref<!tpu.dma_semaphore, #tpu.memory_space<semaphore_mem>>
    %dma_start3A_2570 = arith.constant 0 : i32
    %dma_start3A_2571 = arith.constant 0 : i32
    %dma_start3A_2572 = tpu.memref_slice %arg5[%dma_start3A_2558, %add3A_2535, %dma_start3A_2570, %dma_start3A_2571] : memref<1x512x64x512xf32, #tpu.memory_space<hbm>> -> memref<1x1x64x512xf32, #tpu.memory_space<hbm>>
    %dma_start3A_2573 = tpu.memref_squeeze %dma_start3A_2572 : memref<1x1x64x512xf32, #tpu.memory_space<hbm>> -> memref<64x512xf32, #tpu.memory_space<hbm>>
    %dma_start3A_2574 = arith.constant 0 : i32
    %dma_start3A_2575 = arith.constant 0 : i32
    %dma_start3A_2576 = tpu.memref_slice %arg6[%dma_start3A_2557, %dma_start3A_2574, %dma_start3A_2575] : memref<3x64x512xf32, #tpu.memory_space<vmem>> -> memref<1x64x512xf32, #tpu.memory_space<vmem>>
    %dma_start3A_2577 = tpu.memref_squeeze %dma_start3A_2576 : memref<1x64x512xf32, #tpu.memory_space<vmem>> -> memref<64x512xf32, #tpu.memory_space<vmem>>
    tpu.enqueue_dma source(%dma_start3A_2577 : memref<64x512xf32, #tpu.memory_space<vmem>>) target(%dma_start3A_2573 : memref<64x512xf32, #tpu.memory_space<hbm>>) target_semaphore(%dma_start3A_2569 : memref<!tpu.dma_semaphore, #tpu.memory_space<semaphore_mem>>)
    %dma_wait3A_2578 = arith.constant 1 : i32
    %dma_wait3A_2579 = arith.constant 0 : i32
    %dma_wait3A_2580 = arith.constant 1 : i32
    %dma_wait3A_2581 = arith.constant 0 : i32
    %dma_wait3A_2582 = arith.constant 0 : i32
    %dma_wait3A_2583 = tpu.memref_slice %arg6[%dma_wait3A_2578, %dma_wait3A_2581, %dma_wait3A_2582] : memref<3x64x512xf32, #tpu.memory_space<vmem>> -> memref<1x64x512xf32, #tpu.memory_space<vmem>>
    %dma_wait3A_2584 = tpu.memref_squeeze %dma_wait3A_2583 : memref<1x64x512xf32, #tpu.memory_space<vmem>> -> memref<64x512xf32, #tpu.memory_space<vmem>>
    %dma_wait3A_2585 = arith.constant 0 : i32
    %dma_wait3A_2586 = arith.constant 0 : i32
    %dma_wait3A_2587 = tpu.memref_slice %arg5[%dma_wait3A_2579, %add3A_2535, %dma_wait3A_2585, %dma_wait3A_2586] : memref<1x512x64x512xf32, #tpu.memory_space<hbm>> -> memref<1x1x64x512xf32, #tpu.memory_space<hbm>>
    %dma_wait3A_2588 = tpu.memref_squeeze %dma_wait3A_2587 : memref<1x1x64x512xf32, #tpu.memory_space<hbm>> -> memref<64x512xf32, #tpu.memory_space<hbm>>
    %dma_wait3A_2589 = tpu.memref_slice %arg8[%dma_wait3A_2580] : memref<3x!tpu.dma_semaphore, #tpu.memory_space<semaphore_mem>> -> memref<1x!tpu.dma_semaphore, #tpu.memory_space<semaphore_mem>>
    %dma_wait3A_2590 = tpu.memref_squeeze %dma_wait3A_2589 : memref<1x!tpu.dma_semaphore, #tpu.memory_space<semaphore_mem>> -> memref<!tpu.dma_semaphore, #tpu.memory_space<semaphore_mem>>
    %dma_wait3A_2591 = arith.constant 0 : i32
    %dma_wait3A_2592 = arith.constant 0 : i32
    %dma_wait3A_2593 = tpu.memref_slice %arg5[%dma_wait3A_2579, %add3A_2535, %dma_wait3A_2591, %dma_wait3A_2592] : memref<1x512x64x512xf32, #tpu.memory_space<hbm>> -> memref<1x1x64x512xf32, #tpu.memory_space<hbm>>
    %dma_wait3A_2594 = tpu.memref_squeeze %dma_wait3A_2593 : memref<1x1x64x512xf32, #tpu.memory_space<hbm>> -> memref<64x512xf32, #tpu.memory_space<hbm>>
    %dma_wait3A_2595 = arith.constant 0 : i32
    %dma_wait3A_2596 = arith.constant 0 : i32
    %dma_wait3A_2597 = tpu.memref_slice %arg6[%dma_wait3A_2578, %dma_wait3A_2595, %dma_wait3A_2596] : memref<3x64x512xf32, #tpu.memory_space<vmem>> -> memref<1x64x512xf32, #tpu.memory_space<vmem>>
    %dma_wait3A_2598 = tpu.memref_squeeze %dma_wait3A_2597 : memref<1x64x512xf32, #tpu.memory_space<vmem>> -> memref<64x512xf32, #tpu.memory_space<vmem>>
    tpu.wait_dma2 semaphore(%dma_wait3A_2590 : memref<!tpu.dma_semaphore, #tpu.memory_space<semaphore_mem>>) src(%dma_wait3A_2598 : memref<64x512xf32, #tpu.memory_space<vmem>>) dst(%dma_wait3A_2594 : memref<64x512xf32, #tpu.memory_space<hbm>>)
    %add3A_2599 = arith.constant 15 : i32
    %add3A_2600 = arith.addi %mul3A_2, %add3A_2599 : i32
    %dma_start3A_2601 = arith.constant 0 : i32
    %dma_start3A_2602 = arith.constant 1 : i32
    %dma_start3A_2603 = arith.constant 1 : i32
    %dma_start3A_2604 = arith.constant 0 : i32
    %dma_start3A_2605 = arith.constant 0 : i32
    %dma_start3A_2606 = tpu.memref_slice %arg6[%dma_start3A_2602, %dma_start3A_2604, %dma_start3A_2605] : memref<3x64x512xf32, #tpu.memory_space<vmem>> -> memref<1x64x512xf32, #tpu.memory_space<vmem>>
    %dma_start3A_2607 = tpu.memref_squeeze %dma_start3A_2606 : memref<1x64x512xf32, #tpu.memory_space<vmem>> -> memref<64x512xf32, #tpu.memory_space<vmem>>
    %dma_start3A_2608 = arith.constant 0 : i32
    %dma_start3A_2609 = arith.constant 0 : i32
    %dma_start3A_2610 = tpu.memref_slice %arg3[%dma_start3A_2601, %add3A_2600, %dma_start3A_2608, %dma_start3A_2609] : memref<1x512x64x512xf32, #tpu.memory_space<hbm>> -> memref<1x1x64x512xf32, #tpu.memory_space<hbm>>
    %dma_start3A_2611 = tpu.memref_squeeze %dma_start3A_2610 : memref<1x1x64x512xf32, #tpu.memory_space<hbm>> -> memref<64x512xf32, #tpu.memory_space<hbm>>
    %dma_start3A_2612 = tpu.memref_slice %arg7[%dma_start3A_2603] : memref<3x!tpu.dma_semaphore, #tpu.memory_space<semaphore_mem>> -> memref<1x!tpu.dma_semaphore, #tpu.memory_space<semaphore_mem>>
    %dma_start3A_2613 = tpu.memref_squeeze %dma_start3A_2612 : memref<1x!tpu.dma_semaphore, #tpu.memory_space<semaphore_mem>> -> memref<!tpu.dma_semaphore, #tpu.memory_space<semaphore_mem>>
    %dma_start3A_2614 = arith.constant 0 : i32
    %dma_start3A_2615 = arith.constant 0 : i32
    %dma_start3A_2616 = tpu.memref_slice %arg6[%dma_start3A_2602, %dma_start3A_2614, %dma_start3A_2615] : memref<3x64x512xf32, #tpu.memory_space<vmem>> -> memref<1x64x512xf32, #tpu.memory_space<vmem>>
    %dma_start3A_2617 = tpu.memref_squeeze %dma_start3A_2616 : memref<1x64x512xf32, #tpu.memory_space<vmem>> -> memref<64x512xf32, #tpu.memory_space<vmem>>
    %dma_start3A_2618 = arith.constant 0 : i32
    %dma_start3A_2619 = arith.constant 0 : i32
    %dma_start3A_2620 = tpu.memref_slice %arg3[%dma_start3A_2601, %add3A_2600, %dma_start3A_2618, %dma_start3A_2619] : memref<1x512x64x512xf32, #tpu.memory_space<hbm>> -> memref<1x1x64x512xf32, #tpu.memory_space<hbm>>
    %dma_start3A_2621 = tpu.memref_squeeze %dma_start3A_2620 : memref<1x1x64x512xf32, #tpu.memory_space<hbm>> -> memref<64x512xf32, #tpu.memory_space<hbm>>
    tpu.enqueue_dma source(%dma_start3A_2621 : memref<64x512xf32, #tpu.memory_space<hbm>>) target(%dma_start3A_2617 : memref<64x512xf32, #tpu.memory_space<vmem>>) target_semaphore(%dma_start3A_2613 : memref<!tpu.dma_semaphore, #tpu.memory_space<semaphore_mem>>)
    %add3A_2622 = arith.constant 13 : i32
    %add3A_2623 = arith.addi %mul3A_2, %add3A_2622 : i32
    %dma_wait3A_2624 = arith.constant 0 : i32
    %dma_wait3A_2625 = arith.constant 2 : i32
    %dma_wait3A_2626 = arith.constant 2 : i32
    %dma_wait3A_2627 = arith.constant 0 : i32
    %dma_wait3A_2628 = arith.constant 0 : i32
    %dma_wait3A_2629 = tpu.memref_slice %arg6[%dma_wait3A_2625, %dma_wait3A_2627, %dma_wait3A_2628] : memref<3x64x512xf32, #tpu.memory_space<vmem>> -> memref<1x64x512xf32, #tpu.memory_space<vmem>>
    %dma_wait3A_2630 = tpu.memref_squeeze %dma_wait3A_2629 : memref<1x64x512xf32, #tpu.memory_space<vmem>> -> memref<64x512xf32, #tpu.memory_space<vmem>>
    %dma_wait3A_2631 = arith.constant 0 : i32
    %dma_wait3A_2632 = arith.constant 0 : i32
    %dma_wait3A_2633 = tpu.memref_slice %arg3[%dma_wait3A_2624, %add3A_2623, %dma_wait3A_2631, %dma_wait3A_2632] : memref<1x512x64x512xf32, #tpu.memory_space<hbm>> -> memref<1x1x64x512xf32, #tpu.memory_space<hbm>>
    %dma_wait3A_2634 = tpu.memref_squeeze %dma_wait3A_2633 : memref<1x1x64x512xf32, #tpu.memory_space<hbm>> -> memref<64x512xf32, #tpu.memory_space<hbm>>
    %dma_wait3A_2635 = tpu.memref_slice %arg7[%dma_wait3A_2626] : memref<3x!tpu.dma_semaphore, #tpu.memory_space<semaphore_mem>> -> memref<1x!tpu.dma_semaphore, #tpu.memory_space<semaphore_mem>>
    %dma_wait3A_2636 = tpu.memref_squeeze %dma_wait3A_2635 : memref<1x!tpu.dma_semaphore, #tpu.memory_space<semaphore_mem>> -> memref<!tpu.dma_semaphore, #tpu.memory_space<semaphore_mem>>
    %dma_wait3A_2637 = arith.constant 0 : i32
    %dma_wait3A_2638 = arith.constant 0 : i32
    %dma_wait3A_2639 = tpu.memref_slice %arg6[%dma_wait3A_2625, %dma_wait3A_2637, %dma_wait3A_2638] : memref<3x64x512xf32, #tpu.memory_space<vmem>> -> memref<1x64x512xf32, #tpu.memory_space<vmem>>
    %dma_wait3A_2640 = tpu.memref_squeeze %dma_wait3A_2639 : memref<1x64x512xf32, #tpu.memory_space<vmem>> -> memref<64x512xf32, #tpu.memory_space<vmem>>
    %dma_wait3A_2641 = arith.constant 0 : i32
    %dma_wait3A_2642 = arith.constant 0 : i32
    %dma_wait3A_2643 = tpu.memref_slice %arg3[%dma_wait3A_2624, %add3A_2623, %dma_wait3A_2641, %dma_wait3A_2642] : memref<1x512x64x512xf32, #tpu.memory_space<hbm>> -> memref<1x1x64x512xf32, #tpu.memory_space<hbm>>
    %dma_wait3A_2644 = tpu.memref_squeeze %dma_wait3A_2643 : memref<1x1x64x512xf32, #tpu.memory_space<hbm>> -> memref<64x512xf32, #tpu.memory_space<hbm>>
    tpu.wait_dma2 semaphore(%dma_wait3A_2636 : memref<!tpu.dma_semaphore, #tpu.memory_space<semaphore_mem>>) src(%dma_wait3A_2644 : memref<64x512xf32, #tpu.memory_space<hbm>>) dst(%dma_wait3A_2640 : memref<64x512xf32, #tpu.memory_space<vmem>>)
    %dma_start3A_2645 = arith.constant 2 : i32
    %dma_start3A_2646 = arith.constant 0 : i32
    %dma_start3A_2647 = arith.constant 2 : i32
    %dma_start3A_2648 = arith.constant 0 : i32
    %dma_start3A_2649 = arith.constant 0 : i32
    %dma_start3A_2650 = tpu.memref_slice %arg6[%dma_start3A_2645, %dma_start3A_2648, %dma_start3A_2649] : memref<3x64x512xf32, #tpu.memory_space<vmem>> -> memref<1x64x512xf32, #tpu.memory_space<vmem>>
    %dma_start3A_2651 = tpu.memref_squeeze %dma_start3A_2650 : memref<1x64x512xf32, #tpu.memory_space<vmem>> -> memref<64x512xf32, #tpu.memory_space<vmem>>
    %dma_start3A_2652 = arith.constant 0 : i32
    %dma_start3A_2653 = arith.constant 0 : i32
    %dma_start3A_2654 = tpu.memref_slice %arg5[%dma_start3A_2646, %add3A_2623, %dma_start3A_2652, %dma_start3A_2653] : memref<1x512x64x512xf32, #tpu.memory_space<hbm>> -> memref<1x1x64x512xf32, #tpu.memory_space<hbm>>
    %dma_start3A_2655 = tpu.memref_squeeze %dma_start3A_2654 : memref<1x1x64x512xf32, #tpu.memory_space<hbm>> -> memref<64x512xf32, #tpu.memory_space<hbm>>
    %dma_start3A_2656 = tpu.memref_slice %arg8[%dma_start3A_2647] : memref<3x!tpu.dma_semaphore, #tpu.memory_space<semaphore_mem>> -> memref<1x!tpu.dma_semaphore, #tpu.memory_space<semaphore_mem>>
    %dma_start3A_2657 = tpu.memref_squeeze %dma_start3A_2656 : memref<1x!tpu.dma_semaphore, #tpu.memory_space<semaphore_mem>> -> memref<!tpu.dma_semaphore, #tpu.memory_space<semaphore_mem>>
    %dma_start3A_2658 = arith.constant 0 : i32
    %dma_start3A_2659 = arith.constant 0 : i32
    %dma_start3A_2660 = tpu.memref_slice %arg5[%dma_start3A_2646, %add3A_2623, %dma_start3A_2658, %dma_start3A_2659] : memref<1x512x64x512xf32, #tpu.memory_space<hbm>> -> memref<1x1x64x512xf32, #tpu.memory_space<hbm>>
    %dma_start3A_2661 = tpu.memref_squeeze %dma_start3A_2660 : memref<1x1x64x512xf32, #tpu.memory_space<hbm>> -> memref<64x512xf32, #tpu.memory_space<hbm>>
    %dma_start3A_2662 = arith.constant 0 : i32
    %dma_start3A_2663 = arith.constant 0 : i32
    %dma_start3A_2664 = tpu.memref_slice %arg6[%dma_start3A_2645, %dma_start3A_2662, %dma_start3A_2663] : memref<3x64x512xf32, #tpu.memory_space<vmem>> -> memref<1x64x512xf32, #tpu.memory_space<vmem>>
    %dma_start3A_2665 = tpu.memref_squeeze %dma_start3A_2664 : memref<1x64x512xf32, #tpu.memory_space<vmem>> -> memref<64x512xf32, #tpu.memory_space<vmem>>
    tpu.enqueue_dma source(%dma_start3A_2665 : memref<64x512xf32, #tpu.memory_space<vmem>>) target(%dma_start3A_2661 : memref<64x512xf32, #tpu.memory_space<hbm>>) target_semaphore(%dma_start3A_2657 : memref<!tpu.dma_semaphore, #tpu.memory_space<semaphore_mem>>)
    %add3A_2666 = arith.constant 14 : i32
    %add3A_2667 = arith.addi %mul3A_2, %add3A_2666 : i32
    %dma_wait3A_2668 = arith.constant 0 : i32
    %dma_wait3A_2669 = arith.constant 0 : i32
    %dma_wait3A_2670 = arith.constant 0 : i32
    %dma_wait3A_2671 = arith.constant 0 : i32
    %dma_wait3A_2672 = arith.constant 0 : i32
    %dma_wait3A_2673 = tpu.memref_slice %arg6[%dma_wait3A_2669, %dma_wait3A_2671, %dma_wait3A_2672] : memref<3x64x512xf32, #tpu.memory_space<vmem>> -> memref<1x64x512xf32, #tpu.memory_space<vmem>>
    %dma_wait3A_2674 = tpu.memref_squeeze %dma_wait3A_2673 : memref<1x64x512xf32, #tpu.memory_space<vmem>> -> memref<64x512xf32, #tpu.memory_space<vmem>>
    %dma_wait3A_2675 = arith.constant 0 : i32
    %dma_wait3A_2676 = arith.constant 0 : i32
    %dma_wait3A_2677 = tpu.memref_slice %arg3[%dma_wait3A_2668, %add3A_2667, %dma_wait3A_2675, %dma_wait3A_2676] : memref<1x512x64x512xf32, #tpu.memory_space<hbm>> -> memref<1x1x64x512xf32, #tpu.memory_space<hbm>>
    %dma_wait3A_2678 = tpu.memref_squeeze %dma_wait3A_2677 : memref<1x1x64x512xf32, #tpu.memory_space<hbm>> -> memref<64x512xf32, #tpu.memory_space<hbm>>
    %dma_wait3A_2679 = tpu.memref_slice %arg7[%dma_wait3A_2670] : memref<3x!tpu.dma_semaphore, #tpu.memory_space<semaphore_mem>> -> memref<1x!tpu.dma_semaphore, #tpu.memory_space<semaphore_mem>>
    %dma_wait3A_2680 = tpu.memref_squeeze %dma_wait3A_2679 : memref<1x!tpu.dma_semaphore, #tpu.memory_space<semaphore_mem>> -> memref<!tpu.dma_semaphore, #tpu.memory_space<semaphore_mem>>
    %dma_wait3A_2681 = arith.constant 0 : i32
    %dma_wait3A_2682 = arith.constant 0 : i32
    %dma_wait3A_2683 = tpu.memref_slice %arg6[%dma_wait3A_2669, %dma_wait3A_2681, %dma_wait3A_2682] : memref<3x64x512xf32, #tpu.memory_space<vmem>> -> memref<1x64x512xf32, #tpu.memory_space<vmem>>
    %dma_wait3A_2684 = tpu.memref_squeeze %dma_wait3A_2683 : memref<1x64x512xf32, #tpu.memory_space<vmem>> -> memref<64x512xf32, #tpu.memory_space<vmem>>
    %dma_wait3A_2685 = arith.constant 0 : i32
    %dma_wait3A_2686 = arith.constant 0 : i32
    %dma_wait3A_2687 = tpu.memref_slice %arg3[%dma_wait3A_2668, %add3A_2667, %dma_wait3A_2685, %dma_wait3A_2686] : memref<1x512x64x512xf32, #tpu.memory_space<hbm>> -> memref<1x1x64x512xf32, #tpu.memory_space<hbm>>
    %dma_wait3A_2688 = tpu.memref_squeeze %dma_wait3A_2687 : memref<1x1x64x512xf32, #tpu.memory_space<hbm>> -> memref<64x512xf32, #tpu.memory_space<hbm>>
    tpu.wait_dma2 semaphore(%dma_wait3A_2680 : memref<!tpu.dma_semaphore, #tpu.memory_space<semaphore_mem>>) src(%dma_wait3A_2688 : memref<64x512xf32, #tpu.memory_space<hbm>>) dst(%dma_wait3A_2684 : memref<64x512xf32, #tpu.memory_space<vmem>>)
    %dma_start3A_2689 = arith.constant 0 : i32
    %dma_start3A_2690 = arith.constant 0 : i32
    %dma_start3A_2691 = arith.constant 0 : i32
    %dma_start3A_2692 = arith.constant 0 : i32
    %dma_start3A_2693 = arith.constant 0 : i32
    %dma_start3A_2694 = tpu.memref_slice %arg6[%dma_start3A_2689, %dma_start3A_2692, %dma_start3A_2693] : memref<3x64x512xf32, #tpu.memory_space<vmem>> -> memref<1x64x512xf32, #tpu.memory_space<vmem>>
    %dma_start3A_2695 = tpu.memref_squeeze %dma_start3A_2694 : memref<1x64x512xf32, #tpu.memory_space<vmem>> -> memref<64x512xf32, #tpu.memory_space<vmem>>
    %dma_start3A_2696 = arith.constant 0 : i32
    %dma_start3A_2697 = arith.constant 0 : i32
    %dma_start3A_2698 = tpu.memref_slice %arg5[%dma_start3A_2690, %add3A_2667, %dma_start3A_2696, %dma_start3A_2697] : memref<1x512x64x512xf32, #tpu.memory_space<hbm>> -> memref<1x1x64x512xf32, #tpu.memory_space<hbm>>
    %dma_start3A_2699 = tpu.memref_squeeze %dma_start3A_2698 : memref<1x1x64x512xf32, #tpu.memory_space<hbm>> -> memref<64x512xf32, #tpu.memory_space<hbm>>
    %dma_start3A_2700 = tpu.memref_slice %arg8[%dma_start3A_2691] : memref<3x!tpu.dma_semaphore, #tpu.memory_space<semaphore_mem>> -> memref<1x!tpu.dma_semaphore, #tpu.memory_space<semaphore_mem>>
    %dma_start3A_2701 = tpu.memref_squeeze %dma_start3A_2700 : memref<1x!tpu.dma_semaphore, #tpu.memory_space<semaphore_mem>> -> memref<!tpu.dma_semaphore, #tpu.memory_space<semaphore_mem>>
    %dma_start3A_2702 = arith.constant 0 : i32
    %dma_start3A_2703 = arith.constant 0 : i32
    %dma_start3A_2704 = tpu.memref_slice %arg5[%dma_start3A_2690, %add3A_2667, %dma_start3A_2702, %dma_start3A_2703] : memref<1x512x64x512xf32, #tpu.memory_space<hbm>> -> memref<1x1x64x512xf32, #tpu.memory_space<hbm>>
    %dma_start3A_2705 = tpu.memref_squeeze %dma_start3A_2704 : memref<1x1x64x512xf32, #tpu.memory_space<hbm>> -> memref<64x512xf32, #tpu.memory_space<hbm>>
    %dma_start3A_2706 = arith.constant 0 : i32
    %dma_start3A_2707 = arith.constant 0 : i32
    %dma_start3A_2708 = tpu.memref_slice %arg6[%dma_start3A_2689, %dma_start3A_2706, %dma_start3A_2707] : memref<3x64x512xf32, #tpu.memory_space<vmem>> -> memref<1x64x512xf32, #tpu.memory_space<vmem>>
    %dma_start3A_2709 = tpu.memref_squeeze %dma_start3A_2708 : memref<1x64x512xf32, #tpu.memory_space<vmem>> -> memref<64x512xf32, #tpu.memory_space<vmem>>
    tpu.enqueue_dma source(%dma_start3A_2709 : memref<64x512xf32, #tpu.memory_space<vmem>>) target(%dma_start3A_2705 : memref<64x512xf32, #tpu.memory_space<hbm>>) target_semaphore(%dma_start3A_2701 : memref<!tpu.dma_semaphore, #tpu.memory_space<semaphore_mem>>)
    %add3A_2710 = arith.constant 15 : i32
    %add3A_2711 = arith.addi %mul3A_2, %add3A_2710 : i32
    %dma_wait3A_2712 = arith.constant 0 : i32
    %dma_wait3A_2713 = arith.constant 1 : i32
    %dma_wait3A_2714 = arith.constant 1 : i32
    %dma_wait3A_2715 = arith.constant 0 : i32
    %dma_wait3A_2716 = arith.constant 0 : i32
    %dma_wait3A_2717 = tpu.memref_slice %arg6[%dma_wait3A_2713, %dma_wait3A_2715, %dma_wait3A_2716] : memref<3x64x512xf32, #tpu.memory_space<vmem>> -> memref<1x64x512xf32, #tpu.memory_space<vmem>>
    %dma_wait3A_2718 = tpu.memref_squeeze %dma_wait3A_2717 : memref<1x64x512xf32, #tpu.memory_space<vmem>> -> memref<64x512xf32, #tpu.memory_space<vmem>>
    %dma_wait3A_2719 = arith.constant 0 : i32
    %dma_wait3A_2720 = arith.constant 0 : i32
    %dma_wait3A_2721 = tpu.memref_slice %arg3[%dma_wait3A_2712, %add3A_2711, %dma_wait3A_2719, %dma_wait3A_2720] : memref<1x512x64x512xf32, #tpu.memory_space<hbm>> -> memref<1x1x64x512xf32, #tpu.memory_space<hbm>>
    %dma_wait3A_2722 = tpu.memref_squeeze %dma_wait3A_2721 : memref<1x1x64x512xf32, #tpu.memory_space<hbm>> -> memref<64x512xf32, #tpu.memory_space<hbm>>
    %dma_wait3A_2723 = tpu.memref_slice %arg7[%dma_wait3A_2714] : memref<3x!tpu.dma_semaphore, #tpu.memory_space<semaphore_mem>> -> memref<1x!tpu.dma_semaphore, #tpu.memory_space<semaphore_mem>>
    %dma_wait3A_2724 = tpu.memref_squeeze %dma_wait3A_2723 : memref<1x!tpu.dma_semaphore, #tpu.memory_space<semaphore_mem>> -> memref<!tpu.dma_semaphore, #tpu.memory_space<semaphore_mem>>
    %dma_wait3A_2725 = arith.constant 0 : i32
    %dma_wait3A_2726 = arith.constant 0 : i32
    %dma_wait3A_2727 = tpu.memref_slice %arg6[%dma_wait3A_2713, %dma_wait3A_2725, %dma_wait3A_2726] : memref<3x64x512xf32, #tpu.memory_space<vmem>> -> memref<1x64x512xf32, #tpu.memory_space<vmem>>
    %dma_wait3A_2728 = tpu.memref_squeeze %dma_wait3A_2727 : memref<1x64x512xf32, #tpu.memory_space<vmem>> -> memref<64x512xf32, #tpu.memory_space<vmem>>
    %dma_wait3A_2729 = arith.constant 0 : i32
    %dma_wait3A_2730 = arith.constant 0 : i32
    %dma_wait3A_2731 = tpu.memref_slice %arg3[%dma_wait3A_2712, %add3A_2711, %dma_wait3A_2729, %dma_wait3A_2730] : memref<1x512x64x512xf32, #tpu.memory_space<hbm>> -> memref<1x1x64x512xf32, #tpu.memory_space<hbm>>
    %dma_wait3A_2732 = tpu.memref_squeeze %dma_wait3A_2731 : memref<1x1x64x512xf32, #tpu.memory_space<hbm>> -> memref<64x512xf32, #tpu.memory_space<hbm>>
    tpu.wait_dma2 semaphore(%dma_wait3A_2724 : memref<!tpu.dma_semaphore, #tpu.memory_space<semaphore_mem>>) src(%dma_wait3A_2732 : memref<64x512xf32, #tpu.memory_space<hbm>>) dst(%dma_wait3A_2728 : memref<64x512xf32, #tpu.memory_space<vmem>>)
    %dma_start3A_2733 = arith.constant 1 : i32
    %dma_start3A_2734 = arith.constant 0 : i32
    %dma_start3A_2735 = arith.constant 1 : i32
    %dma_start3A_2736 = arith.constant 0 : i32
    %dma_start3A_2737 = arith.constant 0 : i32
    %dma_start3A_2738 = tpu.memref_slice %arg6[%dma_start3A_2733, %dma_start3A_2736, %dma_start3A_2737] : memref<3x64x512xf32, #tpu.memory_space<vmem>> -> memref<1x64x512xf32, #tpu.memory_space<vmem>>
    %dma_start3A_2739 = tpu.memref_squeeze %dma_start3A_2738 : memref<1x64x512xf32, #tpu.memory_space<vmem>> -> memref<64x512xf32, #tpu.memory_space<vmem>>
    %dma_start3A_2740 = arith.constant 0 : i32
    %dma_start3A_2741 = arith.constant 0 : i32
    %dma_start3A_2742 = tpu.memref_slice %arg5[%dma_start3A_2734, %add3A_2711, %dma_start3A_2740, %dma_start3A_2741] : memref<1x512x64x512xf32, #tpu.memory_space<hbm>> -> memref<1x1x64x512xf32, #tpu.memory_space<hbm>>
    %dma_start3A_2743 = tpu.memref_squeeze %dma_start3A_2742 : memref<1x1x64x512xf32, #tpu.memory_space<hbm>> -> memref<64x512xf32, #tpu.memory_space<hbm>>
    %dma_start3A_2744 = tpu.memref_slice %arg8[%dma_start3A_2735] : memref<3x!tpu.dma_semaphore, #tpu.memory_space<semaphore_mem>> -> memref<1x!tpu.dma_semaphore, #tpu.memory_space<semaphore_mem>>
    %dma_start3A_2745 = tpu.memref_squeeze %dma_start3A_2744 : memref<1x!tpu.dma_semaphore, #tpu.memory_space<semaphore_mem>> -> memref<!tpu.dma_semaphore, #tpu.memory_space<semaphore_mem>>
    %dma_start3A_2746 = arith.constant 0 : i32
    %dma_start3A_2747 = arith.constant 0 : i32
    %dma_start3A_2748 = tpu.memref_slice %arg5[%dma_start3A_2734, %add3A_2711, %dma_start3A_2746, %dma_start3A_2747] : memref<1x512x64x512xf32, #tpu.memory_space<hbm>> -> memref<1x1x64x512xf32, #tpu.memory_space<hbm>>
    %dma_start3A_2749 = tpu.memref_squeeze %dma_start3A_2748 : memref<1x1x64x512xf32, #tpu.memory_space<hbm>> -> memref<64x512xf32, #tpu.memory_space<hbm>>
    %dma_start3A_2750 = arith.constant 0 : i32
    %dma_start3A_2751 = arith.constant 0 : i32
    %dma_start3A_2752 = tpu.memref_slice %arg6[%dma_start3A_2733, %dma_start3A_2750, %dma_start3A_2751] : memref<3x64x512xf32, #tpu.memory_space<vmem>> -> memref<1x64x512xf32, #tpu.memory_space<vmem>>
    %dma_start3A_2753 = tpu.memref_squeeze %dma_start3A_2752 : memref<1x64x512xf32, #tpu.memory_space<vmem>> -> memref<64x512xf32, #tpu.memory_space<vmem>>
    tpu.enqueue_dma source(%dma_start3A_2753 : memref<64x512xf32, #tpu.memory_space<vmem>>) target(%dma_start3A_2749 : memref<64x512xf32, #tpu.memory_space<hbm>>) target_semaphore(%dma_start3A_2745 : memref<!tpu.dma_semaphore, #tpu.memory_space<semaphore_mem>>)
    %add3A_2754 = arith.constant 13 : i32
    %add3A_2755 = arith.addi %mul3A_2, %add3A_2754 : i32
    %dma_wait3A_2756 = arith.constant 2 : i32
    %dma_wait3A_2757 = arith.constant 0 : i32
    %dma_wait3A_2758 = arith.constant 2 : i32
    %dma_wait3A_2759 = arith.constant 0 : i32
    %dma_wait3A_2760 = arith.constant 0 : i32
    %dma_wait3A_2761 = tpu.memref_slice %arg6[%dma_wait3A_2756, %dma_wait3A_2759, %dma_wait3A_2760] : memref<3x64x512xf32, #tpu.memory_space<vmem>> -> memref<1x64x512xf32, #tpu.memory_space<vmem>>
    %dma_wait3A_2762 = tpu.memref_squeeze %dma_wait3A_2761 : memref<1x64x512xf32, #tpu.memory_space<vmem>> -> memref<64x512xf32, #tpu.memory_space<vmem>>
    %dma_wait3A_2763 = arith.constant 0 : i32
    %dma_wait3A_2764 = arith.constant 0 : i32
    %dma_wait3A_2765 = tpu.memref_slice %arg5[%dma_wait3A_2757, %add3A_2755, %dma_wait3A_2763, %dma_wait3A_2764] : memref<1x512x64x512xf32, #tpu.memory_space<hbm>> -> memref<1x1x64x512xf32, #tpu.memory_space<hbm>>
    %dma_wait3A_2766 = tpu.memref_squeeze %dma_wait3A_2765 : memref<1x1x64x512xf32, #tpu.memory_space<hbm>> -> memref<64x512xf32, #tpu.memory_space<hbm>>
    %dma_wait3A_2767 = tpu.memref_slice %arg8[%dma_wait3A_2758] : memref<3x!tpu.dma_semaphore, #tpu.memory_space<semaphore_mem>> -> memref<1x!tpu.dma_semaphore, #tpu.memory_space<semaphore_mem>>
    %dma_wait3A_2768 = tpu.memref_squeeze %dma_wait3A_2767 : memref<1x!tpu.dma_semaphore, #tpu.memory_space<semaphore_mem>> -> memref<!tpu.dma_semaphore, #tpu.memory_space<semaphore_mem>>
    %dma_wait3A_2769 = arith.constant 0 : i32
    %dma_wait3A_2770 = arith.constant 0 : i32
    %dma_wait3A_2771 = tpu.memref_slice %arg5[%dma_wait3A_2757, %add3A_2755, %dma_wait3A_2769, %dma_wait3A_2770] : memref<1x512x64x512xf32, #tpu.memory_space<hbm>> -> memref<1x1x64x512xf32, #tpu.memory_space<hbm>>
    %dma_wait3A_2772 = tpu.memref_squeeze %dma_wait3A_2771 : memref<1x1x64x512xf32, #tpu.memory_space<hbm>> -> memref<64x512xf32, #tpu.memory_space<hbm>>
    %dma_wait3A_2773 = arith.constant 0 : i32
    %dma_wait3A_2774 = arith.constant 0 : i32
    %dma_wait3A_2775 = tpu.memref_slice %arg6[%dma_wait3A_2756, %dma_wait3A_2773, %dma_wait3A_2774] : memref<3x64x512xf32, #tpu.memory_space<vmem>> -> memref<1x64x512xf32, #tpu.memory_space<vmem>>
    %dma_wait3A_2776 = tpu.memref_squeeze %dma_wait3A_2775 : memref<1x64x512xf32, #tpu.memory_space<vmem>> -> memref<64x512xf32, #tpu.memory_space<vmem>>
    tpu.wait_dma2 semaphore(%dma_wait3A_2768 : memref<!tpu.dma_semaphore, #tpu.memory_space<semaphore_mem>>) src(%dma_wait3A_2776 : memref<64x512xf32, #tpu.memory_space<vmem>>) dst(%dma_wait3A_2772 : memref<64x512xf32, #tpu.memory_space<hbm>>)
    %add3A_2777 = arith.constant 14 : i32
    %add3A_2778 = arith.addi %mul3A_2, %add3A_2777 : i32
    %dma_wait3A_2779 = arith.constant 0 : i32
    %dma_wait3A_2780 = arith.constant 0 : i32
    %dma_wait3A_2781 = arith.constant 0 : i32
    %dma_wait3A_2782 = arith.constant 0 : i32
    %dma_wait3A_2783 = arith.constant 0 : i32
    %dma_wait3A_2784 = tpu.memref_slice %arg6[%dma_wait3A_2779, %dma_wait3A_2782, %dma_wait3A_2783] : memref<3x64x512xf32, #tpu.memory_space<vmem>> -> memref<1x64x512xf32, #tpu.memory_space<vmem>>
    %dma_wait3A_2785 = tpu.memref_squeeze %dma_wait3A_2784 : memref<1x64x512xf32, #tpu.memory_space<vmem>> -> memref<64x512xf32, #tpu.memory_space<vmem>>
    %dma_wait3A_2786 = arith.constant 0 : i32
    %dma_wait3A_2787 = arith.constant 0 : i32
    %dma_wait3A_2788 = tpu.memref_slice %arg5[%dma_wait3A_2780, %add3A_2778, %dma_wait3A_2786, %dma_wait3A_2787] : memref<1x512x64x512xf32, #tpu.memory_space<hbm>> -> memref<1x1x64x512xf32, #tpu.memory_space<hbm>>
    %dma_wait3A_2789 = tpu.memref_squeeze %dma_wait3A_2788 : memref<1x1x64x512xf32, #tpu.memory_space<hbm>> -> memref<64x512xf32, #tpu.memory_space<hbm>>
    %dma_wait3A_2790 = tpu.memref_slice %arg8[%dma_wait3A_2781] : memref<3x!tpu.dma_semaphore, #tpu.memory_space<semaphore_mem>> -> memref<1x!tpu.dma_semaphore, #tpu.memory_space<semaphore_mem>>
    %dma_wait3A_2791 = tpu.memref_squeeze %dma_wait3A_2790 : memref<1x!tpu.dma_semaphore, #tpu.memory_space<semaphore_mem>> -> memref<!tpu.dma_semaphore, #tpu.memory_space<semaphore_mem>>
    %dma_wait3A_2792 = arith.constant 0 : i32
    %dma_wait3A_2793 = arith.constant 0 : i32
    %dma_wait3A_2794 = tpu.memref_slice %arg5[%dma_wait3A_2780, %add3A_2778, %dma_wait3A_2792, %dma_wait3A_2793] : memref<1x512x64x512xf32, #tpu.memory_space<hbm>> -> memref<1x1x64x512xf32, #tpu.memory_space<hbm>>
    %dma_wait3A_2795 = tpu.memref_squeeze %dma_wait3A_2794 : memref<1x1x64x512xf32, #tpu.memory_space<hbm>> -> memref<64x512xf32, #tpu.memory_space<hbm>>
    %dma_wait3A_2796 = arith.constant 0 : i32
    %dma_wait3A_2797 = arith.constant 0 : i32
    %dma_wait3A_2798 = tpu.memref_slice %arg6[%dma_wait3A_2779, %dma_wait3A_2796, %dma_wait3A_2797] : memref<3x64x512xf32, #tpu.memory_space<vmem>> -> memref<1x64x512xf32, #tpu.memory_space<vmem>>
    %dma_wait3A_2799 = tpu.memref_squeeze %dma_wait3A_2798 : memref<1x64x512xf32, #tpu.memory_space<vmem>> -> memref<64x512xf32, #tpu.memory_space<vmem>>
    tpu.wait_dma2 semaphore(%dma_wait3A_2791 : memref<!tpu.dma_semaphore, #tpu.memory_space<semaphore_mem>>) src(%dma_wait3A_2799 : memref<64x512xf32, #tpu.memory_space<vmem>>) dst(%dma_wait3A_2795 : memref<64x512xf32, #tpu.memory_space<hbm>>)
    %add3A_2800 = arith.constant 15 : i32
    %add3A_2801 = arith.addi %mul3A_2, %add3A_2800 : i32
    %dma_wait3A_2802 = arith.constant 1 : i32
    %dma_wait3A_2803 = arith.constant 0 : i32
    %dma_wait3A_2804 = arith.constant 1 : i32
    %dma_wait3A_2805 = arith.constant 0 : i32
    %dma_wait3A_2806 = arith.constant 0 : i32
    %dma_wait3A_2807 = tpu.memref_slice %arg6[%dma_wait3A_2802, %dma_wait3A_2805, %dma_wait3A_2806] : memref<3x64x512xf32, #tpu.memory_space<vmem>> -> memref<1x64x512xf32, #tpu.memory_space<vmem>>
    %dma_wait3A_2808 = tpu.memref_squeeze %dma_wait3A_2807 : memref<1x64x512xf32, #tpu.memory_space<vmem>> -> memref<64x512xf32, #tpu.memory_space<vmem>>
    %dma_wait3A_2809 = arith.constant 0 : i32
    %dma_wait3A_2810 = arith.constant 0 : i32
    %dma_wait3A_2811 = tpu.memref_slice %arg5[%dma_wait3A_2803, %add3A_2801, %dma_wait3A_2809, %dma_wait3A_2810] : memref<1x512x64x512xf32, #tpu.memory_space<hbm>> -> memref<1x1x64x512xf32, #tpu.memory_space<hbm>>
    %dma_wait3A_2812 = tpu.memref_squeeze %dma_wait3A_2811 : memref<1x1x64x512xf32, #tpu.memory_space<hbm>> -> memref<64x512xf32, #tpu.memory_space<hbm>>
    %dma_wait3A_2813 = tpu.memref_slice %arg8[%dma_wait3A_2804] : memref<3x!tpu.dma_semaphore, #tpu.memory_space<semaphore_mem>> -> memref<1x!tpu.dma_semaphore, #tpu.memory_space<semaphore_mem>>
    %dma_wait3A_2814 = tpu.memref_squeeze %dma_wait3A_2813 : memref<1x!tpu.dma_semaphore, #tpu.memory_space<semaphore_mem>> -> memref<!tpu.dma_semaphore, #tpu.memory_space<semaphore_mem>>
    %dma_wait3A_2815 = arith.constant 0 : i32
    %dma_wait3A_2816 = arith.constant 0 : i32
    %dma_wait3A_2817 = tpu.memref_slice %arg5[%dma_wait3A_2803, %add3A_2801, %dma_wait3A_2815, %dma_wait3A_2816] : memref<1x512x64x512xf32, #tpu.memory_space<hbm>> -> memref<1x1x64x512xf32, #tpu.memory_space<hbm>>
    %dma_wait3A_2818 = tpu.memref_squeeze %dma_wait3A_2817 : memref<1x1x64x512xf32, #tpu.memory_space<hbm>> -> memref<64x512xf32, #tpu.memory_space<hbm>>
    %dma_wait3A_2819 = arith.constant 0 : i32
    %dma_wait3A_2820 = arith.constant 0 : i32
    %dma_wait3A_2821 = tpu.memref_slice %arg6[%dma_wait3A_2802, %dma_wait3A_2819, %dma_wait3A_2820] : memref<3x64x512xf32, #tpu.memory_space<vmem>> -> memref<1x64x512xf32, #tpu.memory_space<vmem>>
    %dma_wait3A_2822 = tpu.memref_squeeze %dma_wait3A_2821 : memref<1x64x512xf32, #tpu.memory_space<vmem>> -> memref<64x512xf32, #tpu.memory_space<vmem>>
    tpu.wait_dma2 semaphore(%dma_wait3A_2814 : memref<!tpu.dma_semaphore, #tpu.memory_space<semaphore_mem>>) src(%dma_wait3A_2822 : memref<64x512xf32, #tpu.memory_space<vmem>>) dst(%dma_wait3A_2818 : memref<64x512xf32, #tpu.memory_space<hbm>>)
    return
  }
}

module attributes {stable_mosaic.version = 14 : i64} {
  func.func @_kernel(%arg0: i32, %arg1: memref<512xi32, #tpu.memory_space<smem>>, %arg2: memref<1xi32, #tpu.memory_space<smem>>, %arg3: memref<2x512xf32, #tpu.memory_space<vmem>>, %arg4: memref<64x2xf32, #tpu.memory_space<vmem>>, %arg5: memref<64x1xf32, #tpu.memory_space<vmem>>, %arg6: memref<256x128xbf16, #tpu.memory_space<vmem>>, %arg7: memref<256x1xf32, #tpu.memory_space<vmem>>, %arg8: memref<1x1024xf32, #tpu.memory_space<vmem>>, %arg9: memref<512x2xf32, #tpu.memory_space<smem>>, %arg10: memref<1x1x64x512xf32, #tpu.memory_space<vmem>>, %arg11: memref<1x1x64x512xf32, #tpu.memory_space<vmem>>, %arg12: memref<1x1x64x512xf32, #tpu.memory_space<vmem>>, %arg13: memref<1x1x64x512xf32, #tpu.memory_space<vmem>>, %arg14: memref<1x512x64x512xf32, #tpu.memory_space<hbm>>, %arg15: memref<1x512x64x512xf32, #tpu.memory_space<hbm>>, %arg16: memref<1x1x64x512xf32, #tpu.memory_space<vmem>>, %arg17: memref<1x1x64x512xf32, #tpu.memory_space<vmem>>, %arg18: memref<64x512xf32, #tpu.memory_space<vmem>>, %arg19: memref<2x64x512xf32, #tpu.memory_space<vmem>>, %arg20: memref<2x64x512xf32, #tpu.memory_space<vmem>>, %arg21: memref<2x!tpu.dma_semaphore, #tpu.memory_space<semaphore_mem>>) attributes {dimension_semantics = [#tpu.dimension_semantics<arbitrary>], iteration_bounds = array<i64: 256>, scalar_prefetch = 2 : i64, scratch_operands = 4 : i64, tpu.core_type = #tpu.core_type<tc>, window_params = [{pipeline_mode = #tpu.pipeline_mode<synchronous>, transform_indices = @transform_0, window_bounds = array<i64: 2, 512>}, {pipeline_mode = #tpu.pipeline_mode<synchronous>, transform_indices = @transform_1, window_bounds = array<i64: 64, 2>}, {pipeline_mode = #tpu.pipeline_mode<synchronous>, transform_indices = @transform_2, window_bounds = array<i64: 64, 1>}, {pipeline_mode = #tpu.pipeline_mode<synchronous>, transform_indices = @transform_3, window_bounds = array<i64: 256, 128>}, {pipeline_mode = #tpu.pipeline_mode<synchronous>, transform_indices = @transform_4, window_bounds = array<i64: 256, 1>}, {pipeline_mode = #tpu.pipeline_mode<synchronous>, transform_indices = @transform_5, window_bounds = array<i64: 1, 1024>}, {transform_indices = @transform_6, window_bounds = array<i64: 512, 2>}, {transform_indices = @transform_7, window_bounds = array<i64: 1, 1, 64, 512>}, {transform_indices = @transform_8, window_bounds = array<i64: 1, 1, 64, 512>}, {transform_indices = @transform_9, window_bounds = array<i64: 1, 1, 64, 512>}, {transform_indices = @transform_10, window_bounds = array<i64: 1, 1, 64, 512>}, {}, {}, {transform_indices = @transform_13, window_bounds = array<i64: 1, 1, 64, 512>}, {transform_indices = @transform_14, window_bounds = array<i64: 1, 1, 64, 512>}]} {
    %get3A = arith.constant 0 : index
    %get3A_0 = memref.load %arg2[%get3A] : memref<1xi32, #tpu.memory_space<smem>>
    %eq3A = arith.constant 0 : i32
    %eq3A_1 = arith.cmpi eq, %arg0, %eq3A : i32
    %convert_element_type3A = arith.extui %eq3A_1 : i1 to i32
    %cond3A = arith.constant 0 : i32
    %cond3A_2 = arith.cmpi ne, %convert_element_type3A, %cond3A : i32
    scf.if %cond3A_2 {
      %get3A_19 = arith.constant 0 : index
      %get3A_20 = arith.constant 0 : index
      %get3A_21 = vector.load %arg4[%get3A_19, %get3A_20] : memref<64x2xf32, #tpu.memory_space<vmem>>, vector<64x1xf32>
      %get3A_22 = arith.constant 0 : index
      %get3A_23 = arith.constant 0 : index
      %get3A_24 = vector.load %arg3[%get3A_22, %get3A_23] : memref<2x512xf32, #tpu.memory_space<vmem>>, vector<1x512xf32>
      %mul3A_25 = vector.broadcast %get3A_21 : vector<64x1xf32> to vector<64x512xf32>
      %mul3A_26 = vector.broadcast %get3A_24 : vector<1x512xf32> to vector<64x512xf32>
      %mul3A_27 = arith.mulf %mul3A_25, %mul3A_26 : vector<64x512xf32>
      %get3A_28 = arith.constant 0 : index
      %get3A_29 = arith.constant 1 : index
      %get3A_30 = vector.load %arg4[%get3A_28, %get3A_29] : memref<64x2xf32, #tpu.memory_space<vmem>>, vector<64x1xf32>
      %get3A_31 = arith.constant 1 : index
      %get3A_32 = arith.constant 0 : index
      %get3A_33 = vector.load %arg3[%get3A_31, %get3A_32] : memref<2x512xf32, #tpu.memory_space<vmem>>, vector<1x512xf32>
      %mul3A_34 = vector.broadcast %get3A_30 : vector<64x1xf32> to vector<64x512xf32>
      %mul3A_35 = vector.broadcast %get3A_33 : vector<1x512xf32> to vector<64x512xf32>
      %mul3A_36 = arith.mulf %mul3A_34, %mul3A_35 : vector<64x512xf32>
      %add3A = arith.addf %mul3A_27, %mul3A_36 : vector<64x512xf32>
      %swap3A = arith.constant 0 : index
      %swap3A_37 = arith.constant 0 : index
      %swap3A_38 = vector.load %arg18[%swap3A, %swap3A_37] : memref<64x512xf32, #tpu.memory_space<vmem>>, vector<64x512xf32>
      tpu.vector_store %arg18[%swap3A, %swap3A_37], %add3A {strides = array<i32>} : memref<64x512xf32, #tpu.memory_space<vmem>>, vector<64x512xf32>,
    } else {
    }
    %mul3A = arith.constant 2 : i32
    %mul3A_3 = arith.muli %mul3A, %arg0 : i32
    %lt3A = arith.cmpi slt, %mul3A_3, %get3A_0 : i32
    %convert_element_type3A_4 = arith.extui %lt3A : i1 to i32
    %cond3A_5 = arith.constant 0 : i32
    %cond3A_6 = arith.cmpi ne, %convert_element_type3A_4, %cond3A_5 : i32
    scf.if %cond3A_6 {
      %mul3A_19 = arith.constant 2 : i32
      %mul3A_20 = arith.muli %mul3A_19, %arg0 : i32
      %get3A_21 = arith.index_cast %mul3A_20 : i32 to index
      %get3A_22 = memref.load %arg1[%get3A_21] : memref<512xi32, #tpu.memory_space<smem>>
      %mul3A_23 = arith.constant 2 : i32
      %mul3A_24 = arith.muli %mul3A_23, %arg0 : i32
      %add3A = arith.constant 1 : i32
      %add3A_25 = arith.addi %mul3A_24, %add3A : i32
      %get3A_26 = arith.index_cast %add3A_25 : i32 to index
      %get3A_27 = memref.load %arg1[%get3A_26] : memref<512xi32, #tpu.memory_space<smem>>
      %get3A_28 = arith.constant 0 : index
      %get3A_29 = arith.constant 0 : index
      %get3A_30 = vector.load %arg18[%get3A_28, %get3A_29] : memref<64x512xf32, #tpu.memory_space<vmem>>, vector<64x512xf32>
      %get3A_31 = arith.constant 0 : index
      %get3A_32 = arith.constant 0 : index
      %get3A_33 = vector.load %arg4[%get3A_31, %get3A_32] : memref<64x2xf32, #tpu.memory_space<vmem>>, vector<64x1xf32>
      %get3A_34 = arith.index_cast %get3A_22 : i32 to index
      %get3A_35 = arith.constant 0 : index
      %get3A_36 = memref.load %arg9[%get3A_34, %get3A_35] : memref<512x2xf32, #tpu.memory_space<smem>>
      %mul3A_37 = vector.broadcast %get3A_36 : f32 to vector<64x1xf32>
      %mul3A_38 = arith.mulf %get3A_33, %mul3A_37 : vector<64x1xf32>
      %get3A_39 = arith.constant 0 : index
      %get3A_40 = arith.constant 1 : index
      %get3A_41 = vector.load %arg4[%get3A_39, %get3A_40] : memref<64x2xf32, #tpu.memory_space<vmem>>, vector<64x1xf32>
      %get3A_42 = arith.index_cast %get3A_22 : i32 to index
      %get3A_43 = arith.constant 1 : index
      %get3A_44 = memref.load %arg9[%get3A_42, %get3A_43] : memref<512x2xf32, #tpu.memory_space<smem>>
      %mul3A_45 = vector.broadcast %get3A_44 : f32 to vector<64x1xf32>
      %mul3A_46 = arith.mulf %get3A_41, %mul3A_45 : vector<64x1xf32>
      %add3A_47 = arith.addf %mul3A_38, %mul3A_46 : vector<64x1xf32>
      %get3A_48 = arith.constant 0 : index
      %get3A_49 = arith.constant 0 : index
      %get3A_50 = vector.load %arg4[%get3A_48, %get3A_49] : memref<64x2xf32, #tpu.memory_space<vmem>>, vector<64x1xf32>
      %get3A_51 = arith.index_cast %get3A_27 : i32 to index
      %get3A_52 = arith.constant 0 : index
      %get3A_53 = memref.load %arg9[%get3A_51, %get3A_52] : memref<512x2xf32, #tpu.memory_space<smem>>
      %mul3A_54 = vector.broadcast %get3A_53 : f32 to vector<64x1xf32>
      %mul3A_55 = arith.mulf %get3A_50, %mul3A_54 : vector<64x1xf32>
      %get3A_56 = arith.constant 0 : index
      %get3A_57 = arith.constant 1 : index
      %get3A_58 = vector.load %arg4[%get3A_56, %get3A_57] : memref<64x2xf32, #tpu.memory_space<vmem>>, vector<64x1xf32>
      %get3A_59 = arith.index_cast %get3A_27 : i32 to index
      %get3A_60 = arith.constant 1 : index
      %get3A_61 = memref.load %arg9[%get3A_59, %get3A_60] : memref<512x2xf32, #tpu.memory_space<smem>>
      %mul3A_62 = vector.broadcast %get3A_61 : f32 to vector<64x1xf32>
      %mul3A_63 = arith.mulf %get3A_58, %mul3A_62 : vector<64x1xf32>
      %add3A_64 = arith.addf %mul3A_55, %mul3A_63 : vector<64x1xf32>
      %sub3A = vector.broadcast %add3A_47 : vector<64x1xf32> to vector<64x512xf32>
      %sub3A_65 = arith.subf %get3A_30, %sub3A : vector<64x512xf32>
      %get3A_66 = arith.constant 0 : index
      %get3A_67 = arith.constant 0 : index
      %get3A_68 = vector.load %arg5[%get3A_66, %get3A_67] : memref<64x1xf32, #tpu.memory_space<vmem>>, vector<64x1xf32>
      %add3A_69 = vector.broadcast %get3A_68 : vector<64x1xf32> to vector<64x512xf32>
      %add3A_70 = arith.addf %sub3A_65, %add3A_69 : vector<64x512xf32>
      %max3A = arith.constant 0.000000e+00 : f32
      %max3A_71 = vector.broadcast %max3A : f32 to vector<64x512xf32>
      %max3A_72 = arith.maximumf %add3A_70, %max3A_71 : vector<64x512xf32>
      %sub3A_73 = vector.broadcast %add3A_64 : vector<64x1xf32> to vector<64x512xf32>
      %sub3A_74 = arith.subf %get3A_30, %sub3A_73 : vector<64x512xf32>
      %get3A_75 = arith.constant 0 : index
      %get3A_76 = arith.constant 0 : index
      %get3A_77 = vector.load %arg5[%get3A_75, %get3A_76] : memref<64x1xf32, #tpu.memory_space<vmem>>, vector<64x1xf32>
      %add3A_78 = vector.broadcast %get3A_77 : vector<64x1xf32> to vector<64x512xf32>
      %add3A_79 = arith.addf %sub3A_74, %add3A_78 : vector<64x512xf32>
      %max3A_80 = arith.constant 0.000000e+00 : f32
      %max3A_81 = vector.broadcast %max3A_80 : f32 to vector<64x512xf32>
      %max3A_82 = arith.maximumf %add3A_79, %max3A_81 : vector<64x512xf32>
      %get3A_83 = arith.constant 0 : index
      %get3A_84 = arith.constant 0 : index
      %get3A_85 = arith.constant 0 : index
      %get3A_86 = arith.constant 0 : index
      %get3A_87 = vector.load %arg10[%get3A_83, %get3A_84, %get3A_85, %get3A_86] : memref<1x1x64x512xf32, #tpu.memory_space<vmem>>, vector<1x1x64x512xf32>
      %get3A_88 = vector.shape_cast %get3A_87 : vector<1x1x64x512xf32> to vector<64x512xf32>
      %get3A_89 = arith.constant 0 : index
      %get3A_90 = arith.constant 0 : index
      %get3A_91 = arith.constant 0 : index
      %get3A_92 = arith.constant 0 : index
      %get3A_93 = vector.load %arg12[%get3A_89, %get3A_90, %get3A_91, %get3A_92] : memref<1x1x64x512xf32, #tpu.memory_space<vmem>>, vector<1x1x64x512xf32>
      %get3A_94 = vector.shape_cast %get3A_93 : vector<1x1x64x512xf32> to vector<64x512xf32>
      %concatenate3A = tpu.concatenate %max3A_72, %get3A_88 in 0 : vector<64x512xf32>, vector<64x512xf32> -> vector<128x512xf32>
      %concatenate3A_95 = tpu.concatenate %max3A_82, %get3A_94 in 0 : vector<64x512xf32>, vector<64x512xf32> -> vector<128x512xf32>
      %concatenate3A_96 = tpu.concatenate %concatenate3A, %concatenate3A_95 in 1 : vector<128x512xf32>, vector<128x512xf32> -> vector<128x1024xf32>
      %get3A_97 = arith.constant 0 : index
      %get3A_98 = arith.constant 0 : index
      %get3A_99 = vector.load %arg6[%get3A_97, %get3A_98] : memref<256x128xbf16, #tpu.memory_space<vmem>>, vector<256x128xbf16>
      %convert_element_type3A_100 = arith.truncf %concatenate3A_96 : vector<128x1024xf32> to vector<128x1024xbf16>
      %dot_general3A = arith.constant dense<0.000000e+00> : vector<256x1024xf32>
      %dot_general3A_101 = tpu.matmul %get3A_99, %convert_element_type3A_100, %dot_general3A {dimension_numbers = #tpu.dot_dimension_numbers<[1], [0], [0], [1], [0, 0, 1, 1], [], []>, transpose_lhs_hint = false} : vector<256x128xbf16>, vector<128x1024xbf16>, vector<256x1024xf32> -> vector<256x1024xf32>
      %get3A_102 = arith.constant 0 : index
      %get3A_103 = arith.constant 0 : index
      %get3A_104 = vector.load %arg7[%get3A_102, %get3A_103] : memref<256x1xf32, #tpu.memory_space<vmem>>, vector<256x1xf32>
      %add3A_105 = vector.broadcast %get3A_104 : vector<256x1xf32> to vector<256x1024xf32>
      %add3A_106 = arith.addf %dot_general3A_101, %add3A_105 : vector<256x1024xf32>
      %slice3A = vector.extract_strided_slice %add3A_106 {offsets = [0, 0], sizes = [64, 1024], strides = [1, 1]} : vector<256x1024xf32> to vector<64x1024xf32>
      %slice3A_107 = vector.extract_strided_slice %add3A_106 {offsets = [64, 0], sizes = [64, 1024], strides = [1, 1]} : vector<256x1024xf32> to vector<64x1024xf32>
      %slice3A_108 = vector.extract_strided_slice %add3A_106 {offsets = [128, 0], sizes = [64, 1024], strides = [1, 1]} : vector<256x1024xf32> to vector<64x1024xf32>
      %slice3A_109 = vector.extract_strided_slice %add3A_106 {offsets = [192, 0], sizes = [64, 1024], strides = [1, 1]} : vector<256x1024xf32> to vector<64x1024xf32>
      %mul3A_110 = arith.constant 5.000000e-01 : f32
      %mul3A_111 = vector.broadcast %mul3A_110 : f32 to vector<64x1024xf32>
      %mul3A_112 = arith.mulf %mul3A_111, %slice3A_107 : vector<64x1024xf32>
      %tanh3A = math.tanh %mul3A_112 : vector<64x1024xf32>
      %mul3A_113 = arith.constant 5.000000e-01 : f32
      %mul3A_114 = vector.broadcast %mul3A_113 : f32 to vector<64x1024xf32>
      %mul3A_115 = arith.mulf %mul3A_114, %tanh3A : vector<64x1024xf32>
      %add3A_116 = arith.constant 5.000000e-01 : f32
      %add3A_117 = vector.broadcast %add3A_116 : f32 to vector<64x1024xf32>
      %add3A_118 = arith.addf %mul3A_115, %add3A_117 : vector<64x1024xf32>
      %mul3A_119 = arith.constant 5.000000e-01 : f32
      %mul3A_120 = vector.broadcast %mul3A_119 : f32 to vector<64x1024xf32>
      %mul3A_121 = arith.mulf %mul3A_120, %slice3A : vector<64x1024xf32>
      %tanh3A_122 = math.tanh %mul3A_121 : vector<64x1024xf32>
      %mul3A_123 = arith.constant 5.000000e-01 : f32
      %mul3A_124 = vector.broadcast %mul3A_123 : f32 to vector<64x1024xf32>
      %mul3A_125 = arith.mulf %mul3A_124, %tanh3A_122 : vector<64x1024xf32>
      %add3A_126 = arith.constant 5.000000e-01 : f32
      %add3A_127 = vector.broadcast %add3A_126 : f32 to vector<64x1024xf32>
      %add3A_128 = arith.addf %mul3A_125, %add3A_127 : vector<64x1024xf32>
      %mul3A_129 = arith.constant 5.000000e-01 : f32
      %mul3A_130 = vector.broadcast %mul3A_129 : f32 to vector<64x1024xf32>
      %mul3A_131 = arith.mulf %mul3A_130, %slice3A_109 : vector<64x1024xf32>
      %tanh3A_132 = math.tanh %mul3A_131 : vector<64x1024xf32>
      %mul3A_133 = arith.constant 5.000000e-01 : f32
      %mul3A_134 = vector.broadcast %mul3A_133 : f32 to vector<64x1024xf32>
      %mul3A_135 = arith.mulf %mul3A_134, %tanh3A_132 : vector<64x1024xf32>
      %add3A_136 = arith.constant 5.000000e-01 : f32
      %add3A_137 = vector.broadcast %add3A_136 : f32 to vector<64x1024xf32>
      %add3A_138 = arith.addf %mul3A_135, %add3A_137 : vector<64x1024xf32>
      %get3A_139 = arith.constant 0 : index
      %get3A_140 = arith.constant 0 : index
      %get3A_141 = arith.constant 0 : index
      %get3A_142 = arith.constant 0 : index
      %get3A_143 = vector.load %arg11[%get3A_139, %get3A_140, %get3A_141, %get3A_142] : memref<1x1x64x512xf32, #tpu.memory_space<vmem>>, vector<1x1x64x512xf32>
      %get3A_144 = vector.shape_cast %get3A_143 : vector<1x1x64x512xf32> to vector<64x512xf32>
      %get3A_145 = arith.constant 0 : index
      %get3A_146 = arith.constant 0 : index
      %get3A_147 = arith.constant 0 : index
      %get3A_148 = arith.constant 0 : index
      %get3A_149 = vector.load %arg13[%get3A_145, %get3A_146, %get3A_147, %get3A_148] : memref<1x1x64x512xf32, #tpu.memory_space<vmem>>, vector<1x1x64x512xf32>
      %get3A_150 = vector.shape_cast %get3A_149 : vector<1x1x64x512xf32> to vector<64x512xf32>
      %concatenate3A_151 = tpu.concatenate %get3A_144, %get3A_150 in 1 : vector<64x512xf32>, vector<64x512xf32> -> vector<64x1024xf32>
      %concatenate3A_152 = tpu.concatenate %get3A_88, %get3A_94 in 1 : vector<64x512xf32>, vector<64x512xf32> -> vector<64x1024xf32>
      %mul3A_153 = arith.mulf %add3A_118, %concatenate3A_151 : vector<64x1024xf32>
      %tanh3A_154 = math.tanh %slice3A_108 : vector<64x1024xf32>
      %mul3A_155 = arith.mulf %add3A_128, %tanh3A_154 : vector<64x1024xf32>
      %add3A_156 = arith.addf %mul3A_153, %mul3A_155 : vector<64x1024xf32>
      %tanh3A_157 = math.tanh %add3A_156 : vector<64x1024xf32>
      %mul3A_158 = arith.mulf %add3A_138, %tanh3A_157 : vector<64x1024xf32>
      %get3A_159 = arith.constant 0 : index
      %get3A_160 = arith.constant 0 : index
      %get3A_161 = vector.load %arg8[%get3A_159, %get3A_160] : memref<1x1024xf32, #tpu.memory_space<vmem>>, vector<1x1024xf32>
      %sub3A_162 = arith.subf %mul3A_158, %concatenate3A_152 : vector<64x1024xf32>
      %mul3A_163 = vector.broadcast %get3A_161 : vector<1x1024xf32> to vector<64x1024xf32>
      %mul3A_164 = arith.mulf %mul3A_163, %sub3A_162 : vector<64x1024xf32>
      %add3A_165 = arith.addf %concatenate3A_152, %mul3A_164 : vector<64x1024xf32>
      %sub3A_166 = arith.subf %add3A_156, %concatenate3A_151 : vector<64x1024xf32>
      %mul3A_167 = vector.broadcast %get3A_161 : vector<1x1024xf32> to vector<64x1024xf32>
      %mul3A_168 = arith.mulf %mul3A_167, %sub3A_166 : vector<64x1024xf32>
      %add3A_169 = arith.addf %concatenate3A_151, %mul3A_168 : vector<64x1024xf32>
      %slice3A_170 = vector.extract_strided_slice %add3A_165 {offsets = [0, 0], sizes = [64, 512], strides = [1, 1]} : vector<64x1024xf32> to vector<64x512xf32>
      %swap3A = arith.constant 0 : index
      %swap3A_171 = arith.constant 0 : index
      %swap3A_172 = arith.constant 0 : index
      %swap3A_173 = arith.constant 0 : index
      %swap3A_174 = vector.load %arg16[%swap3A, %swap3A_171, %swap3A_172, %swap3A_173] : memref<1x1x64x512xf32, #tpu.memory_space<vmem>>, vector<1x1x64x512xf32>
      %swap3A_175 = vector.shape_cast %swap3A_174 : vector<1x1x64x512xf32> to vector<64x512xf32>
      %swap3A_176 = vector.shape_cast %slice3A_170 : vector<64x512xf32> to vector<1x1x64x512xf32>
      tpu.vector_store %arg16[%swap3A, %swap3A_171, %swap3A_172, %swap3A_173], %swap3A_176 {strides = array<i32>} : memref<1x1x64x512xf32, #tpu.memory_space<vmem>>, vector<1x1x64x512xf32>,
      %slice3A_177 = vector.extract_strided_slice %add3A_169 {offsets = [0, 0], sizes = [64, 512], strides = [1, 1]} : vector<64x1024xf32> to vector<64x512xf32>
      %swap3A_178 = arith.constant 0 : index
      %swap3A_179 = arith.constant 0 : index
      %swap3A_180 = arith.constant 0 : index
      %swap3A_181 = arith.constant 0 : index
      %swap3A_182 = vector.load %arg17[%swap3A_178, %swap3A_179, %swap3A_180, %swap3A_181] : memref<1x1x64x512xf32, #tpu.memory_space<vmem>>, vector<1x1x64x512xf32>
      %swap3A_183 = vector.shape_cast %swap3A_182 : vector<1x1x64x512xf32> to vector<64x512xf32>
      %swap3A_184 = vector.shape_cast %slice3A_177 : vector<64x512xf32> to vector<1x1x64x512xf32>
      tpu.vector_store %arg17[%swap3A_178, %swap3A_179, %swap3A_180, %swap3A_181], %swap3A_184 {strides = array<i32>} : memref<1x1x64x512xf32, #tpu.memory_space<vmem>>, vector<1x1x64x512xf32>,
      %rem3A = arith.constant 2 : i32
      %rem3A_185 = arith.remsi %arg0, %rem3A : i32
      %ge3A = arith.constant 2 : i32
      %ge3A_186 = arith.cmpi sge, %arg0, %ge3A : i32
      %convert_element_type3A_187 = arith.extui %ge3A_186 : i1 to i32
      %cond3A_188 = arith.constant 0 : i32
      %cond3A_189 = arith.cmpi ne, %convert_element_type3A_187, %cond3A_188 : i32
      scf.if %cond3A_189 {
        %dma_wait3A = arith.constant 0 : i32
        %dma_wait3A_225 = tpu.memref_slice %arg21[%rem3A_185] : memref<2x!tpu.dma_semaphore, #tpu.memory_space<semaphore_mem>> -> memref<1x!tpu.dma_semaphore, #tpu.memory_space<semaphore_mem>>
        %dma_wait3A_226 = tpu.memref_squeeze %dma_wait3A_225 : memref<1x!tpu.dma_semaphore, #tpu.memory_space<semaphore_mem>> -> memref<!tpu.dma_semaphore, #tpu.memory_space<semaphore_mem>>
        %dma_wait3A_227 = arith.constant 0 : i32
        %dma_wait3A_228 = arith.constant 0 : i32
        %dma_wait3A_229 = tpu.memref_slice %arg14[%dma_wait3A, %get3A_27, %dma_wait3A_227, %dma_wait3A_228] : memref<1x512x64x512xf32, #tpu.memory_space<hbm>> -> memref<1x1x64x512xf32, #tpu.memory_space<hbm>>
        %dma_wait3A_230 = tpu.memref_squeeze %dma_wait3A_229 : memref<1x1x64x512xf32, #tpu.memory_space<hbm>> -> memref<64x512xf32, #tpu.memory_space<hbm>>
        %dma_wait3A_231 = arith.constant 0 : i32
        %dma_wait3A_232 = arith.constant 0 : i32
        %dma_wait3A_233 = tpu.memref_slice %arg19[%rem3A_185, %dma_wait3A_231, %dma_wait3A_232] : memref<2x64x512xf32, #tpu.memory_space<vmem>> -> memref<1x64x512xf32, #tpu.memory_space<vmem>>
        %dma_wait3A_234 = tpu.memref_squeeze %dma_wait3A_233 : memref<1x64x512xf32, #tpu.memory_space<vmem>> -> memref<64x512xf32, #tpu.memory_space<vmem>>
        tpu.wait_dma2 semaphore(%dma_wait3A_226 : memref<!tpu.dma_semaphore, #tpu.memory_space<semaphore_mem>>) src(%dma_wait3A_234 : memref<64x512xf32, #tpu.memory_space<vmem>>) dst(%dma_wait3A_230 : memref<64x512xf32, #tpu.memory_space<hbm>>)
        %dma_wait3A_235 = arith.constant 0 : i32
        %dma_wait3A_236 = tpu.memref_slice %arg21[%rem3A_185] : memref<2x!tpu.dma_semaphore, #tpu.memory_space<semaphore_mem>> -> memref<1x!tpu.dma_semaphore, #tpu.memory_space<semaphore_mem>>
        %dma_wait3A_237 = tpu.memref_squeeze %dma_wait3A_236 : memref<1x!tpu.dma_semaphore, #tpu.memory_space<semaphore_mem>> -> memref<!tpu.dma_semaphore, #tpu.memory_space<semaphore_mem>>
        %dma_wait3A_238 = arith.constant 0 : i32
        %dma_wait3A_239 = arith.constant 0 : i32
        %dma_wait3A_240 = tpu.memref_slice %arg15[%dma_wait3A_235, %get3A_27, %dma_wait3A_238, %dma_wait3A_239] : memref<1x512x64x512xf32, #tpu.memory_space<hbm>> -> memref<1x1x64x512xf32, #tpu.memory_space<hbm>>
        %dma_wait3A_241 = tpu.memref_squeeze %dma_wait3A_240 : memref<1x1x64x512xf32, #tpu.memory_space<hbm>> -> memref<64x512xf32, #tpu.memory_space<hbm>>
        %dma_wait3A_242 = arith.constant 0 : i32
        %dma_wait3A_243 = arith.constant 0 : i32
        %dma_wait3A_244 = tpu.memref_slice %arg20[%rem3A_185, %dma_wait3A_242, %dma_wait3A_243] : memref<2x64x512xf32, #tpu.memory_space<vmem>> -> memref<1x64x512xf32, #tpu.memory_space<vmem>>
        %dma_wait3A_245 = tpu.memref_squeeze %dma_wait3A_244 : memref<1x64x512xf32, #tpu.memory_space<vmem>> -> memref<64x512xf32, #tpu.memory_space<vmem>>
        tpu.wait_dma2 semaphore(%dma_wait3A_237 : memref<!tpu.dma_semaphore, #tpu.memory_space<semaphore_mem>>) src(%dma_wait3A_245 : memref<64x512xf32, #tpu.memory_space<vmem>>) dst(%dma_wait3A_241 : memref<64x512xf32, #tpu.memory_space<hbm>>)
      } else {
      }
      %slice3A_190 = vector.extract_strided_slice %add3A_165 {offsets = [0, 512], sizes = [64, 512], strides = [1, 1]} : vector<64x1024xf32> to vector<64x512xf32>
      %swap3A_191 = arith.index_cast %rem3A_185 : i32 to index
      %swap3A_192 = arith.constant 0 : index
      %swap3A_193 = arith.constant 0 : index
      %swap3A_194 = vector.load %arg19[%swap3A_191, %swap3A_192, %swap3A_193] : memref<2x64x512xf32, #tpu.memory_space<vmem>>, vector<1x64x512xf32>
      %swap3A_195 = vector.shape_cast %swap3A_194 : vector<1x64x512xf32> to vector<64x512xf32>
      %swap3A_196 = vector.shape_cast %slice3A_190 : vector<64x512xf32> to vector<1x64x512xf32>
      tpu.vector_store %arg19[%swap3A_191, %swap3A_192, %swap3A_193], %swap3A_196 {strides = array<i32>} : memref<2x64x512xf32, #tpu.memory_space<vmem>>, vector<1x64x512xf32>,
      %slice3A_197 = vector.extract_strided_slice %add3A_169 {offsets = [0, 512], sizes = [64, 512], strides = [1, 1]} : vector<64x1024xf32> to vector<64x512xf32>
      %swap3A_198 = arith.index_cast %rem3A_185 : i32 to index
      %swap3A_199 = arith.constant 0 : index
      %swap3A_200 = arith.constant 0 : index
      %swap3A_201 = vector.load %arg20[%swap3A_198, %swap3A_199, %swap3A_200] : memref<2x64x512xf32, #tpu.memory_space<vmem>>, vector<1x64x512xf32>
      %swap3A_202 = vector.shape_cast %swap3A_201 : vector<1x64x512xf32> to vector<64x512xf32>
      %swap3A_203 = vector.shape_cast %slice3A_197 : vector<64x512xf32> to vector<1x64x512xf32>
      tpu.vector_store %arg20[%swap3A_198, %swap3A_199, %swap3A_200], %swap3A_203 {strides = array<i32>} : memref<2x64x512xf32, #tpu.memory_space<vmem>>, vector<1x64x512xf32>,
      %dma_start3A = arith.constant 0 : i32
      %dma_start3A_204 = tpu.memref_slice %arg21[%rem3A_185] : memref<2x!tpu.dma_semaphore, #tpu.memory_space<semaphore_mem>> -> memref<1x!tpu.dma_semaphore, #tpu.memory_space<semaphore_mem>>
      %dma_start3A_205 = tpu.memref_squeeze %dma_start3A_204 : memref<1x!tpu.dma_semaphore, #tpu.memory_space<semaphore_mem>> -> memref<!tpu.dma_semaphore, #tpu.memory_space<semaphore_mem>>
      %dma_start3A_206 = arith.constant 0 : i32
      %dma_start3A_207 = arith.constant 0 : i32
      %dma_start3A_208 = tpu.memref_slice %arg14[%dma_start3A, %get3A_27, %dma_start3A_206, %dma_start3A_207] : memref<1x512x64x512xf32, #tpu.memory_space<hbm>> -> memref<1x1x64x512xf32, #tpu.memory_space<hbm>>
      %dma_start3A_209 = tpu.memref_squeeze %dma_start3A_208 : memref<1x1x64x512xf32, #tpu.memory_space<hbm>> -> memref<64x512xf32, #tpu.memory_space<hbm>>
      %dma_start3A_210 = arith.constant 0 : i32
      %dma_start3A_211 = arith.constant 0 : i32
      %dma_start3A_212 = tpu.memref_slice %arg19[%rem3A_185, %dma_start3A_210, %dma_start3A_211] : memref<2x64x512xf32, #tpu.memory_space<vmem>> -> memref<1x64x512xf32, #tpu.memory_space<vmem>>
      %dma_start3A_213 = tpu.memref_squeeze %dma_start3A_212 : memref<1x64x512xf32, #tpu.memory_space<vmem>> -> memref<64x512xf32, #tpu.memory_space<vmem>>
      tpu.enqueue_dma source(%dma_start3A_213 : memref<64x512xf32, #tpu.memory_space<vmem>>) target(%dma_start3A_209 : memref<64x512xf32, #tpu.memory_space<hbm>>) target_semaphore(%dma_start3A_205 : memref<!tpu.dma_semaphore, #tpu.memory_space<semaphore_mem>>)
      %dma_start3A_214 = arith.constant 0 : i32
      %dma_start3A_215 = tpu.memref_slice %arg21[%rem3A_185] : memref<2x!tpu.dma_semaphore, #tpu.memory_space<semaphore_mem>> -> memref<1x!tpu.dma_semaphore, #tpu.memory_space<semaphore_mem>>
      %dma_start3A_216 = tpu.memref_squeeze %dma_start3A_215 : memref<1x!tpu.dma_semaphore, #tpu.memory_space<semaphore_mem>> -> memref<!tpu.dma_semaphore, #tpu.memory_space<semaphore_mem>>
      %dma_start3A_217 = arith.constant 0 : i32
      %dma_start3A_218 = arith.constant 0 : i32
      %dma_start3A_219 = tpu.memref_slice %arg15[%dma_start3A_214, %get3A_27, %dma_start3A_217, %dma_start3A_218] : memref<1x512x64x512xf32, #tpu.memory_space<hbm>> -> memref<1x1x64x512xf32, #tpu.memory_space<hbm>>
      %dma_start3A_220 = tpu.memref_squeeze %dma_start3A_219 : memref<1x1x64x512xf32, #tpu.memory_space<hbm>> -> memref<64x512xf32, #tpu.memory_space<hbm>>
      %dma_start3A_221 = arith.constant 0 : i32
      %dma_start3A_222 = arith.constant 0 : i32
      %dma_start3A_223 = tpu.memref_slice %arg20[%rem3A_185, %dma_start3A_221, %dma_start3A_222] : memref<2x64x512xf32, #tpu.memory_space<vmem>> -> memref<1x64x512xf32, #tpu.memory_space<vmem>>
      %dma_start3A_224 = tpu.memref_squeeze %dma_start3A_223 : memref<1x64x512xf32, #tpu.memory_space<vmem>> -> memref<64x512xf32, #tpu.memory_space<vmem>>
      tpu.enqueue_dma source(%dma_start3A_224 : memref<64x512xf32, #tpu.memory_space<vmem>>) target(%dma_start3A_220 : memref<64x512xf32, #tpu.memory_space<hbm>>) target_semaphore(%dma_start3A_216 : memref<!tpu.dma_semaphore, #tpu.memory_space<semaphore_mem>>)
    } else {
    }
    %eq3A_7 = arith.constant 255 : i32
    %eq3A_8 = arith.cmpi eq, %arg0, %eq3A_7 : i32
    %convert_element_type3A_9 = arith.extui %eq3A_8 : i1 to i32
    %cond3A_10 = arith.constant 0 : i32
    %cond3A_11 = arith.cmpi ne, %convert_element_type3A_9, %cond3A_10 : i32
    scf.if %cond3A_11 {
      %add3A = arith.constant 1 : i32
      %add3A_19 = arith.addi %get3A_0, %add3A : i32
      %jit3A = arith.constant 2 : i32
      %div3A = arith.divsi %add3A_19, %jit3A : i32
      %sign3A = arith.constant 0 : i32
      %sign3A_20 = arith.cmpi sgt, %add3A_19, %sign3A : i32
      %sign3A_21 = arith.extui %sign3A_20 : i1 to i32
      %sign3A_22 = arith.constant 0 : i32
      %sign3A_23 = arith.cmpi slt, %add3A_19, %sign3A_22 : i32
      %sign3A_24 = arith.extui %sign3A_23 : i1 to i32
      %sign3A_25 = arith.subi %sign3A_21, %sign3A_24 : i32
      %sign3A_26 = arith.constant 0 : i32
      %sign3A_27 = arith.cmpi sgt, %jit3A, %sign3A_26 : i32
      %sign3A_28 = arith.extui %sign3A_27 : i1 to i32
      %sign3A_29 = arith.constant 0 : i32
      %sign3A_30 = arith.cmpi slt, %jit3A, %sign3A_29 : i32
      %sign3A_31 = arith.extui %sign3A_30 : i1 to i32
      %sign3A_32 = arith.subi %sign3A_28, %sign3A_31 : i32
      %ne3A = arith.cmpi ne, %sign3A_25, %sign3A_32 : i32
      %rem3A = arith.remsi %add3A_19, %jit3A : i32
      %ne3A_33 = arith.constant 0 : i32
      %ne3A_34 = arith.cmpi ne, %rem3A, %ne3A_33 : i32
      %and3A_35 = arith.andi %ne3A, %ne3A_34 : i1
      %sub3A = arith.constant 1 : i32
      %sub3A_36 = arith.subi %div3A, %sub3A : i32
      %select_n3A = arith.select %and3A_35, %sub3A_36, %div3A : i32
      %ge3A = arith.constant 1 : i32
      %ge3A_37 = arith.cmpi sge, %select_n3A, %ge3A : i32
      %convert_element_type3A_38 = arith.extui %ge3A_37 : i1 to i32
      %cond3A_39 = arith.constant 0 : i32
      %cond3A_40 = arith.cmpi ne, %convert_element_type3A_38, %cond3A_39 : i32
      scf.if %cond3A_40 {
        %sub3A_46 = arith.constant 1 : i32
        %sub3A_47 = arith.subi %select_n3A, %sub3A_46 : i32
        %rem3A_48 = arith.constant 2 : i32
        %rem3A_49 = arith.remsi %sub3A_47, %rem3A_48 : i32
        %dma_wait3A = arith.constant 0 : i32
        %dma_wait3A_50 = arith.constant 0 : i32
        %dma_wait3A_51 = tpu.memref_slice %arg21[%rem3A_49] : memref<2x!tpu.dma_semaphore, #tpu.memory_space<semaphore_mem>> -> memref<1x!tpu.dma_semaphore, #tpu.memory_space<semaphore_mem>>
        %dma_wait3A_52 = tpu.memref_squeeze %dma_wait3A_51 : memref<1x!tpu.dma_semaphore, #tpu.memory_space<semaphore_mem>> -> memref<!tpu.dma_semaphore, #tpu.memory_space<semaphore_mem>>
        %dma_wait3A_53 = arith.constant 0 : i32
        %dma_wait3A_54 = arith.constant 0 : i32
        %dma_wait3A_55 = tpu.memref_slice %arg14[%dma_wait3A, %dma_wait3A_50, %dma_wait3A_53, %dma_wait3A_54] : memref<1x512x64x512xf32, #tpu.memory_space<hbm>> -> memref<1x1x64x512xf32, #tpu.memory_space<hbm>>
        %dma_wait3A_56 = tpu.memref_squeeze %dma_wait3A_55 : memref<1x1x64x512xf32, #tpu.memory_space<hbm>> -> memref<64x512xf32, #tpu.memory_space<hbm>>
        %dma_wait3A_57 = arith.constant 0 : i32
        %dma_wait3A_58 = arith.constant 0 : i32
        %dma_wait3A_59 = tpu.memref_slice %arg19[%rem3A_49, %dma_wait3A_57, %dma_wait3A_58] : memref<2x64x512xf32, #tpu.memory_space<vmem>> -> memref<1x64x512xf32, #tpu.memory_space<vmem>>
        %dma_wait3A_60 = tpu.memref_squeeze %dma_wait3A_59 : memref<1x64x512xf32, #tpu.memory_space<vmem>> -> memref<64x512xf32, #tpu.memory_space<vmem>>
        tpu.wait_dma2 semaphore(%dma_wait3A_52 : memref<!tpu.dma_semaphore, #tpu.memory_space<semaphore_mem>>) src(%dma_wait3A_60 : memref<64x512xf32, #tpu.memory_space<vmem>>) dst(%dma_wait3A_56 : memref<64x512xf32, #tpu.memory_space<hbm>>)
        %dma_wait3A_61 = arith.constant 0 : i32
        %dma_wait3A_62 = arith.constant 0 : i32
        %dma_wait3A_63 = tpu.memref_slice %arg21[%rem3A_49] : memref<2x!tpu.dma_semaphore, #tpu.memory_space<semaphore_mem>> -> memref<1x!tpu.dma_semaphore, #tpu.memory_space<semaphore_mem>>
        %dma_wait3A_64 = tpu.memref_squeeze %dma_wait3A_63 : memref<1x!tpu.dma_semaphore, #tpu.memory_space<semaphore_mem>> -> memref<!tpu.dma_semaphore, #tpu.memory_space<semaphore_mem>>
        %dma_wait3A_65 = arith.constant 0 : i32
        %dma_wait3A_66 = arith.constant 0 : i32
        %dma_wait3A_67 = tpu.memref_slice %arg15[%dma_wait3A_61, %dma_wait3A_62, %dma_wait3A_65, %dma_wait3A_66] : memref<1x512x64x512xf32, #tpu.memory_space<hbm>> -> memref<1x1x64x512xf32, #tpu.memory_space<hbm>>
        %dma_wait3A_68 = tpu.memref_squeeze %dma_wait3A_67 : memref<1x1x64x512xf32, #tpu.memory_space<hbm>> -> memref<64x512xf32, #tpu.memory_space<hbm>>
        %dma_wait3A_69 = arith.constant 0 : i32
        %dma_wait3A_70 = arith.constant 0 : i32
        %dma_wait3A_71 = tpu.memref_slice %arg20[%rem3A_49, %dma_wait3A_69, %dma_wait3A_70] : memref<2x64x512xf32, #tpu.memory_space<vmem>> -> memref<1x64x512xf32, #tpu.memory_space<vmem>>
        %dma_wait3A_72 = tpu.memref_squeeze %dma_wait3A_71 : memref<1x64x512xf32, #tpu.memory_space<vmem>> -> memref<64x512xf32, #tpu.memory_space<vmem>>
        tpu.wait_dma2 semaphore(%dma_wait3A_64 : memref<!tpu.dma_semaphore, #tpu.memory_space<semaphore_mem>>) src(%dma_wait3A_72 : memref<64x512xf32, #tpu.memory_space<vmem>>) dst(%dma_wait3A_68 : memref<64x512xf32, #tpu.memory_space<hbm>>)
      } else {
      }
      %ge3A_41 = arith.constant 2 : i32
      %ge3A_42 = arith.cmpi sge, %select_n3A, %ge3A_41 : i32
      %convert_element_type3A_43 = arith.extui %ge3A_42 : i1 to i32
      %cond3A_44 = arith.constant 0 : i32
      %cond3A_45 = arith.cmpi ne, %convert_element_type3A_43, %cond3A_44 : i32
      scf.if %cond3A_45 {
        %sub3A_46 = arith.constant 2 : i32
        %sub3A_47 = arith.subi %select_n3A, %sub3A_46 : i32
        %rem3A_48 = arith.constant 2 : i32
        %rem3A_49 = arith.remsi %sub3A_47, %rem3A_48 : i32
        %dma_wait3A = arith.constant 0 : i32
        %dma_wait3A_50 = arith.constant 0 : i32
        %dma_wait3A_51 = tpu.memref_slice %arg21[%rem3A_49] : memref<2x!tpu.dma_semaphore, #tpu.memory_space<semaphore_mem>> -> memref<1x!tpu.dma_semaphore, #tpu.memory_space<semaphore_mem>>
        %dma_wait3A_52 = tpu.memref_squeeze %dma_wait3A_51 : memref<1x!tpu.dma_semaphore, #tpu.memory_space<semaphore_mem>> -> memref<!tpu.dma_semaphore, #tpu.memory_space<semaphore_mem>>
        %dma_wait3A_53 = arith.constant 0 : i32
        %dma_wait3A_54 = arith.constant 0 : i32
        %dma_wait3A_55 = tpu.memref_slice %arg14[%dma_wait3A, %dma_wait3A_50, %dma_wait3A_53, %dma_wait3A_54] : memref<1x512x64x512xf32, #tpu.memory_space<hbm>> -> memref<1x1x64x512xf32, #tpu.memory_space<hbm>>
        %dma_wait3A_56 = tpu.memref_squeeze %dma_wait3A_55 : memref<1x1x64x512xf32, #tpu.memory_space<hbm>> -> memref<64x512xf32, #tpu.memory_space<hbm>>
        %dma_wait3A_57 = arith.constant 0 : i32
        %dma_wait3A_58 = arith.constant 0 : i32
        %dma_wait3A_59 = tpu.memref_slice %arg19[%rem3A_49, %dma_wait3A_57, %dma_wait3A_58] : memref<2x64x512xf32, #tpu.memory_space<vmem>> -> memref<1x64x512xf32, #tpu.memory_space<vmem>>
        %dma_wait3A_60 = tpu.memref_squeeze %dma_wait3A_59 : memref<1x64x512xf32, #tpu.memory_space<vmem>> -> memref<64x512xf32, #tpu.memory_space<vmem>>
        tpu.wait_dma2 semaphore(%dma_wait3A_52 : memref<!tpu.dma_semaphore, #tpu.memory_space<semaphore_mem>>) src(%dma_wait3A_60 : memref<64x512xf32, #tpu.memory_space<vmem>>) dst(%dma_wait3A_56 : memref<64x512xf32, #tpu.memory_space<hbm>>)
        %dma_wait3A_61 = arith.constant 0 : i32
        %dma_wait3A_62 = arith.constant 0 : i32
        %dma_wait3A_63 = tpu.memref_slice %arg21[%rem3A_49] : memref<2x!tpu.dma_semaphore, #tpu.memory_space<semaphore_mem>> -> memref<1x!tpu.dma_semaphore, #tpu.memory_space<semaphore_mem>>
        %dma_wait3A_64 = tpu.memref_squeeze %dma_wait3A_63 : memref<1x!tpu.dma_semaphore, #tpu.memory_space<semaphore_mem>> -> memref<!tpu.dma_semaphore, #tpu.memory_space<semaphore_mem>>
        %dma_wait3A_65 = arith.constant 0 : i32
        %dma_wait3A_66 = arith.constant 0 : i32
        %dma_wait3A_67 = tpu.memref_slice %arg15[%dma_wait3A_61, %dma_wait3A_62, %dma_wait3A_65, %dma_wait3A_66] : memref<1x512x64x512xf32, #tpu.memory_space<hbm>> -> memref<1x1x64x512xf32, #tpu.memory_space<hbm>>
        %dma_wait3A_68 = tpu.memref_squeeze %dma_wait3A_67 : memref<1x1x64x512xf32, #tpu.memory_space<hbm>> -> memref<64x512xf32, #tpu.memory_space<hbm>>
        %dma_wait3A_69 = arith.constant 0 : i32
        %dma_wait3A_70 = arith.constant 0 : i32
        %dma_wait3A_71 = tpu.memref_slice %arg20[%rem3A_49, %dma_wait3A_69, %dma_wait3A_70] : memref<2x64x512xf32, #tpu.memory_space<vmem>> -> memref<1x64x512xf32, #tpu.memory_space<vmem>>
        %dma_wait3A_72 = tpu.memref_squeeze %dma_wait3A_71 : memref<1x64x512xf32, #tpu.memory_space<vmem>> -> memref<64x512xf32, #tpu.memory_space<vmem>>
        tpu.wait_dma2 semaphore(%dma_wait3A_64 : memref<!tpu.dma_semaphore, #tpu.memory_space<semaphore_mem>>) src(%dma_wait3A_72 : memref<64x512xf32, #tpu.memory_space<vmem>>) dst(%dma_wait3A_68 : memref<64x512xf32, #tpu.memory_space<hbm>>)
      } else {
      }
    } else {
    }
    %eq3A_12 = arith.constant 0 : i32
    %eq3A_13 = arith.cmpi eq, %get3A_0, %eq3A_12 : i32
    %eq3A_14 = arith.constant 0 : i32
    %eq3A_15 = arith.cmpi eq, %arg0, %eq3A_14 : i32
    %and3A = arith.andi %eq3A_13, %eq3A_15 : i1
    %convert_element_type3A_16 = arith.extui %and3A : i1 to i32
    %cond3A_17 = arith.constant 0 : i32
    %cond3A_18 = arith.cmpi ne, %convert_element_type3A_16, %cond3A_17 : i32
    scf.if %cond3A_18 {
      %get3A_19 = arith.constant 0 : index
      %get3A_20 = arith.constant 0 : index
      %get3A_21 = arith.constant 0 : index
      %get3A_22 = arith.constant 0 : index
      %get3A_23 = vector.load %arg10[%get3A_19, %get3A_20, %get3A_21, %get3A_22] : memref<1x1x64x512xf32, #tpu.memory_space<vmem>>, vector<1x1x64x512xf32>
      %swap3A = arith.constant 0 : index
      %swap3A_24 = arith.constant 0 : index
      %swap3A_25 = arith.constant 0 : index
      %swap3A_26 = arith.constant 0 : index
      %swap3A_27 = vector.load %arg16[%swap3A, %swap3A_24, %swap3A_25, %swap3A_26] : memref<1x1x64x512xf32, #tpu.memory_space<vmem>>, vector<1x1x64x512xf32>
      tpu.vector_store %arg16[%swap3A, %swap3A_24, %swap3A_25, %swap3A_26], %get3A_23 {strides = array<i32>} : memref<1x1x64x512xf32, #tpu.memory_space<vmem>>, vector<1x1x64x512xf32>,
      %get3A_28 = arith.constant 0 : index
      %get3A_29 = arith.constant 0 : index
      %get3A_30 = arith.constant 0 : index
      %get3A_31 = arith.constant 0 : index
      %get3A_32 = vector.load %arg11[%get3A_28, %get3A_29, %get3A_30, %get3A_31] : memref<1x1x64x512xf32, #tpu.memory_space<vmem>>, vector<1x1x64x512xf32>
      %swap3A_33 = arith.constant 0 : index
      %swap3A_34 = arith.constant 0 : index
      %swap3A_35 = arith.constant 0 : index
      %swap3A_36 = arith.constant 0 : index
      %swap3A_37 = vector.load %arg17[%swap3A_33, %swap3A_34, %swap3A_35, %swap3A_36] : memref<1x1x64x512xf32, #tpu.memory_space<vmem>>, vector<1x1x64x512xf32>
      tpu.vector_store %arg17[%swap3A_33, %swap3A_34, %swap3A_35, %swap3A_36], %get3A_32 {strides = array<i32>} : memref<1x1x64x512xf32, #tpu.memory_space<vmem>>, vector<1x1x64x512xf32>,
    } else {
    }
    return
  }
  func.func @transform_0(%arg0: i32, %arg1: memref<512xi32, #tpu.memory_space<smem>>, %arg2: memref<1xi32, #tpu.memory_space<smem>>) -> (i32, i32) {
    %c0_i32 = arith.constant 0 : i32
    %c0_i32_0 = arith.constant 0 : i32
    %c0_i32_1 = arith.constant 0 : i32
    return %c0_i32, %c0_i32_0 : i32, i32
  }
  func.func @transform_1(%arg0: i32, %arg1: memref<512xi32, #tpu.memory_space<smem>>, %arg2: memref<1xi32, #tpu.memory_space<smem>>) -> (i32, i32) {
    %c0_i32 = arith.constant 0 : i32
    %c0_i32_0 = arith.constant 0 : i32
    %c0_i32_1 = arith.constant 0 : i32
    return %c0_i32, %c0_i32_0 : i32, i32
  }
  func.func @transform_2(%arg0: i32, %arg1: memref<512xi32, #tpu.memory_space<smem>>, %arg2: memref<1xi32, #tpu.memory_space<smem>>) -> (i32, i32) {
    %c0_i32 = arith.constant 0 : i32
    %c0_i32_0 = arith.constant 0 : i32
    %c0_i32_1 = arith.constant 0 : i32
    return %c0_i32, %c0_i32_0 : i32, i32
  }
  func.func @transform_3(%arg0: i32, %arg1: memref<512xi32, #tpu.memory_space<smem>>, %arg2: memref<1xi32, #tpu.memory_space<smem>>) -> (i32, i32) {
    %c0_i32 = arith.constant 0 : i32
    %c0_i32_0 = arith.constant 0 : i32
    %c0_i32_1 = arith.constant 0 : i32
    return %c0_i32, %c0_i32_0 : i32, i32
  }
  func.func @transform_4(%arg0: i32, %arg1: memref<512xi32, #tpu.memory_space<smem>>, %arg2: memref<1xi32, #tpu.memory_space<smem>>) -> (i32, i32) {
    %c0_i32 = arith.constant 0 : i32
    %c0_i32_0 = arith.constant 0 : i32
    %c0_i32_1 = arith.constant 0 : i32
    return %c0_i32, %c0_i32_0 : i32, i32
  }
  func.func @transform_5(%arg0: i32, %arg1: memref<512xi32, #tpu.memory_space<smem>>, %arg2: memref<1xi32, #tpu.memory_space<smem>>) -> (i32, i32) {
    %c0_i32 = arith.constant 0 : i32
    %c0_i32_0 = arith.constant 0 : i32
    %c0_i32_1 = arith.constant 0 : i32
    return %c0_i32, %c0_i32_0 : i32, i32
  }
  func.func @transform_6(%arg0: i32, %arg1: memref<512xi32, #tpu.memory_space<smem>>, %arg2: memref<1xi32, #tpu.memory_space<smem>>) -> (i32, i32) {
    %c0_i32 = arith.constant 0 : i32
    %c0_i32_0 = arith.constant 0 : i32
    %c0_i32_1 = arith.constant 0 : i32
    return %c0_i32, %c0_i32_0 : i32, i32
  }
  func.func @transform_7(%arg0: i32, %arg1: memref<512xi32, #tpu.memory_space<smem>>, %arg2: memref<1xi32, #tpu.memory_space<smem>>) -> (i32, i32, i32, i32) {
    %mul3A = arith.constant 2 : i32
    %mul3A_0 = arith.muli %mul3A, %arg0 : i32
    %get3A = arith.index_cast %mul3A_0 : i32 to index
    %get3A_1 = memref.load %arg1[%get3A] : memref<512xi32, #tpu.memory_space<smem>>
    %c0_i32 = arith.constant 0 : i32
    %c0_i32_2 = arith.constant 0 : i32
    %c0_i32_3 = arith.constant 0 : i32
    %c0_i32_4 = arith.constant 0 : i32
    return %c0_i32, %get3A_1, %c0_i32_2, %c0_i32_3 : i32, i32, i32, i32
  }
  func.func @transform_8(%arg0: i32, %arg1: memref<512xi32, #tpu.memory_space<smem>>, %arg2: memref<1xi32, #tpu.memory_space<smem>>) -> (i32, i32, i32, i32) {
    %mul3A = arith.constant 2 : i32
    %mul3A_0 = arith.muli %mul3A, %arg0 : i32
    %get3A = arith.index_cast %mul3A_0 : i32 to index
    %get3A_1 = memref.load %arg1[%get3A] : memref<512xi32, #tpu.memory_space<smem>>
    %c0_i32 = arith.constant 0 : i32
    %c0_i32_2 = arith.constant 0 : i32
    %c0_i32_3 = arith.constant 0 : i32
    %c0_i32_4 = arith.constant 0 : i32
    return %c0_i32, %get3A_1, %c0_i32_2, %c0_i32_3 : i32, i32, i32, i32
  }
  func.func @transform_9(%arg0: i32, %arg1: memref<512xi32, #tpu.memory_space<smem>>, %arg2: memref<1xi32, #tpu.memory_space<smem>>) -> (i32, i32, i32, i32) {
    %mul3A = arith.constant 2 : i32
    %mul3A_0 = arith.muli %mul3A, %arg0 : i32
    %add3A = arith.constant 1 : i32
    %add3A_1 = arith.addi %mul3A_0, %add3A : i32
    %get3A = arith.index_cast %add3A_1 : i32 to index
    %get3A_2 = memref.load %arg1[%get3A] : memref<512xi32, #tpu.memory_space<smem>>
    %c0_i32 = arith.constant 0 : i32
    %c0_i32_3 = arith.constant 0 : i32
    %c0_i32_4 = arith.constant 0 : i32
    %c0_i32_5 = arith.constant 0 : i32
    return %c0_i32, %get3A_2, %c0_i32_3, %c0_i32_4 : i32, i32, i32, i32
  }
  func.func @transform_10(%arg0: i32, %arg1: memref<512xi32, #tpu.memory_space<smem>>, %arg2: memref<1xi32, #tpu.memory_space<smem>>) -> (i32, i32, i32, i32) {
    %mul3A = arith.constant 2 : i32
    %mul3A_0 = arith.muli %mul3A, %arg0 : i32
    %add3A = arith.constant 1 : i32
    %add3A_1 = arith.addi %mul3A_0, %add3A : i32
    %get3A = arith.index_cast %add3A_1 : i32 to index
    %get3A_2 = memref.load %arg1[%get3A] : memref<512xi32, #tpu.memory_space<smem>>
    %c0_i32 = arith.constant 0 : i32
    %c0_i32_3 = arith.constant 0 : i32
    %c0_i32_4 = arith.constant 0 : i32
    %c0_i32_5 = arith.constant 0 : i32
    return %c0_i32, %get3A_2, %c0_i32_3, %c0_i32_4 : i32, i32, i32, i32
  }
  func.func @transform_13(%arg0: i32, %arg1: memref<512xi32, #tpu.memory_space<smem>>, %arg2: memref<1xi32, #tpu.memory_space<smem>>) -> (i32, i32, i32, i32) {
    %mul3A = arith.constant 2 : i32
    %mul3A_0 = arith.muli %mul3A, %arg0 : i32
    %get3A = arith.index_cast %mul3A_0 : i32 to index
    %get3A_1 = memref.load %arg1[%get3A] : memref<512xi32, #tpu.memory_space<smem>>
    %c0_i32 = arith.constant 0 : i32
    %c0_i32_2 = arith.constant 0 : i32
    %c0_i32_3 = arith.constant 0 : i32
    %c0_i32_4 = arith.constant 0 : i32
    return %c0_i32, %get3A_1, %c0_i32_2, %c0_i32_3 : i32, i32, i32, i32
  }
  func.func @transform_14(%arg0: i32, %arg1: memref<512xi32, #tpu.memory_space<smem>>, %arg2: memref<1xi32, #tpu.memory_space<smem>>) -> (i32, i32, i32, i32) {
    %mul3A = arith.constant 2 : i32
    %mul3A_0 = arith.muli %mul3A, %arg0 : i32
    %get3A = arith.index_cast %mul3A_0 : i32 to index
    %get3A_1 = memref.load %arg1[%get3A] : memref<512xi32, #tpu.memory_space<smem>>
    %c0_i32 = arith.constant 0 : i32
    %c0_i32_2 = arith.constant 0 : i32
    %c0_i32_3 = arith.constant 0 : i32
    %c0_i32_4 = arith.constant 0 : i32
    return %c0_i32, %get3A_1, %c0_i32_2, %c0_i32_3 : i32, i32, i32, i32
  }
}

</mosaic_0001>

<sc_bundles>
// kernel: kernel.4.cloned.1.call-start
scs
__scs_entry_jumppad:
0x0: {  	(pc) =	sbr.rel $0x88, $3  }
0x1: {  	(tag) =	ssettag $0x0;
	lr =	simm.s32 $0x1  }
0x2: {  	[smem:$0x3F97] =	sst lr;
	_ =	strace $0xD0000000  }
0x3: {  	_ = 	snop  }
0x4: {  	_ = 	snop  }
0x5: {  	_ = 	snop  }
0x6: {  	_ = 	snop  }
0x7: {  	_ = 	snop  }
__scs_overlays_trampoline_lowered:
0x8: {  	[smem:$0x3FA6] =	sst s0  }
0x9: {  	[smem:$0x3FA7] =	sst s1  }
0xa: {  	[smem:$0x3FA8] =	sst s2  }
0xb: {  	[smem:$0x3FA9] =	sst s3  }
0xc: {  	[smem:$0x3FAA] =	sst s4  }
0xd: {  	[smem:$0x3FAB] =	sst s5  }
0xe: {  	[smem:$0x3FAC] =	sst s6  }
0xf: {  	[smem:$0x3FAD] =	sst s7  }
0x10: {  	[smem:$0x3FAE] =	sst s8  }
0x11: {  	[smem:$0x3FAF] =	sst s9;
	s0 =	simm.s32 @!p0 $0x0  }
0x12: {  	s1 =	sld [smem:$0x3F95];
	s0 =	simm.s32 @p0 $0x1  }
0x13: {  	[smem:$0x3FB0] =	sst s0;
	s0 =	simm.s32 @!p1 $0x0  }
0x14: {  	s2 =	sld [smem:$0x3F94];
	s0 =	simm.s32 @p1 $0x1  }
0x15: {  	[smem:$0x3FB1] =	sst s0;
	s0 =	simm.s32 @!p2 $0x0  }
0x16: {  	s3 =	sld [smem:$0x3FDB];
	s0 =	simm.s32 @p2 $0x1  }
0x17: {  	s4 =	simm.s32 $0x1BF5;
	[smem:$0x3FB3] =	sst s0  }
0x18: {  	s0 =	sld [smem:$0x3F96];
	_ =	swait.ge [sflag:s4], $0x0  }
0x19: {  	s7 =	sld [smem:$0x3F97]  }
0x1a: {  	s8 =	sadd.s32 $0xFFFFE003, lr  }
0x1b: {  	s9 =	sadd.s32 $0xFFFFFEF7, lr;
	s5 =	simm.s32 $0xFFFFFFFF;
	p2 =	slt.u32 s8, $0xFFFFF086  }
0x1c: {  	p1 =	slt.u32 s9, $0xF7A;
	s5 =	simm.s32 @!p2 $0x0  }
0x1d: {  	s5 =	simm.s32 @p1 $0x1;
	p0 =	seq.s32 s7, s2  }
0x1e: {  	s7 =	smul.u32 @!p0 $0xF7A, s2;
	p2 =	seq.s32 @!p0 s5, $0x0  }
0x1f: {  	s9 =	smul.u32 $0xF7A, s1;
	s8 =	simm.s32 @!p0 $0x1BF5;
	p2 =	por !p2, p0  }
0x20: {  	[sflag:s8] =	ssyncset.s32 @!p0 $0xFFFFF086;
	s6 =	sadd.s32 @!p0 s3, s7;
	s7 =	simm.s32 @!p0 $0x108  }
0x21: {  	s3 =	sadd.s32 s3, s9;
	s6 =	sadd.s32 @!p0 $0x88, s6;
	s7 =	simm.s32 @p2 $0x1082  }
0x22: {  	[simem:s7], [sflag:s8] =	dma.local @!p0 [hbm:s6], $0xF7A  }
0x23: {  	s9 =	sor.u32 $0xD0000000, s2;
	s6 =	simm.s32 $0x108;
	_ =	swait.ge @!p0 [sflag:s8], $0x0  }
0x24: {  	s3 =	sadd.s32 $0x88, s3;
	s6 =	simm.s32 @!p1 $0x1082;
	[sflag:s4] =	ssyncset.s32 $0xFFFFF086  }
0x25: {  	[simem:s6], [sflag:s4] =	dma.local [hbm:s3], $0xF7A  }
0x26: {  	[smem:$0x3F97] =	sst s1;
	(tag) =	ssettag s2;
	_ =	strace s9  }
0x27: {  	s1 =	sld [smem:$0x3FA7]  }
0x28: {  	s2 =	sld [smem:$0x3FA8]  }
0x29: {  	s4 =	sld [smem:$0x3FAA]  }
0x2a: {  	p0 =	seq.s32 s5, $0x0;
	s5 =	sld [smem:$0x3FAB]  }
0x2b: {  	s6 =	sld [smem:$0x3FAC]  }
0x2c: {  	s7 =	sld [smem:$0x3FAD]  }
0x2d: {  	s3 =	simm.s32 $0x108;
	s8 =	sld [smem:$0x3FAE]  }
0x2e: {  	s3 =	simm.s32 @!p0 $0x1082;
	s9 =	sld [smem:$0x3FAF]  }
0x2f: {  	lr =	sadd.s32 s0, s3;
	s0 =	sld [smem:$0x3FA6]  }
0x30: {  	s3 =	sld [smem:$0x3FA9]  }
0x31: {  	[smem:$0x3FB2] =	sst s10  }
0x32: {  	s10 =	sld [smem:$0x3FB0];
	_ =	sdelay $0x3  }
0x33: {  	p0 =	seq.s32 s10, $0x1;
	s10 =	sld [smem:$0x3FB2];
	_ =	sdelay $0x3  }
0x34: {  	[smem:$0x3FB2] =	sst s10  }
0x35: {  	s10 =	sld [smem:$0x3FB1];
	_ =	sdelay $0x3  }
0x36: {  	p1 =	seq.s32 s10, $0x1;
	s10 =	sld [smem:$0x3FB2];
	_ =	sdelay $0x3  }
0x37: {  	[smem:$0x3FB2] =	sst s10  }
0x38: {  	s10 =	sld [smem:$0x3FB3]  }
0x39: {  	_ = 	snop;
	(pc) =	sbr.ind lr, $3  }
0x3a: {  	_ = 	snop  }
0x3b: {  	_ = 	snop  }
0x3c: {  	p2 =	seq.s32 s10, $0x1;
	s10 =	sld [smem:$0x3FB2]  }
0x3d: {  	_ =	shalt  }
0x3e: {  	_ =	shalt  }
0x3f: {  	_ =	shalt  }
0x40: {  	_ =	shalt  }
0x41: {  	_ =	shalt  }
0x42: {  	_ =	shalt  }
0x43: {  	_ =	shalt  }
0x44: {  	_ =	shalt  }
0x45: {  	_ =	shalt  }
0x46: {  	_ =	shalt  }
0x47: {  	_ =	shalt  }
0x48: {  	_ =	shalt  }
0x49: {  	_ =	shalt  }
0x4a: {  	_ =	shalt  }
0x4b: {  	_ =	shalt  }
0x4c: {  	_ =	shalt  }
0x4d: {  	_ =	shalt  }
0x4e: {  	_ =	shalt  }
0x4f: {  	_ =	shalt  }
0x50: {  	_ =	shalt  }
0x51: {  	_ =	shalt  }
0x52: {  	_ =	shalt  }
0x53: {  	_ =	shalt  }
0x54: {  	_ =	shalt  }
0x55: {  	_ =	shalt  }
0x56: {  	_ =	shalt  }
0x57: {  	_ =	shalt  }
0x58: {  	_ =	shalt  }
0x59: {  	_ =	shalt  }
0x5a: {  	_ =	shalt  }
0x5b: {  	_ =	shalt  }
0x5c: {  	_ =	shalt  }
0x5d: {  	_ =	shalt  }
0x5e: {  	_ =	shalt  }
0x5f: {  	_ =	shalt  }
0x60: {  	_ =	shalt  }
0x61: {  	_ =	shalt  }
0x62: {  	_ =	shalt  }
0x63: {  	_ =	shalt  }
0x64: {  	_ =	shalt  }
0x65: {  	_ =	shalt  }
0x66: {  	_ =	shalt  }
0x67: {  	_ =	shalt  }
0x68: {  	_ =	shalt  }
0x69: {  	_ =	shalt  }
0x6a: {  	_ =	shalt  }
0x6b: {  	_ =	shalt  }
0x6c: {  	_ =	shalt  }
0x6d: {  	_ =	shalt  }
0x6e: {  	_ =	shalt  }
0x6f: {  	_ =	shalt  }
0x70: {  	_ =	shalt  }
0x71: {  	_ =	shalt  }
0x72: {  	_ =	shalt  }
0x73: {  	_ =	shalt  }
0x74: {  	_ =	shalt  }
0x75: {  	_ =	shalt  }
0x76: {  	_ =	shalt  }
0x77: {  	_ =	shalt  }
0x78: {  	_ =	shalt  }
0x79: {  	_ =	shalt  }
0x7a: {  	_ =	shalt  }
0x7b: {  	_ =	shalt  }
0x7c: {  	_ =	shalt  }
0x7d: {  	_ =	shalt  }
0x7e: {  	_ =	shalt  }
0x7f: {  	_ =	shalt  }
0x80: {  	_ =	shalt  }
0x81: {  	_ =	shalt  }
0x82: {  	_ =	shalt  }
0x83: {  	_ =	shalt  }
0x84: {  	_ =	shalt  }
0x85: {  	_ =	shalt  }
0x86: {  	_ =	shalt  }
0x87: {  	_ =	shalt  }
.Lfunc_end0:
.L_simem_size_0:
called_computation_lowered:
.L_overlay_start_0:
0x88: {  	s2 =	sld [smem:$0x3FD9]  }
0x89: {  	s3 =	sld [smem:$0x3FFE];
	_ =	sdelay $0x1  }
0x8a: {  	s1 =	srdreg.scid  }
0x8b: {  	s0 =	sand.u32 $0x1, s1  }
0x8c: {  	s15 =	sshll.u32 s0, $0xA;
	s2 =	sadd.s32 s3, s2  }
0x8d: {  	s2 =	sadd.s32 s2, s15  }
0x8e: {  	[smem:$0x3FBE] =	sst s2  }
0x8f: {  	_ = 	snop  }
0x90: {  	s2 =	sld [smem:$0x3FD0];
	_ =	sdelay $0x1  }
0x91: {  	s16 =	sld [smem:$0x3FC9]  }
0x92: {  	s5 =	simm.s32 $0xA;
	s6 =	simm.s32 $0x10;
	s4 =	sld [smem:$0x3FC8]  }
0x93: {  	[smem:s6], [sflag:s5] =	dma.local [hbm:s2], $0x1  }
0x94: {  	_ =	swait.eq [sflag:s5], $0x1  }
0x95: {  	[sflag:s5] =	ssyncset.done $0x0  }
0x96: {  	s17 =	sld [smem:$0x10];
	[sflag:s5] =	ssyncadd.s32 $0xFFFFFFFF  }
0x97: {  	s18 =	sld [smem:$0x11];
	(tm) =	ssettm $0x1  }
0x98: {  	s19 =	sld [smem:$0x3FFB];
	_ =	sdelay $0x3  }
0x99: {  	_ =	strace s19  }
0x9a: {  	s6 =	sld [smem:$0x3FFC];
	_ =	sdelay $0x3  }
0x9b: {  	_ =	strace s6  }
0x9c: {  	s6 =	sld [smem:$0x3FFD];
	_ =	sdelay $0x3  }
0x9d: {  	_ =	strace s6  }
0x9e: {  	_ =	strace $0x8FFFFFFF  }
0x9f: {  	s20 =	sld [smem:$0x3FDB];
	_ =	sdelay $0x1  }
0xa0: {  	s7 =	simm.s32 $_scs_section_size  }
0xa1: {  	s8 =	simm.s32 $_size__tile_overlayer_lowered;
	s9 =	simm.s32 $_tile_overlayer_lowered  }
0xa2: {  	s23 =	simm.s32 $0x1BFF;
	s22 =	sshll.u32 s9, $0x1;
	s6 =	sadd.s32 s7, s20  }
0xa3: {  	s10 =	simm.s32 $0x0;
	s21 =	sshll.u32 s8, $0x1;
	s8 =	sadd.s32 s22, s6  }
0xa4: {  	[timem:s10], [sflag:s23] =	dma.local [hbm:s8], s21  }
0xa5: {  	_ =	swait.ge [sflag:s23], s21  }
0xa6: {  	s7 =	ssub.s32 $0x0, s21;
	[sflag:s23] =	ssyncset.done $0x0  }
0xa7: {  	[sflag:s23] =	ssyncadd.s32 s7;
	_ =	sdelay $0x1  }
0xa8: {  	s24 =	simm.s32 $0x1B8B  }
0xa9: {  	_ =	swait.ge [sflag:s24], $0x1  }
0xaa: {  	[sflag:s24] =	ssyncset.done $0x0  }
0xab: {  	s25 =	simm.s32 $0x1B8E;
	[sflag:s24] =	ssyncadd.s32 $0xFFFFFFFF  }
0xac: {  	s26 =	simm.s32 $execute0_lowered;
	[smem:$0x3FD2] =	sst s25  }
0xad: {  	s7 =	sshll.u32 s26, $0x1;
	_ =	strace $0x80000046;
	[dreg:$0x1] =	wrdreg $0xFFFFFFFF  }
0xae: {  	s28 =	simm.s32 $_size_execute0_lowered;
	s6 =	sadd.s32 s6, s7;
	[dreg:$0x0] =	wrdreg $0x0  }
0xaf: {  	s7 =	sshll.u32 s28, $0x1;
	[dreg:$0x2] =	wrdreg s6  }
0xb0: {  	[dreg:$0x3] =	wrdreg s7  }
0xb1: {  	[dreg:$0x4] =	wrdreg $0xC0  }
0xb2: {  	_ =	task [dreg:s10], $0x5FFFF  }
0xb3: {  	[dreg:$0x1] =	wrdreg $0xFFFFFFFF  }
0xb4: {  	[dreg:$0x0] =	wrdreg $0x60  }
0xb5: {  	[dreg:$0x2] =	wrdreg s16  }
0xb6: {  	[dreg:$0x3] =	wrdreg s4  }
0xb7: {  	[dreg:$0x4] =	wrdreg s17  }
0xb8: {  	[dreg:$0x5] =	wrdreg s18  }
0xb9: {  	[dreg:$0x6] =	wrdreg $0x9  }
0xba: {  	_ =	task.clear_ibuf [dreg:s10], $0x7FFFF;
	_ =	strace $0x90000046  }
0xbb: {  	s29 =	simm.s32 $0x9;
	_ =	strace $0x80000048  }
0xbc: {  	_ =	swait.ge [sflag:s29], $0x1  }
0xbd: {  	[sflag:s29] =	ssyncadd.s32 $0xFFFFFFFF  }
0xbe: {  	_ =	strace $0x90000048  }
0xbf: {  	_ =	sfence  }
0xc0: {  	s30 =	sld [smem:$0x0];
	_ =	sdelay $0x2  }
0xc1: {  	s31 =	sshll.u32 s1, $0xD;
	s1 =	sshrl.u32 s1, $0x2  }
0xc2: {  	s3 =	sand.u32 $0x4000, s31;
	s1 =	sadd.s32 s1, s30  }
0xc3: {  	s0 =	sor.u32 s3, s0;
	s1 =	sshll.u32 s1, $0x11  }
0xc4: {  	s0 =	sor.u32 s1, s0  }
0xc5: {  	s0 =	sadd.s32 $0x8F2B, s0  }
0xc6: {  	[sflag:s0] =	ssyncadd.remote.s32 $0x1  }
0xc7: {  	_ =	sfence.sel $0xFFFF  }
0xc8: {  	[dreg:$0x0] =	wrdreg $0xFFFFFFFF;
	(pc) =	sbr.abs _section_cstart, $3  }
0xc9: {  	[dreg:$0x1] =	wrdreg $0xFFFFFFFF  }
0xca: {  	_ =	task.clear_ibuf [dreg:s10], $0x2FFFF;
	_ =	strace $0x9FFFFFFF  }
0xcb: {  	(tm) =	ssettm $0x7FFFFFFF  }
tec
execute0_lowered:
.L_overlay_start_1:
0x0: {  	(tag) =	ssettag $0x1  }
0x1: {  	s12 =	rddreg [dreg:$0x0]  }
0x2: {  	s3 =	rddreg [dreg:$0x1];
	s1 =	srdreg.scid  }
0x3: {  	s5 =	rddreg [dreg:$0x2];
	s4 =	stileid.u32;
	s18 =	sand.u32 $0x1, s1  }
0x4: {  	s2 =	simm.s32 $0x0;
	s8 =	sshll.u32 s4, $0x11;
	s9 =	sshll.u32 s18, $0x10  }
0x5: {  	[smem:$0x7FF] =	sst s2;
	s11 =	sor.u32 s9, s8  }
0x6: {  	s0 =	rddreg [dreg:$0x3];
	_ =	strace $0x80000047;
	s1 =	sadd.s32 s12, s11  }
0x7: {  	s8 =	sor.u32 $0x1000, s11;
	s14 =	sadd.s32 s5, s11;
	[dreg:$0x5] =	wrdreg s1  }
0x8: {  	s19 =	sor.u32 $0x2000, s11;
	s10 =	sadd.s32 s12, s8;
	[dreg:$0x8] =	wrdreg s14  }
0x9: {  	s9 =	sor.u32 $0x3000, s11;
	s13 =	sadd.s32 s12, s19;
	[dreg:$0x6] =	wrdreg s10  }
0xa: {  	s15 =	sadd.s32 s12, s9;
	[dreg:$0x7] =	wrdreg s13  }
0xb: {  	s21 =	sor.u32 $0x4000, s11;
	s16 =	sadd.s32 s5, s8;
	[dreg:$0x9] =	wrdreg s15  }
0xc: {  	s17 =	sadd.s32 s12, s21;
	[dreg:$0xa] =	wrdreg s16  }
0xd: {  	s22 =	sor.u32 $0x5000, s11;
	s20 =	sadd.s32 s5, s19;
	[dreg:$0xb] =	wrdreg s17  }
0xe: {  	s23 =	sadd.s32 s12, s22;
	[dreg:$0xc] =	wrdreg s20  }
0xf: {  	s24 =	sadd.s32 s5, s9;
	[dreg:$0xd] =	wrdreg s23  }
0x10: {  	s26 =	sadd.s32 s5, s21;
	[dreg:$0xe] =	wrdreg s24  }
0x11: {  	s14 =	sor.u32 $0x7000, s11;
	s6 =	sadd.s32 s5, s22;
	[dreg:$0x10] =	wrdreg s26  }
0x12: {  	s4 =	sadd.s32 s12, s14;
	[dreg:$0x12] =	wrdreg s6  }
0x13: {  	s13 =	sor.u32 $0x6000, s11;
	s20 =	sadd.s32 s5, s14;
	[dreg:$0x11] =	wrdreg s4  }
0x14: {  	s15 =	sor.u32 $0x8000, s11;
	s25 =	sadd.s32 s12, s13;
	[dreg:$0x16] =	wrdreg s20  }
0x15: {  	s7 =	sadd.s32 s12, s15;
	[dreg:$0xf] =	wrdreg s25  }
0x16: {  	s16 =	sor.u32 $0x9000, s11;
	s10 =	sadd.s32 s5, s13;
	[dreg:$0x13] =	wrdreg s7  }
0x17: {  	s17 =	sadd.s32 s12, s16;
	[dreg:$0x14] =	wrdreg s10  }
0x18: {  	s24 =	sadd.s32 s5, s15;
	[dreg:$0x15] =	wrdreg s17  }
0x19: {  	s1 =	sor.u32 $0xB000, s11;
	s6 =	sadd.s32 s5, s16;
	[dreg:$0x18] =	wrdreg s24  }
0x1a: {  	s4 =	sor.u32 $0xC000, s11;
	s25 =	sadd.s32 s12, s1;
	[dreg:$0x1a] =	wrdreg s6  }
0x1b: {  	s26 =	sadd.s32 s12, s4;
	[dreg:$0x19] =	wrdreg s25  }
0x1c: {  	s10 =	sadd.s32 s5, s1;
	[dreg:$0x1b] =	wrdreg s26  }
0x1d: {  	s17 =	sor.u32 $0xA000, s11;
	s24 =	sadd.s32 s5, s4;
	[dreg:$0x1e] =	wrdreg s10  }
0x1e: {  	p0 =	por $0x0, $0x0;
	s23 =	sadd.s32 s12, s17;
	[smem:$0x7ED] =	sst s24  }
0x1f: {  	s6 =	sor.u32 $0xD000, s11;
	s20 =	sadd.s32 s5, s17;
	[dreg:$0x17] =	wrdreg s23  }
0x20: {  	s30 =	sadd.s32 s0, s22;
	s7 =	sadd.s32 s12, s6;
	[dreg:$0x1c] =	wrdreg s20  }
0x21: {  	s31 =	sadd.s32 s3, s14;
	s25 =	sadd.s32 s5, s6;
	[dreg:$0x1d] =	wrdreg s7  }
0x22: {  	s29 =	sadd.s32 s3, s15;
	s26 =	sadd.s32 s3, s11;
	[smem:$0x7EF] =	sst s25  }
0x23: {  	s28 =	sadd.s32 s0, s13;
	s24 =	sadd.s32 s3, s19;
	[smem:$0x7F0] =	sst s26  }
0x24: {  	s10 =	sor.u32 $0xF000, s11;
	s19 =	sadd.s32 s0, s19;
	[smem:$0x7F4] =	sst s24  }
0x25: {  	s7 =	sor.u32 $0xE000, s11;
	s25 =	sadd.s32 s0, s11;
	[smem:$0x7F9] =	sst s19  }
0x26: {  	s26 =	sadd.s32 s3, s9;
	s11 =	sadd.s32 s0, s8;
	[smem:$0x7F5] =	sst s25  }
0x27: {  	s24 =	ssub.s32 $0x2, s18;
	s19 =	sadd.s32 s0, s17;
	[smem:$0x7F6] =	sst s26  }
0x28: {  	s18 =	sadd.s32 s3, s6;
	s23 =	sadd.s32 s12, s7;
	[smem:$0x7F7] =	sst s11  }
0x29: {  	s12 =	sadd.s32 s12, s10;
	s20 =	sadd.s32 s5, s7;
	[dreg:$0x1f] =	wrdreg s23  }
0x2a: {  	s5 =	sadd.s32 s5, s10;
	s25 =	sadd.s32 s3, s13;
	[smem:$0x7EE] =	sst s12  }
0x2b: {  	s26 =	sshrl.u32 s24, $0x1;
	s11 =	sadd.s32 s0, s21;
	[smem:$0x7F1] =	sst s20  }
0x2c: {  	s13 =	sadd.s32 s0, s4;
	s23 =	sadd.s32 s3, s8;
	[smem:$0x7F3] =	sst s5  }
0x2d: {  	s12 =	sadd.s32 s3, s21;
	s20 =	sadd.s32 s3, s22;
	[smem:$0x7FC] =	sst s25  }
0x2e: {  	[smem:$0x7FD] =	sst s11;
	s25 =	sadd.s32 s0, s14;
	s22 =	sadd.s32 s3, s1  }
0x2f: {  	s21 =	sadd.s32 s0, s16;
	s8 =	sadd.s32 s0, s6;
	s5 =	simm.s32 $0x8000  }
0x30: {  	s14 =	simm.s32 $0x1;
	s6 =	simm.s32 $0x4;
	[smem:$0x7F2] =	sst s23  }
0x31: {  	s11 =	simm.s32 $0x2;
	[smem:$0x7F8] =	sst s12;
	s12 =	ssub.s32 s24, s26  }
0x32: {  	[smem:$0x7FA] =	sst s20;
	s24 =	sadd.s32 s3, s17;
	s17 =	smax.u32 s12, $0x1  }
0x33: {  	s23 =	sadd.s32 s0, s9;
	s26 =	sadd.s32 s3, s16;
	p1 =	sne.s32 s17, $0x1  }
.Ltmp0:
0x34: {  	s20 =	sadd.s32 s3, s4;
	s16 =	sadd.s32 s0, s1;
	(pc) =	sbr.rel @!p1 .LBB2_3-.Ltmp0, $4  }
0x35: {  	s9 =	sadd.s32 s3, s10;
	s4 =	simm.s32 $0x5;
	s1 =	rddreg [dreg:$0x5]  }
0x36: {  	[smem:$0x7FB] =	sst s23;
	s23 =	sadd.s32 s0, s15;
	s15 =	sadd.s32 s3, s7  }
0x37: {  	s7 =	sadd.s32 s0, s7;
	s3 =	sadd.s32 s0, s10;
	s12 =	simm.s32 $0x10000  }
0x38: {  	s10 =	simm.s32 $0x6;
	s0 =	sadd.s32 $0xFFFFFFFF, s17;
	s17 =	simm.s32 $0x3  }
0x39: {  	[smem:$0x7EC] =	sst s0  }
0x3a: {  	[tilespmem:s2], [sflag:$0x1] =	stream.linear.gather [hbm4b:s1+s2], $0x8000, $0x38;
	[tilespmem:$0x18000] =	vst v63  }
0x3b: {  	s0 =	rddreg [dreg:$0x6]  }
0x3c: {  	[tilespmem:s5], [sflag:$0x2] =	stream.linear.gather [hbm4b:s0+s2], $0x8000, $0x38;
	[tilespmem:$0x18000] =	vst v63  }
0x3d: {  	s1 =	rddreg [dreg:$0x7]  }
0x3e: {  	[tilespmem:s12], [sflag:$0x3] =	stream.linear.gather [hbm4b:s1+s2], $0x8000, $0x38;
	[tilespmem:$0x18000] =	vst v63  }
0x3f: {  	_ =	swait.ge [sflag:s14], $0x8000  }
0x40: {  	[sflag:s14] =	ssyncset.done $0x0  }
0x41: {  	s1 =	rddreg [dreg:$0x8];
	[sflag:s14] =	ssyncadd.s32 $0xFFFF8000  }
0x42: {  	[hbm4b:s1+s2] =	stream.linear.scatter [tilespmem:s2], [sflag:$0x4], $0x8000, $0x38;
	[tilespmem:$0x18000] =	vst v63  }
0x43: {  	_ =	swait.ge [sflag:s6], $0x8000  }
0x44: {  	[sflag:s6] =	ssyncset.done $0x0  }
0x45: {  	s1 =	rddreg [dreg:$0x9];
	[sflag:s6] =	ssyncadd.s32 $0xFFFF8000  }
0x46: {  	[tilespmem:s2], [sflag:$0x1] =	stream.linear.gather [hbm4b:s1+s2], $0x8000, $0x38;
	[tilespmem:$0x18000] =	vst v63  }
0x47: {  	_ =	swait.ge [sflag:s11], $0x8000  }
0x48: {  	[sflag:s11] =	ssyncset.done $0x0  }
0x49: {  	s1 =	rddreg [dreg:$0xa];
	[sflag:s11] =	ssyncadd.s32 $0xFFFF8000  }
0x4a: {  	[hbm4b:s1+s2] =	stream.linear.scatter [tilespmem:s5], [sflag:$0x5], $0x8000, $0x38;
	[tilespmem:$0x18000] =	vst v63  }
0x4b: {  	_ =	swait.ge [sflag:s4], $0x8000  }
0x4c: {  	[sflag:s4] =	ssyncset.done $0x0  }
0x4d: {  	s1 =	rddreg [dreg:$0xb];
	[sflag:s4] =	ssyncadd.s32 $0xFFFF8000  }
0x4e: {  	[tilespmem:s5], [sflag:$0x2] =	stream.linear.gather [hbm4b:s1+s2], $0x8000, $0x38;
	[tilespmem:$0x18000] =	vst v63  }
0x4f: {  	_ =	swait.ge [sflag:s17], $0x8000  }
0x50: {  	[sflag:s17] =	ssyncset.done $0x0  }
0x51: {  	s1 =	rddreg [dreg:$0xc];
	[sflag:s17] =	ssyncadd.s32 $0xFFFF8000  }
0x52: {  	[hbm4b:s1+s2] =	stream.linear.scatter [tilespmem:s12], [sflag:$0x6], $0x8000, $0x38;
	[tilespmem:$0x18000] =	vst v63  }
0x53: {  	_ =	swait.ge [sflag:s10], $0x8000  }
0x54: {  	[sflag:s10] =	ssyncset.done $0x0  }
0x55: {  	s1 =	rddreg [dreg:$0xd];
	[sflag:s10] =	ssyncadd.s32 $0xFFFF8000  }
0x56: {  	[tilespmem:s12], [sflag:$0x3] =	stream.linear.gather [hbm4b:s1+s2], $0x8000, $0x38;
	[tilespmem:$0x18000] =	vst v63  }
0x57: {  	_ =	swait.ge [sflag:s14], $0x8000  }
0x58: {  	[sflag:s14] =	ssyncset.done $0x0  }
0x59: {  	s1 =	rddreg [dreg:$0xe];
	[sflag:s14] =	ssyncadd.s32 $0xFFFF8000  }
0x5a: {  	[hbm4b:s1+s2] =	stream.linear.scatter [tilespmem:s2], [sflag:$0x4], $0x8000, $0x38;
	[tilespmem:$0x18000] =	vst v63  }
0x5b: {  	_ =	swait.ge [sflag:s6], $0x8000  }
0x5c: {  	[sflag:s6] =	ssyncset.done $0x0  }
0x5d: {  	s1 =	rddreg [dreg:$0xf];
	[sflag:s6] =	ssyncadd.s32 $0xFFFF8000  }
0x5e: {  	[tilespmem:s2], [sflag:$0x1] =	stream.linear.gather [hbm4b:s1+s2], $0x8000, $0x38;
	[tilespmem:$0x18000] =	vst v63  }
0x5f: {  	_ =	swait.ge [sflag:s11], $0x8000  }
0x60: {  	[sflag:s11] =	ssyncset.done $0x0  }
0x61: {  	s1 =	rddreg [dreg:$0x10];
	[sflag:s11] =	ssyncadd.s32 $0xFFFF8000  }
0x62: {  	[hbm4b:s1+s2] =	stream.linear.scatter [tilespmem:s5], [sflag:$0x5], $0x8000, $0x38;
	[tilespmem:$0x18000] =	vst v63  }
0x63: {  	_ =	swait.ge [sflag:s4], $0x8000  }
0x64: {  	[sflag:s4] =	ssyncset.done $0x0  }
0x65: {  	s1 =	rddreg [dreg:$0x11];
	[sflag:s4] =	ssyncadd.s32 $0xFFFF8000  }
0x66: {  	[tilespmem:s5], [sflag:$0x2] =	stream.linear.gather [hbm4b:s1+s2], $0x8000, $0x38;
	[tilespmem:$0x18000] =	vst v63  }
0x67: {  	_ =	swait.ge [sflag:s17], $0x8000  }
0x68: {  	[sflag:s17] =	ssyncset.done $0x0  }
0x69: {  	s1 =	rddreg [dreg:$0x12];
	[sflag:s17] =	ssyncadd.s32 $0xFFFF8000  }
0x6a: {  	[hbm4b:s1+s2] =	stream.linear.scatter [tilespmem:s12], [sflag:$0x6], $0x8000, $0x38;
	[tilespmem:$0x18000] =	vst v63  }
0x6b: {  	_ =	swait.ge [sflag:s10], $0x8000  }
0x6c: {  	[sflag:s10] =	ssyncset.done $0x0  }
0x6d: {  	s1 =	rddreg [dreg:$0x13];
	[sflag:s10] =	ssyncadd.s32 $0xFFFF8000  }
0x6e: {  	[tilespmem:s12], [sflag:$0x3] =	stream.linear.gather [hbm4b:s1+s2], $0x8000, $0x38;
	[tilespmem:$0x18000] =	vst v63  }
0x6f: {  	_ =	swait.ge [sflag:s14], $0x8000  }
0x70: {  	[sflag:s14] =	ssyncset.done $0x0  }
0x71: {  	s1 =	rddreg [dreg:$0x14];
	[sflag:s14] =	ssyncadd.s32 $0xFFFF8000  }
0x72: {  	[hbm4b:s1+s2] =	stream.linear.scatter [tilespmem:s2], [sflag:$0x4], $0x8000, $0x38;
	[tilespmem:$0x18000] =	vst v63  }
0x73: {  	_ =	swait.ge [sflag:s6], $0x8000  }
0x74: {  	[sflag:s6] =	ssyncset.done $0x0  }
0x75: {  	s1 =	rddreg [dreg:$0x15];
	[sflag:s6] =	ssyncadd.s32 $0xFFFF8000  }
0x76: {  	[tilespmem:s2], [sflag:$0x1] =	stream.linear.gather [hbm4b:s1+s2], $0x8000, $0x38;
	[tilespmem:$0x18000] =	vst v63  }
0x77: {  	_ =	swait.ge [sflag:s11], $0x8000  }
0x78: {  	[sflag:s11] =	ssyncset.done $0x0  }
0x79: {  	s1 =	rddreg [dreg:$0x16];
	[sflag:s11] =	ssyncadd.s32 $0xFFFF8000  }
0x7a: {  	[hbm4b:s1+s2] =	stream.linear.scatter [tilespmem:s5], [sflag:$0x5], $0x8000, $0x38;
	[tilespmem:$0x18000] =	vst v63  }
0x7b: {  	_ =	swait.ge [sflag:s4], $0x8000  }
0x7c: {  	[sflag:s4] =	ssyncset.done $0x0  }
0x7d: {  	s1 =	rddreg [dreg:$0x17];
	[sflag:s4] =	ssyncadd.s32 $0xFFFF8000  }
0x7e: {  	[tilespmem:s5], [sflag:$0x2] =	stream.linear.gather [hbm4b:s1+s2], $0x8000, $0x38;
	[tilespmem:$0x18000] =	vst v63  }
0x7f: {  	_ =	swait.ge [sflag:s17], $0x8000  }
0x80: {  	[sflag:s17] =	ssyncset.done $0x0  }
0x81: {  	s1 =	rddreg [dreg:$0x18];
	[sflag:s17] =	ssyncadd.s32 $0xFFFF8000  }
0x82: {  	[hbm4b:s1+s2] =	stream.linear.scatter [tilespmem:s12], [sflag:$0x6], $0x8000, $0x38;
	[tilespmem:$0x18000] =	vst v63  }
0x83: {  	_ =	swait.ge [sflag:s10], $0x8000  }
0x84: {  	[sflag:s10] =	ssyncset.done $0x0  }
0x85: {  	s1 =	rddreg [dreg:$0x19];
	[sflag:s10] =	ssyncadd.s32 $0xFFFF8000  }
0x86: {  	[tilespmem:s12], [sflag:$0x3] =	stream.linear.gather [hbm4b:s1+s2], $0x8000, $0x38;
	[tilespmem:$0x18000] =	vst v63  }
0x87: {  	_ =	swait.ge [sflag:s14], $0x8000  }
0x88: {  	[sflag:s14] =	ssyncset.done $0x0  }
0x89: {  	s1 =	rddreg [dreg:$0x1a];
	[sflag:s14] =	ssyncadd.s32 $0xFFFF8000  }
0x8a: {  	[hbm4b:s1+s2] =	stream.linear.scatter [tilespmem:s2], [sflag:$0x4], $0x8000, $0x38;
	[tilespmem:$0x18000] =	vst v63  }
0x8b: {  	_ =	swait.ge [sflag:s6], $0x8000  }
0x8c: {  	[sflag:s6] =	ssyncset.done $0x0  }
0x8d: {  	s1 =	rddreg [dreg:$0x1b];
	[sflag:s6] =	ssyncadd.s32 $0xFFFF8000  }
0x8e: {  	[tilespmem:s2], [sflag:$0x1] =	stream.linear.gather [hbm4b:s1+s2], $0x8000, $0x38;
	[tilespmem:$0x18000] =	vst v63  }
0x8f: {  	_ =	swait.ge [sflag:s11], $0x8000  }
0x90: {  	[sflag:s11] =	ssyncset.done $0x0  }
0x91: {  	s1 =	rddreg [dreg:$0x1c];
	[sflag:s11] =	ssyncadd.s32 $0xFFFF8000  }
0x92: {  	[hbm4b:s1+s2] =	stream.linear.scatter [tilespmem:s5], [sflag:$0x5], $0x8000, $0x38;
	[tilespmem:$0x18000] =	vst v63  }
0x93: {  	_ =	swait.ge [sflag:s4], $0x8000  }
0x94: {  	[sflag:s4] =	ssyncset.done $0x0  }
0x95: {  	s1 =	rddreg [dreg:$0x1d];
	[sflag:s4] =	ssyncadd.s32 $0xFFFF8000  }
0x96: {  	[tilespmem:s5], [sflag:$0x2] =	stream.linear.gather [hbm4b:s1+s2], $0x8000, $0x38;
	[tilespmem:$0x18000] =	vst v63  }
0x97: {  	_ =	swait.ge [sflag:s17], $0x8000  }
0x98: {  	[sflag:s17] =	ssyncset.done $0x0  }
0x99: {  	s1 =	rddreg [dreg:$0x1e];
	[sflag:s17] =	ssyncadd.s32 $0xFFFF8000  }
0x9a: {  	[hbm4b:s1+s2] =	stream.linear.scatter [tilespmem:s12], [sflag:$0x6], $0x8000, $0x38;
	[tilespmem:$0x18000] =	vst v63  }
0x9b: {  	_ =	swait.ge [sflag:s10], $0x8000  }
0x9c: {  	[sflag:s10] =	ssyncset.done $0x0  }
0x9d: {  	s1 =	rddreg [dreg:$0x1f];
	[sflag:s10] =	ssyncadd.s32 $0xFFFF8000  }
0x9e: {  	[tilespmem:s12], [sflag:$0x3] =	stream.linear.gather [hbm4b:s1+s2], $0x8000, $0x38;
	[tilespmem:$0x18000] =	vst v63  }
0x9f: {  	_ =	swait.ge [sflag:s14], $0x8000  }
0xa0: {  	s1 =	sld [smem:$0x7ED]  }
0xa1: {  	[sflag:s14] =	ssyncset.done $0x0  }
0xa2: {  	[sflag:s14] =	ssyncadd.s32 $0xFFFF8000  }
0xa3: {  	[hbm4b:s1+s2] =	stream.linear.scatter [tilespmem:s2], [sflag:$0x4], $0x8000, $0x38;
	[tilespmem:$0x18000] =	vst v63  }
0xa4: {  	_ =	swait.ge [sflag:s6], $0x8000  }
0xa5: {  	s1 =	sld [smem:$0x7EE]  }
0xa6: {  	[sflag:s6] =	ssyncset.done $0x0  }
0xa7: {  	[sflag:s6] =	ssyncadd.s32 $0xFFFF8000  }
0xa8: {  	[tilespmem:s2], [sflag:$0x1] =	stream.linear.gather [hbm4b:s1+s2], $0x8000, $0x38;
	[tilespmem:$0x18000] =	vst v63  }
0xa9: {  	_ =	swait.ge [sflag:s11], $0x8000  }
0xaa: {  	s1 =	sld [smem:$0x7EF]  }
0xab: {  	[sflag:s11] =	ssyncset.done $0x0  }
0xac: {  	[sflag:s11] =	ssyncadd.s32 $0xFFFF8000  }
0xad: {  	[hbm4b:s1+s2] =	stream.linear.scatter [tilespmem:s5], [sflag:$0x5], $0x8000, $0x38;
	[tilespmem:$0x18000] =	vst v63  }
0xae: {  	_ =	swait.ge [sflag:s4], $0x8000  }
0xaf: {  	s1 =	sld [smem:$0x7F0]  }
0xb0: {  	[sflag:s4] =	ssyncset.done $0x0  }
0xb1: {  	[sflag:s4] =	ssyncadd.s32 $0xFFFF8000  }
0xb2: {  	[tilespmem:s5], [sflag:$0x2] =	stream.linear.gather [hbm4b:s1+s2], $0x8000, $0x38;
	[tilespmem:$0x18000] =	vst v63  }
0xb3: {  	_ =	swait.ge [sflag:s17], $0x8000  }
0xb4: {  	s1 =	sld [smem:$0x7F1]  }
0xb5: {  	[sflag:s17] =	ssyncset.done $0x0  }
0xb6: {  	[sflag:s17] =	ssyncadd.s32 $0xFFFF8000  }
0xb7: {  	[hbm4b:s1+s2] =	stream.linear.scatter [tilespmem:s12], [sflag:$0x6], $0x8000, $0x38;
	[tilespmem:$0x18000] =	vst v63  }
0xb8: {  	_ =	swait.ge [sflag:s10], $0x8000  }
0xb9: {  	s1 =	sld [smem:$0x7F2]  }
0xba: {  	[sflag:s10] =	ssyncset.done $0x0  }
0xbb: {  	[sflag:s10] =	ssyncadd.s32 $0xFFFF8000  }
0xbc: {  	[tilespmem:s12], [sflag:$0x3] =	stream.linear.gather [hbm4b:s1+s2], $0x8000, $0x38;
	[tilespmem:$0x18000] =	vst v63  }
0xbd: {  	_ =	swait.ge [sflag:s14], $0x8000  }
0xbe: {  	s1 =	sld [smem:$0x7F3]  }
0xbf: {  	[sflag:s14] =	ssyncset.done $0x0  }
0xc0: {  	[sflag:s14] =	ssyncadd.s32 $0xFFFF8000  }
0xc1: {  	[hbm4b:s1+s2] =	stream.linear.scatter [tilespmem:s2], [sflag:$0x4], $0x8000, $0x38;
	[tilespmem:$0x18000] =	vst v63  }
0xc2: {  	_ =	swait.ge [sflag:s6], $0x8000  }
0xc3: {  	s1 =	sld [smem:$0x7F4]  }
0xc4: {  	[sflag:s6] =	ssyncset.done $0x0  }
0xc5: {  	[sflag:s6] =	ssyncadd.s32 $0xFFFF8000  }
0xc6: {  	[tilespmem:s2], [sflag:$0x1] =	stream.linear.gather [hbm4b:s1+s2], $0x8000, $0x38;
	[tilespmem:$0x18000] =	vst v63  }
0xc7: {  	_ =	swait.ge [sflag:s11], $0x8000  }
0xc8: {  	s1 =	sld [smem:$0x7F5]  }
0xc9: {  	[sflag:s11] =	ssyncset.done $0x0  }
0xca: {  	[sflag:s11] =	ssyncadd.s32 $0xFFFF8000  }
0xcb: {  	[hbm4b:s1+s2] =	stream.linear.scatter [tilespmem:s5], [sflag:$0x5], $0x8000, $0x38;
	[tilespmem:$0x18000] =	vst v63  }
0xcc: {  	_ =	swait.ge [sflag:s4], $0x8000  }
0xcd: {  	s1 =	sld [smem:$0x7F6]  }
0xce: {  	[sflag:s4] =	ssyncset.done $0x0  }
0xcf: {  	[sflag:s4] =	ssyncadd.s32 $0xFFFF8000  }
0xd0: {  	[tilespmem:s5], [sflag:$0x2] =	stream.linear.gather [hbm4b:s1+s2], $0x8000, $0x38;
	[tilespmem:$0x18000] =	vst v63  }
0xd1: {  	_ =	swait.ge [sflag:s17], $0x8000  }
0xd2: {  	s1 =	sld [smem:$0x7F7]  }
0xd3: {  	[sflag:s17] =	ssyncset.done $0x0  }
0xd4: {  	[sflag:s17] =	ssyncadd.s32 $0xFFFF8000  }
0xd5: {  	[hbm4b:s1+s2] =	stream.linear.scatter [tilespmem:s12], [sflag:$0x6], $0x8000, $0x38;
	[tilespmem:$0x18000] =	vst v63  }
0xd6: {  	_ =	swait.ge [sflag:s10], $0x8000  }
0xd7: {  	s1 =	sld [smem:$0x7F8]  }
0xd8: {  	[sflag:s10] =	ssyncset.done $0x0  }
0xd9: {  	[sflag:s10] =	ssyncadd.s32 $0xFFFF8000  }
0xda: {  	[tilespmem:s12], [sflag:$0x3] =	stream.linear.gather [hbm4b:s1+s2], $0x8000, $0x38;
	[tilespmem:$0x18000] =	vst v63  }
0xdb: {  	_ =	swait.ge [sflag:s14], $0x8000  }
0xdc: {  	s1 =	sld [smem:$0x7F9]  }
0xdd: {  	[sflag:s14] =	ssyncset.done $0x0  }
0xde: {  	[sflag:s14] =	ssyncadd.s32 $0xFFFF8000  }
0xdf: {  	[hbm4b:s1+s2] =	stream.linear.scatter [tilespmem:s2], [sflag:$0x4], $0x8000, $0x38;
	[tilespmem:$0x18000] =	vst v63  }
0xe0: {  	_ =	swait.ge [sflag:s6], $0x8000  }
0xe1: {  	s1 =	sld [smem:$0x7FA]  }
0xe2: {  	[sflag:s6] =	ssyncset.done $0x0  }
0xe3: {  	[sflag:s6] =	ssyncadd.s32 $0xFFFF8000  }
0xe4: {  	[tilespmem:s2], [sflag:$0x1] =	stream.linear.gather [hbm4b:s1+s2], $0x8000, $0x38;
	[tilespmem:$0x18000] =	vst v63  }
0xe5: {  	_ =	swait.ge [sflag:s11], $0x8000  }
0xe6: {  	s1 =	sld [smem:$0x7FB]  }
0xe7: {  	[sflag:s11] =	ssyncset.done $0x0  }
0xe8: {  	[sflag:s11] =	ssyncadd.s32 $0xFFFF8000  }
0xe9: {  	[hbm4b:s1+s2] =	stream.linear.scatter [tilespmem:s5], [sflag:$0x5], $0x8000, $0x38;
	[tilespmem:$0x18000] =	vst v63  }
0xea: {  	_ =	swait.ge [sflag:s4], $0x8000  }
0xeb: {  	s1 =	sld [smem:$0x7FC]  }
0xec: {  	[sflag:s4] =	ssyncset.done $0x0  }
0xed: {  	[sflag:s4] =	ssyncadd.s32 $0xFFFF8000  }
0xee: {  	[tilespmem:s5], [sflag:$0x2] =	stream.linear.gather [hbm4b:s1+s2], $0x8000, $0x38;
	[tilespmem:$0x18000] =	vst v63  }
0xef: {  	_ =	swait.ge [sflag:s17], $0x8000  }
0xf0: {  	s1 =	sld [smem:$0x7FD]  }
0xf1: {  	[sflag:s17] =	ssyncset.done $0x0  }
0xf2: {  	[sflag:s17] =	ssyncadd.s32 $0xFFFF8000  }
0xf3: {  	[hbm4b:s1+s2] =	stream.linear.scatter [tilespmem:s12], [sflag:$0x6], $0x8000, $0x38;
	[tilespmem:$0x18000] =	vst v63  }
0xf4: {  	_ =	swait.ge [sflag:s10], $0x8000  }
0xf5: {  	[sflag:s10] =	ssyncset.done $0x0  }
0xf6: {  	[sflag:s10] =	ssyncadd.s32 $0xFFFF8000  }
0xf7: {  	[tilespmem:s12], [sflag:$0x3] =	stream.linear.gather [hbm4b:s31+s2], $0x8000, $0x38;
	[tilespmem:$0x18000] =	vst v63  }
0xf8: {  	_ =	swait.ge [sflag:s14], $0x8000  }
0xf9: {  	[sflag:s14] =	ssyncset.done $0x0  }
0xfa: {  	[sflag:s14] =	ssyncadd.s32 $0xFFFF8000  }
0xfb: {  	[hbm4b:s30+s2] =	stream.linear.scatter [tilespmem:s2], [sflag:$0x4], $0x8000, $0x38;
	[tilespmem:$0x18000] =	vst v63  }
0xfc: {  	_ =	swait.ge [sflag:s6], $0x8000  }
0xfd: {  	[sflag:s6] =	ssyncset.done $0x0  }
0xfe: {  	[sflag:s6] =	ssyncadd.s32 $0xFFFF8000  }
0xff: {  	[tilespmem:s2], [sflag:$0x1] =	stream.linear.gather [hbm4b:s29+s2], $0x8000, $0x38;
	[tilespmem:$0x18000] =	vst v63  }
0x100: {  	_ =	swait.ge [sflag:s11], $0x8000  }
0x101: {  	[sflag:s11] =	ssyncset.done $0x0  }
0x102: {  	[sflag:s11] =	ssyncadd.s32 $0xFFFF8000  }
0x103: {  	[hbm4b:s28+s2] =	stream.linear.scatter [tilespmem:s5], [sflag:$0x5], $0x8000, $0x38;
	[tilespmem:$0x18000] =	vst v63  }
0x104: {  	_ =	swait.ge [sflag:s4], $0x8000  }
0x105: {  	[sflag:s4] =	ssyncset.done $0x0  }
0x106: {  	[sflag:s4] =	ssyncadd.s32 $0xFFFF8000  }
0x107: {  	[tilespmem:s5], [sflag:$0x2] =	stream.linear.gather [hbm4b:s26+s2], $0x8000, $0x38;
	[tilespmem:$0x18000] =	vst v63  }
0x108: {  	_ =	swait.ge [sflag:s17], $0x8000  }
0x109: {  	[sflag:s17] =	ssyncset.done $0x0  }
0x10a: {  	[sflag:s17] =	ssyncadd.s32 $0xFFFF8000  }
0x10b: {  	[hbm4b:s25+s2] =	stream.linear.scatter [tilespmem:s12], [sflag:$0x6], $0x8000, $0x38;
	[tilespmem:$0x18000] =	vst v63  }
0x10c: {  	_ =	swait.ge [sflag:s10], $0x8000  }
0x10d: {  	[sflag:s10] =	ssyncset.done $0x0  }
0x10e: {  	[sflag:s10] =	ssyncadd.s32 $0xFFFF8000  }
0x10f: {  	[tilespmem:s12], [sflag:$0x3] =	stream.linear.gather [hbm4b:s24+s2], $0x8000, $0x38;
	[tilespmem:$0x18000] =	vst v63  }
0x110: {  	_ =	swait.ge [sflag:s14], $0x8000  }
0x111: {  	[sflag:s14] =	ssyncset.done $0x0  }
0x112: {  	[sflag:s14] =	ssyncadd.s32 $0xFFFF8000  }
0x113: {  	[hbm4b:s23+s2] =	stream.linear.scatter [tilespmem:s2], [sflag:$0x4], $0x8000, $0x38;
	[tilespmem:$0x18000] =	vst v63  }
0x114: {  	_ =	swait.ge [sflag:s6], $0x8000  }
0x115: {  	[sflag:s6] =	ssyncset.done $0x0  }
0x116: {  	[sflag:s6] =	ssyncadd.s32 $0xFFFF8000  }
0x117: {  	[tilespmem:s2], [sflag:$0x1] =	stream.linear.gather [hbm4b:s22+s2], $0x8000, $0x38;
	[tilespmem:$0x18000] =	vst v63  }
0x118: {  	_ =	swait.ge [sflag:s11], $0x8000  }
0x119: {  	[sflag:s11] =	ssyncset.done $0x0  }
0x11a: {  	[sflag:s11] =	ssyncadd.s32 $0xFFFF8000  }
0x11b: {  	[hbm4b:s21+s2] =	stream.linear.scatter [tilespmem:s5], [sflag:$0x5], $0x8000, $0x38;
	[tilespmem:$0x18000] =	vst v63  }
0x11c: {  	_ =	swait.ge [sflag:s4], $0x8000  }
0x11d: {  	[sflag:s4] =	ssyncset.done $0x0  }
0x11e: {  	[sflag:s4] =	ssyncadd.s32 $0xFFFF8000  }
0x11f: {  	[tilespmem:s5], [sflag:$0x2] =	stream.linear.gather [hbm4b:s20+s2], $0x8000, $0x38;
	[tilespmem:$0x18000] =	vst v63  }
0x120: {  	_ =	swait.ge [sflag:s17], $0x8000  }
0x121: {  	[sflag:s17] =	ssyncset.done $0x0  }
0x122: {  	[sflag:s17] =	ssyncadd.s32 $0xFFFF8000  }
0x123: {  	[hbm4b:s19+s2] =	stream.linear.scatter [tilespmem:s12], [sflag:$0x6], $0x8000, $0x38;
	[tilespmem:$0x18000] =	vst v63  }
0x124: {  	_ =	swait.ge [sflag:s10], $0x8000  }
0x125: {  	[sflag:s10] =	ssyncset.done $0x0  }
0x126: {  	[sflag:s10] =	ssyncadd.s32 $0xFFFF8000  }
0x127: {  	[tilespmem:s12], [sflag:$0x3] =	stream.linear.gather [hbm4b:s18+s2], $0x8000, $0x38;
	[tilespmem:$0x18000] =	vst v63  }
0x128: {  	_ =	swait.ge [sflag:s14], $0x8000  }
0x129: {  	[sflag:s14] =	ssyncset.done $0x0  }
0x12a: {  	[sflag:s14] =	ssyncadd.s32 $0xFFFF8000  }
0x12b: {  	[hbm4b:s16+s2] =	stream.linear.scatter [tilespmem:s2], [sflag:$0x4], $0x8000, $0x38;
	[tilespmem:$0x18000] =	vst v63  }
0x12c: {  	_ =	swait.ge [sflag:s6], $0x8000  }
0x12d: {  	[sflag:s6] =	ssyncset.done $0x0  }
0x12e: {  	[sflag:s6] =	ssyncadd.s32 $0xFFFF8000  }
0x12f: {  	[tilespmem:s2], [sflag:$0x1] =	stream.linear.gather [hbm4b:s15+s2], $0x8000, $0x38;
	[tilespmem:$0x18000] =	vst v63  }
0x130: {  	_ =	swait.ge [sflag:s11], $0x8000  }
0x131: {  	[sflag:s11] =	ssyncset.done $0x0  }
0x132: {  	[sflag:s11] =	ssyncadd.s32 $0xFFFF8000  }
0x133: {  	[hbm4b:s13+s2] =	stream.linear.scatter [tilespmem:s5], [sflag:$0x5], $0x8000, $0x38;
	[tilespmem:$0x18000] =	vst v63  }
0x134: {  	_ =	swait.ge [sflag:s4], $0x8000  }
0x135: {  	[sflag:s4] =	ssyncset.done $0x0  }
0x136: {  	[sflag:s4] =	ssyncadd.s32 $0xFFFF8000  }
0x137: {  	[tilespmem:s5], [sflag:$0x2] =	stream.linear.gather [hbm4b:s9+s2], $0x8000, $0x38;
	[tilespmem:$0x18000] =	vst v63  }
0x138: {  	_ =	swait.ge [sflag:s17], $0x8000  }
0x139: {  	[sflag:s17] =	ssyncset.done $0x0  }
0x13a: {  	[sflag:s17] =	ssyncadd.s32 $0xFFFF8000  }
0x13b: {  	[hbm4b:s8+s2] =	stream.linear.scatter [tilespmem:s12], [sflag:$0x6], $0x8000, $0x38;
	[tilespmem:$0x18000] =	vst v63  }
0x13c: {  	_ =	swait.ge [sflag:s14], $0x8000  }
0x13d: {  	[sflag:s14] =	ssyncset.done $0x0  }
0x13e: {  	[sflag:s14] =	ssyncadd.s32 $0xFFFF8000  }
0x13f: {  	[hbm4b:s7+s2] =	stream.linear.scatter [tilespmem:s2], [sflag:$0x4], $0x8000, $0x38;
	[tilespmem:$0x18000] =	vst v63  }
0x140: {  	_ =	swait.ge [sflag:s11], $0x8000  }
0x141: {  	[sflag:s11] =	ssyncset.done $0x0  }
0x142: {  	[sflag:s11] =	ssyncadd.s32 $0xFFFF8000  }
0x143: {  	[hbm4b:s3+s2] =	stream.linear.scatter [tilespmem:s5], [sflag:$0x5], $0x8000, $0x38;
	[tilespmem:$0x18000] =	vst v63  }
0x144: {  	_ =	swait.ge [sflag:s10], $0x8000  }
0x145: {  	[sflag:s10] =	ssyncset.done $0x0  }
0x146: {  	[sflag:s10] =	ssyncadd.s32 $0xFFFF8000  }
0x147: {  	_ =	swait.ge [sflag:s6], $0x8000  }
0x148: {  	s1 =	sld [smem:$0x7EC];
	_ =	sdelay $0x2  }
0x149: {  	p1 =	sne.s32 s1, $0x1  }
.Ltmp1:
0x14a: {  	_ = 	snop;
	(pc) =	sbr.rel @!p1 .LBB2_3-.Ltmp1, $4  }
0x14b: {  	[sflag:s6] =	ssyncset.done $0x0  }
0x14c: {  	[sflag:s6] =	ssyncadd.s32 $0xFFFF8000  }
0x14d: {  	p0 =	por $0x1, $0x1;
	_ =	swait.ge [sflag:s4], $0x8000  }
0x14e: {  	s0 =	sadd.s32 $0xFFFFFFFF, s1;
	s1 =	rddreg [dreg:$0x5];
	[sflag:s4] =	ssyncset.done $0x0  }
.LBB2_2:
0x14f: {  	[sflag:s4] =	ssyncadd.s32 $0xFFFF8000  }
0x150: {  	s12 =	smov.u32 s31;
	s31 =	smov.u32 s30;
	s30 =	smov.u32 s29  }
0x151: {  	s29 =	smov.u32 s28;
	s28 =	smov.u32 s26;
	s26 =	smov.u32 s25  }
0x152: {  	s25 =	smov.u32 s24;
	s24 =	smov.u32 s23;
	s23 =	smov.u32 s22  }
0x153: {  	s22 =	smov.u32 s21;
	s21 =	smov.u32 s20;
	s20 =	smov.u32 s19  }
0x154: {  	s19 =	smov.u32 s18;
	s18 =	smov.u32 s16;
	s16 =	smov.u32 s15  }
0x155: {  	s15 =	smov.u32 s13;
	s13 =	smov.u32 s9;
	s9 =	smov.u32 s8  }
0x156: {  	s8 =	smov.u32 s7;
	s7 =	smov.u32 s3;
	s3 =	rddreg [dreg:$0x6]  }
0x157: {  	[tilespmem:s2], [sflag:$0x1] =	stream.linear.gather [hbm4b:s1+s2], $0x8000, $0x38;
	[tilespmem:$0x18000] =	vst v63  }
0x158: {  	s1 =	rddreg [dreg:$0x7]  }
0x159: {  	[tilespmem:s5], [sflag:$0x2] =	stream.linear.gather [hbm4b:s3+s2], $0x8000, $0x38;
	[tilespmem:$0x18000] =	vst v63  }
0x15a: {  	s3 =	smov.u32 s7;
	s7 =	smov.u32 s8;
	s8 =	smov.u32 s9  }
0x15b: {  	s9 =	smov.u32 s13;
	s13 =	smov.u32 s15;
	s15 =	smov.u32 s16  }
0x15c: {  	s16 =	smov.u32 s18;
	s18 =	smov.u32 s19;
	s19 =	smov.u32 s20  }
0x15d: {  	s20 =	smov.u32 s21;
	s21 =	smov.u32 s22;
	s22 =	smov.u32 s23  }
0x15e: {  	s23 =	smov.u32 s24;
	s24 =	smov.u32 s25;
	s25 =	smov.u32 s26  }
0x15f: {  	s26 =	smov.u32 s28;
	s28 =	smov.u32 s29;
	s29 =	smov.u32 s30  }
0x160: {  	s30 =	smov.u32 s31;
	s31 =	smov.u32 s12;
	s12 =	simm.s32 $0x10000  }
0x161: {  	[tilespmem:s12], [sflag:$0x3] =	stream.linear.gather [hbm4b:s1+s2], $0x8000, $0x38;
	[tilespmem:$0x18000] =	vst v63  }
0x162: {  	_ =	swait.ge [sflag:s14], $0x8000  }
0x163: {  	[sflag:s14] =	ssyncset.done $0x0  }
0x164: {  	s1 =	rddreg [dreg:$0x8];
	[sflag:s14] =	ssyncadd.s32 $0xFFFF8000  }
0x165: {  	[hbm4b:s1+s2] =	stream.linear.scatter [tilespmem:s2], [sflag:$0x4], $0x8000, $0x38;
	[tilespmem:$0x18000] =	vst v63  }
0x166: {  	_ =	swait.ge [sflag:s6], $0x8000  }
0x167: {  	[sflag:s6] =	ssyncset.done $0x0  }
0x168: {  	s1 =	rddreg [dreg:$0x9];
	[sflag:s6] =	ssyncadd.s32 $0xFFFF8000  }
0x169: {  	[tilespmem:s2], [sflag:$0x1] =	stream.linear.gather [hbm4b:s1+s2], $0x8000, $0x38;
	[tilespmem:$0x18000] =	vst v63  }
0x16a: {  	_ =	swait.ge [sflag:s11], $0x8000  }
0x16b: {  	[sflag:s11] =	ssyncset.done $0x0  }
0x16c: {  	s1 =	rddreg [dreg:$0xa];
	[sflag:s11] =	ssyncadd.s32 $0xFFFF8000  }
0x16d: {  	[hbm4b:s1+s2] =	stream.linear.scatter [tilespmem:s5], [sflag:$0x5], $0x8000, $0x38;
	[tilespmem:$0x18000] =	vst v63  }
0x16e: {  	_ =	swait.ge [sflag:s4], $0x8000  }
0x16f: {  	[sflag:s4] =	ssyncset.done $0x0  }
0x170: {  	s1 =	rddreg [dreg:$0xb];
	[sflag:s4] =	ssyncadd.s32 $0xFFFF8000  }
0x171: {  	[tilespmem:s5], [sflag:$0x2] =	stream.linear.gather [hbm4b:s1+s2], $0x8000, $0x38;
	[tilespmem:$0x18000] =	vst v63  }
0x172: {  	_ =	swait.ge [sflag:s17], $0x8000  }
0x173: {  	[sflag:s17] =	ssyncset.done $0x0  }
0x174: {  	s1 =	rddreg [dreg:$0xc];
	[sflag:s17] =	ssyncadd.s32 $0xFFFF8000  }
0x175: {  	[hbm4b:s1+s2] =	stream.linear.scatter [tilespmem:s12], [sflag:$0x6], $0x8000, $0x38;
	[tilespmem:$0x18000] =	vst v63  }
0x176: {  	_ =	swait.ge [sflag:s10], $0x8000  }
0x177: {  	[sflag:s10] =	ssyncset.done $0x0  }
0x178: {  	s1 =	rddreg [dreg:$0xd];
	[sflag:s10] =	ssyncadd.s32 $0xFFFF8000  }
0x179: {  	[tilespmem:s12], [sflag:$0x3] =	stream.linear.gather [hbm4b:s1+s2], $0x8000, $0x38;
	[tilespmem:$0x18000] =	vst v63  }
0x17a: {  	_ =	swait.ge [sflag:s14], $0x8000  }
0x17b: {  	[sflag:s14] =	ssyncset.done $0x0  }
0x17c: {  	s1 =	rddreg [dreg:$0xe];
	[sflag:s14] =	ssyncadd.s32 $0xFFFF8000  }
0x17d: {  	[hbm4b:s1+s2] =	stream.linear.scatter [tilespmem:s2], [sflag:$0x4], $0x8000, $0x38;
	[tilespmem:$0x18000] =	vst v63  }
0x17e: {  	_ =	swait.ge [sflag:s6], $0x8000  }
0x17f: {  	[sflag:s6] =	ssyncset.done $0x0  }
0x180: {  	s1 =	rddreg [dreg:$0xf];
	[sflag:s6] =	ssyncadd.s32 $0xFFFF8000  }
0x181: {  	[tilespmem:s2], [sflag:$0x1] =	stream.linear.gather [hbm4b:s1+s2], $0x8000, $0x38;
	[tilespmem:$0x18000] =	vst v63  }
0x182: {  	_ =	swait.ge [sflag:s11], $0x8000  }
0x183: {  	[sflag:s11] =	ssyncset.done $0x0  }
0x184: {  	s1 =	rddreg [dreg:$0x10];
	[sflag:s11] =	ssyncadd.s32 $0xFFFF8000  }
0x185: {  	[hbm4b:s1+s2] =	stream.linear.scatter [tilespmem:s5], [sflag:$0x5], $0x8000, $0x38;
	[tilespmem:$0x18000] =	vst v63  }
0x186: {  	_ =	swait.ge [sflag:s4], $0x8000  }
0x187: {  	[sflag:s4] =	ssyncset.done $0x0  }
0x188: {  	s1 =	rddreg [dreg:$0x11];
	[sflag:s4] =	ssyncadd.s32 $0xFFFF8000  }
0x189: {  	[tilespmem:s5], [sflag:$0x2] =	stream.linear.gather [hbm4b:s1+s2], $0x8000, $0x38;
	[tilespmem:$0x18000] =	vst v63  }
0x18a: {  	_ =	swait.ge [sflag:s17], $0x8000  }
0x18b: {  	[sflag:s17] =	ssyncset.done $0x0  }
0x18c: {  	s1 =	rddreg [dreg:$0x12];
	[sflag:s17] =	ssyncadd.s32 $0xFFFF8000  }
0x18d: {  	[hbm4b:s1+s2] =	stream.linear.scatter [tilespmem:s12], [sflag:$0x6], $0x8000, $0x38;
	[tilespmem:$0x18000] =	vst v63  }
0x18e: {  	_ =	swait.ge [sflag:s10], $0x8000  }
0x18f: {  	[sflag:s10] =	ssyncset.done $0x0  }
0x190: {  	s1 =	rddreg [dreg:$0x13];
	[sflag:s10] =	ssyncadd.s32 $0xFFFF8000  }
0x191: {  	[tilespmem:s12], [sflag:$0x3] =	stream.linear.gather [hbm4b:s1+s2], $0x8000, $0x38;
	[tilespmem:$0x18000] =	vst v63  }
0x192: {  	_ =	swait.ge [sflag:s14], $0x8000  }
0x193: {  	[sflag:s14] =	ssyncset.done $0x0  }
0x194: {  	s1 =	rddreg [dreg:$0x14];
	[sflag:s14] =	ssyncadd.s32 $0xFFFF8000  }
0x195: {  	[hbm4b:s1+s2] =	stream.linear.scatter [tilespmem:s2], [sflag:$0x4], $0x8000, $0x38;
	[tilespmem:$0x18000] =	vst v63  }
0x196: {  	_ =	swait.ge [sflag:s6], $0x8000  }
0x197: {  	[sflag:s6] =	ssyncset.done $0x0  }
0x198: {  	s1 =	rddreg [dreg:$0x15];
	[sflag:s6] =	ssyncadd.s32 $0xFFFF8000  }
0x199: {  	[tilespmem:s2], [sflag:$0x1] =	stream.linear.gather [hbm4b:s1+s2], $0x8000, $0x38;
	[tilespmem:$0x18000] =	vst v63  }
0x19a: {  	_ =	swait.ge [sflag:s11], $0x8000  }
0x19b: {  	[sflag:s11] =	ssyncset.done $0x0  }
0x19c: {  	s1 =	rddreg [dreg:$0x16];
	[sflag:s11] =	ssyncadd.s32 $0xFFFF8000  }
0x19d: {  	[hbm4b:s1+s2] =	stream.linear.scatter [tilespmem:s5], [sflag:$0x5], $0x8000, $0x38;
	[tilespmem:$0x18000] =	vst v63  }
0x19e: {  	_ =	swait.ge [sflag:s4], $0x8000  }
0x19f: {  	[sflag:s4] =	ssyncset.done $0x0  }
0x1a0: {  	s1 =	rddreg [dreg:$0x17];
	[sflag:s4] =	ssyncadd.s32 $0xFFFF8000  }
0x1a1: {  	[tilespmem:s5], [sflag:$0x2] =	stream.linear.gather [hbm4b:s1+s2], $0x8000, $0x38;
	[tilespmem:$0x18000] =	vst v63  }
0x1a2: {  	_ =	swait.ge [sflag:s17], $0x8000  }
0x1a3: {  	[sflag:s17] =	ssyncset.done $0x0  }
0x1a4: {  	s1 =	rddreg [dreg:$0x18];
	[sflag:s17] =	ssyncadd.s32 $0xFFFF8000  }
0x1a5: {  	[hbm4b:s1+s2] =	stream.linear.scatter [tilespmem:s12], [sflag:$0x6], $0x8000, $0x38;
	[tilespmem:$0x18000] =	vst v63  }
0x1a6: {  	_ =	swait.ge [sflag:s10], $0x8000  }
0x1a7: {  	[sflag:s10] =	ssyncset.done $0x0  }
0x1a8: {  	s1 =	rddreg [dreg:$0x19];
	[sflag:s10] =	ssyncadd.s32 $0xFFFF8000  }
0x1a9: {  	[tilespmem:s12], [sflag:$0x3] =	stream.linear.gather [hbm4b:s1+s2], $0x8000, $0x38;
	[tilespmem:$0x18000] =	vst v63  }
0x1aa: {  	_ =	swait.ge [sflag:s14], $0x8000  }
0x1ab: {  	[sflag:s14] =	ssyncset.done $0x0  }
0x1ac: {  	s1 =	rddreg [dreg:$0x1a];
	[sflag:s14] =	ssyncadd.s32 $0xFFFF8000  }
0x1ad: {  	[hbm4b:s1+s2] =	stream.linear.scatter [tilespmem:s2], [sflag:$0x4], $0x8000, $0x38;
	[tilespmem:$0x18000] =	vst v63  }
0x1ae: {  	_ =	swait.ge [sflag:s6], $0x8000  }
0x1af: {  	[sflag:s6] =	ssyncset.done $0x0  }
0x1b0: {  	s1 =	rddreg [dreg:$0x1b];
	[sflag:s6] =	ssyncadd.s32 $0xFFFF8000  }
0x1b1: {  	[tilespmem:s2], [sflag:$0x1] =	stream.linear.gather [hbm4b:s1+s2], $0x8000, $0x38;
	[tilespmem:$0x18000] =	vst v63  }
0x1b2: {  	_ =	swait.ge [sflag:s11], $0x8000  }
0x1b3: {  	[sflag:s11] =	ssyncset.done $0x0  }
0x1b4: {  	s1 =	rddreg [dreg:$0x1c];
	[sflag:s11] =	ssyncadd.s32 $0xFFFF8000  }
0x1b5: {  	[hbm4b:s1+s2] =	stream.linear.scatter [tilespmem:s5], [sflag:$0x5], $0x8000, $0x38;
	[tilespmem:$0x18000] =	vst v63  }
0x1b6: {  	_ =	swait.ge [sflag:s4], $0x8000  }
0x1b7: {  	[sflag:s4] =	ssyncset.done $0x0  }
0x1b8: {  	s1 =	rddreg [dreg:$0x1d];
	[sflag:s4] =	ssyncadd.s32 $0xFFFF8000  }
0x1b9: {  	[tilespmem:s5], [sflag:$0x2] =	stream.linear.gather [hbm4b:s1+s2], $0x8000, $0x38;
	[tilespmem:$0x18000] =	vst v63  }
0x1ba: {  	_ =	swait.ge [sflag:s17], $0x8000  }
0x1bb: {  	[sflag:s17] =	ssyncset.done $0x0  }
0x1bc: {  	s1 =	rddreg [dreg:$0x1e];
	[sflag:s17] =	ssyncadd.s32 $0xFFFF8000  }
0x1bd: {  	[hbm4b:s1+s2] =	stream.linear.scatter [tilespmem:s12], [sflag:$0x6], $0x8000, $0x38;
	[tilespmem:$0x18000] =	vst v63  }
0x1be: {  	_ =	swait.ge [sflag:s10], $0x8000  }
0x1bf: {  	[sflag:s10] =	ssyncset.done $0x0  }
0x1c0: {  	s1 =	rddreg [dreg:$0x1f];
	[sflag:s10] =	ssyncadd.s32 $0xFFFF8000  }
0x1c1: {  	[tilespmem:s12], [sflag:$0x3] =	stream.linear.gather [hbm4b:s1+s2], $0x8000, $0x38;
	[tilespmem:$0x18000] =	vst v63  }
0x1c2: {  	_ =	swait.ge [sflag:s14], $0x8000  }
0x1c3: {  	s1 =	sld [smem:$0x7ED]  }
0x1c4: {  	[sflag:s14] =	ssyncset.done $0x0  }
0x1c5: {  	[sflag:s14] =	ssyncadd.s32 $0xFFFF8000  }
0x1c6: {  	[hbm4b:s1+s2] =	stream.linear.scatter [tilespmem:s2], [sflag:$0x4], $0x8000, $0x38;
	[tilespmem:$0x18000] =	vst v63  }
0x1c7: {  	_ =	swait.ge [sflag:s6], $0x8000  }
0x1c8: {  	s1 =	sld [smem:$0x7EE]  }
0x1c9: {  	[sflag:s6] =	ssyncset.done $0x0  }
0x1ca: {  	[sflag:s6] =	ssyncadd.s32 $0xFFFF8000  }
0x1cb: {  	[tilespmem:s2], [sflag:$0x1] =	stream.linear.gather [hbm4b:s1+s2], $0x8000, $0x38;
	[tilespmem:$0x18000] =	vst v63  }
0x1cc: {  	_ =	swait.ge [sflag:s11], $0x8000  }
0x1cd: {  	s1 =	sld [smem:$0x7EF]  }
0x1ce: {  	[sflag:s11] =	ssyncset.done $0x0  }
0x1cf: {  	[sflag:s11] =	ssyncadd.s32 $0xFFFF8000  }
0x1d0: {  	[hbm4b:s1+s2] =	stream.linear.scatter [tilespmem:s5], [sflag:$0x5], $0x8000, $0x38;
	[tilespmem:$0x18000] =	vst v63  }
0x1d1: {  	_ =	swait.ge [sflag:s4], $0x8000  }
0x1d2: {  	s1 =	sld [smem:$0x7F0]  }
0x1d3: {  	[sflag:s4] =	ssyncset.done $0x0  }
0x1d4: {  	[sflag:s4] =	ssyncadd.s32 $0xFFFF8000  }
0x1d5: {  	[tilespmem:s5], [sflag:$0x2] =	stream.linear.gather [hbm4b:s1+s2], $0x8000, $0x38;
	[tilespmem:$0x18000] =	vst v63  }
0x1d6: {  	_ =	swait.ge [sflag:s17], $0x8000  }
0x1d7: {  	s1 =	sld [smem:$0x7F1]  }
0x1d8: {  	[sflag:s17] =	ssyncset.done $0x0  }
0x1d9: {  	[sflag:s17] =	ssyncadd.s32 $0xFFFF8000  }
0x1da: {  	[hbm4b:s1+s2] =	stream.linear.scatter [tilespmem:s12], [sflag:$0x6], $0x8000, $0x38;
	[tilespmem:$0x18000] =	vst v63  }
0x1db: {  	_ =	swait.ge [sflag:s10], $0x8000  }
0x1dc: {  	s1 =	sld [smem:$0x7F2]  }
0x1dd: {  	[sflag:s10] =	ssyncset.done $0x0  }
0x1de: {  	[sflag:s10] =	ssyncadd.s32 $0xFFFF8000  }
0x1df: {  	[tilespmem:s12], [sflag:$0x3] =	stream.linear.gather [hbm4b:s1+s2], $0x8000, $0x38;
	[tilespmem:$0x18000] =	vst v63  }
0x1e0: {  	_ =	swait.ge [sflag:s14], $0x8000  }
0x1e1: {  	s1 =	sld [smem:$0x7F3]  }
0x1e2: {  	[sflag:s14] =	ssyncset.done $0x0  }
0x1e3: {  	[sflag:s14] =	ssyncadd.s32 $0xFFFF8000  }
0x1e4: {  	[hbm4b:s1+s2] =	stream.linear.scatter [tilespmem:s2], [sflag:$0x4], $0x8000, $0x38;
	[tilespmem:$0x18000] =	vst v63  }
0x1e5: {  	_ =	swait.ge [sflag:s6], $0x8000  }
0x1e6: {  	s1 =	sld [smem:$0x7F4]  }
0x1e7: {  	[sflag:s6] =	ssyncset.done $0x0  }
0x1e8: {  	[sflag:s6] =	ssyncadd.s32 $0xFFFF8000  }
0x1e9: {  	[tilespmem:s2], [sflag:$0x1] =	stream.linear.gather [hbm4b:s1+s2], $0x8000, $0x38;
	[tilespmem:$0x18000] =	vst v63  }
0x1ea: {  	_ =	swait.ge [sflag:s11], $0x8000  }
0x1eb: {  	s1 =	sld [smem:$0x7F5]  }
0x1ec: {  	[sflag:s11] =	ssyncset.done $0x0  }
0x1ed: {  	[sflag:s11] =	ssyncadd.s32 $0xFFFF8000  }
0x1ee: {  	[hbm4b:s1+s2] =	stream.linear.scatter [tilespmem:s5], [sflag:$0x5], $0x8000, $0x38;
	[tilespmem:$0x18000] =	vst v63  }
0x1ef: {  	_ =	swait.ge [sflag:s4], $0x8000  }
0x1f0: {  	s1 =	sld [smem:$0x7F6]  }
0x1f1: {  	[sflag:s4] =	ssyncset.done $0x0  }
0x1f2: {  	[sflag:s4] =	ssyncadd.s32 $0xFFFF8000  }
0x1f3: {  	[tilespmem:s5], [sflag:$0x2] =	stream.linear.gather [hbm4b:s1+s2], $0x8000, $0x38;
	[tilespmem:$0x18000] =	vst v63  }
0x1f4: {  	_ =	swait.ge [sflag:s17], $0x8000  }
0x1f5: {  	s1 =	sld [smem:$0x7F7]  }
0x1f6: {  	[sflag:s17] =	ssyncset.done $0x0  }
0x1f7: {  	[sflag:s17] =	ssyncadd.s32 $0xFFFF8000  }
0x1f8: {  	[hbm4b:s1+s2] =	stream.linear.scatter [tilespmem:s12], [sflag:$0x6], $0x8000, $0x38;
	[tilespmem:$0x18000] =	vst v63  }
0x1f9: {  	_ =	swait.ge [sflag:s10], $0x8000  }
0x1fa: {  	s1 =	sld [smem:$0x7F8]  }
0x1fb: {  	[sflag:s10] =	ssyncset.done $0x0  }
0x1fc: {  	[sflag:s10] =	ssyncadd.s32 $0xFFFF8000  }
0x1fd: {  	[tilespmem:s12], [sflag:$0x3] =	stream.linear.gather [hbm4b:s1+s2], $0x8000, $0x38;
	[tilespmem:$0x18000] =	vst v63  }
0x1fe: {  	_ =	swait.ge [sflag:s14], $0x8000  }
0x1ff: {  	s1 =	sld [smem:$0x7F9]  }
0x200: {  	[sflag:s14] =	ssyncset.done $0x0  }
0x201: {  	[sflag:s14] =	ssyncadd.s32 $0xFFFF8000  }
0x202: {  	[hbm4b:s1+s2] =	stream.linear.scatter [tilespmem:s2], [sflag:$0x4], $0x8000, $0x38;
	[tilespmem:$0x18000] =	vst v63  }
0x203: {  	_ =	swait.ge [sflag:s6], $0x8000  }
0x204: {  	s1 =	sld [smem:$0x7FA]  }
0x205: {  	[sflag:s6] =	ssyncset.done $0x0  }
0x206: {  	[sflag:s6] =	ssyncadd.s32 $0xFFFF8000  }
0x207: {  	[tilespmem:s2], [sflag:$0x1] =	stream.linear.gather [hbm4b:s1+s2], $0x8000, $0x38;
	[tilespmem:$0x18000] =	vst v63  }
0x208: {  	_ =	swait.ge [sflag:s11], $0x8000  }
0x209: {  	s1 =	sld [smem:$0x7FB]  }
0x20a: {  	[sflag:s11] =	ssyncset.done $0x0  }
0x20b: {  	[sflag:s11] =	ssyncadd.s32 $0xFFFF8000  }
0x20c: {  	[hbm4b:s1+s2] =	stream.linear.scatter [tilespmem:s5], [sflag:$0x5], $0x8000, $0x38;
	[tilespmem:$0x18000] =	vst v63  }
0x20d: {  	_ =	swait.ge [sflag:s4], $0x8000  }
0x20e: {  	s1 =	sld [smem:$0x7FC]  }
0x20f: {  	[sflag:s4] =	ssyncset.done $0x0  }
0x210: {  	[sflag:s4] =	ssyncadd.s32 $0xFFFF8000  }
0x211: {  	[tilespmem:s5], [sflag:$0x2] =	stream.linear.gather [hbm4b:s1+s2], $0x8000, $0x38;
	[tilespmem:$0x18000] =	vst v63  }
0x212: {  	_ =	swait.ge [sflag:s17], $0x8000  }
0x213: {  	s1 =	sld [smem:$0x7FD]  }
0x214: {  	[sflag:s17] =	ssyncset.done $0x0  }
0x215: {  	[sflag:s17] =	ssyncadd.s32 $0xFFFF8000  }
0x216: {  	[hbm4b:s1+s2] =	stream.linear.scatter [tilespmem:s12], [sflag:$0x6], $0x8000, $0x38;
	[tilespmem:$0x18000] =	vst v63  }
0x217: {  	_ =	swait.ge [sflag:s10], $0x8000  }
0x218: {  	[sflag:s10] =	ssyncset.done $0x0  }
0x219: {  	[sflag:s10] =	ssyncadd.s32 $0xFFFF8000  }
0x21a: {  	[tilespmem:s12], [sflag:$0x3] =	stream.linear.gather [hbm4b:s31+s2], $0x8000, $0x38;
	[tilespmem:$0x18000] =	vst v63  }
0x21b: {  	_ =	swait.ge [sflag:s14], $0x8000  }
0x21c: {  	[sflag:s14] =	ssyncset.done $0x0  }
0x21d: {  	[sflag:s14] =	ssyncadd.s32 $0xFFFF8000  }
0x21e: {  	[hbm4b:s30+s2] =	stream.linear.scatter [tilespmem:s2], [sflag:$0x4], $0x8000, $0x38;
	[tilespmem:$0x18000] =	vst v63  }
0x21f: {  	_ =	swait.ge [sflag:s6], $0x8000  }
0x220: {  	[sflag:s6] =	ssyncset.done $0x0  }
0x221: {  	[sflag:s6] =	ssyncadd.s32 $0xFFFF8000  }
0x222: {  	[tilespmem:s2], [sflag:$0x1] =	stream.linear.gather [hbm4b:s29+s2], $0x8000, $0x38;
	[tilespmem:$0x18000] =	vst v63  }
0x223: {  	_ =	swait.ge [sflag:s11], $0x8000  }
0x224: {  	[sflag:s11] =	ssyncset.done $0x0  }
0x225: {  	[sflag:s11] =	ssyncadd.s32 $0xFFFF8000  }
0x226: {  	[hbm4b:s28+s2] =	stream.linear.scatter [tilespmem:s5], [sflag:$0x5], $0x8000, $0x38;
	[tilespmem:$0x18000] =	vst v63  }
0x227: {  	_ =	swait.ge [sflag:s4], $0x8000  }
0x228: {  	[sflag:s4] =	ssyncset.done $0x0  }
0x229: {  	[sflag:s4] =	ssyncadd.s32 $0xFFFF8000  }
0x22a: {  	[tilespmem:s5], [sflag:$0x2] =	stream.linear.gather [hbm4b:s26+s2], $0x8000, $0x38;
	[tilespmem:$0x18000] =	vst v63  }
0x22b: {  	_ =	swait.ge [sflag:s17], $0x8000  }
0x22c: {  	[sflag:s17] =	ssyncset.done $0x0  }
0x22d: {  	[sflag:s17] =	ssyncadd.s32 $0xFFFF8000  }
0x22e: {  	[hbm4b:s25+s2] =	stream.linear.scatter [tilespmem:s12], [sflag:$0x6], $0x8000, $0x38;
	[tilespmem:$0x18000] =	vst v63  }
0x22f: {  	_ =	swait.ge [sflag:s10], $0x8000  }
0x230: {  	[sflag:s10] =	ssyncset.done $0x0  }
0x231: {  	[sflag:s10] =	ssyncadd.s32 $0xFFFF8000  }
0x232: {  	[tilespmem:s12], [sflag:$0x3] =	stream.linear.gather [hbm4b:s24+s2], $0x8000, $0x38;
	[tilespmem:$0x18000] =	vst v63  }
0x233: {  	_ =	swait.ge [sflag:s14], $0x8000  }
0x234: {  	[sflag:s14] =	ssyncset.done $0x0  }
0x235: {  	[sflag:s14] =	ssyncadd.s32 $0xFFFF8000  }
0x236: {  	[hbm4b:s23+s2] =	stream.linear.scatter [tilespmem:s2], [sflag:$0x4], $0x8000, $0x38;
	[tilespmem:$0x18000] =	vst v63  }
0x237: {  	_ =	swait.ge [sflag:s6], $0x8000  }
0x238: {  	[sflag:s6] =	ssyncset.done $0x0  }
0x239: {  	[sflag:s6] =	ssyncadd.s32 $0xFFFF8000  }
0x23a: {  	[tilespmem:s2], [sflag:$0x1] =	stream.linear.gather [hbm4b:s22+s2], $0x8000, $0x38;
	[tilespmem:$0x18000] =	vst v63  }
0x23b: {  	_ =	swait.ge [sflag:s11], $0x8000  }
0x23c: {  	[sflag:s11] =	ssyncset.done $0x0  }
0x23d: {  	[sflag:s11] =	ssyncadd.s32 $0xFFFF8000  }
0x23e: {  	[hbm4b:s21+s2] =	stream.linear.scatter [tilespmem:s5], [sflag:$0x5], $0x8000, $0x38;
	[tilespmem:$0x18000] =	vst v63  }
0x23f: {  	_ =	swait.ge [sflag:s4], $0x8000  }
0x240: {  	[sflag:s4] =	ssyncset.done $0x0  }
0x241: {  	[sflag:s4] =	ssyncadd.s32 $0xFFFF8000  }
0x242: {  	[tilespmem:s5], [sflag:$0x2] =	stream.linear.gather [hbm4b:s20+s2], $0x8000, $0x38;
	[tilespmem:$0x18000] =	vst v63  }
0x243: {  	_ =	swait.ge [sflag:s17], $0x8000  }
0x244: {  	[sflag:s17] =	ssyncset.done $0x0  }
0x245: {  	[sflag:s17] =	ssyncadd.s32 $0xFFFF8000  }
0x246: {  	[hbm4b:s19+s2] =	stream.linear.scatter [tilespmem:s12], [sflag:$0x6], $0x8000, $0x38;
	[tilespmem:$0x18000] =	vst v63  }
0x247: {  	_ =	swait.ge [sflag:s10], $0x8000  }
0x248: {  	[sflag:s10] =	ssyncset.done $0x0  }
0x249: {  	[sflag:s10] =	ssyncadd.s32 $0xFFFF8000  }
0x24a: {  	[tilespmem:s12], [sflag:$0x3] =	stream.linear.gather [hbm4b:s18+s2], $0x8000, $0x38;
	[tilespmem:$0x18000] =	vst v63  }
0x24b: {  	_ =	swait.ge [sflag:s14], $0x8000  }
0x24c: {  	[sflag:s14] =	ssyncset.done $0x0  }
0x24d: {  	[sflag:s14] =	ssyncadd.s32 $0xFFFF8000  }
0x24e: {  	[hbm4b:s16+s2] =	stream.linear.scatter [tilespmem:s2], [sflag:$0x4], $0x8000, $0x38;
	[tilespmem:$0x18000] =	vst v63  }
0x24f: {  	_ =	swait.ge [sflag:s6], $0x8000  }
0x250: {  	[sflag:s6] =	ssyncset.done $0x0  }
0x251: {  	[sflag:s6] =	ssyncadd.s32 $0xFFFF8000  }
0x252: {  	[tilespmem:s2], [sflag:$0x1] =	stream.linear.gather [hbm4b:s15+s2], $0x8000, $0x38;
	[tilespmem:$0x18000] =	vst v63  }
0x253: {  	_ =	swait.ge [sflag:s11], $0x8000  }
0x254: {  	[sflag:s11] =	ssyncset.done $0x0  }
0x255: {  	[sflag:s11] =	ssyncadd.s32 $0xFFFF8000  }
0x256: {  	[hbm4b:s13+s2] =	stream.linear.scatter [tilespmem:s5], [sflag:$0x5], $0x8000, $0x38;
	[tilespmem:$0x18000] =	vst v63  }
0x257: {  	_ =	swait.ge [sflag:s4], $0x8000  }
0x258: {  	[sflag:s4] =	ssyncset.done $0x0  }
0x259: {  	[sflag:s4] =	ssyncadd.s32 $0xFFFF8000  }
0x25a: {  	[tilespmem:s5], [sflag:$0x2] =	stream.linear.gather [hbm4b:s9+s2], $0x8000, $0x38;
	[tilespmem:$0x18000] =	vst v63  }
0x25b: {  	_ =	swait.ge [sflag:s17], $0x8000  }
0x25c: {  	[sflag:s17] =	ssyncset.done $0x0  }
0x25d: {  	[sflag:s17] =	ssyncadd.s32 $0xFFFF8000  }
0x25e: {  	[hbm4b:s8+s2] =	stream.linear.scatter [tilespmem:s12], [sflag:$0x6], $0x8000, $0x38;
	[tilespmem:$0x18000] =	vst v63  }
0x25f: {  	_ =	swait.ge [sflag:s14], $0x8000  }
0x260: {  	[sflag:s14] =	ssyncset.done $0x0  }
0x261: {  	[sflag:s14] =	ssyncadd.s32 $0xFFFF8000  }
0x262: {  	[hbm4b:s7+s2] =	stream.linear.scatter [tilespmem:s2], [sflag:$0x4], $0x8000, $0x38;
	[tilespmem:$0x18000] =	vst v63  }
0x263: {  	_ =	swait.ge [sflag:s11], $0x8000  }
0x264: {  	[sflag:s11] =	ssyncset.done $0x0  }
0x265: {  	[sflag:s11] =	ssyncadd.s32 $0xFFFF8000  }
0x266: {  	[hbm4b:s3+s2] =	stream.linear.scatter [tilespmem:s5], [sflag:$0x5], $0x8000, $0x38;
	[tilespmem:$0x18000] =	vst v63  }
0x267: {  	_ =	swait.ge [sflag:s10], $0x8000  }
0x268: {  	[sflag:s10] =	ssyncset.done $0x0  }
0x269: {  	p1 =	sne.s32 s0, $0x1;
	[sflag:s10] =	ssyncadd.s32 $0xFFFF8000  }
.Ltmp2:
0x26a: {  	_ =	swait.ge [sflag:s6], $0x8000;
	(pc) =	sbr.rel @p1 .LBB2_2-.Ltmp2, $4  }
0x26b: {  	[sflag:s6] =	ssyncset.done $0x0  }
0x26c: {  	[sflag:s6] =	ssyncadd.s32 $0xFFFF8000  }
0x26d: {  	_ =	swait.ge [sflag:s4], $0x8000  }
0x26e: {  	s0 =	sadd.s32 $0xFFFFFFFF, s0;
	s1 =	rddreg [dreg:$0x5];
	[sflag:s4] =	ssyncset.done $0x0  }
.LBB2_3:
0x26f: {  	[sflag:s4] =	ssyncadd.s32 @p0 $0xFFFF8000  }
0x270: {  	[tilespmem:s2], [sflag:$0x1] =	stream.linear.gather [hbm4b:s1+s2], $0x8000, $0x38;
	[tilespmem:$0x18000] =	vst v63  }
0x271: {  	s0 =	rddreg [dreg:$0x6]  }
0x272: {  	[tilespmem:s5], [sflag:$0x2] =	stream.linear.gather [hbm4b:s0+s2], $0x8000, $0x38;
	[tilespmem:$0x18000] =	vst v63  }
0x273: {  	s1 =	rddreg [dreg:$0x7]  }
0x274: {  	[tilespmem:s12], [sflag:$0x3] =	stream.linear.gather [hbm4b:s1+s2], $0x8000, $0x38;
	[tilespmem:$0x18000] =	vst v63  }
0x275: {  	_ =	swait.ge [sflag:s14], $0x8000  }
0x276: {  	[sflag:s14] =	ssyncset.done $0x0  }
0x277: {  	s1 =	rddreg [dreg:$0x8];
	[sflag:s14] =	ssyncadd.s32 $0xFFFF8000  }
0x278: {  	[hbm4b:s1+s2] =	stream.linear.scatter [tilespmem:s2], [sflag:$0x4], $0x8000, $0x38;
	[tilespmem:$0x18000] =	vst v63  }
0x279: {  	_ =	swait.ge [sflag:s6], $0x8000  }
0x27a: {  	[sflag:s6] =	ssyncset.done $0x0  }
0x27b: {  	s1 =	rddreg [dreg:$0x9];
	[sflag:s6] =	ssyncadd.s32 $0xFFFF8000  }
0x27c: {  	[tilespmem:s2], [sflag:$0x1] =	stream.linear.gather [hbm4b:s1+s2], $0x8000, $0x38;
	[tilespmem:$0x18000] =	vst v63  }
0x27d: {  	_ =	swait.ge [sflag:s11], $0x8000  }
0x27e: {  	[sflag:s11] =	ssyncset.done $0x0  }
0x27f: {  	s1 =	rddreg [dreg:$0xa];
	[sflag:s11] =	ssyncadd.s32 $0xFFFF8000  }
0x280: {  	[hbm4b:s1+s2] =	stream.linear.scatter [tilespmem:s5], [sflag:$0x5], $0x8000, $0x38;
	[tilespmem:$0x18000] =	vst v63  }
0x281: {  	_ =	swait.ge [sflag:s4], $0x8000  }
0x282: {  	[sflag:s4] =	ssyncset.done $0x0  }
0x283: {  	s1 =	rddreg [dreg:$0xb];
	[sflag:s4] =	ssyncadd.s32 $0xFFFF8000  }
0x284: {  	[tilespmem:s5], [sflag:$0x2] =	stream.linear.gather [hbm4b:s1+s2], $0x8000, $0x38;
	[tilespmem:$0x18000] =	vst v63  }
0x285: {  	_ =	swait.ge [sflag:s17], $0x8000  }
0x286: {  	[sflag:s17] =	ssyncset.done $0x0  }
0x287: {  	s1 =	rddreg [dreg:$0xc];
	[sflag:s17] =	ssyncadd.s32 $0xFFFF8000  }
0x288: {  	[hbm4b:s1+s2] =	stream.linear.scatter [tilespmem:s12], [sflag:$0x6], $0x8000, $0x38;
	[tilespmem:$0x18000] =	vst v63  }
0x289: {  	_ =	swait.ge [sflag:s10], $0x8000  }
0x28a: {  	[sflag:s10] =	ssyncset.done $0x0  }
0x28b: {  	s1 =	rddreg [dreg:$0xd];
	[sflag:s10] =	ssyncadd.s32 $0xFFFF8000  }
0x28c: {  	[tilespmem:s12], [sflag:$0x3] =	stream.linear.gather [hbm4b:s1+s2], $0x8000, $0x38;
	[tilespmem:$0x18000] =	vst v63  }
0x28d: {  	_ =	swait.ge [sflag:s14], $0x8000  }
0x28e: {  	[sflag:s14] =	ssyncset.done $0x0  }
0x28f: {  	s1 =	rddreg [dreg:$0xe];
	[sflag:s14] =	ssyncadd.s32 $0xFFFF8000  }
0x290: {  	[hbm4b:s1+s2] =	stream.linear.scatter [tilespmem:s2], [sflag:$0x4], $0x8000, $0x38;
	[tilespmem:$0x18000] =	vst v63  }
0x291: {  	_ =	swait.ge [sflag:s6], $0x8000  }
0x292: {  	[sflag:s6] =	ssyncset.done $0x0  }
0x293: {  	s1 =	rddreg [dreg:$0xf];
	[sflag:s6] =	ssyncadd.s32 $0xFFFF8000  }
0x294: {  	[tilespmem:s2], [sflag:$0x1] =	stream.linear.gather [hbm4b:s1+s2], $0x8000, $0x38;
	[tilespmem:$0x18000] =	vst v63  }
0x295: {  	_ =	swait.ge [sflag:s11], $0x8000  }
0x296: {  	[sflag:s11] =	ssyncset.done $0x0  }
0x297: {  	s1 =	rddreg [dreg:$0x10];
	[sflag:s11] =	ssyncadd.s32 $0xFFFF8000  }
0x298: {  	[hbm4b:s1+s2] =	stream.linear.scatter [tilespmem:s5], [sflag:$0x5], $0x8000, $0x38;
	[tilespmem:$0x18000] =	vst v63  }
0x299: {  	_ =	swait.ge [sflag:s4], $0x8000  }
0x29a: {  	[sflag:s4] =	ssyncset.done $0x0  }
0x29b: {  	s1 =	rddreg [dreg:$0x11];
	[sflag:s4] =	ssyncadd.s32 $0xFFFF8000  }
0x29c: {  	[tilespmem:s5], [sflag:$0x2] =	stream.linear.gather [hbm4b:s1+s2], $0x8000, $0x38;
	[tilespmem:$0x18000] =	vst v63  }
0x29d: {  	_ =	swait.ge [sflag:s17], $0x8000  }
0x29e: {  	[sflag:s17] =	ssyncset.done $0x0  }
0x29f: {  	s1 =	rddreg [dreg:$0x12];
	[sflag:s17] =	ssyncadd.s32 $0xFFFF8000  }
0x2a0: {  	[hbm4b:s1+s2] =	stream.linear.scatter [tilespmem:s12], [sflag:$0x6], $0x8000, $0x38;
	[tilespmem:$0x18000] =	vst v63  }
0x2a1: {  	_ =	swait.ge [sflag:s10], $0x8000  }
0x2a2: {  	[sflag:s10] =	ssyncset.done $0x0  }
0x2a3: {  	s1 =	rddreg [dreg:$0x13];
	[sflag:s10] =	ssyncadd.s32 $0xFFFF8000  }
0x2a4: {  	[tilespmem:s12], [sflag:$0x3] =	stream.linear.gather [hbm4b:s1+s2], $0x8000, $0x38;
	[tilespmem:$0x18000] =	vst v63  }
0x2a5: {  	_ =	swait.ge [sflag:s14], $0x8000  }
0x2a6: {  	[sflag:s14] =	ssyncset.done $0x0  }
0x2a7: {  	s1 =	rddreg [dreg:$0x14];
	[sflag:s14] =	ssyncadd.s32 $0xFFFF8000  }
0x2a8: {  	[hbm4b:s1+s2] =	stream.linear.scatter [tilespmem:s2], [sflag:$0x4], $0x8000, $0x38;
	[tilespmem:$0x18000] =	vst v63  }
0x2a9: {  	_ =	swait.ge [sflag:s6], $0x8000  }
0x2aa: {  	[sflag:s6] =	ssyncset.done $0x0  }
0x2ab: {  	s1 =	rddreg [dreg:$0x15];
	[sflag:s6] =	ssyncadd.s32 $0xFFFF8000  }
0x2ac: {  	[tilespmem:s2], [sflag:$0x1] =	stream.linear.gather [hbm4b:s1+s2], $0x8000, $0x38;
	[tilespmem:$0x18000] =	vst v63  }
0x2ad: {  	_ =	swait.ge [sflag:s11], $0x8000  }
0x2ae: {  	[sflag:s11] =	ssyncset.done $0x0  }
0x2af: {  	s1 =	rddreg [dreg:$0x16];
	[sflag:s11] =	ssyncadd.s32 $0xFFFF8000  }
0x2b0: {  	[hbm4b:s1+s2] =	stream.linear.scatter [tilespmem:s5], [sflag:$0x5], $0x8000, $0x38;
	[tilespmem:$0x18000] =	vst v63  }
0x2b1: {  	_ =	swait.ge [sflag:s4], $0x8000  }
0x2b2: {  	[sflag:s4] =	ssyncset.done $0x0  }
0x2b3: {  	s1 =	rddreg [dreg:$0x17];
	[sflag:s4] =	ssyncadd.s32 $0xFFFF8000  }
0x2b4: {  	[tilespmem:s5], [sflag:$0x2] =	stream.linear.gather [hbm4b:s1+s2], $0x8000, $0x38;
	[tilespmem:$0x18000] =	vst v63  }
0x2b5: {  	_ =	swait.ge [sflag:s17], $0x8000  }
0x2b6: {  	[sflag:s17] =	ssyncset.done $0x0  }
0x2b7: {  	s1 =	rddreg [dreg:$0x18];
	[sflag:s17] =	ssyncadd.s32 $0xFFFF8000  }
0x2b8: {  	[hbm4b:s1+s2] =	stream.linear.scatter [tilespmem:s12], [sflag:$0x6], $0x8000, $0x38;
	[tilespmem:$0x18000] =	vst v63  }
0x2b9: {  	_ =	swait.ge [sflag:s10], $0x8000  }
0x2ba: {  	[sflag:s10] =	ssyncset.done $0x0  }
0x2bb: {  	s1 =	rddreg [dreg:$0x19];
	[sflag:s10] =	ssyncadd.s32 $0xFFFF8000  }
0x2bc: {  	[tilespmem:s12], [sflag:$0x3] =	stream.linear.gather [hbm4b:s1+s2], $0x8000, $0x38;
	[tilespmem:$0x18000] =	vst v63  }
0x2bd: {  	_ =	swait.ge [sflag:s14], $0x8000  }
0x2be: {  	[sflag:s14] =	ssyncset.done $0x0  }
0x2bf: {  	s1 =	rddreg [dreg:$0x1a];
	[sflag:s14] =	ssyncadd.s32 $0xFFFF8000  }
0x2c0: {  	[hbm4b:s1+s2] =	stream.linear.scatter [tilespmem:s2], [sflag:$0x4], $0x8000, $0x38;
	[tilespmem:$0x18000] =	vst v63  }
0x2c1: {  	_ =	swait.ge [sflag:s6], $0x8000  }
0x2c2: {  	[sflag:s6] =	ssyncset.done $0x0  }
0x2c3: {  	s1 =	rddreg [dreg:$0x1b];
	[sflag:s6] =	ssyncadd.s32 $0xFFFF8000  }
0x2c4: {  	[tilespmem:s2], [sflag:$0x1] =	stream.linear.gather [hbm4b:s1+s2], $0x8000, $0x38;
	[tilespmem:$0x18000] =	vst v63  }
0x2c5: {  	_ =	swait.ge [sflag:s11], $0x8000  }
0x2c6: {  	[sflag:s11] =	ssyncset.done $0x0  }
0x2c7: {  	s1 =	rddreg [dreg:$0x1c];
	[sflag:s11] =	ssyncadd.s32 $0xFFFF8000  }
0x2c8: {  	[hbm4b:s1+s2] =	stream.linear.scatter [tilespmem:s5], [sflag:$0x5], $0x8000, $0x38;
	[tilespmem:$0x18000] =	vst v63  }
0x2c9: {  	_ =	swait.ge [sflag:s4], $0x8000  }
0x2ca: {  	[sflag:s4] =	ssyncset.done $0x0  }
0x2cb: {  	s1 =	rddreg [dreg:$0x1d];
	[sflag:s4] =	ssyncadd.s32 $0xFFFF8000  }
0x2cc: {  	[tilespmem:s5], [sflag:$0x2] =	stream.linear.gather [hbm4b:s1+s2], $0x8000, $0x38;
	[tilespmem:$0x18000] =	vst v63  }
0x2cd: {  	_ =	swait.ge [sflag:s17], $0x8000  }
0x2ce: {  	[sflag:s17] =	ssyncset.done $0x0  }
0x2cf: {  	s1 =	rddreg [dreg:$0x1e];
	[sflag:s17] =	ssyncadd.s32 $0xFFFF8000  }
0x2d0: {  	[hbm4b:s1+s2] =	stream.linear.scatter [tilespmem:s12], [sflag:$0x6], $0x8000, $0x38;
	[tilespmem:$0x18000] =	vst v63  }
0x2d1: {  	_ =	swait.ge [sflag:s10], $0x8000  }
0x2d2: {  	[sflag:s10] =	ssyncset.done $0x0  }
0x2d3: {  	s1 =	rddreg [dreg:$0x1f];
	[sflag:s10] =	ssyncadd.s32 $0xFFFF8000  }
0x2d4: {  	[tilespmem:s12], [sflag:$0x3] =	stream.linear.gather [hbm4b:s1+s2], $0x8000, $0x38;
	[tilespmem:$0x18000] =	vst v63  }
0x2d5: {  	_ =	swait.ge [sflag:s14], $0x8000  }
0x2d6: {  	s1 =	sld [smem:$0x7ED]  }
0x2d7: {  	[sflag:s14] =	ssyncset.done $0x0  }
0x2d8: {  	[sflag:s14] =	ssyncadd.s32 $0xFFFF8000  }
0x2d9: {  	[hbm4b:s1+s2] =	stream.linear.scatter [tilespmem:s2], [sflag:$0x4], $0x8000, $0x38;
	[tilespmem:$0x18000] =	vst v63  }
0x2da: {  	_ =	swait.ge [sflag:s6], $0x8000  }
0x2db: {  	s1 =	sld [smem:$0x7EE]  }
0x2dc: {  	[sflag:s6] =	ssyncset.done $0x0  }
0x2dd: {  	[sflag:s6] =	ssyncadd.s32 $0xFFFF8000  }
0x2de: {  	[tilespmem:s2], [sflag:$0x1] =	stream.linear.gather [hbm4b:s1+s2], $0x8000, $0x38;
	[tilespmem:$0x18000] =	vst v63  }
0x2df: {  	_ =	swait.ge [sflag:s11], $0x8000  }
0x2e0: {  	s1 =	sld [smem:$0x7EF]  }
0x2e1: {  	[sflag:s11] =	ssyncset.done $0x0  }
0x2e2: {  	[sflag:s11] =	ssyncadd.s32 $0xFFFF8000  }
0x2e3: {  	[hbm4b:s1+s2] =	stream.linear.scatter [tilespmem:s5], [sflag:$0x5], $0x8000, $0x38;
	[tilespmem:$0x18000] =	vst v63  }
0x2e4: {  	_ =	swait.ge [sflag:s4], $0x8000  }
0x2e5: {  	s1 =	sld [smem:$0x7F0]  }
0x2e6: {  	[sflag:s4] =	ssyncset.done $0x0  }
0x2e7: {  	[sflag:s4] =	ssyncadd.s32 $0xFFFF8000  }
0x2e8: {  	[tilespmem:s5], [sflag:$0x2] =	stream.linear.gather [hbm4b:s1+s2], $0x8000, $0x38;
	[tilespmem:$0x18000] =	vst v63  }
0x2e9: {  	_ =	swait.ge [sflag:s17], $0x8000  }
0x2ea: {  	s1 =	sld [smem:$0x7F1]  }
0x2eb: {  	[sflag:s17] =	ssyncset.done $0x0  }
0x2ec: {  	[sflag:s17] =	ssyncadd.s32 $0xFFFF8000  }
0x2ed: {  	[hbm4b:s1+s2] =	stream.linear.scatter [tilespmem:s12], [sflag:$0x6], $0x8000, $0x38;
	[tilespmem:$0x18000] =	vst v63  }
0x2ee: {  	_ =	swait.ge [sflag:s10], $0x8000  }
0x2ef: {  	s1 =	sld [smem:$0x7F2]  }
0x2f0: {  	[sflag:s10] =	ssyncset.done $0x0  }
0x2f1: {  	[sflag:s10] =	ssyncadd.s32 $0xFFFF8000  }
0x2f2: {  	[tilespmem:s12], [sflag:$0x3] =	stream.linear.gather [hbm4b:s1+s2], $0x8000, $0x38;
	[tilespmem:$0x18000] =	vst v63  }
0x2f3: {  	_ =	swait.ge [sflag:s14], $0x8000  }
0x2f4: {  	s1 =	sld [smem:$0x7F3]  }
0x2f5: {  	[sflag:s14] =	ssyncset.done $0x0  }
0x2f6: {  	[sflag:s14] =	ssyncadd.s32 $0xFFFF8000  }
0x2f7: {  	[hbm4b:s1+s2] =	stream.linear.scatter [tilespmem:s2], [sflag:$0x4], $0x8000, $0x38;
	[tilespmem:$0x18000] =	vst v63  }
0x2f8: {  	_ =	swait.ge [sflag:s6], $0x8000  }
0x2f9: {  	s1 =	sld [smem:$0x7F4]  }
0x2fa: {  	[sflag:s6] =	ssyncset.done $0x0  }
0x2fb: {  	[sflag:s6] =	ssyncadd.s32 $0xFFFF8000  }
0x2fc: {  	[tilespmem:s2], [sflag:$0x1] =	stream.linear.gather [hbm4b:s1+s2], $0x8000, $0x38;
	[tilespmem:$0x18000] =	vst v63  }
0x2fd: {  	_ =	swait.ge [sflag:s11], $0x8000  }
0x2fe: {  	s1 =	sld [smem:$0x7F5]  }
0x2ff: {  	[sflag:s11] =	ssyncset.done $0x0  }
0x300: {  	[sflag:s11] =	ssyncadd.s32 $0xFFFF8000  }
0x301: {  	[hbm4b:s1+s2] =	stream.linear.scatter [tilespmem:s5], [sflag:$0x5], $0x8000, $0x38;
	[tilespmem:$0x18000] =	vst v63  }
0x302: {  	_ =	swait.ge [sflag:s4], $0x8000  }
0x303: {  	s1 =	sld [smem:$0x7F6]  }
0x304: {  	[sflag:s4] =	ssyncset.done $0x0  }
0x305: {  	[sflag:s4] =	ssyncadd.s32 $0xFFFF8000  }
0x306: {  	[tilespmem:s5], [sflag:$0x2] =	stream.linear.gather [hbm4b:s1+s2], $0x8000, $0x38;
	[tilespmem:$0x18000] =	vst v63  }
0x307: {  	_ =	swait.ge [sflag:s17], $0x8000  }
0x308: {  	s1 =	sld [smem:$0x7F7]  }
0x309: {  	[sflag:s17] =	ssyncset.done $0x0  }
0x30a: {  	[sflag:s17] =	ssyncadd.s32 $0xFFFF8000  }
0x30b: {  	[hbm4b:s1+s2] =	stream.linear.scatter [tilespmem:s12], [sflag:$0x6], $0x8000, $0x38;
	[tilespmem:$0x18000] =	vst v63  }
0x30c: {  	_ =	swait.ge [sflag:s10], $0x8000  }
0x30d: {  	s1 =	sld [smem:$0x7F8]  }
0x30e: {  	[sflag:s10] =	ssyncset.done $0x0  }
0x30f: {  	[sflag:s10] =	ssyncadd.s32 $0xFFFF8000  }
0x310: {  	[tilespmem:s12], [sflag:$0x3] =	stream.linear.gather [hbm4b:s1+s2], $0x8000, $0x38;
	[tilespmem:$0x18000] =	vst v63  }
0x311: {  	_ =	swait.ge [sflag:s14], $0x8000  }
0x312: {  	s1 =	sld [smem:$0x7F9]  }
0x313: {  	[sflag:s14] =	ssyncset.done $0x0  }
0x314: {  	[sflag:s14] =	ssyncadd.s32 $0xFFFF8000  }
0x315: {  	[hbm4b:s1+s2] =	stream.linear.scatter [tilespmem:s2], [sflag:$0x4], $0x8000, $0x38;
	[tilespmem:$0x18000] =	vst v63  }
0x316: {  	_ =	swait.ge [sflag:s6], $0x8000  }
0x317: {  	s1 =	sld [smem:$0x7FA]  }
0x318: {  	[sflag:s6] =	ssyncset.done $0x0  }
0x319: {  	[sflag:s6] =	ssyncadd.s32 $0xFFFF8000  }
0x31a: {  	[tilespmem:s2], [sflag:$0x1] =	stream.linear.gather [hbm4b:s1+s2], $0x8000, $0x38;
	[tilespmem:$0x18000] =	vst v63  }
0x31b: {  	_ =	swait.ge [sflag:s11], $0x8000  }
0x31c: {  	s1 =	sld [smem:$0x7FB]  }
0x31d: {  	[sflag:s11] =	ssyncset.done $0x0  }
0x31e: {  	[sflag:s11] =	ssyncadd.s32 $0xFFFF8000  }
0x31f: {  	[hbm4b:s1+s2] =	stream.linear.scatter [tilespmem:s5], [sflag:$0x5], $0x8000, $0x38;
	[tilespmem:$0x18000] =	vst v63  }
0x320: {  	_ =	swait.ge [sflag:s4], $0x8000  }
0x321: {  	s1 =	sld [smem:$0x7FC]  }
0x322: {  	[sflag:s4] =	ssyncset.done $0x0  }
0x323: {  	[sflag:s4] =	ssyncadd.s32 $0xFFFF8000  }
0x324: {  	[tilespmem:s5], [sflag:$0x2] =	stream.linear.gather [hbm4b:s1+s2], $0x8000, $0x38;
	[tilespmem:$0x18000] =	vst v63  }
0x325: {  	_ =	swait.ge [sflag:s17], $0x8000  }
0x326: {  	s1 =	sld [smem:$0x7FD]  }
0x327: {  	[sflag:s17] =	ssyncset.done $0x0  }
0x328: {  	[sflag:s17] =	ssyncadd.s32 $0xFFFF8000  }
0x329: {  	[hbm4b:s1+s2] =	stream.linear.scatter [tilespmem:s12], [sflag:$0x6], $0x8000, $0x38;
	[tilespmem:$0x18000] =	vst v63  }
0x32a: {  	_ =	swait.ge [sflag:s10], $0x8000  }
0x32b: {  	[sflag:s10] =	ssyncset.done $0x0  }
0x32c: {  	[sflag:s10] =	ssyncadd.s32 $0xFFFF8000  }
0x32d: {  	[tilespmem:s12], [sflag:$0x3] =	stream.linear.gather [hbm4b:s31+s2], $0x8000, $0x38;
	[tilespmem:$0x18000] =	vst v63  }
0x32e: {  	_ =	swait.ge [sflag:s14], $0x8000  }
0x32f: {  	[sflag:s14] =	ssyncset.done $0x0  }
0x330: {  	[sflag:s14] =	ssyncadd.s32 $0xFFFF8000  }
0x331: {  	[hbm4b:s30+s2] =	stream.linear.scatter [tilespmem:s2], [sflag:$0x4], $0x8000, $0x38;
	[tilespmem:$0x18000] =	vst v63  }
0x332: {  	_ =	swait.ge [sflag:s6], $0x8000  }
0x333: {  	[sflag:s6] =	ssyncset.done $0x0  }
0x334: {  	[sflag:s6] =	ssyncadd.s32 $0xFFFF8000  }
0x335: {  	[tilespmem:s2], [sflag:$0x1] =	stream.linear.gather [hbm4b:s29+s2], $0x8000, $0x38;
	[tilespmem:$0x18000] =	vst v63  }
0x336: {  	_ =	swait.ge [sflag:s11], $0x8000  }
0x337: {  	[sflag:s11] =	ssyncset.done $0x0  }
0x338: {  	[sflag:s11] =	ssyncadd.s32 $0xFFFF8000  }
0x339: {  	[hbm4b:s28+s2] =	stream.linear.scatter [tilespmem:s5], [sflag:$0x5], $0x8000, $0x38;
	[tilespmem:$0x18000] =	vst v63  }
0x33a: {  	_ =	swait.ge [sflag:s4], $0x8000  }
0x33b: {  	[sflag:s4] =	ssyncset.done $0x0  }
0x33c: {  	[sflag:s4] =	ssyncadd.s32 $0xFFFF8000  }
0x33d: {  	[tilespmem:s5], [sflag:$0x2] =	stream.linear.gather [hbm4b:s26+s2], $0x8000, $0x38;
	[tilespmem:$0x18000] =	vst v63  }
0x33e: {  	_ =	swait.ge [sflag:s17], $0x8000  }
0x33f: {  	[sflag:s17] =	ssyncset.done $0x0  }
0x340: {  	[sflag:s17] =	ssyncadd.s32 $0xFFFF8000  }
0x341: {  	[hbm4b:s25+s2] =	stream.linear.scatter [tilespmem:s12], [sflag:$0x6], $0x8000, $0x38;
	[tilespmem:$0x18000] =	vst v63  }
0x342: {  	_ =	swait.ge [sflag:s10], $0x8000  }
0x343: {  	[sflag:s10] =	ssyncset.done $0x0  }
0x344: {  	[sflag:s10] =	ssyncadd.s32 $0xFFFF8000  }
0x345: {  	[tilespmem:s12], [sflag:$0x3] =	stream.linear.gather [hbm4b:s24+s2], $0x8000, $0x38;
	[tilespmem:$0x18000] =	vst v63  }
0x346: {  	_ =	swait.ge [sflag:s14], $0x8000  }
0x347: {  	[sflag:s14] =	ssyncset.done $0x0  }
0x348: {  	[sflag:s14] =	ssyncadd.s32 $0xFFFF8000  }
0x349: {  	[hbm4b:s23+s2] =	stream.linear.scatter [tilespmem:s2], [sflag:$0x4], $0x8000, $0x38;
	[tilespmem:$0x18000] =	vst v63  }
0x34a: {  	_ =	swait.ge [sflag:s6], $0x8000  }
0x34b: {  	[sflag:s6] =	ssyncset.done $0x0  }
0x34c: {  	[sflag:s6] =	ssyncadd.s32 $0xFFFF8000  }
0x34d: {  	[tilespmem:s2], [sflag:$0x1] =	stream.linear.gather [hbm4b:s22+s2], $0x8000, $0x38;
	[tilespmem:$0x18000] =	vst v63  }
0x34e: {  	_ =	swait.ge [sflag:s11], $0x8000  }
0x34f: {  	[sflag:s11] =	ssyncset.done $0x0  }
0x350: {  	[sflag:s11] =	ssyncadd.s32 $0xFFFF8000  }
0x351: {  	[hbm4b:s21+s2] =	stream.linear.scatter [tilespmem:s5], [sflag:$0x5], $0x8000, $0x38;
	[tilespmem:$0x18000] =	vst v63  }
0x352: {  	_ =	swait.ge [sflag:s4], $0x8000  }
0x353: {  	[sflag:s4] =	ssyncset.done $0x0  }
0x354: {  	[sflag:s4] =	ssyncadd.s32 $0xFFFF8000  }
0x355: {  	[tilespmem:s5], [sflag:$0x2] =	stream.linear.gather [hbm4b:s20+s2], $0x8000, $0x38;
	[tilespmem:$0x18000] =	vst v63  }
0x356: {  	_ =	swait.ge [sflag:s17], $0x8000  }
0x357: {  	[sflag:s17] =	ssyncset.done $0x0  }
0x358: {  	[sflag:s17] =	ssyncadd.s32 $0xFFFF8000  }
0x359: {  	[hbm4b:s19+s2] =	stream.linear.scatter [tilespmem:s12], [sflag:$0x6], $0x8000, $0x38;
	[tilespmem:$0x18000] =	vst v63  }
0x35a: {  	_ =	swait.ge [sflag:s10], $0x8000  }
0x35b: {  	[sflag:s10] =	ssyncset.done $0x0  }
0x35c: {  	[sflag:s10] =	ssyncadd.s32 $0xFFFF8000  }
0x35d: {  	[tilespmem:s12], [sflag:$0x3] =	stream.linear.gather [hbm4b:s18+s2], $0x8000, $0x38;
	[tilespmem:$0x18000] =	vst v63  }
0x35e: {  	_ =	swait.ge [sflag:s14], $0x8000  }
0x35f: {  	[sflag:s14] =	ssyncset.done $0x0  }
0x360: {  	[sflag:s14] =	ssyncadd.s32 $0xFFFF8000  }
0x361: {  	[hbm4b:s16+s2] =	stream.linear.scatter [tilespmem:s2], [sflag:$0x4], $0x8000, $0x38;
	[tilespmem:$0x18000] =	vst v63  }
0x362: {  	_ =	swait.ge [sflag:s6], $0x8000  }
0x363: {  	[sflag:s6] =	ssyncset.done $0x0  }
0x364: {  	[sflag:s6] =	ssyncadd.s32 $0xFFFF8000  }
0x365: {  	[tilespmem:s2], [sflag:$0x1] =	stream.linear.gather [hbm4b:s15+s2], $0x8000, $0x38;
	[tilespmem:$0x18000] =	vst v63  }
0x366: {  	_ =	swait.ge [sflag:s11], $0x8000  }
0x367: {  	[sflag:s11] =	ssyncset.done $0x0  }
0x368: {  	[sflag:s11] =	ssyncadd.s32 $0xFFFF8000  }
0x369: {  	[hbm4b:s13+s2] =	stream.linear.scatter [tilespmem:s5], [sflag:$0x5], $0x8000, $0x38;
	[tilespmem:$0x18000] =	vst v63  }
0x36a: {  	_ =	swait.ge [sflag:s4], $0x8000  }
0x36b: {  	[sflag:s4] =	ssyncset.done $0x0  }
0x36c: {  	[sflag:s4] =	ssyncadd.s32 $0xFFFF8000  }
0x36d: {  	[tilespmem:s5], [sflag:$0x2] =	stream.linear.gather [hbm4b:s9+s2], $0x8000, $0x38;
	[tilespmem:$0x18000] =	vst v63  }
0x36e: {  	_ =	swait.ge [sflag:s17], $0x8000  }
0x36f: {  	[sflag:s17] =	ssyncset.done $0x0  }
0x370: {  	[sflag:s17] =	ssyncadd.s32 $0xFFFF8000  }
0x371: {  	[hbm4b:s8+s2] =	stream.linear.scatter [tilespmem:s12], [sflag:$0x6], $0x8000, $0x38;
	[tilespmem:$0x18000] =	vst v63  }
0x372: {  	_ =	swait.ge [sflag:s14], $0x8000  }
0x373: {  	[sflag:s14] =	ssyncset.done $0x0  }
0x374: {  	[sflag:s14] =	ssyncadd.s32 $0xFFFF8000  }
0x375: {  	[hbm4b:s7+s2] =	stream.linear.scatter [tilespmem:s2], [sflag:$0x4], $0x8000, $0x38;
	[tilespmem:$0x18000] =	vst v63  }
0x376: {  	_ =	swait.ge [sflag:s11], $0x8000  }
0x377: {  	[sflag:s11] =	ssyncset.done $0x0  }
0x378: {  	[sflag:s11] =	ssyncadd.s32 $0xFFFF8000  }
0x379: {  	[hbm4b:s3+s2] =	stream.linear.scatter [tilespmem:s5], [sflag:$0x5], $0x8000, $0x38;
	[tilespmem:$0x18000] =	vst v63  }
0x37a: {  	_ =	swait.ge [sflag:s10], $0x8000  }
0x37b: {  	[sflag:s10] =	ssyncset.done $0x0  }
0x37c: {  	[sflag:s10] =	ssyncadd.s32 $0xFFFF8000  }
0x37d: {  	_ =	swait.ge [sflag:s6], $0x8000  }
0x37e: {  	[sflag:s6] =	ssyncset.done $0x0  }
0x37f: {  	[sflag:s6] =	ssyncadd.s32 $0xFFFF8000  }
0x380: {  	_ =	swait.ge [sflag:s4], $0x8000  }
0x381: {  	[sflag:s4] =	ssyncset.done $0x0  }
0x382: {  	[sflag:s4] =	ssyncadd.s32 $0xFFFF8000  }
0x383: {  	_ =	sfence.sel $0x180000  }
0x384: {  	[bflag:$0x0] =	sbarrier.arrive $0xFFFF  }
0x385: {  	_ =	strace $0x90000047  }
0x386: {  	s31 =	stileid.u32;
	[bflag:$0x2] =	sbarrier.arrive $0xFFFF  }
0x387: {  	p0 =	sne.s32 s31, $0x0;
	s0 =	rddreg [dreg:$0x4]  }
0x388: {  	s0 =	sadd.s32 @!p0 $0x100000, s0  }
0x389: {  	[sflag:s0] =	ssyncadd.tile.s32 @!p0 $0x1;
	_ =	shalt  }
.Lfunc_end2:
_tile_overlayer_lowered:
.L_overlay_start_2:
0x38a: {  	(tag) =	ssettag $0x2  }
0x38b: {  	s0 =	rddreg [dreg:$0x0];
	s2 =	stileid.u32  }
0x38c: {  	s1 =	rddreg [dreg:$0x1];
	p0 =	sne.s32 s2, $0x0  }
0x38d: {  	s3 =	rddreg [dreg:$0x2];
	[bflag:$0x3] =	sbarrier.arrive $0xFFFF;
	s2 =	simm.s32 @!p0 $0x1C07  }
0x38e: {  	[timem:s3], [sflag:s2] =	dma.local @!p0 [hbm:s0], s1  }
0x38f: {  	s0 =	simm.s32 @!p0 $0x7  }
0x390: {  	_ =	swait.ge @!p0 [sflag:s0], s1  }
0x391: {  	s1 =	ssub.s32 @!p0 $0x0, s1;
	[sflag:s0] =	ssyncset.done @!p0 $0x0  }
0x392: {  	[sflag:s0] =	ssyncadd.s32 @!p0 s1  }
0x393: {  	[bflag:$0x3] =	sbarrier.arrive $0xFFFF  }
0x394: {  	_ =	shalt  }

</sc_bundles>
